<compile_context>
chip_gen: v7x
topology: tpu7x:2x2x1
jax: 0.10.2.dev20260603
libtpu: 0.0.44.dev20260713+nightly
codegen_flags: <defaults>
</compile_context>

<pallas_src>
import functools

import jax
import jax.numpy as jnp
from jax import lax
from jax.experimental import pallas as pl
from jax.experimental.pallas import tpu as pltpu
from jax.experimental.pallas import tpu_sc as plsc

N = 10000
E = 320000
D = 128
NC = 2
NS = 16
NW = NC * NS

GR = 128
NG = E // GR
NSL = -(-NG // NS)
NWL = -(-NG // NW)
ZCH = 80
NZC = N // ZCH


def _prelu(v, a):
    return jnp.where(v >= 0, v, a * v)



_MESH = plsc.VectorSubcoreMesh(core_axis_name="c", subcore_axis_name="s")

_SC_SCRATCH = [
    pltpu.VMEM((1, GR), jnp.int32),
    pltpu.VMEM((1, GR), jnp.int32),
    pltpu.VMEM((GR, D), jnp.float32),
    pltpu.VMEM((GR, D), jnp.float32),
    pltpu.SemaphoreType.DMA,
    pltpu.SemaphoreType.DMA,
    pltpu.SemaphoreType.DMA,
    pltpu.SemaphoreType.DMA,
    pltpu.SemaphoreType.DMA,
    pltpu.SemaphoreType.DMA,
]


def _fill_table(src_hbm, table, sid):
    @pl.loop(0, -(-NZC // NS))
    def _z(i):
        tz = sid + i * NS

        @pl.when(tz < NZC)
        def _():
            r0 = tz * ZCH
            pltpu.sync_copy(src_hbm.at[pl.ds(r0, ZCH)], table.at[pl.ds(r0, ZCH)])


@functools.partial(
    pl.kernel,
    out_type=jax.ShapeDtypeStruct((E, D), jnp.float32),
    mesh=_MESH,
    scratch_types=_SC_SCRATCH + [pltpu.VMEM_SHARED((N, D), jnp.float32)],
)
def _sc_round(h_hbm, idx2_hbm, zeros_hbm, out_hbm,
              ia0, ia1, da0, da1, sia0, sia1, sda0, sda1, sst0, sst1, table):
    cid = lax.axis_index("c")
    sid = lax.axis_index("s")
    wid = cid * NS + sid
    ias = (ia0, ia1)
    das = (da0, da1)
    sias = (sia0, sia1)
    sdas = (sda0, sda1)
    ssts = (sst0, sst1)

    for b in range(2):
        t = sid + b * NS
        pltpu.async_copy(idx2_hbm.at[pl.ds(t, 1)], ias[b], sias[b])
        pltpu.async_copy(h_hbm.at[pl.ds(t * GR, GR)], das[b], sdas[b])
    _fill_table(zeros_hbm, table, sid)
    plsc.subcore_barrier()

    @pl.loop(0, -(-NSL // 2))
    def _sc(i2):
        for b in range(2):
            i = i2 * 2 + b
            t = sid + i * NS

            @pl.when(t < NG)
            def _():
                pltpu.make_async_copy(
                    idx2_hbm.at[pl.ds(t, 1)], ias[b], sias[b]).wait()
                pltpu.make_async_copy(
                    h_hbm.at[pl.ds(t * GR, GR)], das[b], sdas[b]).wait()
                pltpu.sync_copy(das[b], table.at[ias[b].at[0]], add=True)
                tn = sid + (i + 2) * NS

                @pl.when(tn < NG)
                def _():
                    pltpu.async_copy(idx2_hbm.at[pl.ds(tn, 1)], ias[b], sias[b])
                    pltpu.async_copy(
                        h_hbm.at[pl.ds(tn * GR, GR)], das[b], sdas[b])

    plsc.subcore_barrier()

    for b in range(2):
        t = wid + b * NW
        pltpu.async_copy(idx2_hbm.at[pl.ds(t, 1)], ias[b], sias[b])

    @pl.loop(0, -(-NWL // 2))
    def _ga(i2):
        for b in range(2):
            i = i2 * 2 + b
            t = wid + i * NW

            @pl.when(t < NG)
            def _():
                @pl.when(i >= 2)
                def _():
                    tprev = wid + (i - 2) * NW
                    pltpu.make_async_copy(
                        das[b], out_hbm.at[pl.ds(tprev * GR, GR)],
                        ssts[b]).wait()

                pltpu.make_async_copy(
                    idx2_hbm.at[pl.ds(t, 1)], ias[b], sias[b]).wait()
                pltpu.sync_copy(table.at[ias[b].at[0]], das[b])
                pltpu.async_copy(das[b], out_hbm.at[pl.ds(t * GR, GR)], ssts[b])
                tn = wid + (i + 2) * NW

                @pl.when(tn < NG)
                def _():
                    pltpu.async_copy(idx2_hbm.at[pl.ds(tn, 1)], ias[b], sias[b])

    imax = (NG - 1 - wid) // NW
    for b in range(2):
        ib = imax - lax.rem(imax - b, 2)
        tb = wid + ib * NW
        pltpu.make_async_copy(das[b], out_hbm.at[pl.ds(tb * GR, GR)],
                              ssts[b]).wait()


@functools.partial(
    pl.kernel,
    out_type=jax.ShapeDtypeStruct((E, D), jnp.float32),
    mesh=_MESH,
    scratch_types=_SC_SCRATCH + [pltpu.VMEM_SHARED((N, D), jnp.float32)],
)
def _sc_gather_spm(xp_hbm, idx2_hbm, out_hbm,
                   ia0, ia1, da0, da1, sia0, sia1, sda0, sda1, sst0, sst1,
                   table):
    cid = lax.axis_index("c")
    sid = lax.axis_index("s")
    wid = cid * NS + sid
    ias = (ia0, ia1)
    das = (da0, da1)
    sias = (sia0, sia1)
    ssts = (sst0, sst1)

    _fill_table(xp_hbm, table, sid)
    plsc.subcore_barrier()

    for b in range(2):
        t = wid + b * NW
        pltpu.async_copy(idx2_hbm.at[pl.ds(t, 1)], ias[b], sias[b])

    @pl.loop(0, -(-NWL // 2))
    def _ga(i2):
        for b in range(2):
            i = i2 * 2 + b
            t = wid + i * NW

            @pl.when(t < NG)
            def _():
                @pl.when(i >= 2)
                def _():
                    tprev = wid + (i - 2) * NW
                    pltpu.make_async_copy(
                        das[b], out_hbm.at[pl.ds(tprev * GR, GR)],
                        ssts[b]).wait()

                pltpu.make_async_copy(
                    idx2_hbm.at[pl.ds(t, 1)], ias[b], sias[b]).wait()
                pltpu.sync_copy(table.at[ias[b].at[0]], das[b])
                pltpu.async_copy(das[b], out_hbm.at[pl.ds(t * GR, GR)], ssts[b])
                tn = wid + (i + 2) * NW

                @pl.when(tn < NG)
                def _():
                    pltpu.async_copy(idx2_hbm.at[pl.ds(tn, 1)], ias[b], sias[b])

    imax = (NG - 1 - wid) // NW
    for b in range(2):
        ib = imax - lax.rem(imax - b, 2)
        tb = wid + ib * NW
        pltpu.make_async_copy(das[b], out_hbm.at[pl.ds(tb * GR, GR)],
                              ssts[b]).wait()


@functools.partial(
    pl.kernel,
    out_type=[jax.ShapeDtypeStruct((E, D), jnp.float32),
              jax.ShapeDtypeStruct((E, D), jnp.float32)],
    mesh=_MESH,
    scratch_types=_SC_SCRATCH + [
        pltpu.VMEM((1, GR), jnp.int32),
        pltpu.VMEM((1, GR), jnp.int32),
        pltpu.SemaphoreType.DMA,
        pltpu.SemaphoreType.DMA,
        pltpu.VMEM_SHARED((N, D), jnp.float32),
    ],
)
def _sc_round1(h_hbm, idx2_hbm, rev2_hbm, zeros_hbm, out_hbm, swap_hbm,
               ia0, ia1, da0, da1, sia0, sia1, sda0, sda1, sst0, sst1,
               ib0, ib1, sib0, sib1, table):
    cid = lax.axis_index("c")
    sid = lax.axis_index("s")
    wid = cid * NS + sid
    ias = (ia0, ia1)
    das = (da0, da1)
    sias = (sia0, sia1)
    sdas = (sda0, sda1)
    ssts = (sst0, sst1)
    ibs = (ib0, ib1)
    sibs = (sib0, sib1)

    for b in range(2):
        t = sid + b * NS
        pltpu.async_copy(idx2_hbm.at[pl.ds(t, 1)], ias[b], sias[b])
        pltpu.async_copy(h_hbm.at[pl.ds(t * GR, GR)], das[b], sdas[b])

        @pl.when(cid == b)
        def _():
            pltpu.async_copy(rev2_hbm.at[pl.ds(t, 1)], ibs[b], sibs[b])

    _fill_table(zeros_hbm, table, sid)
    plsc.subcore_barrier()

    @pl.loop(0, -(-NSL // 2))
    def _sc(i2):
        for b in range(2):
            i = i2 * 2 + b
            t = sid + i * NS

            @pl.when(t < NG)
            def _():
                pltpu.make_async_copy(
                    idx2_hbm.at[pl.ds(t, 1)], ias[b], sias[b]).wait()
                pltpu.make_async_copy(
                    h_hbm.at[pl.ds(t * GR, GR)], das[b], sdas[b]).wait()
                pltpu.sync_copy(das[b], table.at[ias[b].at[0]], add=True)
                tn = sid + (i + 2) * NS

                @pl.when(cid == b)
                def _():
                    pltpu.make_async_copy(
                        rev2_hbm.at[pl.ds(t, 1)], ibs[b], sibs[b]).wait()
                    pltpu.sync_copy(das[b], swap_hbm.at[ibs[b].at[0]])

                    @pl.when(tn < NG)
                    def _():
                        pltpu.async_copy(
                            rev2_hbm.at[pl.ds(tn, 1)], ibs[b], sibs[b])

                @pl.when(tn < NG)
                def _():
                    pltpu.async_copy(idx2_hbm.at[pl.ds(tn, 1)], ias[b], sias[b])
                    pltpu.async_copy(
                        h_hbm.at[pl.ds(tn * GR, GR)], das[b], sdas[b])

    plsc.subcore_barrier()

    for b in range(2):
        t = wid + b * NW
        pltpu.async_copy(idx2_hbm.at[pl.ds(t, 1)], ias[b], sias[b])

    @pl.loop(0, -(-NWL // 2))
    def _ga(i2):
        for b in range(2):
            i = i2 * 2 + b
            t = wid + i * NW

            @pl.when(t < NG)
            def _():
                @pl.when(i >= 2)
                def _():
                    tprev = wid + (i - 2) * NW
                    pltpu.make_async_copy(
                        das[b], out_hbm.at[pl.ds(tprev * GR, GR)],
                        ssts[b]).wait()

                pltpu.make_async_copy(
                    idx2_hbm.at[pl.ds(t, 1)], ias[b], sias[b]).wait()
                pltpu.sync_copy(table.at[ias[b].at[0]], das[b])
                pltpu.async_copy(das[b], out_hbm.at[pl.ds(t * GR, GR)], ssts[b])
                tn = wid + (i + 2) * NW

                @pl.when(tn < NG)
                def _():
                    pltpu.async_copy(idx2_hbm.at[pl.ds(tn, 1)], ias[b], sias[b])

    imax = (NG - 1 - wid) // NW
    for b in range(2):
        ib = imax - lax.rem(imax - b, 2)
        tb = wid + ib * NW
        pltpu.make_async_copy(das[b], out_hbm.at[pl.ds(tb * GR, GR)],
                              ssts[b]).wait()


@functools.partial(
    pl.kernel,
    out_type=[jax.ShapeDtypeStruct((N, D), jnp.float32),
              jax.ShapeDtypeStruct((N, D), jnp.float32)],
    mesh=_MESH,
    scratch_types=_SC_SCRATCH + [pltpu.VMEM_SHARED((N, D), jnp.float32)],
)
def _sc_segsum(h_hbm, idx2_hbm, zeros_hbm, out0_hbm, out1_hbm,
               ia0, ia1, da0, da1, sia0, sia1, sda0, sda1, sst0, sst1, table):
    cid = lax.axis_index("c")
    sid = lax.axis_index("s")
    ias = (ia0, ia1)
    das = (da0, da1)
    sias = (sia0, sia1)
    sdas = (sda0, sda1)

    for b in range(2):
        t = sid + (2 * b + cid) * NS
        pltpu.async_copy(idx2_hbm.at[pl.ds(t, 1)], ias[b], sias[b])
        pltpu.async_copy(h_hbm.at[pl.ds(t * GR, GR)], das[b], sdas[b])
    _fill_table(zeros_hbm, table, sid)
    plsc.subcore_barrier()

    NHL = -(-NSL // 2)
    @pl.loop(0, -(-NHL // 2))
    def _sc(j2):
        for b in range(2):
            j = j2 * 2 + b
            t = sid + (2 * j + cid) * NS

            @pl.when(t < NG)
            def _():
                pltpu.make_async_copy(
                    idx2_hbm.at[pl.ds(t, 1)], ias[b], sias[b]).wait()
                pltpu.make_async_copy(
                    h_hbm.at[pl.ds(t * GR, GR)], das[b], sdas[b]).wait()
                pltpu.sync_copy(das[b], table.at[ias[b].at[0]], add=True)
                tn = sid + (2 * (j + 2) + cid) * NS

                @pl.when(tn < NG)
                def _():
                    pltpu.async_copy(idx2_hbm.at[pl.ds(tn, 1)], ias[b], sias[b])
                    pltpu.async_copy(
                        h_hbm.at[pl.ds(tn * GR, GR)], das[b], sdas[b])

    plsc.subcore_barrier()

    @pl.loop(0, -(-NZC // NS))
    def _chunks(i):
        t = sid + i * NS

        @pl.when(t < NZC)
        def _():
            r0 = t * ZCH
            pltpu.sync_copy(table.at[pl.ds(r0, ZCH)], da0.at[pl.ds(0, ZCH)])

            @pl.when(cid == 0)
            def _():
                pltpu.sync_copy(da0.at[pl.ds(0, ZCH)],
                                out0_hbm.at[pl.ds(r0, ZCH)])

            @pl.when(cid == 1)
            def _():
                pltpu.sync_copy(da0.at[pl.ds(0, ZCH)],
                                out1_hbm.at[pl.ds(r0, ZCH)])



def _full(shape):
    return pl.BlockSpec(shape, lambda *_: tuple(0 for _ in shape))


def _node_pre_body(x_ref, wx_ref, wn_ref, xp_ref, xn_ref):
    xb = x_ref[...]
    xp_ref[...] = jnp.dot(xb, wx_ref[...], preferred_element_type=jnp.float32)
    xn_ref[...] = jnp.dot(xb, wn_ref[...], preferred_element_type=jnp.float32)


def _node_pre(x, WxT, Wn1T):
    bn = 1000
    return pl.pallas_call(
        _node_pre_body,
        grid=(N // bn,),
        in_specs=[
            pl.BlockSpec((bn, D), lambda i: (i, 0)),
            _full((D, D)),
            _full((D, D)),
        ],
        out_specs=[
            pl.BlockSpec((bn, D), lambda i: (i, 0)),
            pl.BlockSpec((bn, D), lambda i: (i, 0)),
        ],
        out_shape=[
            jax.ShapeDtypeStruct((N, D), jnp.float32),
            jax.ShapeDtypeStruct((N, D), jnp.float32),
        ],
    )(x, WxT, Wn1T)


def _h0_body(g0_ref, ea_ref, we_ref, a_ref, out_ref):
    a = a_ref[0, 0]
    y = g0_ref[...] + jnp.dot(ea_ref[...], we_ref[...],
                              preferred_element_type=jnp.float32)
    out_ref[...] = _prelu(y, a)


def _h0(g0, edge_attr, WeT, a2):
    be = 3200
    return pl.pallas_call(
        _h0_body,
        grid=(E // be,),
        in_specs=[
            pl.BlockSpec((be, D), lambda i: (i, 0)),
            pl.BlockSpec((be, 16), lambda i: (i, 0)),
            _full((16, D)),
            _full((1, 1)),
        ],
        out_specs=pl.BlockSpec((be, D), lambda i: (i, 0)),
        out_shape=jax.ShapeDtypeStruct((E, D), jnp.float32),
    )(g0, edge_attr, WeT, a2)


def _round_body(g_ref, h_ref, h0_ref, wu_ref, a_ref, out_ref):
    a = a_ref[0, 0]
    m = g_ref[...] - h_ref[...]
    y = jnp.dot(m, wu_ref[...], preferred_element_type=jnp.float32)
    out_ref[...] = _prelu(y + h0_ref[...], a)


def _round_tc(g, h, h0sel, WuT, a2):
    be = 3200
    return pl.pallas_call(
        _round_body,
        grid=(E // be,),
        in_specs=[
            pl.BlockSpec((be, D), lambda i: (i, 0)),
            pl.BlockSpec((be, D), lambda i: (i, 0)),
            pl.BlockSpec((be, D), lambda i: (i, 0)),
            _full((D, D)),
            _full((1, 1)),
        ],
        out_specs=pl.BlockSpec((be, D), lambda i: (i, 0)),
        out_shape=jax.ShapeDtypeStruct((E, D), jnp.float32),
    )(g, h, h0sel, WuT, a2)


def _node_out_body(xn_ref, ms0_ref, ms1_ref, wn2_ref, b_ref, a_ref, out_ref):
    a = a_ref[0, 0]
    ms = ms0_ref[...] + ms1_ref[...]
    hn = _prelu(
        xn_ref[...]
        + jnp.dot(ms, wn2_ref[...], preferred_element_type=jnp.float32)
        + b_ref[...],
        a,
    )
    part = jnp.sum(hn, axis=0, keepdims=True)

    @pl.when(pl.program_id(0) == 0)
    def _():
        out_ref[...] = jnp.zeros_like(out_ref)

    out_ref[...] += part


def _node_out(xn, ms0, ms1, Wn2T, b2, a2):
    bn = 1000
    return pl.pallas_call(
        _node_out_body,
        grid=(N // bn,),
        in_specs=[
            pl.BlockSpec((bn, D), lambda i: (i, 0)),
            pl.BlockSpec((bn, D), lambda i: (i, 0)),
            pl.BlockSpec((bn, D), lambda i: (i, 0)),
            _full((D, D)),
            _full((1, D)),
            _full((1, 1)),
        ],
        out_specs=pl.BlockSpec((1, D), lambda i: (0, 0)),
        out_shape=jax.ShapeDtypeStruct((1, D), jnp.float32),
    )(xn, ms0, ms1, Wn2T, b2, a2)


def _moe_head(solute, extra_features, a_prelu, We1, be1, We2, be2, We3, be3,
              Wg1, bg1, Wg2, bg2, Wg3, bg3, Wf, bf):
    def prelu(v):
        return jnp.where(v >= 0, v, a_prelu * v)
    comb = jnp.concatenate([solute, extra_features], axis=-1)
    eo = prelu(jnp.einsum('bd,ehd->beh', comb, We1) + be1)
    eo = prelu(jnp.einsum('beh,eoh->beo', eo, We2) + be2)
    eo = jnp.einsum('beh,eoh->beo', eo, We3) + be3
    g = prelu(comb @ Wg1.T + bg1)
    g = prelu(g @ Wg2.T + bg2)
    g = jax.nn.softmax(g @ Wg3.T + bg3, axis=1)
    out = jnp.sum(eo * g[..., None], axis=1).reshape(-1, 1)
    return out @ Wf.T + bf



def kernel(x, edge_attr, edge_index, extra_features, a_prelu, W_edge, W_eupd,
           W_node, b_node, We1, be1, We2, be2, We3, be3, Wg1, bg1, Wg2, bg2,
           Wg3, bg3, Wf, bf):
    src2 = edge_index[0].astype(jnp.int32).reshape(E // GR, GR)
    dst2 = edge_index[1].astype(jnp.int32).reshape(E // GR, GR)
    rev2 = (jnp.arange(E, dtype=jnp.int32) ^ 1).reshape(E // GR, GR)
    a2 = jnp.reshape(a_prelu.astype(jnp.float32), (1, 1))
    zeros_nd = jnp.zeros((N, D), jnp.float32)

    WxT = W_edge[:, :D].T
    WeT = W_edge[:, D:].T
    WuT = W_eupd.T
    Wn1T = W_node[:, :D].T
    Wn2T = W_node[:, D:].T
    b2 = b_node.reshape(1, D)

    xp, xn = _node_pre(x, WxT, Wn1T)
    g0 = _sc_gather_spm(xp, src2)
    h0 = _h0(g0, edge_attr, WeT, a2)

    g, H0 = _sc_round1(h0, dst2, rev2, zeros_nd)
    H1 = _round_tc(g, h0, H0, WuT, a2)
    g = _sc_round(H1, src2, zeros_nd)
    h2 = _round_tc(g, H1, h0, WuT, a2)
    g = _sc_round(h2, dst2, zeros_nd)
    H3 = _round_tc(g, h2, H0, WuT, a2)

    ms0, ms1 = _sc_segsum(H3, src2, zeros_nd)
    solute = _node_out(xn, ms0, ms1, Wn2T, b2, a2)

    return _moe_head(solute, extra_features, a_prelu, We1, be1, We2, be2,
                     We3, be3, Wg1, bg1, Wg2, bg2, Wg3, bg3, Wf, bf)

# --- scband reference (transcript-rebuilt; emitter-appended) ---
"""Pipeline reference for scband-dmpnn-11338713662118 (READ-ONLY COPY).

The authoritative reference and input builder live on the scoring server;
editing this copy changes nothing except your own understanding.
"""

import jax, jax.numpy as jnp
import numpy as np

N = 10000
E = 320000
D_NODE = 128
D_EDGE = 16
D_EOUT = 128
D_NOUT = 128
EXTRA = 16
ROUNDS = 3
NEXP = 8
HID = 128

def prelu(x, a):
    return jnp.where(x >= 0, x, a * x)

def setup_inputs(seed: int = 0):
    key = jax.random.key(seed)
    ks = jax.random.split(key, 20)
    half = E // 2
    s_h = jax.random.randint(ks[0], (half,), 0, N)
    d_h = jax.random.randint(ks[1], (half,), 0, N)
    # directed edges come in reverse pairs (2i, 2i+1) so reverse_edge = idx ^ 1
    src = jnp.stack([s_h, d_h], axis=1).reshape(-1)
    dst = jnp.stack([d_h, s_h], axis=1).reshape(-1)
    edge_index = jnp.stack([src, dst], axis=0)
    def lin(k, shape, fan):
        return (jax.random.uniform(k, shape, jnp.float32) * 2.0 - 1.0) / np.sqrt(fan)
    return {
        "x": jax.random.normal(ks[2], (N, D_NODE), jnp.float32),
        "edge_attr": jax.random.normal(ks[3], (E, D_EDGE), jnp.float32),
        "edge_index": edge_index,
        "extra_features": jax.random.normal(ks[4], (1, EXTRA), jnp.float32),
        "a_prelu": jnp.float32(0.25),
        "W_edge": lin(ks[5], (D_EOUT, D_NODE + D_EDGE), D_NODE + D_EDGE),
        "W_eupd": lin(ks[6], (D_EOUT, D_EOUT), D_EOUT),
        "W_node": lin(ks[7], (D_NOUT, D_NODE + D_EOUT), D_NODE + D_EOUT),
        "b_node": jnp.zeros((D_NOUT,), jnp.float32),
        "We1": lin(ks[8], (NEXP, HID, D_NOUT + EXTRA), D_NOUT + EXTRA),
        "be1": jnp.zeros((NEXP, HID), jnp.float32),
        "We2": lin(ks[9], (NEXP, HID, HID), HID),
        "be2": jnp.zeros((NEXP, HID), jnp.float32),
        "We3": lin(ks[10], (NEXP, 1, HID), HID),
        "be3": jnp.zeros((NEXP, 1), jnp.float32),
        "Wg1": lin(ks[11], (HID, D_NOUT + EXTRA), D_NOUT + EXTRA),
        "bg1": jnp.zeros((HID,), jnp.float32),
        "Wg2": lin(ks[12], (HID, HID), HID),
        "bg2": jnp.zeros((HID,), jnp.float32),
        "Wg3": lin(ks[13], (NEXP, HID), HID),
        "bg3": jnp.zeros((NEXP,), jnp.float32),
        "Wf": lin(ks[14], (1, 1), 1),
        "bf": jnp.zeros((1,), jnp.float32),
    }

def reference(x, edge_attr, edge_index, extra_features, a_prelu, W_edge, W_eupd, W_node, b_node, We1, be1, We2, be2, We3, be3, Wg1, bg1, Wg2, bg2, Wg3, bg3, Wf, bf):
    src = edge_index[0]
    dst = edge_index[1]
    rev = jnp.arange(edge_index.shape[1]) ^ 1
    # initialize_edge_features1: edge_mlp_solute(cat(x[src], e_feat))
    h0 = prelu(jnp.concatenate([x[src], edge_attr], axis=1) @ W_edge.T, a_prelu)
    h = h0
    for _ in range(ROUNDS):
        # update_all: sum incoming edge states at dst nodes
        sum0 = jax.ops.segment_sum(h, dst, num_segments=N)
        # apply_edges: m = sum0[src] - h[reverse_edge]
        m = sum0[src] - h[rev]
        h = prelu(m @ W_eupd.T + h0, a_prelu)  # dropout rate 0 -> identity
    m_node = jax.ops.segment_sum(h, dst, num_segments=N)
    hn = prelu(jnp.concatenate([x, m_node], axis=1) @ W_node.T + b_node, a_prelu)
    solute = jnp.sum(hn, axis=0, keepdims=True)  # readout_nodes sum, single graph
    comb = jnp.concatenate([solute, extra_features], axis=-1)
    eo = prelu(jnp.einsum('bd,ehd->beh', comb, We1) + be1, a_prelu)
    eo = prelu(jnp.einsum('beh,eoh->beo', eo, We2) + be2, a_prelu)
    eo = jnp.einsum('beh,eoh->beo', eo, We3) + be3
    g = prelu(comb @ Wg1.T + bg1, a_prelu)
    g = prelu(g @ Wg2.T + bg2, a_prelu)
    g = jax.nn.softmax(g @ Wg3.T + bg3, axis=1)
    out = jnp.sum(eo * g[..., None], axis=1).reshape(-1, 1)
    logits = out @ Wf.T + bf
    return logits

if __name__ == "__main__":
    import jax
    _d = setup_inputs()
    print(jax.jit(kernel)(*tuple(_d.values())))

</pallas_src>

<mosaic_0001>
#map = affine_map<(d0, d1) -> (0, 0)>
module attributes {stable_mosaic.version = 14 : i64} {
  func.func @_sc_round1(%arg0: i32, %arg1: i32, %arg2: memref<320000x128xf32, #tpu.memory_space<hbm>>, %arg3: memref<2500x128xi32, #tpu.memory_space<hbm>>, %arg4: memref<2500x128xi32, #tpu.memory_space<hbm>>, %arg5: memref<10000x128xf32, #tpu.memory_space<hbm>>, %arg6: memref<320000x128xf32, #tpu.memory_space<hbm>>, %arg7: memref<320000x128xf32, #tpu.memory_space<hbm>>, %arg8: memref<1x128xi32, #tpu.memory_space<vmem>>, %arg9: memref<1x128xi32, #tpu.memory_space<vmem>>, %arg10: memref<128x128xf32, #tpu.memory_space<vmem>>, %arg11: memref<128x128xf32, #tpu.memory_space<vmem>>, %arg12: memref<!tpu.dma_semaphore, #tpu.memory_space<semaphore_mem>>, %arg13: memref<!tpu.dma_semaphore, #tpu.memory_space<semaphore_mem>>, %arg14: memref<!tpu.dma_semaphore, #tpu.memory_space<semaphore_mem>>, %arg15: memref<!tpu.dma_semaphore, #tpu.memory_space<semaphore_mem>>, %arg16: memref<!tpu.dma_semaphore, #tpu.memory_space<semaphore_mem>>, %arg17: memref<!tpu.dma_semaphore, #tpu.memory_space<semaphore_mem>>, %arg18: memref<1x128xi32, #tpu.memory_space<vmem>>, %arg19: memref<1x128xi32, #tpu.memory_space<vmem>>, %arg20: memref<!tpu.dma_semaphore, #tpu.memory_space<semaphore_mem>>, %arg21: memref<!tpu.dma_semaphore, #tpu.memory_space<semaphore_mem>>, %arg22: memref<10000x128xf32, #tpu.memory_space<vmem_shared>>) attributes {dimension_semantics = [#tpu.dimension_semantics<core_parallel>, #tpu.dimension_semantics<subcore_parallel>], iteration_bounds = array<i64: 2, 16>, scalar_prefetch = 0 : i64, scratch_operands = 15 : i64, tpu.core_type = #tpu.core_type<sc_vector_subcore>, window_params = [{transform_indices = #map}, {transform_indices = #map}, {transform_indices = #map}, {transform_indices = #map}, {transform_indices = #map}, {transform_indices = #map}]} {
    %mul3A = arith.constant 16 : i32
    %mul3A_0 = arith.muli %arg0, %mul3A : i32
    %add3A = arith.addi %mul3A_0, %arg1 : i32
    %add3A_1 = arith.constant 0 : i32
    %add3A_2 = arith.addi %arg1, %add3A_1 : i32
    %dma_start3A = arith.constant 0 : i32
    %dma_start3A_3 = tpu.memref_slice %arg3[%add3A_2, %dma_start3A] : memref<2500x128xi32, #tpu.memory_space<hbm>> -> memref<1x128xi32, #tpu.memory_space<hbm>>
    %dma_start3A_4 = arith.constant 0 : i32
    %dma_start3A_5 = tpu.memref_slice %arg3[%add3A_2, %dma_start3A_4] : memref<2500x128xi32, #tpu.memory_space<hbm>> -> memref<1x128xi32, #tpu.memory_space<hbm>>
    tpu.enqueue_dma source(%dma_start3A_5 : memref<1x128xi32, #tpu.memory_space<hbm>>) target(%arg8 : memref<1x128xi32, #tpu.memory_space<vmem>>) target_semaphore(%arg12 : memref<!tpu.dma_semaphore, #tpu.memory_space<semaphore_mem>>)
    %mul3A_6 = arith.constant 128 : i32
    %mul3A_7 = arith.muli %add3A_2, %mul3A_6 : i32
    %dma_start3A_8 = arith.constant 0 : i32
    %dma_start3A_9 = tpu.memref_slice %arg2[%mul3A_7, %dma_start3A_8] : memref<320000x128xf32, #tpu.memory_space<hbm>> -> memref<128x128xf32, #tpu.memory_space<hbm>>
    %dma_start3A_10 = arith.constant 0 : i32
    %dma_start3A_11 = tpu.memref_slice %arg2[%mul3A_7, %dma_start3A_10] : memref<320000x128xf32, #tpu.memory_space<hbm>> -> memref<128x128xf32, #tpu.memory_space<hbm>>
    tpu.enqueue_dma source(%dma_start3A_11 : memref<128x128xf32, #tpu.memory_space<hbm>>) target(%arg10 : memref<128x128xf32, #tpu.memory_space<vmem>>) target_semaphore(%arg14 : memref<!tpu.dma_semaphore, #tpu.memory_space<semaphore_mem>>)
    %eq3A = arith.constant 0 : i32
    %eq3A_12 = arith.cmpi eq, %arg0, %eq3A : i32
    %convert_element_type3A = arith.extui %eq3A_12 : i1 to i32
    %cond3A = arith.constant 0 : i32
    %cond3A_13 = arith.cmpi ne, %convert_element_type3A, %cond3A : i32
    scf.if %cond3A_13 {
      %dma_start3A_103 = arith.constant 0 : i32
      %dma_start3A_104 = tpu.memref_slice %arg4[%add3A_2, %dma_start3A_103] : memref<2500x128xi32, #tpu.memory_space<hbm>> -> memref<1x128xi32, #tpu.memory_space<hbm>>
      %dma_start3A_105 = arith.constant 0 : i32
      %dma_start3A_106 = tpu.memref_slice %arg4[%add3A_2, %dma_start3A_105] : memref<2500x128xi32, #tpu.memory_space<hbm>> -> memref<1x128xi32, #tpu.memory_space<hbm>>
      tpu.enqueue_dma source(%dma_start3A_106 : memref<1x128xi32, #tpu.memory_space<hbm>>) target(%arg18 : memref<1x128xi32, #tpu.memory_space<vmem>>) target_semaphore(%arg20 : memref<!tpu.dma_semaphore, #tpu.memory_space<semaphore_mem>>)
    } else {
    }
    %add3A_14 = arith.constant 16 : i32
    %add3A_15 = arith.addi %arg1, %add3A_14 : i32
    %dma_start3A_16 = arith.constant 0 : i32
    %dma_start3A_17 = tpu.memref_slice %arg3[%add3A_15, %dma_start3A_16] : memref<2500x128xi32, #tpu.memory_space<hbm>> -> memref<1x128xi32, #tpu.memory_space<hbm>>
    %dma_start3A_18 = arith.constant 0 : i32
    %dma_start3A_19 = tpu.memref_slice %arg3[%add3A_15, %dma_start3A_18] : memref<2500x128xi32, #tpu.memory_space<hbm>> -> memref<1x128xi32, #tpu.memory_space<hbm>>
    tpu.enqueue_dma source(%dma_start3A_19 : memref<1x128xi32, #tpu.memory_space<hbm>>) target(%arg9 : memref<1x128xi32, #tpu.memory_space<vmem>>) target_semaphore(%arg13 : memref<!tpu.dma_semaphore, #tpu.memory_space<semaphore_mem>>)
    %mul3A_20 = arith.constant 128 : i32
    %mul3A_21 = arith.muli %add3A_15, %mul3A_20 : i32
    %dma_start3A_22 = arith.constant 0 : i32
    %dma_start3A_23 = tpu.memref_slice %arg2[%mul3A_21, %dma_start3A_22] : memref<320000x128xf32, #tpu.memory_space<hbm>> -> memref<128x128xf32, #tpu.memory_space<hbm>>
    %dma_start3A_24 = arith.constant 0 : i32
    %dma_start3A_25 = tpu.memref_slice %arg2[%mul3A_21, %dma_start3A_24] : memref<320000x128xf32, #tpu.memory_space<hbm>> -> memref<128x128xf32, #tpu.memory_space<hbm>>
    tpu.enqueue_dma source(%dma_start3A_25 : memref<128x128xf32, #tpu.memory_space<hbm>>) target(%arg11 : memref<128x128xf32, #tpu.memory_space<vmem>>) target_semaphore(%arg15 : memref<!tpu.dma_semaphore, #tpu.memory_space<semaphore_mem>>)
    %eq3A_26 = arith.constant 1 : i32
    %eq3A_27 = arith.cmpi eq, %arg0, %eq3A_26 : i32
    %convert_element_type3A_28 = arith.extui %eq3A_27 : i1 to i32
    %cond3A_29 = arith.constant 0 : i32
    %cond3A_30 = arith.cmpi ne, %convert_element_type3A_28, %cond3A_29 : i32
    scf.if %cond3A_30 {
      %dma_start3A_103 = arith.constant 0 : i32
      %dma_start3A_104 = tpu.memref_slice %arg4[%add3A_15, %dma_start3A_103] : memref<2500x128xi32, #tpu.memory_space<hbm>> -> memref<1x128xi32, #tpu.memory_space<hbm>>
      %dma_start3A_105 = arith.constant 0 : i32
      %dma_start3A_106 = tpu.memref_slice %arg4[%add3A_15, %dma_start3A_105] : memref<2500x128xi32, #tpu.memory_space<hbm>> -> memref<1x128xi32, #tpu.memory_space<hbm>>
      tpu.enqueue_dma source(%dma_start3A_106 : memref<1x128xi32, #tpu.memory_space<hbm>>) target(%arg19 : memref<1x128xi32, #tpu.memory_space<vmem>>) target_semaphore(%arg21 : memref<!tpu.dma_semaphore, #tpu.memory_space<semaphore_mem>>)
    } else {
    }
    %scan3A = arith.constant 0 : i32
    %scan3A_31 = arith.constant 8 : i32
    %scan3A_32 = arith.addi %scan3A, %scan3A_31 : i32
    %scan3A_33 = arith.constant 1 : i32
    scf.for %scan3A_103 = %scan3A to %scan3A_32 step %scan3A_33  : i32 {
      %mul3A_104 = arith.constant 1 : i32
      %mul3A_105 = arith.muli %scan3A_103, %mul3A_104 : i32
      %add3A_106 = arith.constant 0 : i32
      %add3A_107 = arith.addi %add3A_106, %mul3A_105 : i32
      %mul3A_108 = arith.constant 16 : i32
      %mul3A_109 = arith.muli %add3A_107, %mul3A_108 : i32
      %add3A_110 = arith.addi %arg1, %mul3A_109 : i32
      %lt3A = arith.constant 125 : i32
      %lt3A_111 = arith.cmpi slt, %add3A_110, %lt3A : i32
      %convert_element_type3A_112 = arith.extui %lt3A_111 : i1 to i32
      %cond3A_113 = arith.constant 0 : i32
      %cond3A_114 = arith.cmpi ne, %convert_element_type3A_112, %cond3A_113 : i32
      scf.if %cond3A_114 {
        %mul3A_115 = arith.constant 80 : i32
        %mul3A_116 = arith.muli %add3A_110, %mul3A_115 : i32
        "tpu.region"() ({
          %run_scoped3A = tpu.sem_alloc : memref<!tpu.dma_semaphore, #tpu.memory_space<semaphore_mem>>
          %dma_start3A_117 = arith.constant 0 : i32
          %dma_start3A_118 = tpu.memref_slice %arg22[%mul3A_116, %dma_start3A_117] : memref<10000x128xf32, #tpu.memory_space<vmem_shared>> -> memref<80x128xf32, #tpu.memory_space<vmem_shared>>
          %dma_start3A_119 = arith.constant 0 : i32
          %dma_start3A_120 = tpu.memref_slice %arg5[%mul3A_116, %dma_start3A_119] : memref<10000x128xf32, #tpu.memory_space<hbm>> -> memref<80x128xf32, #tpu.memory_space<hbm>>
          tpu.enqueue_dma source(%dma_start3A_120 : memref<80x128xf32, #tpu.memory_space<hbm>>) target(%dma_start3A_118 : memref<80x128xf32, #tpu.memory_space<vmem_shared>>) target_semaphore(%run_scoped3A : memref<!tpu.dma_semaphore, #tpu.memory_space<semaphore_mem>>)
          %dma_wait3A_121 = arith.constant 0 : i32
          %dma_wait3A_122 = tpu.memref_slice %arg22[%mul3A_116, %dma_wait3A_121] : memref<10000x128xf32, #tpu.memory_space<vmem_shared>> -> memref<80x128xf32, #tpu.memory_space<vmem_shared>>
          %dma_wait3A_123 = arith.constant 0 : i32
          %dma_wait3A_124 = tpu.memref_slice %arg5[%mul3A_116, %dma_wait3A_123] : memref<10000x128xf32, #tpu.memory_space<hbm>> -> memref<80x128xf32, #tpu.memory_space<hbm>>
          tpu.wait_dma2 semaphore(%run_scoped3A : memref<!tpu.dma_semaphore, #tpu.memory_space<semaphore_mem>>) src(%dma_wait3A_124 : memref<80x128xf32, #tpu.memory_space<hbm>>) dst(%dma_wait3A_122 : memref<80x128xf32, #tpu.memory_space<vmem_shared>>)
          tpu.yield
        }) : () -> ()
      } else {
      }
    }
    %scan3A_34 = arith.constant 8 : i32
    %barrier3A = arith.constant 0 : index
    tpu.barrier barrier_id(%barrier3A)
    %scan3A_35 = arith.constant 0 : i32
    %scan3A_36 = arith.constant 79 : i32
    %scan3A_37 = arith.addi %scan3A_35, %scan3A_36 : i32
    %scan3A_38 = arith.constant 1 : i32
    scf.for %scan3A_103 = %scan3A_35 to %scan3A_37 step %scan3A_38  : i32 {
      %mul3A_104 = arith.constant 1 : i32
      %mul3A_105 = arith.muli %scan3A_103, %mul3A_104 : i32
      %add3A_106 = arith.constant 0 : i32
      %add3A_107 = arith.addi %add3A_106, %mul3A_105 : i32
      %mul3A_108 = arith.constant 2 : i32
      %mul3A_109 = arith.muli %add3A_107, %mul3A_108 : i32
      %add3A_110 = arith.constant 0 : i32
      %add3A_111 = arith.addi %mul3A_109, %add3A_110 : i32
      %mul3A_112 = arith.constant 16 : i32
      %mul3A_113 = arith.muli %add3A_111, %mul3A_112 : i32
      %add3A_114 = arith.addi %arg1, %mul3A_113 : i32
      %lt3A = arith.constant 2500 : i32
      %lt3A_115 = arith.cmpi slt, %add3A_114, %lt3A : i32
      %convert_element_type3A_116 = arith.extui %lt3A_115 : i1 to i32
      %cond3A_117 = arith.constant 0 : i32
      %cond3A_118 = arith.cmpi ne, %convert_element_type3A_116, %cond3A_117 : i32
      scf.if %cond3A_118 {
        %dma_wait3A_131 = arith.constant 0 : i32
        %dma_wait3A_132 = tpu.memref_slice %arg3[%add3A_114, %dma_wait3A_131] : memref<2500x128xi32, #tpu.memory_space<hbm>> -> memref<1x128xi32, #tpu.memory_space<hbm>>
        %dma_wait3A_133 = arith.constant 0 : i32
        %dma_wait3A_134 = tpu.memref_slice %arg3[%add3A_114, %dma_wait3A_133] : memref<2500x128xi32, #tpu.memory_space<hbm>> -> memref<1x128xi32, #tpu.memory_space<hbm>>
        tpu.wait_dma2 semaphore(%arg12 : memref<!tpu.dma_semaphore, #tpu.memory_space<semaphore_mem>>) src(%dma_wait3A_134 : memref<1x128xi32, #tpu.memory_space<hbm>>) dst(%arg8 : memref<1x128xi32, #tpu.memory_space<vmem>>)
        %mul3A_135 = arith.constant 128 : i32
        %mul3A_136 = arith.muli %add3A_114, %mul3A_135 : i32
        %dma_wait3A_137 = arith.constant 0 : i32
        %dma_wait3A_138 = tpu.memref_slice %arg2[%mul3A_136, %dma_wait3A_137] : memref<320000x128xf32, #tpu.memory_space<hbm>> -> memref<128x128xf32, #tpu.memory_space<hbm>>
        %dma_wait3A_139 = arith.constant 0 : i32
        %dma_wait3A_140 = tpu.memref_slice %arg2[%mul3A_136, %dma_wait3A_139] : memref<320000x128xf32, #tpu.memory_space<hbm>> -> memref<128x128xf32, #tpu.memory_space<hbm>>
        tpu.wait_dma2 semaphore(%arg14 : memref<!tpu.dma_semaphore, #tpu.memory_space<semaphore_mem>>) src(%dma_wait3A_140 : memref<128x128xf32, #tpu.memory_space<hbm>>) dst(%arg10 : memref<128x128xf32, #tpu.memory_space<vmem>>)
        %run_scoped3A = arith.constant 0 : i32
        "tpu.region"() ({
          %run_scoped3A_156 = tpu.sem_alloc : memref<!tpu.dma_semaphore, #tpu.memory_space<semaphore_mem>>
          %dma_start3A_157 = arith.constant 0 : i32
          %dma_start3A_158 = tpu.memref_slice %arg8[%run_scoped3A, %dma_start3A_157] : memref<1x128xi32, #tpu.memory_space<vmem>> -> memref<1x128xi32, #tpu.memory_space<vmem>>
          %dma_start3A_159 = tpu.memref_squeeze %dma_start3A_158 : memref<1x128xi32, #tpu.memory_space<vmem>> -> memref<128xi32, #tpu.memory_space<vmem>>
          %dma_start3A_160 = arith.constant 0 : i32
          %dma_start3A_161 = arith.constant 0 : i32
          %dma_start3A_162 = tpu.memref_slice %arg22[%dma_start3A_160, %dma_start3A_161] : memref<10000x128xf32, #tpu.memory_space<vmem_shared>> -> memref<10000x128xf32, #tpu.memory_space<vmem_shared>>
          tpu.enqueue_indirect_dma source(%arg10 : memref<128x128xf32, #tpu.memory_space<vmem>>) target(%dma_start3A_162 : memref<10000x128xf32, #tpu.memory_space<vmem_shared>>) offsets(%dma_start3A_159 : memref<128xi32, #tpu.memory_space<vmem>>) semaphore(%run_scoped3A_156 : memref<!tpu.dma_semaphore, #tpu.memory_space<semaphore_mem>>) {add = true}
          %dma_wait3A_163 = arith.constant 0 : i32
          %dma_wait3A_164 = tpu.memref_slice %arg8[%run_scoped3A, %dma_wait3A_163] : memref<1x128xi32, #tpu.memory_space<vmem>> -> memref<1x128xi32, #tpu.memory_space<vmem>>
          %dma_wait3A_165 = tpu.memref_squeeze %dma_wait3A_164 : memref<1x128xi32, #tpu.memory_space<vmem>> -> memref<128xi32, #tpu.memory_space<vmem>>
          %dma_wait3A_166 = arith.constant 0 : i32
          %dma_wait3A_167 = arith.constant 0 : i32
          %dma_wait3A_168 = tpu.memref_slice %arg22[%dma_wait3A_166, %dma_wait3A_167] : memref<10000x128xf32, #tpu.memory_space<vmem_shared>> -> memref<10000x128xf32, #tpu.memory_space<vmem_shared>>
          tpu.wait_indirect_dma semaphore(%run_scoped3A_156 : memref<!tpu.dma_semaphore, #tpu.memory_space<semaphore_mem>>) src(%arg10 : memref<128x128xf32, #tpu.memory_space<vmem>>) dst(%dma_wait3A_168 : memref<10000x128xf32, #tpu.memory_space<vmem_shared>>)
          tpu.yield
        }) : () -> ()
        %add3A_141 = arith.constant 2 : i32
        %add3A_142 = arith.addi %add3A_111, %add3A_141 : i32
        %mul3A_143 = arith.constant 16 : i32
        %mul3A_144 = arith.muli %add3A_142, %mul3A_143 : i32
        %add3A_145 = arith.addi %arg1, %mul3A_144 : i32
        %eq3A_146 = arith.constant 0 : i32
        %eq3A_147 = arith.cmpi eq, %arg0, %eq3A_146 : i32
        %convert_element_type3A_148 = arith.extui %eq3A_147 : i1 to i32
        %cond3A_149 = arith.constant 0 : i32
        %cond3A_150 = arith.cmpi ne, %convert_element_type3A_148, %cond3A_149 : i32
        scf.if %cond3A_150 {
          %dma_wait3A_156 = arith.constant 0 : i32
          %dma_wait3A_157 = tpu.memref_slice %arg4[%add3A_114, %dma_wait3A_156] : memref<2500x128xi32, #tpu.memory_space<hbm>> -> memref<1x128xi32, #tpu.memory_space<hbm>>
          %dma_wait3A_158 = arith.constant 0 : i32
          %dma_wait3A_159 = tpu.memref_slice %arg4[%add3A_114, %dma_wait3A_158] : memref<2500x128xi32, #tpu.memory_space<hbm>> -> memref<1x128xi32, #tpu.memory_space<hbm>>
          tpu.wait_dma2 semaphore(%arg20 : memref<!tpu.dma_semaphore, #tpu.memory_space<semaphore_mem>>) src(%dma_wait3A_159 : memref<1x128xi32, #tpu.memory_space<hbm>>) dst(%arg18 : memref<1x128xi32, #tpu.memory_space<vmem>>)
          %run_scoped3A_160 = arith.constant 0 : i32
          "tpu.region"() ({
            %run_scoped3A_166 = tpu.sem_alloc : memref<!tpu.dma_semaphore, #tpu.memory_space<semaphore_mem>>
            %dma_start3A_167 = arith.constant 0 : i32
            %dma_start3A_168 = tpu.memref_slice %arg18[%run_scoped3A_160, %dma_start3A_167] : memref<1x128xi32, #tpu.memory_space<vmem>> -> memref<1x128xi32, #tpu.memory_space<vmem>>
            %dma_start3A_169 = tpu.memref_squeeze %dma_start3A_168 : memref<1x128xi32, #tpu.memory_space<vmem>> -> memref<128xi32, #tpu.memory_space<vmem>>
            %dma_start3A_170 = arith.constant 0 : i32
            %dma_start3A_171 = arith.constant 0 : i32
            %dma_start3A_172 = tpu.memref_slice %arg7[%dma_start3A_170, %dma_start3A_171] : memref<320000x128xf32, #tpu.memory_space<hbm>> -> memref<320000x128xf32, #tpu.memory_space<hbm>>
            tpu.enqueue_indirect_dma source(%arg10 : memref<128x128xf32, #tpu.memory_space<vmem>>) target(%dma_start3A_172 : memref<320000x128xf32, #tpu.memory_space<hbm>>) offsets(%dma_start3A_169 : memref<128xi32, #tpu.memory_space<vmem>>) semaphore(%run_scoped3A_166 : memref<!tpu.dma_semaphore, #tpu.memory_space<semaphore_mem>>)
            %dma_wait3A_173 = arith.constant 0 : i32
            %dma_wait3A_174 = tpu.memref_slice %arg18[%run_scoped3A_160, %dma_wait3A_173] : memref<1x128xi32, #tpu.memory_space<vmem>> -> memref<1x128xi32, #tpu.memory_space<vmem>>
            %dma_wait3A_175 = tpu.memref_squeeze %dma_wait3A_174 : memref<1x128xi32, #tpu.memory_space<vmem>> -> memref<128xi32, #tpu.memory_space<vmem>>
            %dma_wait3A_176 = arith.constant 0 : i32
            %dma_wait3A_177 = arith.constant 0 : i32
            %dma_wait3A_178 = tpu.memref_slice %arg7[%dma_wait3A_176, %dma_wait3A_177] : memref<320000x128xf32, #tpu.memory_space<hbm>> -> memref<320000x128xf32, #tpu.memory_space<hbm>>
            tpu.wait_indirect_dma semaphore(%run_scoped3A_166 : memref<!tpu.dma_semaphore, #tpu.memory_space<semaphore_mem>>) src(%arg10 : memref<128x128xf32, #tpu.memory_space<vmem>>) dst(%dma_wait3A_178 : memref<320000x128xf32, #tpu.memory_space<hbm>>)
            tpu.yield
          }) : () -> ()
          %lt3A_161 = arith.constant 2500 : i32
          %lt3A_162 = arith.cmpi slt, %add3A_145, %lt3A_161 : i32
          %convert_element_type3A_163 = arith.extui %lt3A_162 : i1 to i32
          %cond3A_164 = arith.constant 0 : i32
          %cond3A_165 = arith.cmpi ne, %convert_element_type3A_163, %cond3A_164 : i32
          scf.if %cond3A_165 {
            %dma_start3A_166 = arith.constant 0 : i32
            %dma_start3A_167 = tpu.memref_slice %arg4[%add3A_145, %dma_start3A_166] : memref<2500x128xi32, #tpu.memory_space<hbm>> -> memref<1x128xi32, #tpu.memory_space<hbm>>
            %dma_start3A_168 = arith.constant 0 : i32
            %dma_start3A_169 = tpu.memref_slice %arg4[%add3A_145, %dma_start3A_168] : memref<2500x128xi32, #tpu.memory_space<hbm>> -> memref<1x128xi32, #tpu.memory_space<hbm>>
            tpu.enqueue_dma source(%dma_start3A_169 : memref<1x128xi32, #tpu.memory_space<hbm>>) target(%arg18 : memref<1x128xi32, #tpu.memory_space<vmem>>) target_semaphore(%arg20 : memref<!tpu.dma_semaphore, #tpu.memory_space<semaphore_mem>>)
          } else {
          }
        } else {
        }
        %lt3A_151 = arith.constant 2500 : i32
        %lt3A_152 = arith.cmpi slt, %add3A_145, %lt3A_151 : i32
        %convert_element_type3A_153 = arith.extui %lt3A_152 : i1 to i32
        %cond3A_154 = arith.constant 0 : i32
        %cond3A_155 = arith.cmpi ne, %convert_element_type3A_153, %cond3A_154 : i32
        scf.if %cond3A_155 {
          %dma_start3A_156 = arith.constant 0 : i32
          %dma_start3A_157 = tpu.memref_slice %arg3[%add3A_145, %dma_start3A_156] : memref<2500x128xi32, #tpu.memory_space<hbm>> -> memref<1x128xi32, #tpu.memory_space<hbm>>
          %dma_start3A_158 = arith.constant 0 : i32
          %dma_start3A_159 = tpu.memref_slice %arg3[%add3A_145, %dma_start3A_158] : memref<2500x128xi32, #tpu.memory_space<hbm>> -> memref<1x128xi32, #tpu.memory_space<hbm>>
          tpu.enqueue_dma source(%dma_start3A_159 : memref<1x128xi32, #tpu.memory_space<hbm>>) target(%arg8 : memref<1x128xi32, #tpu.memory_space<vmem>>) target_semaphore(%arg12 : memref<!tpu.dma_semaphore, #tpu.memory_space<semaphore_mem>>)
          %mul3A_160 = arith.constant 128 : i32
          %mul3A_161 = arith.muli %add3A_145, %mul3A_160 : i32
          %dma_start3A_162 = arith.constant 0 : i32
          %dma_start3A_163 = tpu.memref_slice %arg2[%mul3A_161, %dma_start3A_162] : memref<320000x128xf32, #tpu.memory_space<hbm>> -> memref<128x128xf32, #tpu.memory_space<hbm>>
          %dma_start3A_164 = arith.constant 0 : i32
          %dma_start3A_165 = tpu.memref_slice %arg2[%mul3A_161, %dma_start3A_164] : memref<320000x128xf32, #tpu.memory_space<hbm>> -> memref<128x128xf32, #tpu.memory_space<hbm>>
          tpu.enqueue_dma source(%dma_start3A_165 : memref<128x128xf32, #tpu.memory_space<hbm>>) target(%arg10 : memref<128x128xf32, #tpu.memory_space<vmem>>) target_semaphore(%arg14 : memref<!tpu.dma_semaphore, #tpu.memory_space<semaphore_mem>>)
        } else {
        }
      } else {
      }
      %mul3A_119 = arith.constant 2 : i32
      %mul3A_120 = arith.muli %add3A_107, %mul3A_119 : i32
      %add3A_121 = arith.constant 1 : i32
      %add3A_122 = arith.addi %mul3A_120, %add3A_121 : i32
      %mul3A_123 = arith.constant 16 : i32
      %mul3A_124 = arith.muli %add3A_122, %mul3A_123 : i32
      %add3A_125 = arith.addi %arg1, %mul3A_124 : i32
      %lt3A_126 = arith.constant 2500 : i32
      %lt3A_127 = arith.cmpi slt, %add3A_125, %lt3A_126 : i32
      %convert_element_type3A_128 = arith.extui %lt3A_127 : i1 to i32
      %cond3A_129 = arith.constant 0 : i32
      %cond3A_130 = arith.cmpi ne, %convert_element_type3A_128, %cond3A_129 : i32
      scf.if %cond3A_130 {
        %dma_wait3A_131 = arith.constant 0 : i32
        %dma_wait3A_132 = tpu.memref_slice %arg3[%add3A_125, %dma_wait3A_131] : memref<2500x128xi32, #tpu.memory_space<hbm>> -> memref<1x128xi32, #tpu.memory_space<hbm>>
        %dma_wait3A_133 = arith.constant 0 : i32
        %dma_wait3A_134 = tpu.memref_slice %arg3[%add3A_125, %dma_wait3A_133] : memref<2500x128xi32, #tpu.memory_space<hbm>> -> memref<1x128xi32, #tpu.memory_space<hbm>>
        tpu.wait_dma2 semaphore(%arg13 : memref<!tpu.dma_semaphore, #tpu.memory_space<semaphore_mem>>) src(%dma_wait3A_134 : memref<1x128xi32, #tpu.memory_space<hbm>>) dst(%arg9 : memref<1x128xi32, #tpu.memory_space<vmem>>)
        %mul3A_135 = arith.constant 128 : i32
        %mul3A_136 = arith.muli %add3A_125, %mul3A_135 : i32
        %dma_wait3A_137 = arith.constant 0 : i32
        %dma_wait3A_138 = tpu.memref_slice %arg2[%mul3A_136, %dma_wait3A_137] : memref<320000x128xf32, #tpu.memory_space<hbm>> -> memref<128x128xf32, #tpu.memory_space<hbm>>
        %dma_wait3A_139 = arith.constant 0 : i32
        %dma_wait3A_140 = tpu.memref_slice %arg2[%mul3A_136, %dma_wait3A_139] : memref<320000x128xf32, #tpu.memory_space<hbm>> -> memref<128x128xf32, #tpu.memory_space<hbm>>
        tpu.wait_dma2 semaphore(%arg15 : memref<!tpu.dma_semaphore, #tpu.memory_space<semaphore_mem>>) src(%dma_wait3A_140 : memref<128x128xf32, #tpu.memory_space<hbm>>) dst(%arg11 : memref<128x128xf32, #tpu.memory_space<vmem>>)
        %run_scoped3A = arith.constant 0 : i32
        "tpu.region"() ({
          %run_scoped3A_156 = tpu.sem_alloc : memref<!tpu.dma_semaphore, #tpu.memory_space<semaphore_mem>>
          %dma_start3A_157 = arith.constant 0 : i32
          %dma_start3A_158 = tpu.memref_slice %arg9[%run_scoped3A, %dma_start3A_157] : memref<1x128xi32, #tpu.memory_space<vmem>> -> memref<1x128xi32, #tpu.memory_space<vmem>>
          %dma_start3A_159 = tpu.memref_squeeze %dma_start3A_158 : memref<1x128xi32, #tpu.memory_space<vmem>> -> memref<128xi32, #tpu.memory_space<vmem>>
          %dma_start3A_160 = arith.constant 0 : i32
          %dma_start3A_161 = arith.constant 0 : i32
          %dma_start3A_162 = tpu.memref_slice %arg22[%dma_start3A_160, %dma_start3A_161] : memref<10000x128xf32, #tpu.memory_space<vmem_shared>> -> memref<10000x128xf32, #tpu.memory_space<vmem_shared>>
          tpu.enqueue_indirect_dma source(%arg11 : memref<128x128xf32, #tpu.memory_space<vmem>>) target(%dma_start3A_162 : memref<10000x128xf32, #tpu.memory_space<vmem_shared>>) offsets(%dma_start3A_159 : memref<128xi32, #tpu.memory_space<vmem>>) semaphore(%run_scoped3A_156 : memref<!tpu.dma_semaphore, #tpu.memory_space<semaphore_mem>>) {add = true}
          %dma_wait3A_163 = arith.constant 0 : i32
          %dma_wait3A_164 = tpu.memref_slice %arg9[%run_scoped3A, %dma_wait3A_163] : memref<1x128xi32, #tpu.memory_space<vmem>> -> memref<1x128xi32, #tpu.memory_space<vmem>>
          %dma_wait3A_165 = tpu.memref_squeeze %dma_wait3A_164 : memref<1x128xi32, #tpu.memory_space<vmem>> -> memref<128xi32, #tpu.memory_space<vmem>>
          %dma_wait3A_166 = arith.constant 0 : i32
          %dma_wait3A_167 = arith.constant 0 : i32
          %dma_wait3A_168 = tpu.memref_slice %arg22[%dma_wait3A_166, %dma_wait3A_167] : memref<10000x128xf32, #tpu.memory_space<vmem_shared>> -> memref<10000x128xf32, #tpu.memory_space<vmem_shared>>
          tpu.wait_indirect_dma semaphore(%run_scoped3A_156 : memref<!tpu.dma_semaphore, #tpu.memory_space<semaphore_mem>>) src(%arg11 : memref<128x128xf32, #tpu.memory_space<vmem>>) dst(%dma_wait3A_168 : memref<10000x128xf32, #tpu.memory_space<vmem_shared>>)
          tpu.yield
        }) : () -> ()
        %add3A_141 = arith.constant 2 : i32
        %add3A_142 = arith.addi %add3A_122, %add3A_141 : i32
        %mul3A_143 = arith.constant 16 : i32
        %mul3A_144 = arith.muli %add3A_142, %mul3A_143 : i32
        %add3A_145 = arith.addi %arg1, %mul3A_144 : i32
        %eq3A_146 = arith.constant 1 : i32
        %eq3A_147 = arith.cmpi eq, %arg0, %eq3A_146 : i32
        %convert_element_type3A_148 = arith.extui %eq3A_147 : i1 to i32
        %cond3A_149 = arith.constant 0 : i32
        %cond3A_150 = arith.cmpi ne, %convert_element_type3A_148, %cond3A_149 : i32
        scf.if %cond3A_150 {
          %dma_wait3A_156 = arith.constant 0 : i32
          %dma_wait3A_157 = tpu.memref_slice %arg4[%add3A_125, %dma_wait3A_156] : memref<2500x128xi32, #tpu.memory_space<hbm>> -> memref<1x128xi32, #tpu.memory_space<hbm>>
          %dma_wait3A_158 = arith.constant 0 : i32
          %dma_wait3A_159 = tpu.memref_slice %arg4[%add3A_125, %dma_wait3A_158] : memref<2500x128xi32, #tpu.memory_space<hbm>> -> memref<1x128xi32, #tpu.memory_space<hbm>>
          tpu.wait_dma2 semaphore(%arg21 : memref<!tpu.dma_semaphore, #tpu.memory_space<semaphore_mem>>) src(%dma_wait3A_159 : memref<1x128xi32, #tpu.memory_space<hbm>>) dst(%arg19 : memref<1x128xi32, #tpu.memory_space<vmem>>)
          %run_scoped3A_160 = arith.constant 0 : i32
          "tpu.region"() ({
            %run_scoped3A_166 = tpu.sem_alloc : memref<!tpu.dma_semaphore, #tpu.memory_space<semaphore_mem>>
            %dma_start3A_167 = arith.constant 0 : i32
            %dma_start3A_168 = tpu.memref_slice %arg19[%run_scoped3A_160, %dma_start3A_167] : memref<1x128xi32, #tpu.memory_space<vmem>> -> memref<1x128xi32, #tpu.memory_space<vmem>>
            %dma_start3A_169 = tpu.memref_squeeze %dma_start3A_168 : memref<1x128xi32, #tpu.memory_space<vmem>> -> memref<128xi32, #tpu.memory_space<vmem>>
            %dma_start3A_170 = arith.constant 0 : i32
            %dma_start3A_171 = arith.constant 0 : i32
            %dma_start3A_172 = tpu.memref_slice %arg7[%dma_start3A_170, %dma_start3A_171] : memref<320000x128xf32, #tpu.memory_space<hbm>> -> memref<320000x128xf32, #tpu.memory_space<hbm>>
            tpu.enqueue_indirect_dma source(%arg11 : memref<128x128xf32, #tpu.memory_space<vmem>>) target(%dma_start3A_172 : memref<320000x128xf32, #tpu.memory_space<hbm>>) offsets(%dma_start3A_169 : memref<128xi32, #tpu.memory_space<vmem>>) semaphore(%run_scoped3A_166 : memref<!tpu.dma_semaphore, #tpu.memory_space<semaphore_mem>>)
            %dma_wait3A_173 = arith.constant 0 : i32
            %dma_wait3A_174 = tpu.memref_slice %arg19[%run_scoped3A_160, %dma_wait3A_173] : memref<1x128xi32, #tpu.memory_space<vmem>> -> memref<1x128xi32, #tpu.memory_space<vmem>>
            %dma_wait3A_175 = tpu.memref_squeeze %dma_wait3A_174 : memref<1x128xi32, #tpu.memory_space<vmem>> -> memref<128xi32, #tpu.memory_space<vmem>>
            %dma_wait3A_176 = arith.constant 0 : i32
            %dma_wait3A_177 = arith.constant 0 : i32
            %dma_wait3A_178 = tpu.memref_slice %arg7[%dma_wait3A_176, %dma_wait3A_177] : memref<320000x128xf32, #tpu.memory_space<hbm>> -> memref<320000x128xf32, #tpu.memory_space<hbm>>
            tpu.wait_indirect_dma semaphore(%run_scoped3A_166 : memref<!tpu.dma_semaphore, #tpu.memory_space<semaphore_mem>>) src(%arg11 : memref<128x128xf32, #tpu.memory_space<vmem>>) dst(%dma_wait3A_178 : memref<320000x128xf32, #tpu.memory_space<hbm>>)
            tpu.yield
          }) : () -> ()
          %lt3A_161 = arith.constant 2500 : i32
          %lt3A_162 = arith.cmpi slt, %add3A_145, %lt3A_161 : i32
          %convert_element_type3A_163 = arith.extui %lt3A_162 : i1 to i32
          %cond3A_164 = arith.constant 0 : i32
          %cond3A_165 = arith.cmpi ne, %convert_element_type3A_163, %cond3A_164 : i32
          scf.if %cond3A_165 {
            %dma_start3A_166 = arith.constant 0 : i32
            %dma_start3A_167 = tpu.memref_slice %arg4[%add3A_145, %dma_start3A_166] : memref<2500x128xi32, #tpu.memory_space<hbm>> -> memref<1x128xi32, #tpu.memory_space<hbm>>
            %dma_start3A_168 = arith.constant 0 : i32
            %dma_start3A_169 = tpu.memref_slice %arg4[%add3A_145, %dma_start3A_168] : memref<2500x128xi32, #tpu.memory_space<hbm>> -> memref<1x128xi32, #tpu.memory_space<hbm>>
            tpu.enqueue_dma source(%dma_start3A_169 : memref<1x128xi32, #tpu.memory_space<hbm>>) target(%arg19 : memref<1x128xi32, #tpu.memory_space<vmem>>) target_semaphore(%arg21 : memref<!tpu.dma_semaphore, #tpu.memory_space<semaphore_mem>>)
          } else {
          }
        } else {
        }
        %lt3A_151 = arith.constant 2500 : i32
        %lt3A_152 = arith.cmpi slt, %add3A_145, %lt3A_151 : i32
        %convert_element_type3A_153 = arith.extui %lt3A_152 : i1 to i32
        %cond3A_154 = arith.constant 0 : i32
        %cond3A_155 = arith.cmpi ne, %convert_element_type3A_153, %cond3A_154 : i32
        scf.if %cond3A_155 {
          %dma_start3A_156 = arith.constant 0 : i32
          %dma_start3A_157 = tpu.memref_slice %arg3[%add3A_145, %dma_start3A_156] : memref<2500x128xi32, #tpu.memory_space<hbm>> -> memref<1x128xi32, #tpu.memory_space<hbm>>
          %dma_start3A_158 = arith.constant 0 : i32
          %dma_start3A_159 = tpu.memref_slice %arg3[%add3A_145, %dma_start3A_158] : memref<2500x128xi32, #tpu.memory_space<hbm>> -> memref<1x128xi32, #tpu.memory_space<hbm>>
          tpu.enqueue_dma source(%dma_start3A_159 : memref<1x128xi32, #tpu.memory_space<hbm>>) target(%arg9 : memref<1x128xi32, #tpu.memory_space<vmem>>) target_semaphore(%arg13 : memref<!tpu.dma_semaphore, #tpu.memory_space<semaphore_mem>>)
          %mul3A_160 = arith.constant 128 : i32
          %mul3A_161 = arith.muli %add3A_145, %mul3A_160 : i32
          %dma_start3A_162 = arith.constant 0 : i32
          %dma_start3A_163 = tpu.memref_slice %arg2[%mul3A_161, %dma_start3A_162] : memref<320000x128xf32, #tpu.memory_space<hbm>> -> memref<128x128xf32, #tpu.memory_space<hbm>>
          %dma_start3A_164 = arith.constant 0 : i32
          %dma_start3A_165 = tpu.memref_slice %arg2[%mul3A_161, %dma_start3A_164] : memref<320000x128xf32, #tpu.memory_space<hbm>> -> memref<128x128xf32, #tpu.memory_space<hbm>>
          tpu.enqueue_dma source(%dma_start3A_165 : memref<128x128xf32, #tpu.memory_space<hbm>>) target(%arg11 : memref<128x128xf32, #tpu.memory_space<vmem>>) target_semaphore(%arg15 : memref<!tpu.dma_semaphore, #tpu.memory_space<semaphore_mem>>)
        } else {
        }
      } else {
      }
    }
    %scan3A_39 = arith.constant 79 : i32
    %barrier3A_40 = arith.constant 0 : index
    tpu.barrier barrier_id(%barrier3A_40)
    %add3A_41 = arith.constant 0 : i32
    %add3A_42 = arith.addi %add3A, %add3A_41 : i32
    %dma_start3A_43 = arith.constant 0 : i32
    %dma_start3A_44 = tpu.memref_slice %arg3[%add3A_42, %dma_start3A_43] : memref<2500x128xi32, #tpu.memory_space<hbm>> -> memref<1x128xi32, #tpu.memory_space<hbm>>
    %dma_start3A_45 = arith.constant 0 : i32
    %dma_start3A_46 = tpu.memref_slice %arg3[%add3A_42, %dma_start3A_45] : memref<2500x128xi32, #tpu.memory_space<hbm>> -> memref<1x128xi32, #tpu.memory_space<hbm>>
    tpu.enqueue_dma source(%dma_start3A_46 : memref<1x128xi32, #tpu.memory_space<hbm>>) target(%arg8 : memref<1x128xi32, #tpu.memory_space<vmem>>) target_semaphore(%arg12 : memref<!tpu.dma_semaphore, #tpu.memory_space<semaphore_mem>>)
    %add3A_47 = arith.constant 32 : i32
    %add3A_48 = arith.addi %add3A, %add3A_47 : i32
    %dma_start3A_49 = arith.constant 0 : i32
    %dma_start3A_50 = tpu.memref_slice %arg3[%add3A_48, %dma_start3A_49] : memref<2500x128xi32, #tpu.memory_space<hbm>> -> memref<1x128xi32, #tpu.memory_space<hbm>>
    %dma_start3A_51 = arith.constant 0 : i32
    %dma_start3A_52 = tpu.memref_slice %arg3[%add3A_48, %dma_start3A_51] : memref<2500x128xi32, #tpu.memory_space<hbm>> -> memref<1x128xi32, #tpu.memory_space<hbm>>
    tpu.enqueue_dma source(%dma_start3A_52 : memref<1x128xi32, #tpu.memory_space<hbm>>) target(%arg9 : memref<1x128xi32, #tpu.memory_space<vmem>>) target_semaphore(%arg13 : memref<!tpu.dma_semaphore, #tpu.memory_space<semaphore_mem>>)
    %scan3A_53 = arith.constant 0 : i32
    %scan3A_54 = arith.constant 40 : i32
    %scan3A_55 = arith.addi %scan3A_53, %scan3A_54 : i32
    %scan3A_56 = arith.constant 1 : i32
    scf.for %scan3A_103 = %scan3A_53 to %scan3A_55 step %scan3A_56  : i32 {
      %mul3A_104 = arith.constant 1 : i32
      %mul3A_105 = arith.muli %scan3A_103, %mul3A_104 : i32
      %add3A_106 = arith.constant 0 : i32
      %add3A_107 = arith.addi %add3A_106, %mul3A_105 : i32
      %mul3A_108 = arith.constant 2 : i32
      %mul3A_109 = arith.muli %add3A_107, %mul3A_108 : i32
      %add3A_110 = arith.constant 0 : i32
      %add3A_111 = arith.addi %mul3A_109, %add3A_110 : i32
      %mul3A_112 = arith.constant 32 : i32
      %mul3A_113 = arith.muli %add3A_111, %mul3A_112 : i32
      %add3A_114 = arith.addi %add3A, %mul3A_113 : i32
      %lt3A = arith.constant 2500 : i32
      %lt3A_115 = arith.cmpi slt, %add3A_114, %lt3A : i32
      %convert_element_type3A_116 = arith.extui %lt3A_115 : i1 to i32
      %cond3A_117 = arith.constant 0 : i32
      %cond3A_118 = arith.cmpi ne, %convert_element_type3A_116, %cond3A_117 : i32
      scf.if %cond3A_118 {
        %ge3A = arith.constant 2 : i32
        %ge3A_131 = arith.cmpi sge, %add3A_111, %ge3A : i32
        %convert_element_type3A_132 = arith.extui %ge3A_131 : i1 to i32
        %cond3A_133 = arith.constant 0 : i32
        %cond3A_134 = arith.cmpi ne, %convert_element_type3A_132, %cond3A_133 : i32
        scf.if %cond3A_134 {
          %sub3A_155 = arith.constant 2 : i32
          %sub3A_156 = arith.subi %add3A_111, %sub3A_155 : i32
          %mul3A_157 = arith.constant 32 : i32
          %mul3A_158 = arith.muli %sub3A_156, %mul3A_157 : i32
          %add3A_159 = arith.addi %add3A, %mul3A_158 : i32
          %mul3A_160 = arith.constant 128 : i32
          %mul3A_161 = arith.muli %add3A_159, %mul3A_160 : i32
          %dma_wait3A_162 = arith.constant 0 : i32
          %dma_wait3A_163 = tpu.memref_slice %arg6[%mul3A_161, %dma_wait3A_162] : memref<320000x128xf32, #tpu.memory_space<hbm>> -> memref<128x128xf32, #tpu.memory_space<hbm>>
          %dma_wait3A_164 = arith.constant 0 : i32
          %dma_wait3A_165 = tpu.memref_slice %arg6[%mul3A_161, %dma_wait3A_164] : memref<320000x128xf32, #tpu.memory_space<hbm>> -> memref<128x128xf32, #tpu.memory_space<hbm>>
          tpu.wait_dma2 semaphore(%arg16 : memref<!tpu.dma_semaphore, #tpu.memory_space<semaphore_mem>>) src(%arg10 : memref<128x128xf32, #tpu.memory_space<vmem>>) dst(%dma_wait3A_165 : memref<128x128xf32, #tpu.memory_space<hbm>>)
        } else {
        }
        %dma_wait3A_135 = arith.constant 0 : i32
        %dma_wait3A_136 = tpu.memref_slice %arg3[%add3A_114, %dma_wait3A_135] : memref<2500x128xi32, #tpu.memory_space<hbm>> -> memref<1x128xi32, #tpu.memory_space<hbm>>
        %dma_wait3A_137 = arith.constant 0 : i32
        %dma_wait3A_138 = tpu.memref_slice %arg3[%add3A_114, %dma_wait3A_137] : memref<2500x128xi32, #tpu.memory_space<hbm>> -> memref<1x128xi32, #tpu.memory_space<hbm>>
        tpu.wait_dma2 semaphore(%arg12 : memref<!tpu.dma_semaphore, #tpu.memory_space<semaphore_mem>>) src(%dma_wait3A_138 : memref<1x128xi32, #tpu.memory_space<hbm>>) dst(%arg8 : memref<1x128xi32, #tpu.memory_space<vmem>>)
        %run_scoped3A = arith.constant 0 : i32
        "tpu.region"() ({
          %run_scoped3A_155 = tpu.sem_alloc : memref<!tpu.dma_semaphore, #tpu.memory_space<semaphore_mem>>
          %dma_start3A_156 = arith.constant 0 : i32
          %dma_start3A_157 = tpu.memref_slice %arg8[%run_scoped3A, %dma_start3A_156] : memref<1x128xi32, #tpu.memory_space<vmem>> -> memref<1x128xi32, #tpu.memory_space<vmem>>
          %dma_start3A_158 = tpu.memref_squeeze %dma_start3A_157 : memref<1x128xi32, #tpu.memory_space<vmem>> -> memref<128xi32, #tpu.memory_space<vmem>>
          %dma_start3A_159 = arith.constant 0 : i32
          %dma_start3A_160 = arith.constant 0 : i32
          %dma_start3A_161 = tpu.memref_slice %arg22[%dma_start3A_159, %dma_start3A_160] : memref<10000x128xf32, #tpu.memory_space<vmem_shared>> -> memref<10000x128xf32, #tpu.memory_space<vmem_shared>>
          tpu.enqueue_indirect_dma source(%dma_start3A_161 : memref<10000x128xf32, #tpu.memory_space<vmem_shared>>) target(%arg10 : memref<128x128xf32, #tpu.memory_space<vmem>>) offsets(%dma_start3A_158 : memref<128xi32, #tpu.memory_space<vmem>>) semaphore(%run_scoped3A_155 : memref<!tpu.dma_semaphore, #tpu.memory_space<semaphore_mem>>)
          %dma_wait3A_162 = arith.constant 0 : i32
          %dma_wait3A_163 = tpu.memref_slice %arg8[%run_scoped3A, %dma_wait3A_162] : memref<1x128xi32, #tpu.memory_space<vmem>> -> memref<1x128xi32, #tpu.memory_space<vmem>>
          %dma_wait3A_164 = tpu.memref_squeeze %dma_wait3A_163 : memref<1x128xi32, #tpu.memory_space<vmem>> -> memref<128xi32, #tpu.memory_space<vmem>>
          %dma_wait3A_165 = arith.constant 0 : i32
          %dma_wait3A_166 = arith.constant 0 : i32
          %dma_wait3A_167 = tpu.memref_slice %arg22[%dma_wait3A_165, %dma_wait3A_166] : memref<10000x128xf32, #tpu.memory_space<vmem_shared>> -> memref<10000x128xf32, #tpu.memory_space<vmem_shared>>
          tpu.wait_indirect_dma semaphore(%run_scoped3A_155 : memref<!tpu.dma_semaphore, #tpu.memory_space<semaphore_mem>>) src(%dma_wait3A_167 : memref<10000x128xf32, #tpu.memory_space<vmem_shared>>) dst(%arg10 : memref<128x128xf32, #tpu.memory_space<vmem>>)
          tpu.yield
        }) : () -> ()
        %mul3A_139 = arith.constant 128 : i32
        %mul3A_140 = arith.muli %add3A_114, %mul3A_139 : i32
        %dma_start3A_141 = arith.constant 0 : i32
        %dma_start3A_142 = tpu.memref_slice %arg6[%mul3A_140, %dma_start3A_141] : memref<320000x128xf32, #tpu.memory_space<hbm>> -> memref<128x128xf32, #tpu.memory_space<hbm>>
        %dma_start3A_143 = arith.constant 0 : i32
        %dma_start3A_144 = tpu.memref_slice %arg6[%mul3A_140, %dma_start3A_143] : memref<320000x128xf32, #tpu.memory_space<hbm>> -> memref<128x128xf32, #tpu.memory_space<hbm>>
        tpu.enqueue_dma source(%arg10 : memref<128x128xf32, #tpu.memory_space<vmem>>) target(%dma_start3A_144 : memref<128x128xf32, #tpu.memory_space<hbm>>) target_semaphore(%arg16 : memref<!tpu.dma_semaphore, #tpu.memory_space<semaphore_mem>>)
        %add3A_145 = arith.constant 2 : i32
        %add3A_146 = arith.addi %add3A_111, %add3A_145 : i32
        %mul3A_147 = arith.constant 32 : i32
        %mul3A_148 = arith.muli %add3A_146, %mul3A_147 : i32
        %add3A_149 = arith.addi %add3A, %mul3A_148 : i32
        %lt3A_150 = arith.constant 2500 : i32
        %lt3A_151 = arith.cmpi slt, %add3A_149, %lt3A_150 : i32
        %convert_element_type3A_152 = arith.extui %lt3A_151 : i1 to i32
        %cond3A_153 = arith.constant 0 : i32
        %cond3A_154 = arith.cmpi ne, %convert_element_type3A_152, %cond3A_153 : i32
        scf.if %cond3A_154 {
          %dma_start3A_155 = arith.constant 0 : i32
          %dma_start3A_156 = tpu.memref_slice %arg3[%add3A_149, %dma_start3A_155] : memref<2500x128xi32, #tpu.memory_space<hbm>> -> memref<1x128xi32, #tpu.memory_space<hbm>>
          %dma_start3A_157 = arith.constant 0 : i32
          %dma_start3A_158 = tpu.memref_slice %arg3[%add3A_149, %dma_start3A_157] : memref<2500x128xi32, #tpu.memory_space<hbm>> -> memref<1x128xi32, #tpu.memory_space<hbm>>
          tpu.enqueue_dma source(%dma_start3A_158 : memref<1x128xi32, #tpu.memory_space<hbm>>) target(%arg8 : memref<1x128xi32, #tpu.memory_space<vmem>>) target_semaphore(%arg12 : memref<!tpu.dma_semaphore, #tpu.memory_space<semaphore_mem>>)
        } else {
        }
      } else {
      }
      %mul3A_119 = arith.constant 2 : i32
      %mul3A_120 = arith.muli %add3A_107, %mul3A_119 : i32
      %add3A_121 = arith.constant 1 : i32
      %add3A_122 = arith.addi %mul3A_120, %add3A_121 : i32
      %mul3A_123 = arith.constant 32 : i32
      %mul3A_124 = arith.muli %add3A_122, %mul3A_123 : i32
      %add3A_125 = arith.addi %add3A, %mul3A_124 : i32
      %lt3A_126 = arith.constant 2500 : i32
      %lt3A_127 = arith.cmpi slt, %add3A_125, %lt3A_126 : i32
      %convert_element_type3A_128 = arith.extui %lt3A_127 : i1 to i32
      %cond3A_129 = arith.constant 0 : i32
      %cond3A_130 = arith.cmpi ne, %convert_element_type3A_128, %cond3A_129 : i32
      scf.if %cond3A_130 {
        %ge3A = arith.constant 2 : i32
        %ge3A_131 = arith.cmpi sge, %add3A_122, %ge3A : i32
        %convert_element_type3A_132 = arith.extui %ge3A_131 : i1 to i32
        %cond3A_133 = arith.constant 0 : i32
        %cond3A_134 = arith.cmpi ne, %convert_element_type3A_132, %cond3A_133 : i32
        scf.if %cond3A_134 {
          %sub3A_155 = arith.constant 2 : i32
          %sub3A_156 = arith.subi %add3A_122, %sub3A_155 : i32
          %mul3A_157 = arith.constant 32 : i32
          %mul3A_158 = arith.muli %sub3A_156, %mul3A_157 : i32
          %add3A_159 = arith.addi %add3A, %mul3A_158 : i32
          %mul3A_160 = arith.constant 128 : i32
          %mul3A_161 = arith.muli %add3A_159, %mul3A_160 : i32
          %dma_wait3A_162 = arith.constant 0 : i32
          %dma_wait3A_163 = tpu.memref_slice %arg6[%mul3A_161, %dma_wait3A_162] : memref<320000x128xf32, #tpu.memory_space<hbm>> -> memref<128x128xf32, #tpu.memory_space<hbm>>
          %dma_wait3A_164 = arith.constant 0 : i32
          %dma_wait3A_165 = tpu.memref_slice %arg6[%mul3A_161, %dma_wait3A_164] : memref<320000x128xf32, #tpu.memory_space<hbm>> -> memref<128x128xf32, #tpu.memory_space<hbm>>
          tpu.wait_dma2 semaphore(%arg17 : memref<!tpu.dma_semaphore, #tpu.memory_space<semaphore_mem>>) src(%arg11 : memref<128x128xf32, #tpu.memory_space<vmem>>) dst(%dma_wait3A_165 : memref<128x128xf32, #tpu.memory_space<hbm>>)
        } else {
        }
        %dma_wait3A_135 = arith.constant 0 : i32
        %dma_wait3A_136 = tpu.memref_slice %arg3[%add3A_125, %dma_wait3A_135] : memref<2500x128xi32, #tpu.memory_space<hbm>> -> memref<1x128xi32, #tpu.memory_space<hbm>>
        %dma_wait3A_137 = arith.constant 0 : i32
        %dma_wait3A_138 = tpu.memref_slice %arg3[%add3A_125, %dma_wait3A_137] : memref<2500x128xi32, #tpu.memory_space<hbm>> -> memref<1x128xi32, #tpu.memory_space<hbm>>
        tpu.wait_dma2 semaphore(%arg13 : memref<!tpu.dma_semaphore, #tpu.memory_space<semaphore_mem>>) src(%dma_wait3A_138 : memref<1x128xi32, #tpu.memory_space<hbm>>) dst(%arg9 : memref<1x128xi32, #tpu.memory_space<vmem>>)
        %run_scoped3A = arith.constant 0 : i32
        "tpu.region"() ({
          %run_scoped3A_155 = tpu.sem_alloc : memref<!tpu.dma_semaphore, #tpu.memory_space<semaphore_mem>>
          %dma_start3A_156 = arith.constant 0 : i32
          %dma_start3A_157 = tpu.memref_slice %arg9[%run_scoped3A, %dma_start3A_156] : memref<1x128xi32, #tpu.memory_space<vmem>> -> memref<1x128xi32, #tpu.memory_space<vmem>>
          %dma_start3A_158 = tpu.memref_squeeze %dma_start3A_157 : memref<1x128xi32, #tpu.memory_space<vmem>> -> memref<128xi32, #tpu.memory_space<vmem>>
          %dma_start3A_159 = arith.constant 0 : i32
          %dma_start3A_160 = arith.constant 0 : i32
          %dma_start3A_161 = tpu.memref_slice %arg22[%dma_start3A_159, %dma_start3A_160] : memref<10000x128xf32, #tpu.memory_space<vmem_shared>> -> memref<10000x128xf32, #tpu.memory_space<vmem_shared>>
          tpu.enqueue_indirect_dma source(%dma_start3A_161 : memref<10000x128xf32, #tpu.memory_space<vmem_shared>>) target(%arg11 : memref<128x128xf32, #tpu.memory_space<vmem>>) offsets(%dma_start3A_158 : memref<128xi32, #tpu.memory_space<vmem>>) semaphore(%run_scoped3A_155 : memref<!tpu.dma_semaphore, #tpu.memory_space<semaphore_mem>>)
          %dma_wait3A_162 = arith.constant 0 : i32
          %dma_wait3A_163 = tpu.memref_slice %arg9[%run_scoped3A, %dma_wait3A_162] : memref<1x128xi32, #tpu.memory_space<vmem>> -> memref<1x128xi32, #tpu.memory_space<vmem>>
          %dma_wait3A_164 = tpu.memref_squeeze %dma_wait3A_163 : memref<1x128xi32, #tpu.memory_space<vmem>> -> memref<128xi32, #tpu.memory_space<vmem>>
          %dma_wait3A_165 = arith.constant 0 : i32
          %dma_wait3A_166 = arith.constant 0 : i32
          %dma_wait3A_167 = tpu.memref_slice %arg22[%dma_wait3A_165, %dma_wait3A_166] : memref<10000x128xf32, #tpu.memory_space<vmem_shared>> -> memref<10000x128xf32, #tpu.memory_space<vmem_shared>>
          tpu.wait_indirect_dma semaphore(%run_scoped3A_155 : memref<!tpu.dma_semaphore, #tpu.memory_space<semaphore_mem>>) src(%dma_wait3A_167 : memref<10000x128xf32, #tpu.memory_space<vmem_shared>>) dst(%arg11 : memref<128x128xf32, #tpu.memory_space<vmem>>)
          tpu.yield
        }) : () -> ()
        %mul3A_139 = arith.constant 128 : i32
        %mul3A_140 = arith.muli %add3A_125, %mul3A_139 : i32
        %dma_start3A_141 = arith.constant 0 : i32
        %dma_start3A_142 = tpu.memref_slice %arg6[%mul3A_140, %dma_start3A_141] : memref<320000x128xf32, #tpu.memory_space<hbm>> -> memref<128x128xf32, #tpu.memory_space<hbm>>
        %dma_start3A_143 = arith.constant 0 : i32
        %dma_start3A_144 = tpu.memref_slice %arg6[%mul3A_140, %dma_start3A_143] : memref<320000x128xf32, #tpu.memory_space<hbm>> -> memref<128x128xf32, #tpu.memory_space<hbm>>
        tpu.enqueue_dma source(%arg11 : memref<128x128xf32, #tpu.memory_space<vmem>>) target(%dma_start3A_144 : memref<128x128xf32, #tpu.memory_space<hbm>>) target_semaphore(%arg17 : memref<!tpu.dma_semaphore, #tpu.memory_space<semaphore_mem>>)
        %add3A_145 = arith.constant 2 : i32
        %add3A_146 = arith.addi %add3A_122, %add3A_145 : i32
        %mul3A_147 = arith.constant 32 : i32
        %mul3A_148 = arith.muli %add3A_146, %mul3A_147 : i32
        %add3A_149 = arith.addi %add3A, %mul3A_148 : i32
        %lt3A_150 = arith.constant 2500 : i32
        %lt3A_151 = arith.cmpi slt, %add3A_149, %lt3A_150 : i32
        %convert_element_type3A_152 = arith.extui %lt3A_151 : i1 to i32
        %cond3A_153 = arith.constant 0 : i32
        %cond3A_154 = arith.cmpi ne, %convert_element_type3A_152, %cond3A_153 : i32
        scf.if %cond3A_154 {
          %dma_start3A_155 = arith.constant 0 : i32
          %dma_start3A_156 = tpu.memref_slice %arg3[%add3A_149, %dma_start3A_155] : memref<2500x128xi32, #tpu.memory_space<hbm>> -> memref<1x128xi32, #tpu.memory_space<hbm>>
          %dma_start3A_157 = arith.constant 0 : i32
          %dma_start3A_158 = tpu.memref_slice %arg3[%add3A_149, %dma_start3A_157] : memref<2500x128xi32, #tpu.memory_space<hbm>> -> memref<1x128xi32, #tpu.memory_space<hbm>>
          tpu.enqueue_dma source(%dma_start3A_158 : memref<1x128xi32, #tpu.memory_space<hbm>>) target(%arg9 : memref<1x128xi32, #tpu.memory_space<vmem>>) target_semaphore(%arg13 : memref<!tpu.dma_semaphore, #tpu.memory_space<semaphore_mem>>)
        } else {
        }
      } else {
      }
    }
    %scan3A_57 = arith.constant 40 : i32
    %sub3A = arith.constant 2499 : i32
    %sub3A_58 = arith.subi %sub3A, %add3A : i32
    %jit3A = arith.constant 32 : i32
    %div3A = arith.divsi %sub3A_58, %jit3A : i32
    %sign3A = arith.constant 0 : i32
    %sign3A_59 = arith.cmpi sgt, %sub3A_58, %sign3A : i32
    %sign3A_60 = arith.extui %sign3A_59 : i1 to i32
    %sign3A_61 = arith.constant 0 : i32
    %sign3A_62 = arith.cmpi slt, %sub3A_58, %sign3A_61 : i32
    %sign3A_63 = arith.extui %sign3A_62 : i1 to i32
    %sign3A_64 = arith.subi %sign3A_60, %sign3A_63 : i32
    %sign3A_65 = arith.constant 0 : i32
    %sign3A_66 = arith.cmpi sgt, %jit3A, %sign3A_65 : i32
    %sign3A_67 = arith.extui %sign3A_66 : i1 to i32
    %sign3A_68 = arith.constant 0 : i32
    %sign3A_69 = arith.cmpi slt, %jit3A, %sign3A_68 : i32
    %sign3A_70 = arith.extui %sign3A_69 : i1 to i32
    %sign3A_71 = arith.subi %sign3A_67, %sign3A_70 : i32
    %ne3A = arith.cmpi ne, %sign3A_64, %sign3A_71 : i32
    %rem3A = arith.remsi %sub3A_58, %jit3A : i32
    %ne3A_72 = arith.constant 0 : i32
    %ne3A_73 = arith.cmpi ne, %rem3A, %ne3A_72 : i32
    %and3A = arith.andi %ne3A, %ne3A_73 : i1
    %sub3A_74 = arith.constant 1 : i32
    %sub3A_75 = arith.subi %div3A, %sub3A_74 : i32
    %select_n3A = arith.select %and3A, %sub3A_75, %div3A : i32
    %sub3A_76 = arith.constant 0 : i32
    %sub3A_77 = arith.subi %select_n3A, %sub3A_76 : i32
    %rem3A_78 = arith.constant 2 : i32
    %rem3A_79 = arith.remsi %sub3A_77, %rem3A_78 : i32
    %sub3A_80 = arith.subi %select_n3A, %rem3A_79 : i32
    %mul3A_81 = arith.constant 32 : i32
    %mul3A_82 = arith.muli %sub3A_80, %mul3A_81 : i32
    %add3A_83 = arith.addi %add3A, %mul3A_82 : i32
    %mul3A_84 = arith.constant 128 : i32
    %mul3A_85 = arith.muli %add3A_83, %mul3A_84 : i32
    %dma_wait3A = arith.constant 0 : i32
    %dma_wait3A_86 = tpu.memref_slice %arg6[%mul3A_85, %dma_wait3A] : memref<320000x128xf32, #tpu.memory_space<hbm>> -> memref<128x128xf32, #tpu.memory_space<hbm>>
    %dma_wait3A_87 = arith.constant 0 : i32
    %dma_wait3A_88 = tpu.memref_slice %arg6[%mul3A_85, %dma_wait3A_87] : memref<320000x128xf32, #tpu.memory_space<hbm>> -> memref<128x128xf32, #tpu.memory_space<hbm>>
    tpu.wait_dma2 semaphore(%arg16 : memref<!tpu.dma_semaphore, #tpu.memory_space<semaphore_mem>>) src(%arg10 : memref<128x128xf32, #tpu.memory_space<vmem>>) dst(%dma_wait3A_88 : memref<128x128xf32, #tpu.memory_space<hbm>>)
    %sub3A_89 = arith.constant 1 : i32
    %sub3A_90 = arith.subi %select_n3A, %sub3A_89 : i32
    %rem3A_91 = arith.constant 2 : i32
    %rem3A_92 = arith.remsi %sub3A_90, %rem3A_91 : i32
    %sub3A_93 = arith.subi %select_n3A, %rem3A_92 : i32
    %mul3A_94 = arith.constant 32 : i32
    %mul3A_95 = arith.muli %sub3A_93, %mul3A_94 : i32
    %add3A_96 = arith.addi %add3A, %mul3A_95 : i32
    %mul3A_97 = arith.constant 128 : i32
    %mul3A_98 = arith.muli %add3A_96, %mul3A_97 : i32
    %dma_wait3A_99 = arith.constant 0 : i32
    %dma_wait3A_100 = tpu.memref_slice %arg6[%mul3A_98, %dma_wait3A_99] : memref<320000x128xf32, #tpu.memory_space<hbm>> -> memref<128x128xf32, #tpu.memory_space<hbm>>
    %dma_wait3A_101 = arith.constant 0 : i32
    %dma_wait3A_102 = tpu.memref_slice %arg6[%mul3A_98, %dma_wait3A_101] : memref<320000x128xf32, #tpu.memory_space<hbm>> -> memref<128x128xf32, #tpu.memory_space<hbm>>
    tpu.wait_dma2 semaphore(%arg17 : memref<!tpu.dma_semaphore, #tpu.memory_space<semaphore_mem>>) src(%arg11 : memref<128x128xf32, #tpu.memory_space<vmem>>) dst(%dma_wait3A_102 : memref<128x128xf32, #tpu.memory_space<hbm>>)
    return
  }
}

#map = affine_map<(d0, d1) -> (0, 0)>
module attributes {stable_mosaic.version = 14 : i64} {
  func.func @_sc_gather_spm(%arg0: i32, %arg1: i32, %arg2: memref<10000x128xf32, #tpu.memory_space<hbm>>, %arg3: memref<2500x128xi32, #tpu.memory_space<hbm>>, %arg4: memref<320000x128xf32, #tpu.memory_space<hbm>>, %arg5: memref<1x128xi32, #tpu.memory_space<vmem>>, %arg6: memref<1x128xi32, #tpu.memory_space<vmem>>, %arg7: memref<128x128xf32, #tpu.memory_space<vmem>>, %arg8: memref<128x128xf32, #tpu.memory_space<vmem>>, %arg9: memref<!tpu.dma_semaphore, #tpu.memory_space<semaphore_mem>>, %arg10: memref<!tpu.dma_semaphore, #tpu.memory_space<semaphore_mem>>, %arg11: memref<!tpu.dma_semaphore, #tpu.memory_space<semaphore_mem>>, %arg12: memref<!tpu.dma_semaphore, #tpu.memory_space<semaphore_mem>>, %arg13: memref<!tpu.dma_semaphore, #tpu.memory_space<semaphore_mem>>, %arg14: memref<!tpu.dma_semaphore, #tpu.memory_space<semaphore_mem>>, %arg15: memref<10000x128xf32, #tpu.memory_space<vmem_shared>>) attributes {dimension_semantics = [#tpu.dimension_semantics<core_parallel>, #tpu.dimension_semantics<subcore_parallel>], iteration_bounds = array<i64: 2, 16>, scalar_prefetch = 0 : i64, scratch_operands = 11 : i64, tpu.core_type = #tpu.core_type<sc_vector_subcore>, window_params = [{transform_indices = #map}, {transform_indices = #map}, {transform_indices = #map}]} {
    %mul3A = arith.constant 16 : i32
    %mul3A_0 = arith.muli %arg0, %mul3A : i32
    %add3A = arith.addi %mul3A_0, %arg1 : i32
    %scan3A = arith.constant 0 : i32
    %scan3A_1 = arith.constant 8 : i32
    %scan3A_2 = arith.addi %scan3A, %scan3A_1 : i32
    %scan3A_3 = arith.constant 1 : i32
    scf.for %scan3A_66 = %scan3A to %scan3A_2 step %scan3A_3  : i32 {
      %mul3A_67 = arith.constant 1 : i32
      %mul3A_68 = arith.muli %scan3A_66, %mul3A_67 : i32
      %add3A_69 = arith.constant 0 : i32
      %add3A_70 = arith.addi %add3A_69, %mul3A_68 : i32
      %mul3A_71 = arith.constant 16 : i32
      %mul3A_72 = arith.muli %add3A_70, %mul3A_71 : i32
      %add3A_73 = arith.addi %arg1, %mul3A_72 : i32
      %lt3A = arith.constant 125 : i32
      %lt3A_74 = arith.cmpi slt, %add3A_73, %lt3A : i32
      %convert_element_type3A = arith.extui %lt3A_74 : i1 to i32
      %cond3A = arith.constant 0 : i32
      %cond3A_75 = arith.cmpi ne, %convert_element_type3A, %cond3A : i32
      scf.if %cond3A_75 {
        %mul3A_76 = arith.constant 80 : i32
        %mul3A_77 = arith.muli %add3A_73, %mul3A_76 : i32
        "tpu.region"() ({
          %run_scoped3A = tpu.sem_alloc : memref<!tpu.dma_semaphore, #tpu.memory_space<semaphore_mem>>
          %dma_start3A_78 = arith.constant 0 : i32
          %dma_start3A_79 = tpu.memref_slice %arg15[%mul3A_77, %dma_start3A_78] : memref<10000x128xf32, #tpu.memory_space<vmem_shared>> -> memref<80x128xf32, #tpu.memory_space<vmem_shared>>
          %dma_start3A_80 = arith.constant 0 : i32
          %dma_start3A_81 = tpu.memref_slice %arg2[%mul3A_77, %dma_start3A_80] : memref<10000x128xf32, #tpu.memory_space<hbm>> -> memref<80x128xf32, #tpu.memory_space<hbm>>
          tpu.enqueue_dma source(%dma_start3A_81 : memref<80x128xf32, #tpu.memory_space<hbm>>) target(%dma_start3A_79 : memref<80x128xf32, #tpu.memory_space<vmem_shared>>) target_semaphore(%run_scoped3A : memref<!tpu.dma_semaphore, #tpu.memory_space<semaphore_mem>>)
          %dma_wait3A_82 = arith.constant 0 : i32
          %dma_wait3A_83 = tpu.memref_slice %arg15[%mul3A_77, %dma_wait3A_82] : memref<10000x128xf32, #tpu.memory_space<vmem_shared>> -> memref<80x128xf32, #tpu.memory_space<vmem_shared>>
          %dma_wait3A_84 = arith.constant 0 : i32
          %dma_wait3A_85 = tpu.memref_slice %arg2[%mul3A_77, %dma_wait3A_84] : memref<10000x128xf32, #tpu.memory_space<hbm>> -> memref<80x128xf32, #tpu.memory_space<hbm>>
          tpu.wait_dma2 semaphore(%run_scoped3A : memref<!tpu.dma_semaphore, #tpu.memory_space<semaphore_mem>>) src(%dma_wait3A_85 : memref<80x128xf32, #tpu.memory_space<hbm>>) dst(%dma_wait3A_83 : memref<80x128xf32, #tpu.memory_space<vmem_shared>>)
          tpu.yield
        }) : () -> ()
      } else {
      }
    }
    %scan3A_4 = arith.constant 8 : i32
    %barrier3A = arith.constant 0 : index
    tpu.barrier barrier_id(%barrier3A)
    %add3A_5 = arith.constant 0 : i32
    %add3A_6 = arith.addi %add3A, %add3A_5 : i32
    %dma_start3A = arith.constant 0 : i32
    %dma_start3A_7 = tpu.memref_slice %arg3[%add3A_6, %dma_start3A] : memref<2500x128xi32, #tpu.memory_space<hbm>> -> memref<1x128xi32, #tpu.memory_space<hbm>>
    %dma_start3A_8 = arith.constant 0 : i32
    %dma_start3A_9 = tpu.memref_slice %arg3[%add3A_6, %dma_start3A_8] : memref<2500x128xi32, #tpu.memory_space<hbm>> -> memref<1x128xi32, #tpu.memory_space<hbm>>
    tpu.enqueue_dma source(%dma_start3A_9 : memref<1x128xi32, #tpu.memory_space<hbm>>) target(%arg5 : memref<1x128xi32, #tpu.memory_space<vmem>>) target_semaphore(%arg9 : memref<!tpu.dma_semaphore, #tpu.memory_space<semaphore_mem>>)
    %add3A_10 = arith.constant 32 : i32
    %add3A_11 = arith.addi %add3A, %add3A_10 : i32
    %dma_start3A_12 = arith.constant 0 : i32
    %dma_start3A_13 = tpu.memref_slice %arg3[%add3A_11, %dma_start3A_12] : memref<2500x128xi32, #tpu.memory_space<hbm>> -> memref<1x128xi32, #tpu.memory_space<hbm>>
    %dma_start3A_14 = arith.constant 0 : i32
    %dma_start3A_15 = tpu.memref_slice %arg3[%add3A_11, %dma_start3A_14] : memref<2500x128xi32, #tpu.memory_space<hbm>> -> memref<1x128xi32, #tpu.memory_space<hbm>>
    tpu.enqueue_dma source(%dma_start3A_15 : memref<1x128xi32, #tpu.memory_space<hbm>>) target(%arg6 : memref<1x128xi32, #tpu.memory_space<vmem>>) target_semaphore(%arg10 : memref<!tpu.dma_semaphore, #tpu.memory_space<semaphore_mem>>)
    %scan3A_16 = arith.constant 0 : i32
    %scan3A_17 = arith.constant 40 : i32
    %scan3A_18 = arith.addi %scan3A_16, %scan3A_17 : i32
    %scan3A_19 = arith.constant 1 : i32
    scf.for %scan3A_66 = %scan3A_16 to %scan3A_18 step %scan3A_19  : i32 {
      %mul3A_67 = arith.constant 1 : i32
      %mul3A_68 = arith.muli %scan3A_66, %mul3A_67 : i32
      %add3A_69 = arith.constant 0 : i32
      %add3A_70 = arith.addi %add3A_69, %mul3A_68 : i32
      %mul3A_71 = arith.constant 2 : i32
      %mul3A_72 = arith.muli %add3A_70, %mul3A_71 : i32
      %add3A_73 = arith.constant 0 : i32
      %add3A_74 = arith.addi %mul3A_72, %add3A_73 : i32
      %mul3A_75 = arith.constant 32 : i32
      %mul3A_76 = arith.muli %add3A_74, %mul3A_75 : i32
      %add3A_77 = arith.addi %add3A, %mul3A_76 : i32
      %lt3A = arith.constant 2500 : i32
      %lt3A_78 = arith.cmpi slt, %add3A_77, %lt3A : i32
      %convert_element_type3A = arith.extui %lt3A_78 : i1 to i32
      %cond3A = arith.constant 0 : i32
      %cond3A_79 = arith.cmpi ne, %convert_element_type3A, %cond3A : i32
      scf.if %cond3A_79 {
        %ge3A = arith.constant 2 : i32
        %ge3A_92 = arith.cmpi sge, %add3A_74, %ge3A : i32
        %convert_element_type3A_93 = arith.extui %ge3A_92 : i1 to i32
        %cond3A_94 = arith.constant 0 : i32
        %cond3A_95 = arith.cmpi ne, %convert_element_type3A_93, %cond3A_94 : i32
        scf.if %cond3A_95 {
          %sub3A_116 = arith.constant 2 : i32
          %sub3A_117 = arith.subi %add3A_74, %sub3A_116 : i32
          %mul3A_118 = arith.constant 32 : i32
          %mul3A_119 = arith.muli %sub3A_117, %mul3A_118 : i32
          %add3A_120 = arith.addi %add3A, %mul3A_119 : i32
          %mul3A_121 = arith.constant 128 : i32
          %mul3A_122 = arith.muli %add3A_120, %mul3A_121 : i32
          %dma_wait3A_123 = arith.constant 0 : i32
          %dma_wait3A_124 = tpu.memref_slice %arg4[%mul3A_122, %dma_wait3A_123] : memref<320000x128xf32, #tpu.memory_space<hbm>> -> memref<128x128xf32, #tpu.memory_space<hbm>>
          %dma_wait3A_125 = arith.constant 0 : i32
          %dma_wait3A_126 = tpu.memref_slice %arg4[%mul3A_122, %dma_wait3A_125] : memref<320000x128xf32, #tpu.memory_space<hbm>> -> memref<128x128xf32, #tpu.memory_space<hbm>>
          tpu.wait_dma2 semaphore(%arg13 : memref<!tpu.dma_semaphore, #tpu.memory_space<semaphore_mem>>) src(%arg7 : memref<128x128xf32, #tpu.memory_space<vmem>>) dst(%dma_wait3A_126 : memref<128x128xf32, #tpu.memory_space<hbm>>)
        } else {
        }
        %dma_wait3A_96 = arith.constant 0 : i32
        %dma_wait3A_97 = tpu.memref_slice %arg3[%add3A_77, %dma_wait3A_96] : memref<2500x128xi32, #tpu.memory_space<hbm>> -> memref<1x128xi32, #tpu.memory_space<hbm>>
        %dma_wait3A_98 = arith.constant 0 : i32
        %dma_wait3A_99 = tpu.memref_slice %arg3[%add3A_77, %dma_wait3A_98] : memref<2500x128xi32, #tpu.memory_space<hbm>> -> memref<1x128xi32, #tpu.memory_space<hbm>>
        tpu.wait_dma2 semaphore(%arg9 : memref<!tpu.dma_semaphore, #tpu.memory_space<semaphore_mem>>) src(%dma_wait3A_99 : memref<1x128xi32, #tpu.memory_space<hbm>>) dst(%arg5 : memref<1x128xi32, #tpu.memory_space<vmem>>)
        %run_scoped3A = arith.constant 0 : i32
        "tpu.region"() ({
          %run_scoped3A_116 = tpu.sem_alloc : memref<!tpu.dma_semaphore, #tpu.memory_space<semaphore_mem>>
          %dma_start3A_117 = arith.constant 0 : i32
          %dma_start3A_118 = tpu.memref_slice %arg5[%run_scoped3A, %dma_start3A_117] : memref<1x128xi32, #tpu.memory_space<vmem>> -> memref<1x128xi32, #tpu.memory_space<vmem>>
          %dma_start3A_119 = tpu.memref_squeeze %dma_start3A_118 : memref<1x128xi32, #tpu.memory_space<vmem>> -> memref<128xi32, #tpu.memory_space<vmem>>
          %dma_start3A_120 = arith.constant 0 : i32
          %dma_start3A_121 = arith.constant 0 : i32
          %dma_start3A_122 = tpu.memref_slice %arg15[%dma_start3A_120, %dma_start3A_121] : memref<10000x128xf32, #tpu.memory_space<vmem_shared>> -> memref<10000x128xf32, #tpu.memory_space<vmem_shared>>
          tpu.enqueue_indirect_dma source(%dma_start3A_122 : memref<10000x128xf32, #tpu.memory_space<vmem_shared>>) target(%arg7 : memref<128x128xf32, #tpu.memory_space<vmem>>) offsets(%dma_start3A_119 : memref<128xi32, #tpu.memory_space<vmem>>) semaphore(%run_scoped3A_116 : memref<!tpu.dma_semaphore, #tpu.memory_space<semaphore_mem>>)
          %dma_wait3A_123 = arith.constant 0 : i32
          %dma_wait3A_124 = tpu.memref_slice %arg5[%run_scoped3A, %dma_wait3A_123] : memref<1x128xi32, #tpu.memory_space<vmem>> -> memref<1x128xi32, #tpu.memory_space<vmem>>
          %dma_wait3A_125 = tpu.memref_squeeze %dma_wait3A_124 : memref<1x128xi32, #tpu.memory_space<vmem>> -> memref<128xi32, #tpu.memory_space<vmem>>
          %dma_wait3A_126 = arith.constant 0 : i32
          %dma_wait3A_127 = arith.constant 0 : i32
          %dma_wait3A_128 = tpu.memref_slice %arg15[%dma_wait3A_126, %dma_wait3A_127] : memref<10000x128xf32, #tpu.memory_space<vmem_shared>> -> memref<10000x128xf32, #tpu.memory_space<vmem_shared>>
          tpu.wait_indirect_dma semaphore(%run_scoped3A_116 : memref<!tpu.dma_semaphore, #tpu.memory_space<semaphore_mem>>) src(%dma_wait3A_128 : memref<10000x128xf32, #tpu.memory_space<vmem_shared>>) dst(%arg7 : memref<128x128xf32, #tpu.memory_space<vmem>>)
          tpu.yield
        }) : () -> ()
        %mul3A_100 = arith.constant 128 : i32
        %mul3A_101 = arith.muli %add3A_77, %mul3A_100 : i32
        %dma_start3A_102 = arith.constant 0 : i32
        %dma_start3A_103 = tpu.memref_slice %arg4[%mul3A_101, %dma_start3A_102] : memref<320000x128xf32, #tpu.memory_space<hbm>> -> memref<128x128xf32, #tpu.memory_space<hbm>>
        %dma_start3A_104 = arith.constant 0 : i32
        %dma_start3A_105 = tpu.memref_slice %arg4[%mul3A_101, %dma_start3A_104] : memref<320000x128xf32, #tpu.memory_space<hbm>> -> memref<128x128xf32, #tpu.memory_space<hbm>>
        tpu.enqueue_dma source(%arg7 : memref<128x128xf32, #tpu.memory_space<vmem>>) target(%dma_start3A_105 : memref<128x128xf32, #tpu.memory_space<hbm>>) target_semaphore(%arg13 : memref<!tpu.dma_semaphore, #tpu.memory_space<semaphore_mem>>)
        %add3A_106 = arith.constant 2 : i32
        %add3A_107 = arith.addi %add3A_74, %add3A_106 : i32
        %mul3A_108 = arith.constant 32 : i32
        %mul3A_109 = arith.muli %add3A_107, %mul3A_108 : i32
        %add3A_110 = arith.addi %add3A, %mul3A_109 : i32
        %lt3A_111 = arith.constant 2500 : i32
        %lt3A_112 = arith.cmpi slt, %add3A_110, %lt3A_111 : i32
        %convert_element_type3A_113 = arith.extui %lt3A_112 : i1 to i32
        %cond3A_114 = arith.constant 0 : i32
        %cond3A_115 = arith.cmpi ne, %convert_element_type3A_113, %cond3A_114 : i32
        scf.if %cond3A_115 {
          %dma_start3A_116 = arith.constant 0 : i32
          %dma_start3A_117 = tpu.memref_slice %arg3[%add3A_110, %dma_start3A_116] : memref<2500x128xi32, #tpu.memory_space<hbm>> -> memref<1x128xi32, #tpu.memory_space<hbm>>
          %dma_start3A_118 = arith.constant 0 : i32
          %dma_start3A_119 = tpu.memref_slice %arg3[%add3A_110, %dma_start3A_118] : memref<2500x128xi32, #tpu.memory_space<hbm>> -> memref<1x128xi32, #tpu.memory_space<hbm>>
          tpu.enqueue_dma source(%dma_start3A_119 : memref<1x128xi32, #tpu.memory_space<hbm>>) target(%arg5 : memref<1x128xi32, #tpu.memory_space<vmem>>) target_semaphore(%arg9 : memref<!tpu.dma_semaphore, #tpu.memory_space<semaphore_mem>>)
        } else {
        }
      } else {
      }
      %mul3A_80 = arith.constant 2 : i32
      %mul3A_81 = arith.muli %add3A_70, %mul3A_80 : i32
      %add3A_82 = arith.constant 1 : i32
      %add3A_83 = arith.addi %mul3A_81, %add3A_82 : i32
      %mul3A_84 = arith.constant 32 : i32
      %mul3A_85 = arith.muli %add3A_83, %mul3A_84 : i32
      %add3A_86 = arith.addi %add3A, %mul3A_85 : i32
      %lt3A_87 = arith.constant 2500 : i32
      %lt3A_88 = arith.cmpi slt, %add3A_86, %lt3A_87 : i32
      %convert_element_type3A_89 = arith.extui %lt3A_88 : i1 to i32
      %cond3A_90 = arith.constant 0 : i32
      %cond3A_91 = arith.cmpi ne, %convert_element_type3A_89, %cond3A_90 : i32
      scf.if %cond3A_91 {
        %ge3A = arith.constant 2 : i32
        %ge3A_92 = arith.cmpi sge, %add3A_83, %ge3A : i32
        %convert_element_type3A_93 = arith.extui %ge3A_92 : i1 to i32
        %cond3A_94 = arith.constant 0 : i32
        %cond3A_95 = arith.cmpi ne, %convert_element_type3A_93, %cond3A_94 : i32
        scf.if %cond3A_95 {
          %sub3A_116 = arith.constant 2 : i32
          %sub3A_117 = arith.subi %add3A_83, %sub3A_116 : i32
          %mul3A_118 = arith.constant 32 : i32
          %mul3A_119 = arith.muli %sub3A_117, %mul3A_118 : i32
          %add3A_120 = arith.addi %add3A, %mul3A_119 : i32
          %mul3A_121 = arith.constant 128 : i32
          %mul3A_122 = arith.muli %add3A_120, %mul3A_121 : i32
          %dma_wait3A_123 = arith.constant 0 : i32
          %dma_wait3A_124 = tpu.memref_slice %arg4[%mul3A_122, %dma_wait3A_123] : memref<320000x128xf32, #tpu.memory_space<hbm>> -> memref<128x128xf32, #tpu.memory_space<hbm>>
          %dma_wait3A_125 = arith.constant 0 : i32
          %dma_wait3A_126 = tpu.memref_slice %arg4[%mul3A_122, %dma_wait3A_125] : memref<320000x128xf32, #tpu.memory_space<hbm>> -> memref<128x128xf32, #tpu.memory_space<hbm>>
          tpu.wait_dma2 semaphore(%arg14 : memref<!tpu.dma_semaphore, #tpu.memory_space<semaphore_mem>>) src(%arg8 : memref<128x128xf32, #tpu.memory_space<vmem>>) dst(%dma_wait3A_126 : memref<128x128xf32, #tpu.memory_space<hbm>>)
        } else {
        }
        %dma_wait3A_96 = arith.constant 0 : i32
        %dma_wait3A_97 = tpu.memref_slice %arg3[%add3A_86, %dma_wait3A_96] : memref<2500x128xi32, #tpu.memory_space<hbm>> -> memref<1x128xi32, #tpu.memory_space<hbm>>
        %dma_wait3A_98 = arith.constant 0 : i32
        %dma_wait3A_99 = tpu.memref_slice %arg3[%add3A_86, %dma_wait3A_98] : memref<2500x128xi32, #tpu.memory_space<hbm>> -> memref<1x128xi32, #tpu.memory_space<hbm>>
        tpu.wait_dma2 semaphore(%arg10 : memref<!tpu.dma_semaphore, #tpu.memory_space<semaphore_mem>>) src(%dma_wait3A_99 : memref<1x128xi32, #tpu.memory_space<hbm>>) dst(%arg6 : memref<1x128xi32, #tpu.memory_space<vmem>>)
        %run_scoped3A = arith.constant 0 : i32
        "tpu.region"() ({
          %run_scoped3A_116 = tpu.sem_alloc : memref<!tpu.dma_semaphore, #tpu.memory_space<semaphore_mem>>
          %dma_start3A_117 = arith.constant 0 : i32
          %dma_start3A_118 = tpu.memref_slice %arg6[%run_scoped3A, %dma_start3A_117] : memref<1x128xi32, #tpu.memory_space<vmem>> -> memref<1x128xi32, #tpu.memory_space<vmem>>
          %dma_start3A_119 = tpu.memref_squeeze %dma_start3A_118 : memref<1x128xi32, #tpu.memory_space<vmem>> -> memref<128xi32, #tpu.memory_space<vmem>>
          %dma_start3A_120 = arith.constant 0 : i32
          %dma_start3A_121 = arith.constant 0 : i32
          %dma_start3A_122 = tpu.memref_slice %arg15[%dma_start3A_120, %dma_start3A_121] : memref<10000x128xf32, #tpu.memory_space<vmem_shared>> -> memref<10000x128xf32, #tpu.memory_space<vmem_shared>>
          tpu.enqueue_indirect_dma source(%dma_start3A_122 : memref<10000x128xf32, #tpu.memory_space<vmem_shared>>) target(%arg8 : memref<128x128xf32, #tpu.memory_space<vmem>>) offsets(%dma_start3A_119 : memref<128xi32, #tpu.memory_space<vmem>>) semaphore(%run_scoped3A_116 : memref<!tpu.dma_semaphore, #tpu.memory_space<semaphore_mem>>)
          %dma_wait3A_123 = arith.constant 0 : i32
          %dma_wait3A_124 = tpu.memref_slice %arg6[%run_scoped3A, %dma_wait3A_123] : memref<1x128xi32, #tpu.memory_space<vmem>> -> memref<1x128xi32, #tpu.memory_space<vmem>>
          %dma_wait3A_125 = tpu.memref_squeeze %dma_wait3A_124 : memref<1x128xi32, #tpu.memory_space<vmem>> -> memref<128xi32, #tpu.memory_space<vmem>>
          %dma_wait3A_126 = arith.constant 0 : i32
          %dma_wait3A_127 = arith.constant 0 : i32
          %dma_wait3A_128 = tpu.memref_slice %arg15[%dma_wait3A_126, %dma_wait3A_127] : memref<10000x128xf32, #tpu.memory_space<vmem_shared>> -> memref<10000x128xf32, #tpu.memory_space<vmem_shared>>
          tpu.wait_indirect_dma semaphore(%run_scoped3A_116 : memref<!tpu.dma_semaphore, #tpu.memory_space<semaphore_mem>>) src(%dma_wait3A_128 : memref<10000x128xf32, #tpu.memory_space<vmem_shared>>) dst(%arg8 : memref<128x128xf32, #tpu.memory_space<vmem>>)
          tpu.yield
        }) : () -> ()
        %mul3A_100 = arith.constant 128 : i32
        %mul3A_101 = arith.muli %add3A_86, %mul3A_100 : i32
        %dma_start3A_102 = arith.constant 0 : i32
        %dma_start3A_103 = tpu.memref_slice %arg4[%mul3A_101, %dma_start3A_102] : memref<320000x128xf32, #tpu.memory_space<hbm>> -> memref<128x128xf32, #tpu.memory_space<hbm>>
        %dma_start3A_104 = arith.constant 0 : i32
        %dma_start3A_105 = tpu.memref_slice %arg4[%mul3A_101, %dma_start3A_104] : memref<320000x128xf32, #tpu.memory_space<hbm>> -> memref<128x128xf32, #tpu.memory_space<hbm>>
        tpu.enqueue_dma source(%arg8 : memref<128x128xf32, #tpu.memory_space<vmem>>) target(%dma_start3A_105 : memref<128x128xf32, #tpu.memory_space<hbm>>) target_semaphore(%arg14 : memref<!tpu.dma_semaphore, #tpu.memory_space<semaphore_mem>>)
        %add3A_106 = arith.constant 2 : i32
        %add3A_107 = arith.addi %add3A_83, %add3A_106 : i32
        %mul3A_108 = arith.constant 32 : i32
        %mul3A_109 = arith.muli %add3A_107, %mul3A_108 : i32
        %add3A_110 = arith.addi %add3A, %mul3A_109 : i32
        %lt3A_111 = arith.constant 2500 : i32
        %lt3A_112 = arith.cmpi slt, %add3A_110, %lt3A_111 : i32
        %convert_element_type3A_113 = arith.extui %lt3A_112 : i1 to i32
        %cond3A_114 = arith.constant 0 : i32
        %cond3A_115 = arith.cmpi ne, %convert_element_type3A_113, %cond3A_114 : i32
        scf.if %cond3A_115 {
          %dma_start3A_116 = arith.constant 0 : i32
          %dma_start3A_117 = tpu.memref_slice %arg3[%add3A_110, %dma_start3A_116] : memref<2500x128xi32, #tpu.memory_space<hbm>> -> memref<1x128xi32, #tpu.memory_space<hbm>>
          %dma_start3A_118 = arith.constant 0 : i32
          %dma_start3A_119 = tpu.memref_slice %arg3[%add3A_110, %dma_start3A_118] : memref<2500x128xi32, #tpu.memory_space<hbm>> -> memref<1x128xi32, #tpu.memory_space<hbm>>
          tpu.enqueue_dma source(%dma_start3A_119 : memref<1x128xi32, #tpu.memory_space<hbm>>) target(%arg6 : memref<1x128xi32, #tpu.memory_space<vmem>>) target_semaphore(%arg10 : memref<!tpu.dma_semaphore, #tpu.memory_space<semaphore_mem>>)
        } else {
        }
      } else {
      }
    }
    %scan3A_20 = arith.constant 40 : i32
    %sub3A = arith.constant 2499 : i32
    %sub3A_21 = arith.subi %sub3A, %add3A : i32
    %jit3A = arith.constant 32 : i32
    %div3A = arith.divsi %sub3A_21, %jit3A : i32
    %sign3A = arith.constant 0 : i32
    %sign3A_22 = arith.cmpi sgt, %sub3A_21, %sign3A : i32
    %sign3A_23 = arith.extui %sign3A_22 : i1 to i32
    %sign3A_24 = arith.constant 0 : i32
    %sign3A_25 = arith.cmpi slt, %sub3A_21, %sign3A_24 : i32
    %sign3A_26 = arith.extui %sign3A_25 : i1 to i32
    %sign3A_27 = arith.subi %sign3A_23, %sign3A_26 : i32
    %sign3A_28 = arith.constant 0 : i32
    %sign3A_29 = arith.cmpi sgt, %jit3A, %sign3A_28 : i32
    %sign3A_30 = arith.extui %sign3A_29 : i1 to i32
    %sign3A_31 = arith.constant 0 : i32
    %sign3A_32 = arith.cmpi slt, %jit3A, %sign3A_31 : i32
    %sign3A_33 = arith.extui %sign3A_32 : i1 to i32
    %sign3A_34 = arith.subi %sign3A_30, %sign3A_33 : i32
    %ne3A = arith.cmpi ne, %sign3A_27, %sign3A_34 : i32
    %rem3A = arith.remsi %sub3A_21, %jit3A : i32
    %ne3A_35 = arith.constant 0 : i32
    %ne3A_36 = arith.cmpi ne, %rem3A, %ne3A_35 : i32
    %and3A = arith.andi %ne3A, %ne3A_36 : i1
    %sub3A_37 = arith.constant 1 : i32
    %sub3A_38 = arith.subi %div3A, %sub3A_37 : i32
    %select_n3A = arith.select %and3A, %sub3A_38, %div3A : i32
    %sub3A_39 = arith.constant 0 : i32
    %sub3A_40 = arith.subi %select_n3A, %sub3A_39 : i32
    %rem3A_41 = arith.constant 2 : i32
    %rem3A_42 = arith.remsi %sub3A_40, %rem3A_41 : i32
    %sub3A_43 = arith.subi %select_n3A, %rem3A_42 : i32
    %mul3A_44 = arith.constant 32 : i32
    %mul3A_45 = arith.muli %sub3A_43, %mul3A_44 : i32
    %add3A_46 = arith.addi %add3A, %mul3A_45 : i32
    %mul3A_47 = arith.constant 128 : i32
    %mul3A_48 = arith.muli %add3A_46, %mul3A_47 : i32
    %dma_wait3A = arith.constant 0 : i32
    %dma_wait3A_49 = tpu.memref_slice %arg4[%mul3A_48, %dma_wait3A] : memref<320000x128xf32, #tpu.memory_space<hbm>> -> memref<128x128xf32, #tpu.memory_space<hbm>>
    %dma_wait3A_50 = arith.constant 0 : i32
    %dma_wait3A_51 = tpu.memref_slice %arg4[%mul3A_48, %dma_wait3A_50] : memref<320000x128xf32, #tpu.memory_space<hbm>> -> memref<128x128xf32, #tpu.memory_space<hbm>>
    tpu.wait_dma2 semaphore(%arg13 : memref<!tpu.dma_semaphore, #tpu.memory_space<semaphore_mem>>) src(%arg7 : memref<128x128xf32, #tpu.memory_space<vmem>>) dst(%dma_wait3A_51 : memref<128x128xf32, #tpu.memory_space<hbm>>)
    %sub3A_52 = arith.constant 1 : i32
    %sub3A_53 = arith.subi %select_n3A, %sub3A_52 : i32
    %rem3A_54 = arith.constant 2 : i32
    %rem3A_55 = arith.remsi %sub3A_53, %rem3A_54 : i32
    %sub3A_56 = arith.subi %select_n3A, %rem3A_55 : i32
    %mul3A_57 = arith.constant 32 : i32
    %mul3A_58 = arith.muli %sub3A_56, %mul3A_57 : i32
    %add3A_59 = arith.addi %add3A, %mul3A_58 : i32
    %mul3A_60 = arith.constant 128 : i32
    %mul3A_61 = arith.muli %add3A_59, %mul3A_60 : i32
    %dma_wait3A_62 = arith.constant 0 : i32
    %dma_wait3A_63 = tpu.memref_slice %arg4[%mul3A_61, %dma_wait3A_62] : memref<320000x128xf32, #tpu.memory_space<hbm>> -> memref<128x128xf32, #tpu.memory_space<hbm>>
    %dma_wait3A_64 = arith.constant 0 : i32
    %dma_wait3A_65 = tpu.memref_slice %arg4[%mul3A_61, %dma_wait3A_64] : memref<320000x128xf32, #tpu.memory_space<hbm>> -> memref<128x128xf32, #tpu.memory_space<hbm>>
    tpu.wait_dma2 semaphore(%arg14 : memref<!tpu.dma_semaphore, #tpu.memory_space<semaphore_mem>>) src(%arg8 : memref<128x128xf32, #tpu.memory_space<vmem>>) dst(%dma_wait3A_65 : memref<128x128xf32, #tpu.memory_space<hbm>>)
    return
  }
}

#map = affine_map<(d0, d1) -> (0, 0)>
module attributes {stable_mosaic.version = 14 : i64} {
  func.func @_sc_round(%arg0: i32, %arg1: i32, %arg2: memref<320000x128xf32, #tpu.memory_space<hbm>>, %arg3: memref<2500x128xi32, #tpu.memory_space<hbm>>, %arg4: memref<10000x128xf32, #tpu.memory_space<hbm>>, %arg5: memref<320000x128xf32, #tpu.memory_space<hbm>>, %arg6: memref<1x128xi32, #tpu.memory_space<vmem>>, %arg7: memref<1x128xi32, #tpu.memory_space<vmem>>, %arg8: memref<128x128xf32, #tpu.memory_space<vmem>>, %arg9: memref<128x128xf32, #tpu.memory_space<vmem>>, %arg10: memref<!tpu.dma_semaphore, #tpu.memory_space<semaphore_mem>>, %arg11: memref<!tpu.dma_semaphore, #tpu.memory_space<semaphore_mem>>, %arg12: memref<!tpu.dma_semaphore, #tpu.memory_space<semaphore_mem>>, %arg13: memref<!tpu.dma_semaphore, #tpu.memory_space<semaphore_mem>>, %arg14: memref<!tpu.dma_semaphore, #tpu.memory_space<semaphore_mem>>, %arg15: memref<!tpu.dma_semaphore, #tpu.memory_space<semaphore_mem>>, %arg16: memref<10000x128xf32, #tpu.memory_space<vmem_shared>>) attributes {dimension_semantics = [#tpu.dimension_semantics<core_parallel>, #tpu.dimension_semantics<subcore_parallel>], iteration_bounds = array<i64: 2, 16>, scalar_prefetch = 0 : i64, scratch_operands = 11 : i64, tpu.core_type = #tpu.core_type<sc_vector_subcore>, window_params = [{transform_indices = #map}, {transform_indices = #map}, {transform_indices = #map}, {transform_indices = #map}]} {
    %mul3A = arith.constant 16 : i32
    %mul3A_0 = arith.muli %arg0, %mul3A : i32
    %add3A = arith.addi %mul3A_0, %arg1 : i32
    %add3A_1 = arith.constant 0 : i32
    %add3A_2 = arith.addi %arg1, %add3A_1 : i32
    %dma_start3A = arith.constant 0 : i32
    %dma_start3A_3 = tpu.memref_slice %arg3[%add3A_2, %dma_start3A] : memref<2500x128xi32, #tpu.memory_space<hbm>> -> memref<1x128xi32, #tpu.memory_space<hbm>>
    %dma_start3A_4 = arith.constant 0 : i32
    %dma_start3A_5 = tpu.memref_slice %arg3[%add3A_2, %dma_start3A_4] : memref<2500x128xi32, #tpu.memory_space<hbm>> -> memref<1x128xi32, #tpu.memory_space<hbm>>
    tpu.enqueue_dma source(%dma_start3A_5 : memref<1x128xi32, #tpu.memory_space<hbm>>) target(%arg6 : memref<1x128xi32, #tpu.memory_space<vmem>>) target_semaphore(%arg10 : memref<!tpu.dma_semaphore, #tpu.memory_space<semaphore_mem>>)
    %mul3A_6 = arith.constant 128 : i32
    %mul3A_7 = arith.muli %add3A_2, %mul3A_6 : i32
    %dma_start3A_8 = arith.constant 0 : i32
    %dma_start3A_9 = tpu.memref_slice %arg2[%mul3A_7, %dma_start3A_8] : memref<320000x128xf32, #tpu.memory_space<hbm>> -> memref<128x128xf32, #tpu.memory_space<hbm>>
    %dma_start3A_10 = arith.constant 0 : i32
    %dma_start3A_11 = tpu.memref_slice %arg2[%mul3A_7, %dma_start3A_10] : memref<320000x128xf32, #tpu.memory_space<hbm>> -> memref<128x128xf32, #tpu.memory_space<hbm>>
    tpu.enqueue_dma source(%dma_start3A_11 : memref<128x128xf32, #tpu.memory_space<hbm>>) target(%arg8 : memref<128x128xf32, #tpu.memory_space<vmem>>) target_semaphore(%arg12 : memref<!tpu.dma_semaphore, #tpu.memory_space<semaphore_mem>>)
    %add3A_12 = arith.constant 16 : i32
    %add3A_13 = arith.addi %arg1, %add3A_12 : i32
    %dma_start3A_14 = arith.constant 0 : i32
    %dma_start3A_15 = tpu.memref_slice %arg3[%add3A_13, %dma_start3A_14] : memref<2500x128xi32, #tpu.memory_space<hbm>> -> memref<1x128xi32, #tpu.memory_space<hbm>>
    %dma_start3A_16 = arith.constant 0 : i32
    %dma_start3A_17 = tpu.memref_slice %arg3[%add3A_13, %dma_start3A_16] : memref<2500x128xi32, #tpu.memory_space<hbm>> -> memref<1x128xi32, #tpu.memory_space<hbm>>
    tpu.enqueue_dma source(%dma_start3A_17 : memref<1x128xi32, #tpu.memory_space<hbm>>) target(%arg7 : memref<1x128xi32, #tpu.memory_space<vmem>>) target_semaphore(%arg11 : memref<!tpu.dma_semaphore, #tpu.memory_space<semaphore_mem>>)
    %mul3A_18 = arith.constant 128 : i32
    %mul3A_19 = arith.muli %add3A_13, %mul3A_18 : i32
    %dma_start3A_20 = arith.constant 0 : i32
    %dma_start3A_21 = tpu.memref_slice %arg2[%mul3A_19, %dma_start3A_20] : memref<320000x128xf32, #tpu.memory_space<hbm>> -> memref<128x128xf32, #tpu.memory_space<hbm>>
    %dma_start3A_22 = arith.constant 0 : i32
    %dma_start3A_23 = tpu.memref_slice %arg2[%mul3A_19, %dma_start3A_22] : memref<320000x128xf32, #tpu.memory_space<hbm>> -> memref<128x128xf32, #tpu.memory_space<hbm>>
    tpu.enqueue_dma source(%dma_start3A_23 : memref<128x128xf32, #tpu.memory_space<hbm>>) target(%arg9 : memref<128x128xf32, #tpu.memory_space<vmem>>) target_semaphore(%arg13 : memref<!tpu.dma_semaphore, #tpu.memory_space<semaphore_mem>>)
    %scan3A = arith.constant 0 : i32
    %scan3A_24 = arith.constant 8 : i32
    %scan3A_25 = arith.addi %scan3A, %scan3A_24 : i32
    %scan3A_26 = arith.constant 1 : i32
    scf.for %scan3A_96 = %scan3A to %scan3A_25 step %scan3A_26  : i32 {
      %mul3A_97 = arith.constant 1 : i32
      %mul3A_98 = arith.muli %scan3A_96, %mul3A_97 : i32
      %add3A_99 = arith.constant 0 : i32
      %add3A_100 = arith.addi %add3A_99, %mul3A_98 : i32
      %mul3A_101 = arith.constant 16 : i32
      %mul3A_102 = arith.muli %add3A_100, %mul3A_101 : i32
      %add3A_103 = arith.addi %arg1, %mul3A_102 : i32
      %lt3A = arith.constant 125 : i32
      %lt3A_104 = arith.cmpi slt, %add3A_103, %lt3A : i32
      %convert_element_type3A = arith.extui %lt3A_104 : i1 to i32
      %cond3A = arith.constant 0 : i32
      %cond3A_105 = arith.cmpi ne, %convert_element_type3A, %cond3A : i32
      scf.if %cond3A_105 {
        %mul3A_106 = arith.constant 80 : i32
        %mul3A_107 = arith.muli %add3A_103, %mul3A_106 : i32
        "tpu.region"() ({
          %run_scoped3A = tpu.sem_alloc : memref<!tpu.dma_semaphore, #tpu.memory_space<semaphore_mem>>
          %dma_start3A_108 = arith.constant 0 : i32
          %dma_start3A_109 = tpu.memref_slice %arg16[%mul3A_107, %dma_start3A_108] : memref<10000x128xf32, #tpu.memory_space<vmem_shared>> -> memref<80x128xf32, #tpu.memory_space<vmem_shared>>
          %dma_start3A_110 = arith.constant 0 : i32
          %dma_start3A_111 = tpu.memref_slice %arg4[%mul3A_107, %dma_start3A_110] : memref<10000x128xf32, #tpu.memory_space<hbm>> -> memref<80x128xf32, #tpu.memory_space<hbm>>
          tpu.enqueue_dma source(%dma_start3A_111 : memref<80x128xf32, #tpu.memory_space<hbm>>) target(%dma_start3A_109 : memref<80x128xf32, #tpu.memory_space<vmem_shared>>) target_semaphore(%run_scoped3A : memref<!tpu.dma_semaphore, #tpu.memory_space<semaphore_mem>>)
          %dma_wait3A_112 = arith.constant 0 : i32
          %dma_wait3A_113 = tpu.memref_slice %arg16[%mul3A_107, %dma_wait3A_112] : memref<10000x128xf32, #tpu.memory_space<vmem_shared>> -> memref<80x128xf32, #tpu.memory_space<vmem_shared>>
          %dma_wait3A_114 = arith.constant 0 : i32
          %dma_wait3A_115 = tpu.memref_slice %arg4[%mul3A_107, %dma_wait3A_114] : memref<10000x128xf32, #tpu.memory_space<hbm>> -> memref<80x128xf32, #tpu.memory_space<hbm>>
          tpu.wait_dma2 semaphore(%run_scoped3A : memref<!tpu.dma_semaphore, #tpu.memory_space<semaphore_mem>>) src(%dma_wait3A_115 : memref<80x128xf32, #tpu.memory_space<hbm>>) dst(%dma_wait3A_113 : memref<80x128xf32, #tpu.memory_space<vmem_shared>>)
          tpu.yield
        }) : () -> ()
      } else {
      }
    }
    %scan3A_27 = arith.constant 8 : i32
    %barrier3A = arith.constant 0 : index
    tpu.barrier barrier_id(%barrier3A)
    %scan3A_28 = arith.constant 0 : i32
    %scan3A_29 = arith.constant 79 : i32
    %scan3A_30 = arith.addi %scan3A_28, %scan3A_29 : i32
    %scan3A_31 = arith.constant 1 : i32
    scf.for %scan3A_96 = %scan3A_28 to %scan3A_30 step %scan3A_31  : i32 {
      %mul3A_97 = arith.constant 1 : i32
      %mul3A_98 = arith.muli %scan3A_96, %mul3A_97 : i32
      %add3A_99 = arith.constant 0 : i32
      %add3A_100 = arith.addi %add3A_99, %mul3A_98 : i32
      %mul3A_101 = arith.constant 2 : i32
      %mul3A_102 = arith.muli %add3A_100, %mul3A_101 : i32
      %add3A_103 = arith.constant 0 : i32
      %add3A_104 = arith.addi %mul3A_102, %add3A_103 : i32
      %mul3A_105 = arith.constant 16 : i32
      %mul3A_106 = arith.muli %add3A_104, %mul3A_105 : i32
      %add3A_107 = arith.addi %arg1, %mul3A_106 : i32
      %lt3A = arith.constant 2500 : i32
      %lt3A_108 = arith.cmpi slt, %add3A_107, %lt3A : i32
      %convert_element_type3A = arith.extui %lt3A_108 : i1 to i32
      %cond3A = arith.constant 0 : i32
      %cond3A_109 = arith.cmpi ne, %convert_element_type3A, %cond3A : i32
      scf.if %cond3A_109 {
        %dma_wait3A_122 = arith.constant 0 : i32
        %dma_wait3A_123 = tpu.memref_slice %arg3[%add3A_107, %dma_wait3A_122] : memref<2500x128xi32, #tpu.memory_space<hbm>> -> memref<1x128xi32, #tpu.memory_space<hbm>>
        %dma_wait3A_124 = arith.constant 0 : i32
        %dma_wait3A_125 = tpu.memref_slice %arg3[%add3A_107, %dma_wait3A_124] : memref<2500x128xi32, #tpu.memory_space<hbm>> -> memref<1x128xi32, #tpu.memory_space<hbm>>
        tpu.wait_dma2 semaphore(%arg10 : memref<!tpu.dma_semaphore, #tpu.memory_space<semaphore_mem>>) src(%dma_wait3A_125 : memref<1x128xi32, #tpu.memory_space<hbm>>) dst(%arg6 : memref<1x128xi32, #tpu.memory_space<vmem>>)
        %mul3A_126 = arith.constant 128 : i32
        %mul3A_127 = arith.muli %add3A_107, %mul3A_126 : i32
        %dma_wait3A_128 = arith.constant 0 : i32
        %dma_wait3A_129 = tpu.memref_slice %arg2[%mul3A_127, %dma_wait3A_128] : memref<320000x128xf32, #tpu.memory_space<hbm>> -> memref<128x128xf32, #tpu.memory_space<hbm>>
        %dma_wait3A_130 = arith.constant 0 : i32
        %dma_wait3A_131 = tpu.memref_slice %arg2[%mul3A_127, %dma_wait3A_130] : memref<320000x128xf32, #tpu.memory_space<hbm>> -> memref<128x128xf32, #tpu.memory_space<hbm>>
        tpu.wait_dma2 semaphore(%arg12 : memref<!tpu.dma_semaphore, #tpu.memory_space<semaphore_mem>>) src(%dma_wait3A_131 : memref<128x128xf32, #tpu.memory_space<hbm>>) dst(%arg8 : memref<128x128xf32, #tpu.memory_space<vmem>>)
        %run_scoped3A = arith.constant 0 : i32
        "tpu.region"() ({
          %run_scoped3A_142 = tpu.sem_alloc : memref<!tpu.dma_semaphore, #tpu.memory_space<semaphore_mem>>
          %dma_start3A_143 = arith.constant 0 : i32
          %dma_start3A_144 = tpu.memref_slice %arg6[%run_scoped3A, %dma_start3A_143] : memref<1x128xi32, #tpu.memory_space<vmem>> -> memref<1x128xi32, #tpu.memory_space<vmem>>
          %dma_start3A_145 = tpu.memref_squeeze %dma_start3A_144 : memref<1x128xi32, #tpu.memory_space<vmem>> -> memref<128xi32, #tpu.memory_space<vmem>>
          %dma_start3A_146 = arith.constant 0 : i32
          %dma_start3A_147 = arith.constant 0 : i32
          %dma_start3A_148 = tpu.memref_slice %arg16[%dma_start3A_146, %dma_start3A_147] : memref<10000x128xf32, #tpu.memory_space<vmem_shared>> -> memref<10000x128xf32, #tpu.memory_space<vmem_shared>>
          tpu.enqueue_indirect_dma source(%arg8 : memref<128x128xf32, #tpu.memory_space<vmem>>) target(%dma_start3A_148 : memref<10000x128xf32, #tpu.memory_space<vmem_shared>>) offsets(%dma_start3A_145 : memref<128xi32, #tpu.memory_space<vmem>>) semaphore(%run_scoped3A_142 : memref<!tpu.dma_semaphore, #tpu.memory_space<semaphore_mem>>) {add = true}
          %dma_wait3A_149 = arith.constant 0 : i32
          %dma_wait3A_150 = tpu.memref_slice %arg6[%run_scoped3A, %dma_wait3A_149] : memref<1x128xi32, #tpu.memory_space<vmem>> -> memref<1x128xi32, #tpu.memory_space<vmem>>
          %dma_wait3A_151 = tpu.memref_squeeze %dma_wait3A_150 : memref<1x128xi32, #tpu.memory_space<vmem>> -> memref<128xi32, #tpu.memory_space<vmem>>
          %dma_wait3A_152 = arith.constant 0 : i32
          %dma_wait3A_153 = arith.constant 0 : i32
          %dma_wait3A_154 = tpu.memref_slice %arg16[%dma_wait3A_152, %dma_wait3A_153] : memref<10000x128xf32, #tpu.memory_space<vmem_shared>> -> memref<10000x128xf32, #tpu.memory_space<vmem_shared>>
          tpu.wait_indirect_dma semaphore(%run_scoped3A_142 : memref<!tpu.dma_semaphore, #tpu.memory_space<semaphore_mem>>) src(%arg8 : memref<128x128xf32, #tpu.memory_space<vmem>>) dst(%dma_wait3A_154 : memref<10000x128xf32, #tpu.memory_space<vmem_shared>>)
          tpu.yield
        }) : () -> ()
        %add3A_132 = arith.constant 2 : i32
        %add3A_133 = arith.addi %add3A_104, %add3A_132 : i32
        %mul3A_134 = arith.constant 16 : i32
        %mul3A_135 = arith.muli %add3A_133, %mul3A_134 : i32
        %add3A_136 = arith.addi %arg1, %mul3A_135 : i32
        %lt3A_137 = arith.constant 2500 : i32
        %lt3A_138 = arith.cmpi slt, %add3A_136, %lt3A_137 : i32
        %convert_element_type3A_139 = arith.extui %lt3A_138 : i1 to i32
        %cond3A_140 = arith.constant 0 : i32
        %cond3A_141 = arith.cmpi ne, %convert_element_type3A_139, %cond3A_140 : i32
        scf.if %cond3A_141 {
          %dma_start3A_142 = arith.constant 0 : i32
          %dma_start3A_143 = tpu.memref_slice %arg3[%add3A_136, %dma_start3A_142] : memref<2500x128xi32, #tpu.memory_space<hbm>> -> memref<1x128xi32, #tpu.memory_space<hbm>>
          %dma_start3A_144 = arith.constant 0 : i32
          %dma_start3A_145 = tpu.memref_slice %arg3[%add3A_136, %dma_start3A_144] : memref<2500x128xi32, #tpu.memory_space<hbm>> -> memref<1x128xi32, #tpu.memory_space<hbm>>
          tpu.enqueue_dma source(%dma_start3A_145 : memref<1x128xi32, #tpu.memory_space<hbm>>) target(%arg6 : memref<1x128xi32, #tpu.memory_space<vmem>>) target_semaphore(%arg10 : memref<!tpu.dma_semaphore, #tpu.memory_space<semaphore_mem>>)
          %mul3A_146 = arith.constant 128 : i32
          %mul3A_147 = arith.muli %add3A_136, %mul3A_146 : i32
          %dma_start3A_148 = arith.constant 0 : i32
          %dma_start3A_149 = tpu.memref_slice %arg2[%mul3A_147, %dma_start3A_148] : memref<320000x128xf32, #tpu.memory_space<hbm>> -> memref<128x128xf32, #tpu.memory_space<hbm>>
          %dma_start3A_150 = arith.constant 0 : i32
          %dma_start3A_151 = tpu.memref_slice %arg2[%mul3A_147, %dma_start3A_150] : memref<320000x128xf32, #tpu.memory_space<hbm>> -> memref<128x128xf32, #tpu.memory_space<hbm>>
          tpu.enqueue_dma source(%dma_start3A_151 : memref<128x128xf32, #tpu.memory_space<hbm>>) target(%arg8 : memref<128x128xf32, #tpu.memory_space<vmem>>) target_semaphore(%arg12 : memref<!tpu.dma_semaphore, #tpu.memory_space<semaphore_mem>>)
        } else {
        }
      } else {
      }
      %mul3A_110 = arith.constant 2 : i32
      %mul3A_111 = arith.muli %add3A_100, %mul3A_110 : i32
      %add3A_112 = arith.constant 1 : i32
      %add3A_113 = arith.addi %mul3A_111, %add3A_112 : i32
      %mul3A_114 = arith.constant 16 : i32
      %mul3A_115 = arith.muli %add3A_113, %mul3A_114 : i32
      %add3A_116 = arith.addi %arg1, %mul3A_115 : i32
      %lt3A_117 = arith.constant 2500 : i32
      %lt3A_118 = arith.cmpi slt, %add3A_116, %lt3A_117 : i32
      %convert_element_type3A_119 = arith.extui %lt3A_118 : i1 to i32
      %cond3A_120 = arith.constant 0 : i32
      %cond3A_121 = arith.cmpi ne, %convert_element_type3A_119, %cond3A_120 : i32
      scf.if %cond3A_121 {
        %dma_wait3A_122 = arith.constant 0 : i32
        %dma_wait3A_123 = tpu.memref_slice %arg3[%add3A_116, %dma_wait3A_122] : memref<2500x128xi32, #tpu.memory_space<hbm>> -> memref<1x128xi32, #tpu.memory_space<hbm>>
        %dma_wait3A_124 = arith.constant 0 : i32
        %dma_wait3A_125 = tpu.memref_slice %arg3[%add3A_116, %dma_wait3A_124] : memref<2500x128xi32, #tpu.memory_space<hbm>> -> memref<1x128xi32, #tpu.memory_space<hbm>>
        tpu.wait_dma2 semaphore(%arg11 : memref<!tpu.dma_semaphore, #tpu.memory_space<semaphore_mem>>) src(%dma_wait3A_125 : memref<1x128xi32, #tpu.memory_space<hbm>>) dst(%arg7 : memref<1x128xi32, #tpu.memory_space<vmem>>)
        %mul3A_126 = arith.constant 128 : i32
        %mul3A_127 = arith.muli %add3A_116, %mul3A_126 : i32
        %dma_wait3A_128 = arith.constant 0 : i32
        %dma_wait3A_129 = tpu.memref_slice %arg2[%mul3A_127, %dma_wait3A_128] : memref<320000x128xf32, #tpu.memory_space<hbm>> -> memref<128x128xf32, #tpu.memory_space<hbm>>
        %dma_wait3A_130 = arith.constant 0 : i32
        %dma_wait3A_131 = tpu.memref_slice %arg2[%mul3A_127, %dma_wait3A_130] : memref<320000x128xf32, #tpu.memory_space<hbm>> -> memref<128x128xf32, #tpu.memory_space<hbm>>
        tpu.wait_dma2 semaphore(%arg13 : memref<!tpu.dma_semaphore, #tpu.memory_space<semaphore_mem>>) src(%dma_wait3A_131 : memref<128x128xf32, #tpu.memory_space<hbm>>) dst(%arg9 : memref<128x128xf32, #tpu.memory_space<vmem>>)
        %run_scoped3A = arith.constant 0 : i32
        "tpu.region"() ({
          %run_scoped3A_142 = tpu.sem_alloc : memref<!tpu.dma_semaphore, #tpu.memory_space<semaphore_mem>>
          %dma_start3A_143 = arith.constant 0 : i32
          %dma_start3A_144 = tpu.memref_slice %arg7[%run_scoped3A, %dma_start3A_143] : memref<1x128xi32, #tpu.memory_space<vmem>> -> memref<1x128xi32, #tpu.memory_space<vmem>>
          %dma_start3A_145 = tpu.memref_squeeze %dma_start3A_144 : memref<1x128xi32, #tpu.memory_space<vmem>> -> memref<128xi32, #tpu.memory_space<vmem>>
          %dma_start3A_146 = arith.constant 0 : i32
          %dma_start3A_147 = arith.constant 0 : i32
          %dma_start3A_148 = tpu.memref_slice %arg16[%dma_start3A_146, %dma_start3A_147] : memref<10000x128xf32, #tpu.memory_space<vmem_shared>> -> memref<10000x128xf32, #tpu.memory_space<vmem_shared>>
          tpu.enqueue_indirect_dma source(%arg9 : memref<128x128xf32, #tpu.memory_space<vmem>>) target(%dma_start3A_148 : memref<10000x128xf32, #tpu.memory_space<vmem_shared>>) offsets(%dma_start3A_145 : memref<128xi32, #tpu.memory_space<vmem>>) semaphore(%run_scoped3A_142 : memref<!tpu.dma_semaphore, #tpu.memory_space<semaphore_mem>>) {add = true}
          %dma_wait3A_149 = arith.constant 0 : i32
          %dma_wait3A_150 = tpu.memref_slice %arg7[%run_scoped3A, %dma_wait3A_149] : memref<1x128xi32, #tpu.memory_space<vmem>> -> memref<1x128xi32, #tpu.memory_space<vmem>>
          %dma_wait3A_151 = tpu.memref_squeeze %dma_wait3A_150 : memref<1x128xi32, #tpu.memory_space<vmem>> -> memref<128xi32, #tpu.memory_space<vmem>>
          %dma_wait3A_152 = arith.constant 0 : i32
          %dma_wait3A_153 = arith.constant 0 : i32
          %dma_wait3A_154 = tpu.memref_slice %arg16[%dma_wait3A_152, %dma_wait3A_153] : memref<10000x128xf32, #tpu.memory_space<vmem_shared>> -> memref<10000x128xf32, #tpu.memory_space<vmem_shared>>
          tpu.wait_indirect_dma semaphore(%run_scoped3A_142 : memref<!tpu.dma_semaphore, #tpu.memory_space<semaphore_mem>>) src(%arg9 : memref<128x128xf32, #tpu.memory_space<vmem>>) dst(%dma_wait3A_154 : memref<10000x128xf32, #tpu.memory_space<vmem_shared>>)
          tpu.yield
        }) : () -> ()
        %add3A_132 = arith.constant 2 : i32
        %add3A_133 = arith.addi %add3A_113, %add3A_132 : i32
        %mul3A_134 = arith.constant 16 : i32
        %mul3A_135 = arith.muli %add3A_133, %mul3A_134 : i32
        %add3A_136 = arith.addi %arg1, %mul3A_135 : i32
        %lt3A_137 = arith.constant 2500 : i32
        %lt3A_138 = arith.cmpi slt, %add3A_136, %lt3A_137 : i32
        %convert_element_type3A_139 = arith.extui %lt3A_138 : i1 to i32
        %cond3A_140 = arith.constant 0 : i32
        %cond3A_141 = arith.cmpi ne, %convert_element_type3A_139, %cond3A_140 : i32
        scf.if %cond3A_141 {
          %dma_start3A_142 = arith.constant 0 : i32
          %dma_start3A_143 = tpu.memref_slice %arg3[%add3A_136, %dma_start3A_142] : memref<2500x128xi32, #tpu.memory_space<hbm>> -> memref<1x128xi32, #tpu.memory_space<hbm>>
          %dma_start3A_144 = arith.constant 0 : i32
          %dma_start3A_145 = tpu.memref_slice %arg3[%add3A_136, %dma_start3A_144] : memref<2500x128xi32, #tpu.memory_space<hbm>> -> memref<1x128xi32, #tpu.memory_space<hbm>>
          tpu.enqueue_dma source(%dma_start3A_145 : memref<1x128xi32, #tpu.memory_space<hbm>>) target(%arg7 : memref<1x128xi32, #tpu.memory_space<vmem>>) target_semaphore(%arg11 : memref<!tpu.dma_semaphore, #tpu.memory_space<semaphore_mem>>)
          %mul3A_146 = arith.constant 128 : i32
          %mul3A_147 = arith.muli %add3A_136, %mul3A_146 : i32
          %dma_start3A_148 = arith.constant 0 : i32
          %dma_start3A_149 = tpu.memref_slice %arg2[%mul3A_147, %dma_start3A_148] : memref<320000x128xf32, #tpu.memory_space<hbm>> -> memref<128x128xf32, #tpu.memory_space<hbm>>
          %dma_start3A_150 = arith.constant 0 : i32
          %dma_start3A_151 = tpu.memref_slice %arg2[%mul3A_147, %dma_start3A_150] : memref<320000x128xf32, #tpu.memory_space<hbm>> -> memref<128x128xf32, #tpu.memory_space<hbm>>
          tpu.enqueue_dma source(%dma_start3A_151 : memref<128x128xf32, #tpu.memory_space<hbm>>) target(%arg9 : memref<128x128xf32, #tpu.memory_space<vmem>>) target_semaphore(%arg13 : memref<!tpu.dma_semaphore, #tpu.memory_space<semaphore_mem>>)
        } else {
        }
      } else {
      }
    }
    %scan3A_32 = arith.constant 79 : i32
    %barrier3A_33 = arith.constant 0 : index
    tpu.barrier barrier_id(%barrier3A_33)
    %add3A_34 = arith.constant 0 : i32
    %add3A_35 = arith.addi %add3A, %add3A_34 : i32
    %dma_start3A_36 = arith.constant 0 : i32
    %dma_start3A_37 = tpu.memref_slice %arg3[%add3A_35, %dma_start3A_36] : memref<2500x128xi32, #tpu.memory_space<hbm>> -> memref<1x128xi32, #tpu.memory_space<hbm>>
    %dma_start3A_38 = arith.constant 0 : i32
    %dma_start3A_39 = tpu.memref_slice %arg3[%add3A_35, %dma_start3A_38] : memref<2500x128xi32, #tpu.memory_space<hbm>> -> memref<1x128xi32, #tpu.memory_space<hbm>>
    tpu.enqueue_dma source(%dma_start3A_39 : memref<1x128xi32, #tpu.memory_space<hbm>>) target(%arg6 : memref<1x128xi32, #tpu.memory_space<vmem>>) target_semaphore(%arg10 : memref<!tpu.dma_semaphore, #tpu.memory_space<semaphore_mem>>)
    %add3A_40 = arith.constant 32 : i32
    %add3A_41 = arith.addi %add3A, %add3A_40 : i32
    %dma_start3A_42 = arith.constant 0 : i32
    %dma_start3A_43 = tpu.memref_slice %arg3[%add3A_41, %dma_start3A_42] : memref<2500x128xi32, #tpu.memory_space<hbm>> -> memref<1x128xi32, #tpu.memory_space<hbm>>
    %dma_start3A_44 = arith.constant 0 : i32
    %dma_start3A_45 = tpu.memref_slice %arg3[%add3A_41, %dma_start3A_44] : memref<2500x128xi32, #tpu.memory_space<hbm>> -> memref<1x128xi32, #tpu.memory_space<hbm>>
    tpu.enqueue_dma source(%dma_start3A_45 : memref<1x128xi32, #tpu.memory_space<hbm>>) target(%arg7 : memref<1x128xi32, #tpu.memory_space<vmem>>) target_semaphore(%arg11 : memref<!tpu.dma_semaphore, #tpu.memory_space<semaphore_mem>>)
    %scan3A_46 = arith.constant 0 : i32
    %scan3A_47 = arith.constant 40 : i32
    %scan3A_48 = arith.addi %scan3A_46, %scan3A_47 : i32
    %scan3A_49 = arith.constant 1 : i32
    scf.for %scan3A_96 = %scan3A_46 to %scan3A_48 step %scan3A_49  : i32 {
      %mul3A_97 = arith.constant 1 : i32
      %mul3A_98 = arith.muli %scan3A_96, %mul3A_97 : i32
      %add3A_99 = arith.constant 0 : i32
      %add3A_100 = arith.addi %add3A_99, %mul3A_98 : i32
      %mul3A_101 = arith.constant 2 : i32
      %mul3A_102 = arith.muli %add3A_100, %mul3A_101 : i32
      %add3A_103 = arith.constant 0 : i32
      %add3A_104 = arith.addi %mul3A_102, %add3A_103 : i32
      %mul3A_105 = arith.constant 32 : i32
      %mul3A_106 = arith.muli %add3A_104, %mul3A_105 : i32
      %add3A_107 = arith.addi %add3A, %mul3A_106 : i32
      %lt3A = arith.constant 2500 : i32
      %lt3A_108 = arith.cmpi slt, %add3A_107, %lt3A : i32
      %convert_element_type3A = arith.extui %lt3A_108 : i1 to i32
      %cond3A = arith.constant 0 : i32
      %cond3A_109 = arith.cmpi ne, %convert_element_type3A, %cond3A : i32
      scf.if %cond3A_109 {
        %ge3A = arith.constant 2 : i32
        %ge3A_122 = arith.cmpi sge, %add3A_104, %ge3A : i32
        %convert_element_type3A_123 = arith.extui %ge3A_122 : i1 to i32
        %cond3A_124 = arith.constant 0 : i32
        %cond3A_125 = arith.cmpi ne, %convert_element_type3A_123, %cond3A_124 : i32
        scf.if %cond3A_125 {
          %sub3A_146 = arith.constant 2 : i32
          %sub3A_147 = arith.subi %add3A_104, %sub3A_146 : i32
          %mul3A_148 = arith.constant 32 : i32
          %mul3A_149 = arith.muli %sub3A_147, %mul3A_148 : i32
          %add3A_150 = arith.addi %add3A, %mul3A_149 : i32
          %mul3A_151 = arith.constant 128 : i32
          %mul3A_152 = arith.muli %add3A_150, %mul3A_151 : i32
          %dma_wait3A_153 = arith.constant 0 : i32
          %dma_wait3A_154 = tpu.memref_slice %arg5[%mul3A_152, %dma_wait3A_153] : memref<320000x128xf32, #tpu.memory_space<hbm>> -> memref<128x128xf32, #tpu.memory_space<hbm>>
          %dma_wait3A_155 = arith.constant 0 : i32
          %dma_wait3A_156 = tpu.memref_slice %arg5[%mul3A_152, %dma_wait3A_155] : memref<320000x128xf32, #tpu.memory_space<hbm>> -> memref<128x128xf32, #tpu.memory_space<hbm>>
          tpu.wait_dma2 semaphore(%arg14 : memref<!tpu.dma_semaphore, #tpu.memory_space<semaphore_mem>>) src(%arg8 : memref<128x128xf32, #tpu.memory_space<vmem>>) dst(%dma_wait3A_156 : memref<128x128xf32, #tpu.memory_space<hbm>>)
        } else {
        }
        %dma_wait3A_126 = arith.constant 0 : i32
        %dma_wait3A_127 = tpu.memref_slice %arg3[%add3A_107, %dma_wait3A_126] : memref<2500x128xi32, #tpu.memory_space<hbm>> -> memref<1x128xi32, #tpu.memory_space<hbm>>
        %dma_wait3A_128 = arith.constant 0 : i32
        %dma_wait3A_129 = tpu.memref_slice %arg3[%add3A_107, %dma_wait3A_128] : memref<2500x128xi32, #tpu.memory_space<hbm>> -> memref<1x128xi32, #tpu.memory_space<hbm>>
        tpu.wait_dma2 semaphore(%arg10 : memref<!tpu.dma_semaphore, #tpu.memory_space<semaphore_mem>>) src(%dma_wait3A_129 : memref<1x128xi32, #tpu.memory_space<hbm>>) dst(%arg6 : memref<1x128xi32, #tpu.memory_space<vmem>>)
        %run_scoped3A = arith.constant 0 : i32
        "tpu.region"() ({
          %run_scoped3A_146 = tpu.sem_alloc : memref<!tpu.dma_semaphore, #tpu.memory_space<semaphore_mem>>
          %dma_start3A_147 = arith.constant 0 : i32
          %dma_start3A_148 = tpu.memref_slice %arg6[%run_scoped3A, %dma_start3A_147] : memref<1x128xi32, #tpu.memory_space<vmem>> -> memref<1x128xi32, #tpu.memory_space<vmem>>
          %dma_start3A_149 = tpu.memref_squeeze %dma_start3A_148 : memref<1x128xi32, #tpu.memory_space<vmem>> -> memref<128xi32, #tpu.memory_space<vmem>>
          %dma_start3A_150 = arith.constant 0 : i32
          %dma_start3A_151 = arith.constant 0 : i32
          %dma_start3A_152 = tpu.memref_slice %arg16[%dma_start3A_150, %dma_start3A_151] : memref<10000x128xf32, #tpu.memory_space<vmem_shared>> -> memref<10000x128xf32, #tpu.memory_space<vmem_shared>>
          tpu.enqueue_indirect_dma source(%dma_start3A_152 : memref<10000x128xf32, #tpu.memory_space<vmem_shared>>) target(%arg8 : memref<128x128xf32, #tpu.memory_space<vmem>>) offsets(%dma_start3A_149 : memref<128xi32, #tpu.memory_space<vmem>>) semaphore(%run_scoped3A_146 : memref<!tpu.dma_semaphore, #tpu.memory_space<semaphore_mem>>)
          %dma_wait3A_153 = arith.constant 0 : i32
          %dma_wait3A_154 = tpu.memref_slice %arg6[%run_scoped3A, %dma_wait3A_153] : memref<1x128xi32, #tpu.memory_space<vmem>> -> memref<1x128xi32, #tpu.memory_space<vmem>>
          %dma_wait3A_155 = tpu.memref_squeeze %dma_wait3A_154 : memref<1x128xi32, #tpu.memory_space<vmem>> -> memref<128xi32, #tpu.memory_space<vmem>>
          %dma_wait3A_156 = arith.constant 0 : i32
          %dma_wait3A_157 = arith.constant 0 : i32
          %dma_wait3A_158 = tpu.memref_slice %arg16[%dma_wait3A_156, %dma_wait3A_157] : memref<10000x128xf32, #tpu.memory_space<vmem_shared>> -> memref<10000x128xf32, #tpu.memory_space<vmem_shared>>
          tpu.wait_indirect_dma semaphore(%run_scoped3A_146 : memref<!tpu.dma_semaphore, #tpu.memory_space<semaphore_mem>>) src(%dma_wait3A_158 : memref<10000x128xf32, #tpu.memory_space<vmem_shared>>) dst(%arg8 : memref<128x128xf32, #tpu.memory_space<vmem>>)
          tpu.yield
        }) : () -> ()
        %mul3A_130 = arith.constant 128 : i32
        %mul3A_131 = arith.muli %add3A_107, %mul3A_130 : i32
        %dma_start3A_132 = arith.constant 0 : i32
        %dma_start3A_133 = tpu.memref_slice %arg5[%mul3A_131, %dma_start3A_132] : memref<320000x128xf32, #tpu.memory_space<hbm>> -> memref<128x128xf32, #tpu.memory_space<hbm>>
        %dma_start3A_134 = arith.constant 0 : i32
        %dma_start3A_135 = tpu.memref_slice %arg5[%mul3A_131, %dma_start3A_134] : memref<320000x128xf32, #tpu.memory_space<hbm>> -> memref<128x128xf32, #tpu.memory_space<hbm>>
        tpu.enqueue_dma source(%arg8 : memref<128x128xf32, #tpu.memory_space<vmem>>) target(%dma_start3A_135 : memref<128x128xf32, #tpu.memory_space<hbm>>) target_semaphore(%arg14 : memref<!tpu.dma_semaphore, #tpu.memory_space<semaphore_mem>>)
        %add3A_136 = arith.constant 2 : i32
        %add3A_137 = arith.addi %add3A_104, %add3A_136 : i32
        %mul3A_138 = arith.constant 32 : i32
        %mul3A_139 = arith.muli %add3A_137, %mul3A_138 : i32
        %add3A_140 = arith.addi %add3A, %mul3A_139 : i32
        %lt3A_141 = arith.constant 2500 : i32
        %lt3A_142 = arith.cmpi slt, %add3A_140, %lt3A_141 : i32
        %convert_element_type3A_143 = arith.extui %lt3A_142 : i1 to i32
        %cond3A_144 = arith.constant 0 : i32
        %cond3A_145 = arith.cmpi ne, %convert_element_type3A_143, %cond3A_144 : i32
        scf.if %cond3A_145 {
          %dma_start3A_146 = arith.constant 0 : i32
          %dma_start3A_147 = tpu.memref_slice %arg3[%add3A_140, %dma_start3A_146] : memref<2500x128xi32, #tpu.memory_space<hbm>> -> memref<1x128xi32, #tpu.memory_space<hbm>>
          %dma_start3A_148 = arith.constant 0 : i32
          %dma_start3A_149 = tpu.memref_slice %arg3[%add3A_140, %dma_start3A_148] : memref<2500x128xi32, #tpu.memory_space<hbm>> -> memref<1x128xi32, #tpu.memory_space<hbm>>
          tpu.enqueue_dma source(%dma_start3A_149 : memref<1x128xi32, #tpu.memory_space<hbm>>) target(%arg6 : memref<1x128xi32, #tpu.memory_space<vmem>>) target_semaphore(%arg10 : memref<!tpu.dma_semaphore, #tpu.memory_space<semaphore_mem>>)
        } else {
        }
      } else {
      }
      %mul3A_110 = arith.constant 2 : i32
      %mul3A_111 = arith.muli %add3A_100, %mul3A_110 : i32
      %add3A_112 = arith.constant 1 : i32
      %add3A_113 = arith.addi %mul3A_111, %add3A_112 : i32
      %mul3A_114 = arith.constant 32 : i32
      %mul3A_115 = arith.muli %add3A_113, %mul3A_114 : i32
      %add3A_116 = arith.addi %add3A, %mul3A_115 : i32
      %lt3A_117 = arith.constant 2500 : i32
      %lt3A_118 = arith.cmpi slt, %add3A_116, %lt3A_117 : i32
      %convert_element_type3A_119 = arith.extui %lt3A_118 : i1 to i32
      %cond3A_120 = arith.constant 0 : i32
      %cond3A_121 = arith.cmpi ne, %convert_element_type3A_119, %cond3A_120 : i32
      scf.if %cond3A_121 {
        %ge3A = arith.constant 2 : i32
        %ge3A_122 = arith.cmpi sge, %add3A_113, %ge3A : i32
        %convert_element_type3A_123 = arith.extui %ge3A_122 : i1 to i32
        %cond3A_124 = arith.constant 0 : i32
        %cond3A_125 = arith.cmpi ne, %convert_element_type3A_123, %cond3A_124 : i32
        scf.if %cond3A_125 {
          %sub3A_146 = arith.constant 2 : i32
          %sub3A_147 = arith.subi %add3A_113, %sub3A_146 : i32
          %mul3A_148 = arith.constant 32 : i32
          %mul3A_149 = arith.muli %sub3A_147, %mul3A_148 : i32
          %add3A_150 = arith.addi %add3A, %mul3A_149 : i32
          %mul3A_151 = arith.constant 128 : i32
          %mul3A_152 = arith.muli %add3A_150, %mul3A_151 : i32
          %dma_wait3A_153 = arith.constant 0 : i32
          %dma_wait3A_154 = tpu.memref_slice %arg5[%mul3A_152, %dma_wait3A_153] : memref<320000x128xf32, #tpu.memory_space<hbm>> -> memref<128x128xf32, #tpu.memory_space<hbm>>
          %dma_wait3A_155 = arith.constant 0 : i32
          %dma_wait3A_156 = tpu.memref_slice %arg5[%mul3A_152, %dma_wait3A_155] : memref<320000x128xf32, #tpu.memory_space<hbm>> -> memref<128x128xf32, #tpu.memory_space<hbm>>
          tpu.wait_dma2 semaphore(%arg15 : memref<!tpu.dma_semaphore, #tpu.memory_space<semaphore_mem>>) src(%arg9 : memref<128x128xf32, #tpu.memory_space<vmem>>) dst(%dma_wait3A_156 : memref<128x128xf32, #tpu.memory_space<hbm>>)
        } else {
        }
        %dma_wait3A_126 = arith.constant 0 : i32
        %dma_wait3A_127 = tpu.memref_slice %arg3[%add3A_116, %dma_wait3A_126] : memref<2500x128xi32, #tpu.memory_space<hbm>> -> memref<1x128xi32, #tpu.memory_space<hbm>>
        %dma_wait3A_128 = arith.constant 0 : i32
        %dma_wait3A_129 = tpu.memref_slice %arg3[%add3A_116, %dma_wait3A_128] : memref<2500x128xi32, #tpu.memory_space<hbm>> -> memref<1x128xi32, #tpu.memory_space<hbm>>
        tpu.wait_dma2 semaphore(%arg11 : memref<!tpu.dma_semaphore, #tpu.memory_space<semaphore_mem>>) src(%dma_wait3A_129 : memref<1x128xi32, #tpu.memory_space<hbm>>) dst(%arg7 : memref<1x128xi32, #tpu.memory_space<vmem>>)
        %run_scoped3A = arith.constant 0 : i32
        "tpu.region"() ({
          %run_scoped3A_146 = tpu.sem_alloc : memref<!tpu.dma_semaphore, #tpu.memory_space<semaphore_mem>>
          %dma_start3A_147 = arith.constant 0 : i32
          %dma_start3A_148 = tpu.memref_slice %arg7[%run_scoped3A, %dma_start3A_147] : memref<1x128xi32, #tpu.memory_space<vmem>> -> memref<1x128xi32, #tpu.memory_space<vmem>>
          %dma_start3A_149 = tpu.memref_squeeze %dma_start3A_148 : memref<1x128xi32, #tpu.memory_space<vmem>> -> memref<128xi32, #tpu.memory_space<vmem>>
          %dma_start3A_150 = arith.constant 0 : i32
          %dma_start3A_151 = arith.constant 0 : i32
          %dma_start3A_152 = tpu.memref_slice %arg16[%dma_start3A_150, %dma_start3A_151] : memref<10000x128xf32, #tpu.memory_space<vmem_shared>> -> memref<10000x128xf32, #tpu.memory_space<vmem_shared>>
          tpu.enqueue_indirect_dma source(%dma_start3A_152 : memref<10000x128xf32, #tpu.memory_space<vmem_shared>>) target(%arg9 : memref<128x128xf32, #tpu.memory_space<vmem>>) offsets(%dma_start3A_149 : memref<128xi32, #tpu.memory_space<vmem>>) semaphore(%run_scoped3A_146 : memref<!tpu.dma_semaphore, #tpu.memory_space<semaphore_mem>>)
          %dma_wait3A_153 = arith.constant 0 : i32
          %dma_wait3A_154 = tpu.memref_slice %arg7[%run_scoped3A, %dma_wait3A_153] : memref<1x128xi32, #tpu.memory_space<vmem>> -> memref<1x128xi32, #tpu.memory_space<vmem>>
          %dma_wait3A_155 = tpu.memref_squeeze %dma_wait3A_154 : memref<1x128xi32, #tpu.memory_space<vmem>> -> memref<128xi32, #tpu.memory_space<vmem>>
          %dma_wait3A_156 = arith.constant 0 : i32
          %dma_wait3A_157 = arith.constant 0 : i32
          %dma_wait3A_158 = tpu.memref_slice %arg16[%dma_wait3A_156, %dma_wait3A_157] : memref<10000x128xf32, #tpu.memory_space<vmem_shared>> -> memref<10000x128xf32, #tpu.memory_space<vmem_shared>>
          tpu.wait_indirect_dma semaphore(%run_scoped3A_146 : memref<!tpu.dma_semaphore, #tpu.memory_space<semaphore_mem>>) src(%dma_wait3A_158 : memref<10000x128xf32, #tpu.memory_space<vmem_shared>>) dst(%arg9 : memref<128x128xf32, #tpu.memory_space<vmem>>)
          tpu.yield
        }) : () -> ()
        %mul3A_130 = arith.constant 128 : i32
        %mul3A_131 = arith.muli %add3A_116, %mul3A_130 : i32
        %dma_start3A_132 = arith.constant 0 : i32
        %dma_start3A_133 = tpu.memref_slice %arg5[%mul3A_131, %dma_start3A_132] : memref<320000x128xf32, #tpu.memory_space<hbm>> -> memref<128x128xf32, #tpu.memory_space<hbm>>
        %dma_start3A_134 = arith.constant 0 : i32
        %dma_start3A_135 = tpu.memref_slice %arg5[%mul3A_131, %dma_start3A_134] : memref<320000x128xf32, #tpu.memory_space<hbm>> -> memref<128x128xf32, #tpu.memory_space<hbm>>
        tpu.enqueue_dma source(%arg9 : memref<128x128xf32, #tpu.memory_space<vmem>>) target(%dma_start3A_135 : memref<128x128xf32, #tpu.memory_space<hbm>>) target_semaphore(%arg15 : memref<!tpu.dma_semaphore, #tpu.memory_space<semaphore_mem>>)
        %add3A_136 = arith.constant 2 : i32
        %add3A_137 = arith.addi %add3A_113, %add3A_136 : i32
        %mul3A_138 = arith.constant 32 : i32
        %mul3A_139 = arith.muli %add3A_137, %mul3A_138 : i32
        %add3A_140 = arith.addi %add3A, %mul3A_139 : i32
        %lt3A_141 = arith.constant 2500 : i32
        %lt3A_142 = arith.cmpi slt, %add3A_140, %lt3A_141 : i32
        %convert_element_type3A_143 = arith.extui %lt3A_142 : i1 to i32
        %cond3A_144 = arith.constant 0 : i32
        %cond3A_145 = arith.cmpi ne, %convert_element_type3A_143, %cond3A_144 : i32
        scf.if %cond3A_145 {
          %dma_start3A_146 = arith.constant 0 : i32
          %dma_start3A_147 = tpu.memref_slice %arg3[%add3A_140, %dma_start3A_146] : memref<2500x128xi32, #tpu.memory_space<hbm>> -> memref<1x128xi32, #tpu.memory_space<hbm>>
          %dma_start3A_148 = arith.constant 0 : i32
          %dma_start3A_149 = tpu.memref_slice %arg3[%add3A_140, %dma_start3A_148] : memref<2500x128xi32, #tpu.memory_space<hbm>> -> memref<1x128xi32, #tpu.memory_space<hbm>>
          tpu.enqueue_dma source(%dma_start3A_149 : memref<1x128xi32, #tpu.memory_space<hbm>>) target(%arg7 : memref<1x128xi32, #tpu.memory_space<vmem>>) target_semaphore(%arg11 : memref<!tpu.dma_semaphore, #tpu.memory_space<semaphore_mem>>)
        } else {
        }
      } else {
      }
    }
    %scan3A_50 = arith.constant 40 : i32
    %sub3A = arith.constant 2499 : i32
    %sub3A_51 = arith.subi %sub3A, %add3A : i32
    %jit3A = arith.constant 32 : i32
    %div3A = arith.divsi %sub3A_51, %jit3A : i32
    %sign3A = arith.constant 0 : i32
    %sign3A_52 = arith.cmpi sgt, %sub3A_51, %sign3A : i32
    %sign3A_53 = arith.extui %sign3A_52 : i1 to i32
    %sign3A_54 = arith.constant 0 : i32
    %sign3A_55 = arith.cmpi slt, %sub3A_51, %sign3A_54 : i32
    %sign3A_56 = arith.extui %sign3A_55 : i1 to i32
    %sign3A_57 = arith.subi %sign3A_53, %sign3A_56 : i32
    %sign3A_58 = arith.constant 0 : i32
    %sign3A_59 = arith.cmpi sgt, %jit3A, %sign3A_58 : i32
    %sign3A_60 = arith.extui %sign3A_59 : i1 to i32
    %sign3A_61 = arith.constant 0 : i32
    %sign3A_62 = arith.cmpi slt, %jit3A, %sign3A_61 : i32
    %sign3A_63 = arith.extui %sign3A_62 : i1 to i32
    %sign3A_64 = arith.subi %sign3A_60, %sign3A_63 : i32
    %ne3A = arith.cmpi ne, %sign3A_57, %sign3A_64 : i32
    %rem3A = arith.remsi %sub3A_51, %jit3A : i32
    %ne3A_65 = arith.constant 0 : i32
    %ne3A_66 = arith.cmpi ne, %rem3A, %ne3A_65 : i32
    %and3A = arith.andi %ne3A, %ne3A_66 : i1
    %sub3A_67 = arith.constant 1 : i32
    %sub3A_68 = arith.subi %div3A, %sub3A_67 : i32
    %select_n3A = arith.select %and3A, %sub3A_68, %div3A : i32
    %sub3A_69 = arith.constant 0 : i32
    %sub3A_70 = arith.subi %select_n3A, %sub3A_69 : i32
    %rem3A_71 = arith.constant 2 : i32
    %rem3A_72 = arith.remsi %sub3A_70, %rem3A_71 : i32
    %sub3A_73 = arith.subi %select_n3A, %rem3A_72 : i32
    %mul3A_74 = arith.constant 32 : i32
    %mul3A_75 = arith.muli %sub3A_73, %mul3A_74 : i32
    %add3A_76 = arith.addi %add3A, %mul3A_75 : i32
    %mul3A_77 = arith.constant 128 : i32
    %mul3A_78 = arith.muli %add3A_76, %mul3A_77 : i32
    %dma_wait3A = arith.constant 0 : i32
    %dma_wait3A_79 = tpu.memref_slice %arg5[%mul3A_78, %dma_wait3A] : memref<320000x128xf32, #tpu.memory_space<hbm>> -> memref<128x128xf32, #tpu.memory_space<hbm>>
    %dma_wait3A_80 = arith.constant 0 : i32
    %dma_wait3A_81 = tpu.memref_slice %arg5[%mul3A_78, %dma_wait3A_80] : memref<320000x128xf32, #tpu.memory_space<hbm>> -> memref<128x128xf32, #tpu.memory_space<hbm>>
    tpu.wait_dma2 semaphore(%arg14 : memref<!tpu.dma_semaphore, #tpu.memory_space<semaphore_mem>>) src(%arg8 : memref<128x128xf32, #tpu.memory_space<vmem>>) dst(%dma_wait3A_81 : memref<128x128xf32, #tpu.memory_space<hbm>>)
    %sub3A_82 = arith.constant 1 : i32
    %sub3A_83 = arith.subi %select_n3A, %sub3A_82 : i32
    %rem3A_84 = arith.constant 2 : i32
    %rem3A_85 = arith.remsi %sub3A_83, %rem3A_84 : i32
    %sub3A_86 = arith.subi %select_n3A, %rem3A_85 : i32
    %mul3A_87 = arith.constant 32 : i32
    %mul3A_88 = arith.muli %sub3A_86, %mul3A_87 : i32
    %add3A_89 = arith.addi %add3A, %mul3A_88 : i32
    %mul3A_90 = arith.constant 128 : i32
    %mul3A_91 = arith.muli %add3A_89, %mul3A_90 : i32
    %dma_wait3A_92 = arith.constant 0 : i32
    %dma_wait3A_93 = tpu.memref_slice %arg5[%mul3A_91, %dma_wait3A_92] : memref<320000x128xf32, #tpu.memory_space<hbm>> -> memref<128x128xf32, #tpu.memory_space<hbm>>
    %dma_wait3A_94 = arith.constant 0 : i32
    %dma_wait3A_95 = tpu.memref_slice %arg5[%mul3A_91, %dma_wait3A_94] : memref<320000x128xf32, #tpu.memory_space<hbm>> -> memref<128x128xf32, #tpu.memory_space<hbm>>
    tpu.wait_dma2 semaphore(%arg15 : memref<!tpu.dma_semaphore, #tpu.memory_space<semaphore_mem>>) src(%arg9 : memref<128x128xf32, #tpu.memory_space<vmem>>) dst(%dma_wait3A_95 : memref<128x128xf32, #tpu.memory_space<hbm>>)
    return
  }
}

#map = affine_map<(d0, d1) -> (0, 0)>
module attributes {stable_mosaic.version = 14 : i64} {
  func.func @_sc_round(%arg0: i32, %arg1: i32, %arg2: memref<320000x128xf32, #tpu.memory_space<hbm>>, %arg3: memref<2500x128xi32, #tpu.memory_space<hbm>>, %arg4: memref<10000x128xf32, #tpu.memory_space<hbm>>, %arg5: memref<320000x128xf32, #tpu.memory_space<hbm>>, %arg6: memref<1x128xi32, #tpu.memory_space<vmem>>, %arg7: memref<1x128xi32, #tpu.memory_space<vmem>>, %arg8: memref<128x128xf32, #tpu.memory_space<vmem>>, %arg9: memref<128x128xf32, #tpu.memory_space<vmem>>, %arg10: memref<!tpu.dma_semaphore, #tpu.memory_space<semaphore_mem>>, %arg11: memref<!tpu.dma_semaphore, #tpu.memory_space<semaphore_mem>>, %arg12: memref<!tpu.dma_semaphore, #tpu.memory_space<semaphore_mem>>, %arg13: memref<!tpu.dma_semaphore, #tpu.memory_space<semaphore_mem>>, %arg14: memref<!tpu.dma_semaphore, #tpu.memory_space<semaphore_mem>>, %arg15: memref<!tpu.dma_semaphore, #tpu.memory_space<semaphore_mem>>, %arg16: memref<10000x128xf32, #tpu.memory_space<vmem_shared>>) attributes {dimension_semantics = [#tpu.dimension_semantics<core_parallel>, #tpu.dimension_semantics<subcore_parallel>], iteration_bounds = array<i64: 2, 16>, scalar_prefetch = 0 : i64, scratch_operands = 11 : i64, tpu.core_type = #tpu.core_type<sc_vector_subcore>, window_params = [{transform_indices = #map}, {transform_indices = #map}, {transform_indices = #map}, {transform_indices = #map}]} {
    %mul3A = arith.constant 16 : i32
    %mul3A_0 = arith.muli %arg0, %mul3A : i32
    %add3A = arith.addi %mul3A_0, %arg1 : i32
    %add3A_1 = arith.constant 0 : i32
    %add3A_2 = arith.addi %arg1, %add3A_1 : i32
    %dma_start3A = arith.constant 0 : i32
    %dma_start3A_3 = tpu.memref_slice %arg3[%add3A_2, %dma_start3A] : memref<2500x128xi32, #tpu.memory_space<hbm>> -> memref<1x128xi32, #tpu.memory_space<hbm>>
    %dma_start3A_4 = arith.constant 0 : i32
    %dma_start3A_5 = tpu.memref_slice %arg3[%add3A_2, %dma_start3A_4] : memref<2500x128xi32, #tpu.memory_space<hbm>> -> memref<1x128xi32, #tpu.memory_space<hbm>>
    tpu.enqueue_dma source(%dma_start3A_5 : memref<1x128xi32, #tpu.memory_space<hbm>>) target(%arg6 : memref<1x128xi32, #tpu.memory_space<vmem>>) target_semaphore(%arg10 : memref<!tpu.dma_semaphore, #tpu.memory_space<semaphore_mem>>)
    %mul3A_6 = arith.constant 128 : i32
    %mul3A_7 = arith.muli %add3A_2, %mul3A_6 : i32
    %dma_start3A_8 = arith.constant 0 : i32
    %dma_start3A_9 = tpu.memref_slice %arg2[%mul3A_7, %dma_start3A_8] : memref<320000x128xf32, #tpu.memory_space<hbm>> -> memref<128x128xf32, #tpu.memory_space<hbm>>
    %dma_start3A_10 = arith.constant 0 : i32
    %dma_start3A_11 = tpu.memref_slice %arg2[%mul3A_7, %dma_start3A_10] : memref<320000x128xf32, #tpu.memory_space<hbm>> -> memref<128x128xf32, #tpu.memory_space<hbm>>
    tpu.enqueue_dma source(%dma_start3A_11 : memref<128x128xf32, #tpu.memory_space<hbm>>) target(%arg8 : memref<128x128xf32, #tpu.memory_space<vmem>>) target_semaphore(%arg12 : memref<!tpu.dma_semaphore, #tpu.memory_space<semaphore_mem>>)
    %add3A_12 = arith.constant 16 : i32
    %add3A_13 = arith.addi %arg1, %add3A_12 : i32
    %dma_start3A_14 = arith.constant 0 : i32
    %dma_start3A_15 = tpu.memref_slice %arg3[%add3A_13, %dma_start3A_14] : memref<2500x128xi32, #tpu.memory_space<hbm>> -> memref<1x128xi32, #tpu.memory_space<hbm>>
    %dma_start3A_16 = arith.constant 0 : i32
    %dma_start3A_17 = tpu.memref_slice %arg3[%add3A_13, %dma_start3A_16] : memref<2500x128xi32, #tpu.memory_space<hbm>> -> memref<1x128xi32, #tpu.memory_space<hbm>>
    tpu.enqueue_dma source(%dma_start3A_17 : memref<1x128xi32, #tpu.memory_space<hbm>>) target(%arg7 : memref<1x128xi32, #tpu.memory_space<vmem>>) target_semaphore(%arg11 : memref<!tpu.dma_semaphore, #tpu.memory_space<semaphore_mem>>)
    %mul3A_18 = arith.constant 128 : i32
    %mul3A_19 = arith.muli %add3A_13, %mul3A_18 : i32
    %dma_start3A_20 = arith.constant 0 : i32
    %dma_start3A_21 = tpu.memref_slice %arg2[%mul3A_19, %dma_start3A_20] : memref<320000x128xf32, #tpu.memory_space<hbm>> -> memref<128x128xf32, #tpu.memory_space<hbm>>
    %dma_start3A_22 = arith.constant 0 : i32
    %dma_start3A_23 = tpu.memref_slice %arg2[%mul3A_19, %dma_start3A_22] : memref<320000x128xf32, #tpu.memory_space<hbm>> -> memref<128x128xf32, #tpu.memory_space<hbm>>
    tpu.enqueue_dma source(%dma_start3A_23 : memref<128x128xf32, #tpu.memory_space<hbm>>) target(%arg9 : memref<128x128xf32, #tpu.memory_space<vmem>>) target_semaphore(%arg13 : memref<!tpu.dma_semaphore, #tpu.memory_space<semaphore_mem>>)
    %scan3A = arith.constant 0 : i32
    %scan3A_24 = arith.constant 8 : i32
    %scan3A_25 = arith.addi %scan3A, %scan3A_24 : i32
    %scan3A_26 = arith.constant 1 : i32
    scf.for %scan3A_96 = %scan3A to %scan3A_25 step %scan3A_26  : i32 {
      %mul3A_97 = arith.constant 1 : i32
      %mul3A_98 = arith.muli %scan3A_96, %mul3A_97 : i32
      %add3A_99 = arith.constant 0 : i32
      %add3A_100 = arith.addi %add3A_99, %mul3A_98 : i32
      %mul3A_101 = arith.constant 16 : i32
      %mul3A_102 = arith.muli %add3A_100, %mul3A_101 : i32
      %add3A_103 = arith.addi %arg1, %mul3A_102 : i32
      %lt3A = arith.constant 125 : i32
      %lt3A_104 = arith.cmpi slt, %add3A_103, %lt3A : i32
      %convert_element_type3A = arith.extui %lt3A_104 : i1 to i32
      %cond3A = arith.constant 0 : i32
      %cond3A_105 = arith.cmpi ne, %convert_element_type3A, %cond3A : i32
      scf.if %cond3A_105 {
        %mul3A_106 = arith.constant 80 : i32
        %mul3A_107 = arith.muli %add3A_103, %mul3A_106 : i32
        "tpu.region"() ({
          %run_scoped3A = tpu.sem_alloc : memref<!tpu.dma_semaphore, #tpu.memory_space<semaphore_mem>>
          %dma_start3A_108 = arith.constant 0 : i32
          %dma_start3A_109 = tpu.memref_slice %arg16[%mul3A_107, %dma_start3A_108] : memref<10000x128xf32, #tpu.memory_space<vmem_shared>> -> memref<80x128xf32, #tpu.memory_space<vmem_shared>>
          %dma_start3A_110 = arith.constant 0 : i32
          %dma_start3A_111 = tpu.memref_slice %arg4[%mul3A_107, %dma_start3A_110] : memref<10000x128xf32, #tpu.memory_space<hbm>> -> memref<80x128xf32, #tpu.memory_space<hbm>>
          tpu.enqueue_dma source(%dma_start3A_111 : memref<80x128xf32, #tpu.memory_space<hbm>>) target(%dma_start3A_109 : memref<80x128xf32, #tpu.memory_space<vmem_shared>>) target_semaphore(%run_scoped3A : memref<!tpu.dma_semaphore, #tpu.memory_space<semaphore_mem>>)
          %dma_wait3A_112 = arith.constant 0 : i32
          %dma_wait3A_113 = tpu.memref_slice %arg16[%mul3A_107, %dma_wait3A_112] : memref<10000x128xf32, #tpu.memory_space<vmem_shared>> -> memref<80x128xf32, #tpu.memory_space<vmem_shared>>
          %dma_wait3A_114 = arith.constant 0 : i32
          %dma_wait3A_115 = tpu.memref_slice %arg4[%mul3A_107, %dma_wait3A_114] : memref<10000x128xf32, #tpu.memory_space<hbm>> -> memref<80x128xf32, #tpu.memory_space<hbm>>
          tpu.wait_dma2 semaphore(%run_scoped3A : memref<!tpu.dma_semaphore, #tpu.memory_space<semaphore_mem>>) src(%dma_wait3A_115 : memref<80x128xf32, #tpu.memory_space<hbm>>) dst(%dma_wait3A_113 : memref<80x128xf32, #tpu.memory_space<vmem_shared>>)
          tpu.yield
        }) : () -> ()
      } else {
      }
    }
    %scan3A_27 = arith.constant 8 : i32
    %barrier3A = arith.constant 0 : index
    tpu.barrier barrier_id(%barrier3A)
    %scan3A_28 = arith.constant 0 : i32
    %scan3A_29 = arith.constant 79 : i32
    %scan3A_30 = arith.addi %scan3A_28, %scan3A_29 : i32
    %scan3A_31 = arith.constant 1 : i32
    scf.for %scan3A_96 = %scan3A_28 to %scan3A_30 step %scan3A_31  : i32 {
      %mul3A_97 = arith.constant 1 : i32
      %mul3A_98 = arith.muli %scan3A_96, %mul3A_97 : i32
      %add3A_99 = arith.constant 0 : i32
      %add3A_100 = arith.addi %add3A_99, %mul3A_98 : i32
      %mul3A_101 = arith.constant 2 : i32
      %mul3A_102 = arith.muli %add3A_100, %mul3A_101 : i32
      %add3A_103 = arith.constant 0 : i32
      %add3A_104 = arith.addi %mul3A_102, %add3A_103 : i32
      %mul3A_105 = arith.constant 16 : i32
      %mul3A_106 = arith.muli %add3A_104, %mul3A_105 : i32
      %add3A_107 = arith.addi %arg1, %mul3A_106 : i32
      %lt3A = arith.constant 2500 : i32
      %lt3A_108 = arith.cmpi slt, %add3A_107, %lt3A : i32
      %convert_element_type3A = arith.extui %lt3A_108 : i1 to i32
      %cond3A = arith.constant 0 : i32
      %cond3A_109 = arith.cmpi ne, %convert_element_type3A, %cond3A : i32
      scf.if %cond3A_109 {
        %dma_wait3A_122 = arith.constant 0 : i32
        %dma_wait3A_123 = tpu.memref_slice %arg3[%add3A_107, %dma_wait3A_122] : memref<2500x128xi32, #tpu.memory_space<hbm>> -> memref<1x128xi32, #tpu.memory_space<hbm>>
        %dma_wait3A_124 = arith.constant 0 : i32
        %dma_wait3A_125 = tpu.memref_slice %arg3[%add3A_107, %dma_wait3A_124] : memref<2500x128xi32, #tpu.memory_space<hbm>> -> memref<1x128xi32, #tpu.memory_space<hbm>>
        tpu.wait_dma2 semaphore(%arg10 : memref<!tpu.dma_semaphore, #tpu.memory_space<semaphore_mem>>) src(%dma_wait3A_125 : memref<1x128xi32, #tpu.memory_space<hbm>>) dst(%arg6 : memref<1x128xi32, #tpu.memory_space<vmem>>)
        %mul3A_126 = arith.constant 128 : i32
        %mul3A_127 = arith.muli %add3A_107, %mul3A_126 : i32
        %dma_wait3A_128 = arith.constant 0 : i32
        %dma_wait3A_129 = tpu.memref_slice %arg2[%mul3A_127, %dma_wait3A_128] : memref<320000x128xf32, #tpu.memory_space<hbm>> -> memref<128x128xf32, #tpu.memory_space<hbm>>
        %dma_wait3A_130 = arith.constant 0 : i32
        %dma_wait3A_131 = tpu.memref_slice %arg2[%mul3A_127, %dma_wait3A_130] : memref<320000x128xf32, #tpu.memory_space<hbm>> -> memref<128x128xf32, #tpu.memory_space<hbm>>
        tpu.wait_dma2 semaphore(%arg12 : memref<!tpu.dma_semaphore, #tpu.memory_space<semaphore_mem>>) src(%dma_wait3A_131 : memref<128x128xf32, #tpu.memory_space<hbm>>) dst(%arg8 : memref<128x128xf32, #tpu.memory_space<vmem>>)
        %run_scoped3A = arith.constant 0 : i32
        "tpu.region"() ({
          %run_scoped3A_142 = tpu.sem_alloc : memref<!tpu.dma_semaphore, #tpu.memory_space<semaphore_mem>>
          %dma_start3A_143 = arith.constant 0 : i32
          %dma_start3A_144 = tpu.memref_slice %arg6[%run_scoped3A, %dma_start3A_143] : memref<1x128xi32, #tpu.memory_space<vmem>> -> memref<1x128xi32, #tpu.memory_space<vmem>>
          %dma_start3A_145 = tpu.memref_squeeze %dma_start3A_144 : memref<1x128xi32, #tpu.memory_space<vmem>> -> memref<128xi32, #tpu.memory_space<vmem>>
          %dma_start3A_146 = arith.constant 0 : i32
          %dma_start3A_147 = arith.constant 0 : i32
          %dma_start3A_148 = tpu.memref_slice %arg16[%dma_start3A_146, %dma_start3A_147] : memref<10000x128xf32, #tpu.memory_space<vmem_shared>> -> memref<10000x128xf32, #tpu.memory_space<vmem_shared>>
          tpu.enqueue_indirect_dma source(%arg8 : memref<128x128xf32, #tpu.memory_space<vmem>>) target(%dma_start3A_148 : memref<10000x128xf32, #tpu.memory_space<vmem_shared>>) offsets(%dma_start3A_145 : memref<128xi32, #tpu.memory_space<vmem>>) semaphore(%run_scoped3A_142 : memref<!tpu.dma_semaphore, #tpu.memory_space<semaphore_mem>>) {add = true}
          %dma_wait3A_149 = arith.constant 0 : i32
          %dma_wait3A_150 = tpu.memref_slice %arg6[%run_scoped3A, %dma_wait3A_149] : memref<1x128xi32, #tpu.memory_space<vmem>> -> memref<1x128xi32, #tpu.memory_space<vmem>>
          %dma_wait3A_151 = tpu.memref_squeeze %dma_wait3A_150 : memref<1x128xi32, #tpu.memory_space<vmem>> -> memref<128xi32, #tpu.memory_space<vmem>>
          %dma_wait3A_152 = arith.constant 0 : i32
          %dma_wait3A_153 = arith.constant 0 : i32
          %dma_wait3A_154 = tpu.memref_slice %arg16[%dma_wait3A_152, %dma_wait3A_153] : memref<10000x128xf32, #tpu.memory_space<vmem_shared>> -> memref<10000x128xf32, #tpu.memory_space<vmem_shared>>
          tpu.wait_indirect_dma semaphore(%run_scoped3A_142 : memref<!tpu.dma_semaphore, #tpu.memory_space<semaphore_mem>>) src(%arg8 : memref<128x128xf32, #tpu.memory_space<vmem>>) dst(%dma_wait3A_154 : memref<10000x128xf32, #tpu.memory_space<vmem_shared>>)
          tpu.yield
        }) : () -> ()
        %add3A_132 = arith.constant 2 : i32
        %add3A_133 = arith.addi %add3A_104, %add3A_132 : i32
        %mul3A_134 = arith.constant 16 : i32
        %mul3A_135 = arith.muli %add3A_133, %mul3A_134 : i32
        %add3A_136 = arith.addi %arg1, %mul3A_135 : i32
        %lt3A_137 = arith.constant 2500 : i32
        %lt3A_138 = arith.cmpi slt, %add3A_136, %lt3A_137 : i32
        %convert_element_type3A_139 = arith.extui %lt3A_138 : i1 to i32
        %cond3A_140 = arith.constant 0 : i32
        %cond3A_141 = arith.cmpi ne, %convert_element_type3A_139, %cond3A_140 : i32
        scf.if %cond3A_141 {
          %dma_start3A_142 = arith.constant 0 : i32
          %dma_start3A_143 = tpu.memref_slice %arg3[%add3A_136, %dma_start3A_142] : memref<2500x128xi32, #tpu.memory_space<hbm>> -> memref<1x128xi32, #tpu.memory_space<hbm>>
          %dma_start3A_144 = arith.constant 0 : i32
          %dma_start3A_145 = tpu.memref_slice %arg3[%add3A_136, %dma_start3A_144] : memref<2500x128xi32, #tpu.memory_space<hbm>> -> memref<1x128xi32, #tpu.memory_space<hbm>>
          tpu.enqueue_dma source(%dma_start3A_145 : memref<1x128xi32, #tpu.memory_space<hbm>>) target(%arg6 : memref<1x128xi32, #tpu.memory_space<vmem>>) target_semaphore(%arg10 : memref<!tpu.dma_semaphore, #tpu.memory_space<semaphore_mem>>)
          %mul3A_146 = arith.constant 128 : i32
          %mul3A_147 = arith.muli %add3A_136, %mul3A_146 : i32
          %dma_start3A_148 = arith.constant 0 : i32
          %dma_start3A_149 = tpu.memref_slice %arg2[%mul3A_147, %dma_start3A_148] : memref<320000x128xf32, #tpu.memory_space<hbm>> -> memref<128x128xf32, #tpu.memory_space<hbm>>
          %dma_start3A_150 = arith.constant 0 : i32
          %dma_start3A_151 = tpu.memref_slice %arg2[%mul3A_147, %dma_start3A_150] : memref<320000x128xf32, #tpu.memory_space<hbm>> -> memref<128x128xf32, #tpu.memory_space<hbm>>
          tpu.enqueue_dma source(%dma_start3A_151 : memref<128x128xf32, #tpu.memory_space<hbm>>) target(%arg8 : memref<128x128xf32, #tpu.memory_space<vmem>>) target_semaphore(%arg12 : memref<!tpu.dma_semaphore, #tpu.memory_space<semaphore_mem>>)
        } else {
        }
      } else {
      }
      %mul3A_110 = arith.constant 2 : i32
      %mul3A_111 = arith.muli %add3A_100, %mul3A_110 : i32
      %add3A_112 = arith.constant 1 : i32
      %add3A_113 = arith.addi %mul3A_111, %add3A_112 : i32
      %mul3A_114 = arith.constant 16 : i32
      %mul3A_115 = arith.muli %add3A_113, %mul3A_114 : i32
      %add3A_116 = arith.addi %arg1, %mul3A_115 : i32
      %lt3A_117 = arith.constant 2500 : i32
      %lt3A_118 = arith.cmpi slt, %add3A_116, %lt3A_117 : i32
      %convert_element_type3A_119 = arith.extui %lt3A_118 : i1 to i32
      %cond3A_120 = arith.constant 0 : i32
      %cond3A_121 = arith.cmpi ne, %convert_element_type3A_119, %cond3A_120 : i32
      scf.if %cond3A_121 {
        %dma_wait3A_122 = arith.constant 0 : i32
        %dma_wait3A_123 = tpu.memref_slice %arg3[%add3A_116, %dma_wait3A_122] : memref<2500x128xi32, #tpu.memory_space<hbm>> -> memref<1x128xi32, #tpu.memory_space<hbm>>
        %dma_wait3A_124 = arith.constant 0 : i32
        %dma_wait3A_125 = tpu.memref_slice %arg3[%add3A_116, %dma_wait3A_124] : memref<2500x128xi32, #tpu.memory_space<hbm>> -> memref<1x128xi32, #tpu.memory_space<hbm>>
        tpu.wait_dma2 semaphore(%arg11 : memref<!tpu.dma_semaphore, #tpu.memory_space<semaphore_mem>>) src(%dma_wait3A_125 : memref<1x128xi32, #tpu.memory_space<hbm>>) dst(%arg7 : memref<1x128xi32, #tpu.memory_space<vmem>>)
        %mul3A_126 = arith.constant 128 : i32
        %mul3A_127 = arith.muli %add3A_116, %mul3A_126 : i32
        %dma_wait3A_128 = arith.constant 0 : i32
        %dma_wait3A_129 = tpu.memref_slice %arg2[%mul3A_127, %dma_wait3A_128] : memref<320000x128xf32, #tpu.memory_space<hbm>> -> memref<128x128xf32, #tpu.memory_space<hbm>>
        %dma_wait3A_130 = arith.constant 0 : i32
        %dma_wait3A_131 = tpu.memref_slice %arg2[%mul3A_127, %dma_wait3A_130] : memref<320000x128xf32, #tpu.memory_space<hbm>> -> memref<128x128xf32, #tpu.memory_space<hbm>>
        tpu.wait_dma2 semaphore(%arg13 : memref<!tpu.dma_semaphore, #tpu.memory_space<semaphore_mem>>) src(%dma_wait3A_131 : memref<128x128xf32, #tpu.memory_space<hbm>>) dst(%arg9 : memref<128x128xf32, #tpu.memory_space<vmem>>)
        %run_scoped3A = arith.constant 0 : i32
        "tpu.region"() ({
          %run_scoped3A_142 = tpu.sem_alloc : memref<!tpu.dma_semaphore, #tpu.memory_space<semaphore_mem>>
          %dma_start3A_143 = arith.constant 0 : i32
          %dma_start3A_144 = tpu.memref_slice %arg7[%run_scoped3A, %dma_start3A_143] : memref<1x128xi32, #tpu.memory_space<vmem>> -> memref<1x128xi32, #tpu.memory_space<vmem>>
          %dma_start3A_145 = tpu.memref_squeeze %dma_start3A_144 : memref<1x128xi32, #tpu.memory_space<vmem>> -> memref<128xi32, #tpu.memory_space<vmem>>
          %dma_start3A_146 = arith.constant 0 : i32
          %dma_start3A_147 = arith.constant 0 : i32
          %dma_start3A_148 = tpu.memref_slice %arg16[%dma_start3A_146, %dma_start3A_147] : memref<10000x128xf32, #tpu.memory_space<vmem_shared>> -> memref<10000x128xf32, #tpu.memory_space<vmem_shared>>
          tpu.enqueue_indirect_dma source(%arg9 : memref<128x128xf32, #tpu.memory_space<vmem>>) target(%dma_start3A_148 : memref<10000x128xf32, #tpu.memory_space<vmem_shared>>) offsets(%dma_start3A_145 : memref<128xi32, #tpu.memory_space<vmem>>) semaphore(%run_scoped3A_142 : memref<!tpu.dma_semaphore, #tpu.memory_space<semaphore_mem>>) {add = true}
          %dma_wait3A_149 = arith.constant 0 : i32
          %dma_wait3A_150 = tpu.memref_slice %arg7[%run_scoped3A, %dma_wait3A_149] : memref<1x128xi32, #tpu.memory_space<vmem>> -> memref<1x128xi32, #tpu.memory_space<vmem>>
          %dma_wait3A_151 = tpu.memref_squeeze %dma_wait3A_150 : memref<1x128xi32, #tpu.memory_space<vmem>> -> memref<128xi32, #tpu.memory_space<vmem>>
          %dma_wait3A_152 = arith.constant 0 : i32
          %dma_wait3A_153 = arith.constant 0 : i32
          %dma_wait3A_154 = tpu.memref_slice %arg16[%dma_wait3A_152, %dma_wait3A_153] : memref<10000x128xf32, #tpu.memory_space<vmem_shared>> -> memref<10000x128xf32, #tpu.memory_space<vmem_shared>>
          tpu.wait_indirect_dma semaphore(%run_scoped3A_142 : memref<!tpu.dma_semaphore, #tpu.memory_space<semaphore_mem>>) src(%arg9 : memref<128x128xf32, #tpu.memory_space<vmem>>) dst(%dma_wait3A_154 : memref<10000x128xf32, #tpu.memory_space<vmem_shared>>)
          tpu.yield
        }) : () -> ()
        %add3A_132 = arith.constant 2 : i32
        %add3A_133 = arith.addi %add3A_113, %add3A_132 : i32
        %mul3A_134 = arith.constant 16 : i32
        %mul3A_135 = arith.muli %add3A_133, %mul3A_134 : i32
        %add3A_136 = arith.addi %arg1, %mul3A_135 : i32
        %lt3A_137 = arith.constant 2500 : i32
        %lt3A_138 = arith.cmpi slt, %add3A_136, %lt3A_137 : i32
        %convert_element_type3A_139 = arith.extui %lt3A_138 : i1 to i32
        %cond3A_140 = arith.constant 0 : i32
        %cond3A_141 = arith.cmpi ne, %convert_element_type3A_139, %cond3A_140 : i32
        scf.if %cond3A_141 {
          %dma_start3A_142 = arith.constant 0 : i32
          %dma_start3A_143 = tpu.memref_slice %arg3[%add3A_136, %dma_start3A_142] : memref<2500x128xi32, #tpu.memory_space<hbm>> -> memref<1x128xi32, #tpu.memory_space<hbm>>
          %dma_start3A_144 = arith.constant 0 : i32
          %dma_start3A_145 = tpu.memref_slice %arg3[%add3A_136, %dma_start3A_144] : memref<2500x128xi32, #tpu.memory_space<hbm>> -> memref<1x128xi32, #tpu.memory_space<hbm>>
          tpu.enqueue_dma source(%dma_start3A_145 : memref<1x128xi32, #tpu.memory_space<hbm>>) target(%arg7 : memref<1x128xi32, #tpu.memory_space<vmem>>) target_semaphore(%arg11 : memref<!tpu.dma_semaphore, #tpu.memory_space<semaphore_mem>>)
          %mul3A_146 = arith.constant 128 : i32
          %mul3A_147 = arith.muli %add3A_136, %mul3A_146 : i32
          %dma_start3A_148 = arith.constant 0 : i32
          %dma_start3A_149 = tpu.memref_slice %arg2[%mul3A_147, %dma_start3A_148] : memref<320000x128xf32, #tpu.memory_space<hbm>> -> memref<128x128xf32, #tpu.memory_space<hbm>>
          %dma_start3A_150 = arith.constant 0 : i32
          %dma_start3A_151 = tpu.memref_slice %arg2[%mul3A_147, %dma_start3A_150] : memref<320000x128xf32, #tpu.memory_space<hbm>> -> memref<128x128xf32, #tpu.memory_space<hbm>>
          tpu.enqueue_dma source(%dma_start3A_151 : memref<128x128xf32, #tpu.memory_space<hbm>>) target(%arg9 : memref<128x128xf32, #tpu.memory_space<vmem>>) target_semaphore(%arg13 : memref<!tpu.dma_semaphore, #tpu.memory_space<semaphore_mem>>)
        } else {
        }
      } else {
      }
    }
    %scan3A_32 = arith.constant 79 : i32
    %barrier3A_33 = arith.constant 0 : index
    tpu.barrier barrier_id(%barrier3A_33)
    %add3A_34 = arith.constant 0 : i32
    %add3A_35 = arith.addi %add3A, %add3A_34 : i32
    %dma_start3A_36 = arith.constant 0 : i32
    %dma_start3A_37 = tpu.memref_slice %arg3[%add3A_35, %dma_start3A_36] : memref<2500x128xi32, #tpu.memory_space<hbm>> -> memref<1x128xi32, #tpu.memory_space<hbm>>
    %dma_start3A_38 = arith.constant 0 : i32
    %dma_start3A_39 = tpu.memref_slice %arg3[%add3A_35, %dma_start3A_38] : memref<2500x128xi32, #tpu.memory_space<hbm>> -> memref<1x128xi32, #tpu.memory_space<hbm>>
    tpu.enqueue_dma source(%dma_start3A_39 : memref<1x128xi32, #tpu.memory_space<hbm>>) target(%arg6 : memref<1x128xi32, #tpu.memory_space<vmem>>) target_semaphore(%arg10 : memref<!tpu.dma_semaphore, #tpu.memory_space<semaphore_mem>>)
    %add3A_40 = arith.constant 32 : i32
    %add3A_41 = arith.addi %add3A, %add3A_40 : i32
    %dma_start3A_42 = arith.constant 0 : i32
    %dma_start3A_43 = tpu.memref_slice %arg3[%add3A_41, %dma_start3A_42] : memref<2500x128xi32, #tpu.memory_space<hbm>> -> memref<1x128xi32, #tpu.memory_space<hbm>>
    %dma_start3A_44 = arith.constant 0 : i32
    %dma_start3A_45 = tpu.memref_slice %arg3[%add3A_41, %dma_start3A_44] : memref<2500x128xi32, #tpu.memory_space<hbm>> -> memref<1x128xi32, #tpu.memory_space<hbm>>
    tpu.enqueue_dma source(%dma_start3A_45 : memref<1x128xi32, #tpu.memory_space<hbm>>) target(%arg7 : memref<1x128xi32, #tpu.memory_space<vmem>>) target_semaphore(%arg11 : memref<!tpu.dma_semaphore, #tpu.memory_space<semaphore_mem>>)
    %scan3A_46 = arith.constant 0 : i32
    %scan3A_47 = arith.constant 40 : i32
    %scan3A_48 = arith.addi %scan3A_46, %scan3A_47 : i32
    %scan3A_49 = arith.constant 1 : i32
    scf.for %scan3A_96 = %scan3A_46 to %scan3A_48 step %scan3A_49  : i32 {
      %mul3A_97 = arith.constant 1 : i32
      %mul3A_98 = arith.muli %scan3A_96, %mul3A_97 : i32
      %add3A_99 = arith.constant 0 : i32
      %add3A_100 = arith.addi %add3A_99, %mul3A_98 : i32
      %mul3A_101 = arith.constant 2 : i32
      %mul3A_102 = arith.muli %add3A_100, %mul3A_101 : i32
      %add3A_103 = arith.constant 0 : i32
      %add3A_104 = arith.addi %mul3A_102, %add3A_103 : i32
      %mul3A_105 = arith.constant 32 : i32
      %mul3A_106 = arith.muli %add3A_104, %mul3A_105 : i32
      %add3A_107 = arith.addi %add3A, %mul3A_106 : i32
      %lt3A = arith.constant 2500 : i32
      %lt3A_108 = arith.cmpi slt, %add3A_107, %lt3A : i32
      %convert_element_type3A = arith.extui %lt3A_108 : i1 to i32
      %cond3A = arith.constant 0 : i32
      %cond3A_109 = arith.cmpi ne, %convert_element_type3A, %cond3A : i32
      scf.if %cond3A_109 {
        %ge3A = arith.constant 2 : i32
        %ge3A_122 = arith.cmpi sge, %add3A_104, %ge3A : i32
        %convert_element_type3A_123 = arith.extui %ge3A_122 : i1 to i32
        %cond3A_124 = arith.constant 0 : i32
        %cond3A_125 = arith.cmpi ne, %convert_element_type3A_123, %cond3A_124 : i32
        scf.if %cond3A_125 {
          %sub3A_146 = arith.constant 2 : i32
          %sub3A_147 = arith.subi %add3A_104, %sub3A_146 : i32
          %mul3A_148 = arith.constant 32 : i32
          %mul3A_149 = arith.muli %sub3A_147, %mul3A_148 : i32
          %add3A_150 = arith.addi %add3A, %mul3A_149 : i32
          %mul3A_151 = arith.constant 128 : i32
          %mul3A_152 = arith.muli %add3A_150, %mul3A_151 : i32
          %dma_wait3A_153 = arith.constant 0 : i32
          %dma_wait3A_154 = tpu.memref_slice %arg5[%mul3A_152, %dma_wait3A_153] : memref<320000x128xf32, #tpu.memory_space<hbm>> -> memref<128x128xf32, #tpu.memory_space<hbm>>
          %dma_wait3A_155 = arith.constant 0 : i32
          %dma_wait3A_156 = tpu.memref_slice %arg5[%mul3A_152, %dma_wait3A_155] : memref<320000x128xf32, #tpu.memory_space<hbm>> -> memref<128x128xf32, #tpu.memory_space<hbm>>
          tpu.wait_dma2 semaphore(%arg14 : memref<!tpu.dma_semaphore, #tpu.memory_space<semaphore_mem>>) src(%arg8 : memref<128x128xf32, #tpu.memory_space<vmem>>) dst(%dma_wait3A_156 : memref<128x128xf32, #tpu.memory_space<hbm>>)
        } else {
        }
        %dma_wait3A_126 = arith.constant 0 : i32
        %dma_wait3A_127 = tpu.memref_slice %arg3[%add3A_107, %dma_wait3A_126] : memref<2500x128xi32, #tpu.memory_space<hbm>> -> memref<1x128xi32, #tpu.memory_space<hbm>>
        %dma_wait3A_128 = arith.constant 0 : i32
        %dma_wait3A_129 = tpu.memref_slice %arg3[%add3A_107, %dma_wait3A_128] : memref<2500x128xi32, #tpu.memory_space<hbm>> -> memref<1x128xi32, #tpu.memory_space<hbm>>
        tpu.wait_dma2 semaphore(%arg10 : memref<!tpu.dma_semaphore, #tpu.memory_space<semaphore_mem>>) src(%dma_wait3A_129 : memref<1x128xi32, #tpu.memory_space<hbm>>) dst(%arg6 : memref<1x128xi32, #tpu.memory_space<vmem>>)
        %run_scoped3A = arith.constant 0 : i32
        "tpu.region"() ({
          %run_scoped3A_146 = tpu.sem_alloc : memref<!tpu.dma_semaphore, #tpu.memory_space<semaphore_mem>>
          %dma_start3A_147 = arith.constant 0 : i32
          %dma_start3A_148 = tpu.memref_slice %arg6[%run_scoped3A, %dma_start3A_147] : memref<1x128xi32, #tpu.memory_space<vmem>> -> memref<1x128xi32, #tpu.memory_space<vmem>>
          %dma_start3A_149 = tpu.memref_squeeze %dma_start3A_148 : memref<1x128xi32, #tpu.memory_space<vmem>> -> memref<128xi32, #tpu.memory_space<vmem>>
          %dma_start3A_150 = arith.constant 0 : i32
          %dma_start3A_151 = arith.constant 0 : i32
          %dma_start3A_152 = tpu.memref_slice %arg16[%dma_start3A_150, %dma_start3A_151] : memref<10000x128xf32, #tpu.memory_space<vmem_shared>> -> memref<10000x128xf32, #tpu.memory_space<vmem_shared>>
          tpu.enqueue_indirect_dma source(%dma_start3A_152 : memref<10000x128xf32, #tpu.memory_space<vmem_shared>>) target(%arg8 : memref<128x128xf32, #tpu.memory_space<vmem>>) offsets(%dma_start3A_149 : memref<128xi32, #tpu.memory_space<vmem>>) semaphore(%run_scoped3A_146 : memref<!tpu.dma_semaphore, #tpu.memory_space<semaphore_mem>>)
          %dma_wait3A_153 = arith.constant 0 : i32
          %dma_wait3A_154 = tpu.memref_slice %arg6[%run_scoped3A, %dma_wait3A_153] : memref<1x128xi32, #tpu.memory_space<vmem>> -> memref<1x128xi32, #tpu.memory_space<vmem>>
          %dma_wait3A_155 = tpu.memref_squeeze %dma_wait3A_154 : memref<1x128xi32, #tpu.memory_space<vmem>> -> memref<128xi32, #tpu.memory_space<vmem>>
          %dma_wait3A_156 = arith.constant 0 : i32
          %dma_wait3A_157 = arith.constant 0 : i32
          %dma_wait3A_158 = tpu.memref_slice %arg16[%dma_wait3A_156, %dma_wait3A_157] : memref<10000x128xf32, #tpu.memory_space<vmem_shared>> -> memref<10000x128xf32, #tpu.memory_space<vmem_shared>>
          tpu.wait_indirect_dma semaphore(%run_scoped3A_146 : memref<!tpu.dma_semaphore, #tpu.memory_space<semaphore_mem>>) src(%dma_wait3A_158 : memref<10000x128xf32, #tpu.memory_space<vmem_shared>>) dst(%arg8 : memref<128x128xf32, #tpu.memory_space<vmem>>)
          tpu.yield
        }) : () -> ()
        %mul3A_130 = arith.constant 128 : i32
        %mul3A_131 = arith.muli %add3A_107, %mul3A_130 : i32
        %dma_start3A_132 = arith.constant 0 : i32
        %dma_start3A_133 = tpu.memref_slice %arg5[%mul3A_131, %dma_start3A_132] : memref<320000x128xf32, #tpu.memory_space<hbm>> -> memref<128x128xf32, #tpu.memory_space<hbm>>
        %dma_start3A_134 = arith.constant 0 : i32
        %dma_start3A_135 = tpu.memref_slice %arg5[%mul3A_131, %dma_start3A_134] : memref<320000x128xf32, #tpu.memory_space<hbm>> -> memref<128x128xf32, #tpu.memory_space<hbm>>
        tpu.enqueue_dma source(%arg8 : memref<128x128xf32, #tpu.memory_space<vmem>>) target(%dma_start3A_135 : memref<128x128xf32, #tpu.memory_space<hbm>>) target_semaphore(%arg14 : memref<!tpu.dma_semaphore, #tpu.memory_space<semaphore_mem>>)
        %add3A_136 = arith.constant 2 : i32
        %add3A_137 = arith.addi %add3A_104, %add3A_136 : i32
        %mul3A_138 = arith.constant 32 : i32
        %mul3A_139 = arith.muli %add3A_137, %mul3A_138 : i32
        %add3A_140 = arith.addi %add3A, %mul3A_139 : i32
        %lt3A_141 = arith.constant 2500 : i32
        %lt3A_142 = arith.cmpi slt, %add3A_140, %lt3A_141 : i32
        %convert_element_type3A_143 = arith.extui %lt3A_142 : i1 to i32
        %cond3A_144 = arith.constant 0 : i32
        %cond3A_145 = arith.cmpi ne, %convert_element_type3A_143, %cond3A_144 : i32
        scf.if %cond3A_145 {
          %dma_start3A_146 = arith.constant 0 : i32
          %dma_start3A_147 = tpu.memref_slice %arg3[%add3A_140, %dma_start3A_146] : memref<2500x128xi32, #tpu.memory_space<hbm>> -> memref<1x128xi32, #tpu.memory_space<hbm>>
          %dma_start3A_148 = arith.constant 0 : i32
          %dma_start3A_149 = tpu.memref_slice %arg3[%add3A_140, %dma_start3A_148] : memref<2500x128xi32, #tpu.memory_space<hbm>> -> memref<1x128xi32, #tpu.memory_space<hbm>>
          tpu.enqueue_dma source(%dma_start3A_149 : memref<1x128xi32, #tpu.memory_space<hbm>>) target(%arg6 : memref<1x128xi32, #tpu.memory_space<vmem>>) target_semaphore(%arg10 : memref<!tpu.dma_semaphore, #tpu.memory_space<semaphore_mem>>)
        } else {
        }
      } else {
      }
      %mul3A_110 = arith.constant 2 : i32
      %mul3A_111 = arith.muli %add3A_100, %mul3A_110 : i32
      %add3A_112 = arith.constant 1 : i32
      %add3A_113 = arith.addi %mul3A_111, %add3A_112 : i32
      %mul3A_114 = arith.constant 32 : i32
      %mul3A_115 = arith.muli %add3A_113, %mul3A_114 : i32
      %add3A_116 = arith.addi %add3A, %mul3A_115 : i32
      %lt3A_117 = arith.constant 2500 : i32
      %lt3A_118 = arith.cmpi slt, %add3A_116, %lt3A_117 : i32
      %convert_element_type3A_119 = arith.extui %lt3A_118 : i1 to i32
      %cond3A_120 = arith.constant 0 : i32
      %cond3A_121 = arith.cmpi ne, %convert_element_type3A_119, %cond3A_120 : i32
      scf.if %cond3A_121 {
        %ge3A = arith.constant 2 : i32
        %ge3A_122 = arith.cmpi sge, %add3A_113, %ge3A : i32
        %convert_element_type3A_123 = arith.extui %ge3A_122 : i1 to i32
        %cond3A_124 = arith.constant 0 : i32
        %cond3A_125 = arith.cmpi ne, %convert_element_type3A_123, %cond3A_124 : i32
        scf.if %cond3A_125 {
          %sub3A_146 = arith.constant 2 : i32
          %sub3A_147 = arith.subi %add3A_113, %sub3A_146 : i32
          %mul3A_148 = arith.constant 32 : i32
          %mul3A_149 = arith.muli %sub3A_147, %mul3A_148 : i32
          %add3A_150 = arith.addi %add3A, %mul3A_149 : i32
          %mul3A_151 = arith.constant 128 : i32
          %mul3A_152 = arith.muli %add3A_150, %mul3A_151 : i32
          %dma_wait3A_153 = arith.constant 0 : i32
          %dma_wait3A_154 = tpu.memref_slice %arg5[%mul3A_152, %dma_wait3A_153] : memref<320000x128xf32, #tpu.memory_space<hbm>> -> memref<128x128xf32, #tpu.memory_space<hbm>>
          %dma_wait3A_155 = arith.constant 0 : i32
          %dma_wait3A_156 = tpu.memref_slice %arg5[%mul3A_152, %dma_wait3A_155] : memref<320000x128xf32, #tpu.memory_space<hbm>> -> memref<128x128xf32, #tpu.memory_space<hbm>>
          tpu.wait_dma2 semaphore(%arg15 : memref<!tpu.dma_semaphore, #tpu.memory_space<semaphore_mem>>) src(%arg9 : memref<128x128xf32, #tpu.memory_space<vmem>>) dst(%dma_wait3A_156 : memref<128x128xf32, #tpu.memory_space<hbm>>)
        } else {
        }
        %dma_wait3A_126 = arith.constant 0 : i32
        %dma_wait3A_127 = tpu.memref_slice %arg3[%add3A_116, %dma_wait3A_126] : memref<2500x128xi32, #tpu.memory_space<hbm>> -> memref<1x128xi32, #tpu.memory_space<hbm>>
        %dma_wait3A_128 = arith.constant 0 : i32
        %dma_wait3A_129 = tpu.memref_slice %arg3[%add3A_116, %dma_wait3A_128] : memref<2500x128xi32, #tpu.memory_space<hbm>> -> memref<1x128xi32, #tpu.memory_space<hbm>>
        tpu.wait_dma2 semaphore(%arg11 : memref<!tpu.dma_semaphore, #tpu.memory_space<semaphore_mem>>) src(%dma_wait3A_129 : memref<1x128xi32, #tpu.memory_space<hbm>>) dst(%arg7 : memref<1x128xi32, #tpu.memory_space<vmem>>)
        %run_scoped3A = arith.constant 0 : i32
        "tpu.region"() ({
          %run_scoped3A_146 = tpu.sem_alloc : memref<!tpu.dma_semaphore, #tpu.memory_space<semaphore_mem>>
          %dma_start3A_147 = arith.constant 0 : i32
          %dma_start3A_148 = tpu.memref_slice %arg7[%run_scoped3A, %dma_start3A_147] : memref<1x128xi32, #tpu.memory_space<vmem>> -> memref<1x128xi32, #tpu.memory_space<vmem>>
          %dma_start3A_149 = tpu.memref_squeeze %dma_start3A_148 : memref<1x128xi32, #tpu.memory_space<vmem>> -> memref<128xi32, #tpu.memory_space<vmem>>
          %dma_start3A_150 = arith.constant 0 : i32
          %dma_start3A_151 = arith.constant 0 : i32
          %dma_start3A_152 = tpu.memref_slice %arg16[%dma_start3A_150, %dma_start3A_151] : memref<10000x128xf32, #tpu.memory_space<vmem_shared>> -> memref<10000x128xf32, #tpu.memory_space<vmem_shared>>
          tpu.enqueue_indirect_dma source(%dma_start3A_152 : memref<10000x128xf32, #tpu.memory_space<vmem_shared>>) target(%arg9 : memref<128x128xf32, #tpu.memory_space<vmem>>) offsets(%dma_start3A_149 : memref<128xi32, #tpu.memory_space<vmem>>) semaphore(%run_scoped3A_146 : memref<!tpu.dma_semaphore, #tpu.memory_space<semaphore_mem>>)
          %dma_wait3A_153 = arith.constant 0 : i32
          %dma_wait3A_154 = tpu.memref_slice %arg7[%run_scoped3A, %dma_wait3A_153] : memref<1x128xi32, #tpu.memory_space<vmem>> -> memref<1x128xi32, #tpu.memory_space<vmem>>
          %dma_wait3A_155 = tpu.memref_squeeze %dma_wait3A_154 : memref<1x128xi32, #tpu.memory_space<vmem>> -> memref<128xi32, #tpu.memory_space<vmem>>
          %dma_wait3A_156 = arith.constant 0 : i32
          %dma_wait3A_157 = arith.constant 0 : i32
          %dma_wait3A_158 = tpu.memref_slice %arg16[%dma_wait3A_156, %dma_wait3A_157] : memref<10000x128xf32, #tpu.memory_space<vmem_shared>> -> memref<10000x128xf32, #tpu.memory_space<vmem_shared>>
          tpu.wait_indirect_dma semaphore(%run_scoped3A_146 : memref<!tpu.dma_semaphore, #tpu.memory_space<semaphore_mem>>) src(%dma_wait3A_158 : memref<10000x128xf32, #tpu.memory_space<vmem_shared>>) dst(%arg9 : memref<128x128xf32, #tpu.memory_space<vmem>>)
          tpu.yield
        }) : () -> ()
        %mul3A_130 = arith.constant 128 : i32
        %mul3A_131 = arith.muli %add3A_116, %mul3A_130 : i32
        %dma_start3A_132 = arith.constant 0 : i32
        %dma_start3A_133 = tpu.memref_slice %arg5[%mul3A_131, %dma_start3A_132] : memref<320000x128xf32, #tpu.memory_space<hbm>> -> memref<128x128xf32, #tpu.memory_space<hbm>>
        %dma_start3A_134 = arith.constant 0 : i32
        %dma_start3A_135 = tpu.memref_slice %arg5[%mul3A_131, %dma_start3A_134] : memref<320000x128xf32, #tpu.memory_space<hbm>> -> memref<128x128xf32, #tpu.memory_space<hbm>>
        tpu.enqueue_dma source(%arg9 : memref<128x128xf32, #tpu.memory_space<vmem>>) target(%dma_start3A_135 : memref<128x128xf32, #tpu.memory_space<hbm>>) target_semaphore(%arg15 : memref<!tpu.dma_semaphore, #tpu.memory_space<semaphore_mem>>)
        %add3A_136 = arith.constant 2 : i32
        %add3A_137 = arith.addi %add3A_113, %add3A_136 : i32
        %mul3A_138 = arith.constant 32 : i32
        %mul3A_139 = arith.muli %add3A_137, %mul3A_138 : i32
        %add3A_140 = arith.addi %add3A, %mul3A_139 : i32
        %lt3A_141 = arith.constant 2500 : i32
        %lt3A_142 = arith.cmpi slt, %add3A_140, %lt3A_141 : i32
        %convert_element_type3A_143 = arith.extui %lt3A_142 : i1 to i32
        %cond3A_144 = arith.constant 0 : i32
        %cond3A_145 = arith.cmpi ne, %convert_element_type3A_143, %cond3A_144 : i32
        scf.if %cond3A_145 {
          %dma_start3A_146 = arith.constant 0 : i32
          %dma_start3A_147 = tpu.memref_slice %arg3[%add3A_140, %dma_start3A_146] : memref<2500x128xi32, #tpu.memory_space<hbm>> -> memref<1x128xi32, #tpu.memory_space<hbm>>
          %dma_start3A_148 = arith.constant 0 : i32
          %dma_start3A_149 = tpu.memref_slice %arg3[%add3A_140, %dma_start3A_148] : memref<2500x128xi32, #tpu.memory_space<hbm>> -> memref<1x128xi32, #tpu.memory_space<hbm>>
          tpu.enqueue_dma source(%dma_start3A_149 : memref<1x128xi32, #tpu.memory_space<hbm>>) target(%arg7 : memref<1x128xi32, #tpu.memory_space<vmem>>) target_semaphore(%arg11 : memref<!tpu.dma_semaphore, #tpu.memory_space<semaphore_mem>>)
        } else {
        }
      } else {
      }
    }
    %scan3A_50 = arith.constant 40 : i32
    %sub3A = arith.constant 2499 : i32
    %sub3A_51 = arith.subi %sub3A, %add3A : i32
    %jit3A = arith.constant 32 : i32
    %div3A = arith.divsi %sub3A_51, %jit3A : i32
    %sign3A = arith.constant 0 : i32
    %sign3A_52 = arith.cmpi sgt, %sub3A_51, %sign3A : i32
    %sign3A_53 = arith.extui %sign3A_52 : i1 to i32
    %sign3A_54 = arith.constant 0 : i32
    %sign3A_55 = arith.cmpi slt, %sub3A_51, %sign3A_54 : i32
    %sign3A_56 = arith.extui %sign3A_55 : i1 to i32
    %sign3A_57 = arith.subi %sign3A_53, %sign3A_56 : i32
    %sign3A_58 = arith.constant 0 : i32
    %sign3A_59 = arith.cmpi sgt, %jit3A, %sign3A_58 : i32
    %sign3A_60 = arith.extui %sign3A_59 : i1 to i32
    %sign3A_61 = arith.constant 0 : i32
    %sign3A_62 = arith.cmpi slt, %jit3A, %sign3A_61 : i32
    %sign3A_63 = arith.extui %sign3A_62 : i1 to i32
    %sign3A_64 = arith.subi %sign3A_60, %sign3A_63 : i32
    %ne3A = arith.cmpi ne, %sign3A_57, %sign3A_64 : i32
    %rem3A = arith.remsi %sub3A_51, %jit3A : i32
    %ne3A_65 = arith.constant 0 : i32
    %ne3A_66 = arith.cmpi ne, %rem3A, %ne3A_65 : i32
    %and3A = arith.andi %ne3A, %ne3A_66 : i1
    %sub3A_67 = arith.constant 1 : i32
    %sub3A_68 = arith.subi %div3A, %sub3A_67 : i32
    %select_n3A = arith.select %and3A, %sub3A_68, %div3A : i32
    %sub3A_69 = arith.constant 0 : i32
    %sub3A_70 = arith.subi %select_n3A, %sub3A_69 : i32
    %rem3A_71 = arith.constant 2 : i32
    %rem3A_72 = arith.remsi %sub3A_70, %rem3A_71 : i32
    %sub3A_73 = arith.subi %select_n3A, %rem3A_72 : i32
    %mul3A_74 = arith.constant 32 : i32
    %mul3A_75 = arith.muli %sub3A_73, %mul3A_74 : i32
    %add3A_76 = arith.addi %add3A, %mul3A_75 : i32
    %mul3A_77 = arith.constant 128 : i32
    %mul3A_78 = arith.muli %add3A_76, %mul3A_77 : i32
    %dma_wait3A = arith.constant 0 : i32
    %dma_wait3A_79 = tpu.memref_slice %arg5[%mul3A_78, %dma_wait3A] : memref<320000x128xf32, #tpu.memory_space<hbm>> -> memref<128x128xf32, #tpu.memory_space<hbm>>
    %dma_wait3A_80 = arith.constant 0 : i32
    %dma_wait3A_81 = tpu.memref_slice %arg5[%mul3A_78, %dma_wait3A_80] : memref<320000x128xf32, #tpu.memory_space<hbm>> -> memref<128x128xf32, #tpu.memory_space<hbm>>
    tpu.wait_dma2 semaphore(%arg14 : memref<!tpu.dma_semaphore, #tpu.memory_space<semaphore_mem>>) src(%arg8 : memref<128x128xf32, #tpu.memory_space<vmem>>) dst(%dma_wait3A_81 : memref<128x128xf32, #tpu.memory_space<hbm>>)
    %sub3A_82 = arith.constant 1 : i32
    %sub3A_83 = arith.subi %select_n3A, %sub3A_82 : i32
    %rem3A_84 = arith.constant 2 : i32
    %rem3A_85 = arith.remsi %sub3A_83, %rem3A_84 : i32
    %sub3A_86 = arith.subi %select_n3A, %rem3A_85 : i32
    %mul3A_87 = arith.constant 32 : i32
    %mul3A_88 = arith.muli %sub3A_86, %mul3A_87 : i32
    %add3A_89 = arith.addi %add3A, %mul3A_88 : i32
    %mul3A_90 = arith.constant 128 : i32
    %mul3A_91 = arith.muli %add3A_89, %mul3A_90 : i32
    %dma_wait3A_92 = arith.constant 0 : i32
    %dma_wait3A_93 = tpu.memref_slice %arg5[%mul3A_91, %dma_wait3A_92] : memref<320000x128xf32, #tpu.memory_space<hbm>> -> memref<128x128xf32, #tpu.memory_space<hbm>>
    %dma_wait3A_94 = arith.constant 0 : i32
    %dma_wait3A_95 = tpu.memref_slice %arg5[%mul3A_91, %dma_wait3A_94] : memref<320000x128xf32, #tpu.memory_space<hbm>> -> memref<128x128xf32, #tpu.memory_space<hbm>>
    tpu.wait_dma2 semaphore(%arg15 : memref<!tpu.dma_semaphore, #tpu.memory_space<semaphore_mem>>) src(%arg9 : memref<128x128xf32, #tpu.memory_space<vmem>>) dst(%dma_wait3A_95 : memref<128x128xf32, #tpu.memory_space<hbm>>)
    return
  }
}

#map = affine_map<(d0, d1) -> (0, 0)>
module attributes {stable_mosaic.version = 14 : i64} {
  func.func @_sc_segsum(%arg0: i32, %arg1: i32, %arg2: memref<320000x128xf32, #tpu.memory_space<hbm>>, %arg3: memref<2500x128xi32, #tpu.memory_space<hbm>>, %arg4: memref<10000x128xf32, #tpu.memory_space<hbm>>, %arg5: memref<10000x128xf32, #tpu.memory_space<hbm>>, %arg6: memref<10000x128xf32, #tpu.memory_space<hbm>>, %arg7: memref<1x128xi32, #tpu.memory_space<vmem>>, %arg8: memref<1x128xi32, #tpu.memory_space<vmem>>, %arg9: memref<128x128xf32, #tpu.memory_space<vmem>>, %arg10: memref<128x128xf32, #tpu.memory_space<vmem>>, %arg11: memref<!tpu.dma_semaphore, #tpu.memory_space<semaphore_mem>>, %arg12: memref<!tpu.dma_semaphore, #tpu.memory_space<semaphore_mem>>, %arg13: memref<!tpu.dma_semaphore, #tpu.memory_space<semaphore_mem>>, %arg14: memref<!tpu.dma_semaphore, #tpu.memory_space<semaphore_mem>>, %arg15: memref<!tpu.dma_semaphore, #tpu.memory_space<semaphore_mem>>, %arg16: memref<!tpu.dma_semaphore, #tpu.memory_space<semaphore_mem>>, %arg17: memref<10000x128xf32, #tpu.memory_space<vmem_shared>>) attributes {dimension_semantics = [#tpu.dimension_semantics<core_parallel>, #tpu.dimension_semantics<subcore_parallel>], iteration_bounds = array<i64: 2, 16>, scalar_prefetch = 0 : i64, scratch_operands = 11 : i64, tpu.core_type = #tpu.core_type<sc_vector_subcore>, window_params = [{transform_indices = #map}, {transform_indices = #map}, {transform_indices = #map}, {transform_indices = #map}, {transform_indices = #map}]} {
    %add3A = arith.constant 0 : i32
    %add3A_0 = arith.addi %add3A, %arg0 : i32
    %mul3A = arith.constant 16 : i32
    %mul3A_1 = arith.muli %add3A_0, %mul3A : i32
    %add3A_2 = arith.addi %arg1, %mul3A_1 : i32
    %dma_start3A = arith.constant 0 : i32
    %dma_start3A_3 = tpu.memref_slice %arg3[%add3A_2, %dma_start3A] : memref<2500x128xi32, #tpu.memory_space<hbm>> -> memref<1x128xi32, #tpu.memory_space<hbm>>
    %dma_start3A_4 = arith.constant 0 : i32
    %dma_start3A_5 = tpu.memref_slice %arg3[%add3A_2, %dma_start3A_4] : memref<2500x128xi32, #tpu.memory_space<hbm>> -> memref<1x128xi32, #tpu.memory_space<hbm>>
    tpu.enqueue_dma source(%dma_start3A_5 : memref<1x128xi32, #tpu.memory_space<hbm>>) target(%arg7 : memref<1x128xi32, #tpu.memory_space<vmem>>) target_semaphore(%arg11 : memref<!tpu.dma_semaphore, #tpu.memory_space<semaphore_mem>>)
    %mul3A_6 = arith.constant 128 : i32
    %mul3A_7 = arith.muli %add3A_2, %mul3A_6 : i32
    %dma_start3A_8 = arith.constant 0 : i32
    %dma_start3A_9 = tpu.memref_slice %arg2[%mul3A_7, %dma_start3A_8] : memref<320000x128xf32, #tpu.memory_space<hbm>> -> memref<128x128xf32, #tpu.memory_space<hbm>>
    %dma_start3A_10 = arith.constant 0 : i32
    %dma_start3A_11 = tpu.memref_slice %arg2[%mul3A_7, %dma_start3A_10] : memref<320000x128xf32, #tpu.memory_space<hbm>> -> memref<128x128xf32, #tpu.memory_space<hbm>>
    tpu.enqueue_dma source(%dma_start3A_11 : memref<128x128xf32, #tpu.memory_space<hbm>>) target(%arg9 : memref<128x128xf32, #tpu.memory_space<vmem>>) target_semaphore(%arg13 : memref<!tpu.dma_semaphore, #tpu.memory_space<semaphore_mem>>)
    %add3A_12 = arith.constant 2 : i32
    %add3A_13 = arith.addi %add3A_12, %arg0 : i32
    %mul3A_14 = arith.constant 16 : i32
    %mul3A_15 = arith.muli %add3A_13, %mul3A_14 : i32
    %add3A_16 = arith.addi %arg1, %mul3A_15 : i32
    %dma_start3A_17 = arith.constant 0 : i32
    %dma_start3A_18 = tpu.memref_slice %arg3[%add3A_16, %dma_start3A_17] : memref<2500x128xi32, #tpu.memory_space<hbm>> -> memref<1x128xi32, #tpu.memory_space<hbm>>
    %dma_start3A_19 = arith.constant 0 : i32
    %dma_start3A_20 = tpu.memref_slice %arg3[%add3A_16, %dma_start3A_19] : memref<2500x128xi32, #tpu.memory_space<hbm>> -> memref<1x128xi32, #tpu.memory_space<hbm>>
    tpu.enqueue_dma source(%dma_start3A_20 : memref<1x128xi32, #tpu.memory_space<hbm>>) target(%arg8 : memref<1x128xi32, #tpu.memory_space<vmem>>) target_semaphore(%arg12 : memref<!tpu.dma_semaphore, #tpu.memory_space<semaphore_mem>>)
    %mul3A_21 = arith.constant 128 : i32
    %mul3A_22 = arith.muli %add3A_16, %mul3A_21 : i32
    %dma_start3A_23 = arith.constant 0 : i32
    %dma_start3A_24 = tpu.memref_slice %arg2[%mul3A_22, %dma_start3A_23] : memref<320000x128xf32, #tpu.memory_space<hbm>> -> memref<128x128xf32, #tpu.memory_space<hbm>>
    %dma_start3A_25 = arith.constant 0 : i32
    %dma_start3A_26 = tpu.memref_slice %arg2[%mul3A_22, %dma_start3A_25] : memref<320000x128xf32, #tpu.memory_space<hbm>> -> memref<128x128xf32, #tpu.memory_space<hbm>>
    tpu.enqueue_dma source(%dma_start3A_26 : memref<128x128xf32, #tpu.memory_space<hbm>>) target(%arg10 : memref<128x128xf32, #tpu.memory_space<vmem>>) target_semaphore(%arg14 : memref<!tpu.dma_semaphore, #tpu.memory_space<semaphore_mem>>)
    %scan3A = arith.constant 0 : i32
    %scan3A_27 = arith.constant 8 : i32
    %scan3A_28 = arith.addi %scan3A, %scan3A_27 : i32
    %scan3A_29 = arith.constant 1 : i32
    scf.for %scan3A_42 = %scan3A to %scan3A_28 step %scan3A_29  : i32 {
      %mul3A_43 = arith.constant 1 : i32
      %mul3A_44 = arith.muli %scan3A_42, %mul3A_43 : i32
      %add3A_45 = arith.constant 0 : i32
      %add3A_46 = arith.addi %add3A_45, %mul3A_44 : i32
      %mul3A_47 = arith.constant 16 : i32
      %mul3A_48 = arith.muli %add3A_46, %mul3A_47 : i32
      %add3A_49 = arith.addi %arg1, %mul3A_48 : i32
      %lt3A = arith.constant 125 : i32
      %lt3A_50 = arith.cmpi slt, %add3A_49, %lt3A : i32
      %convert_element_type3A = arith.extui %lt3A_50 : i1 to i32
      %cond3A = arith.constant 0 : i32
      %cond3A_51 = arith.cmpi ne, %convert_element_type3A, %cond3A : i32
      scf.if %cond3A_51 {
        %mul3A_52 = arith.constant 80 : i32
        %mul3A_53 = arith.muli %add3A_49, %mul3A_52 : i32
        "tpu.region"() ({
          %run_scoped3A = tpu.sem_alloc : memref<!tpu.dma_semaphore, #tpu.memory_space<semaphore_mem>>
          %dma_start3A_54 = arith.constant 0 : i32
          %dma_start3A_55 = tpu.memref_slice %arg17[%mul3A_53, %dma_start3A_54] : memref<10000x128xf32, #tpu.memory_space<vmem_shared>> -> memref<80x128xf32, #tpu.memory_space<vmem_shared>>
          %dma_start3A_56 = arith.constant 0 : i32
          %dma_start3A_57 = tpu.memref_slice %arg4[%mul3A_53, %dma_start3A_56] : memref<10000x128xf32, #tpu.memory_space<hbm>> -> memref<80x128xf32, #tpu.memory_space<hbm>>
          tpu.enqueue_dma source(%dma_start3A_57 : memref<80x128xf32, #tpu.memory_space<hbm>>) target(%dma_start3A_55 : memref<80x128xf32, #tpu.memory_space<vmem_shared>>) target_semaphore(%run_scoped3A : memref<!tpu.dma_semaphore, #tpu.memory_space<semaphore_mem>>)
          %dma_wait3A = arith.constant 0 : i32
          %dma_wait3A_58 = tpu.memref_slice %arg17[%mul3A_53, %dma_wait3A] : memref<10000x128xf32, #tpu.memory_space<vmem_shared>> -> memref<80x128xf32, #tpu.memory_space<vmem_shared>>
          %dma_wait3A_59 = arith.constant 0 : i32
          %dma_wait3A_60 = tpu.memref_slice %arg4[%mul3A_53, %dma_wait3A_59] : memref<10000x128xf32, #tpu.memory_space<hbm>> -> memref<80x128xf32, #tpu.memory_space<hbm>>
          tpu.wait_dma2 semaphore(%run_scoped3A : memref<!tpu.dma_semaphore, #tpu.memory_space<semaphore_mem>>) src(%dma_wait3A_60 : memref<80x128xf32, #tpu.memory_space<hbm>>) dst(%dma_wait3A_58 : memref<80x128xf32, #tpu.memory_space<vmem_shared>>)
          tpu.yield
        }) : () -> ()
      } else {
      }
    }
    %scan3A_30 = arith.constant 8 : i32
    %barrier3A = arith.constant 0 : index
    tpu.barrier barrier_id(%barrier3A)
    %scan3A_31 = arith.constant 0 : i32
    %scan3A_32 = arith.constant 40 : i32
    %scan3A_33 = arith.addi %scan3A_31, %scan3A_32 : i32
    %scan3A_34 = arith.constant 1 : i32
    scf.for %scan3A_42 = %scan3A_31 to %scan3A_33 step %scan3A_34  : i32 {
      %mul3A_43 = arith.constant 1 : i32
      %mul3A_44 = arith.muli %scan3A_42, %mul3A_43 : i32
      %add3A_45 = arith.constant 0 : i32
      %add3A_46 = arith.addi %add3A_45, %mul3A_44 : i32
      %mul3A_47 = arith.constant 2 : i32
      %mul3A_48 = arith.muli %add3A_46, %mul3A_47 : i32
      %add3A_49 = arith.constant 0 : i32
      %add3A_50 = arith.addi %mul3A_48, %add3A_49 : i32
      %mul3A_51 = arith.constant 2 : i32
      %mul3A_52 = arith.muli %mul3A_51, %add3A_50 : i32
      %add3A_53 = arith.addi %mul3A_52, %arg0 : i32
      %mul3A_54 = arith.constant 16 : i32
      %mul3A_55 = arith.muli %add3A_53, %mul3A_54 : i32
      %add3A_56 = arith.addi %arg1, %mul3A_55 : i32
      %lt3A = arith.constant 2500 : i32
      %lt3A_57 = arith.cmpi slt, %add3A_56, %lt3A : i32
      %convert_element_type3A = arith.extui %lt3A_57 : i1 to i32
      %cond3A = arith.constant 0 : i32
      %cond3A_58 = arith.cmpi ne, %convert_element_type3A, %cond3A : i32
      scf.if %cond3A_58 {
        %dma_wait3A = arith.constant 0 : i32
        %dma_wait3A_74 = tpu.memref_slice %arg3[%add3A_56, %dma_wait3A] : memref<2500x128xi32, #tpu.memory_space<hbm>> -> memref<1x128xi32, #tpu.memory_space<hbm>>
        %dma_wait3A_75 = arith.constant 0 : i32
        %dma_wait3A_76 = tpu.memref_slice %arg3[%add3A_56, %dma_wait3A_75] : memref<2500x128xi32, #tpu.memory_space<hbm>> -> memref<1x128xi32, #tpu.memory_space<hbm>>
        tpu.wait_dma2 semaphore(%arg11 : memref<!tpu.dma_semaphore, #tpu.memory_space<semaphore_mem>>) src(%dma_wait3A_76 : memref<1x128xi32, #tpu.memory_space<hbm>>) dst(%arg7 : memref<1x128xi32, #tpu.memory_space<vmem>>)
        %mul3A_77 = arith.constant 128 : i32
        %mul3A_78 = arith.muli %add3A_56, %mul3A_77 : i32
        %dma_wait3A_79 = arith.constant 0 : i32
        %dma_wait3A_80 = tpu.memref_slice %arg2[%mul3A_78, %dma_wait3A_79] : memref<320000x128xf32, #tpu.memory_space<hbm>> -> memref<128x128xf32, #tpu.memory_space<hbm>>
        %dma_wait3A_81 = arith.constant 0 : i32
        %dma_wait3A_82 = tpu.memref_slice %arg2[%mul3A_78, %dma_wait3A_81] : memref<320000x128xf32, #tpu.memory_space<hbm>> -> memref<128x128xf32, #tpu.memory_space<hbm>>
        tpu.wait_dma2 semaphore(%arg13 : memref<!tpu.dma_semaphore, #tpu.memory_space<semaphore_mem>>) src(%dma_wait3A_82 : memref<128x128xf32, #tpu.memory_space<hbm>>) dst(%arg9 : memref<128x128xf32, #tpu.memory_space<vmem>>)
        %run_scoped3A = arith.constant 0 : i32
        "tpu.region"() ({
          %run_scoped3A_96 = tpu.sem_alloc : memref<!tpu.dma_semaphore, #tpu.memory_space<semaphore_mem>>
          %dma_start3A_97 = arith.constant 0 : i32
          %dma_start3A_98 = tpu.memref_slice %arg7[%run_scoped3A, %dma_start3A_97] : memref<1x128xi32, #tpu.memory_space<vmem>> -> memref<1x128xi32, #tpu.memory_space<vmem>>
          %dma_start3A_99 = tpu.memref_squeeze %dma_start3A_98 : memref<1x128xi32, #tpu.memory_space<vmem>> -> memref<128xi32, #tpu.memory_space<vmem>>
          %dma_start3A_100 = arith.constant 0 : i32
          %dma_start3A_101 = arith.constant 0 : i32
          %dma_start3A_102 = tpu.memref_slice %arg17[%dma_start3A_100, %dma_start3A_101] : memref<10000x128xf32, #tpu.memory_space<vmem_shared>> -> memref<10000x128xf32, #tpu.memory_space<vmem_shared>>
          tpu.enqueue_indirect_dma source(%arg9 : memref<128x128xf32, #tpu.memory_space<vmem>>) target(%dma_start3A_102 : memref<10000x128xf32, #tpu.memory_space<vmem_shared>>) offsets(%dma_start3A_99 : memref<128xi32, #tpu.memory_space<vmem>>) semaphore(%run_scoped3A_96 : memref<!tpu.dma_semaphore, #tpu.memory_space<semaphore_mem>>) {add = true}
          %dma_wait3A_103 = arith.constant 0 : i32
          %dma_wait3A_104 = tpu.memref_slice %arg7[%run_scoped3A, %dma_wait3A_103] : memref<1x128xi32, #tpu.memory_space<vmem>> -> memref<1x128xi32, #tpu.memory_space<vmem>>
          %dma_wait3A_105 = tpu.memref_squeeze %dma_wait3A_104 : memref<1x128xi32, #tpu.memory_space<vmem>> -> memref<128xi32, #tpu.memory_space<vmem>>
          %dma_wait3A_106 = arith.constant 0 : i32
          %dma_wait3A_107 = arith.constant 0 : i32
          %dma_wait3A_108 = tpu.memref_slice %arg17[%dma_wait3A_106, %dma_wait3A_107] : memref<10000x128xf32, #tpu.memory_space<vmem_shared>> -> memref<10000x128xf32, #tpu.memory_space<vmem_shared>>
          tpu.wait_indirect_dma semaphore(%run_scoped3A_96 : memref<!tpu.dma_semaphore, #tpu.memory_space<semaphore_mem>>) src(%arg9 : memref<128x128xf32, #tpu.memory_space<vmem>>) dst(%dma_wait3A_108 : memref<10000x128xf32, #tpu.memory_space<vmem_shared>>)
          tpu.yield
        }) : () -> ()
        %add3A_83 = arith.constant 2 : i32
        %add3A_84 = arith.addi %add3A_50, %add3A_83 : i32
        %mul3A_85 = arith.constant 2 : i32
        %mul3A_86 = arith.muli %mul3A_85, %add3A_84 : i32
        %add3A_87 = arith.addi %mul3A_86, %arg0 : i32
        %mul3A_88 = arith.constant 16 : i32
        %mul3A_89 = arith.muli %add3A_87, %mul3A_88 : i32
        %add3A_90 = arith.addi %arg1, %mul3A_89 : i32
        %lt3A_91 = arith.constant 2500 : i32
        %lt3A_92 = arith.cmpi slt, %add3A_90, %lt3A_91 : i32
        %convert_element_type3A_93 = arith.extui %lt3A_92 : i1 to i32
        %cond3A_94 = arith.constant 0 : i32
        %cond3A_95 = arith.cmpi ne, %convert_element_type3A_93, %cond3A_94 : i32
        scf.if %cond3A_95 {
          %dma_start3A_96 = arith.constant 0 : i32
          %dma_start3A_97 = tpu.memref_slice %arg3[%add3A_90, %dma_start3A_96] : memref<2500x128xi32, #tpu.memory_space<hbm>> -> memref<1x128xi32, #tpu.memory_space<hbm>>
          %dma_start3A_98 = arith.constant 0 : i32
          %dma_start3A_99 = tpu.memref_slice %arg3[%add3A_90, %dma_start3A_98] : memref<2500x128xi32, #tpu.memory_space<hbm>> -> memref<1x128xi32, #tpu.memory_space<hbm>>
          tpu.enqueue_dma source(%dma_start3A_99 : memref<1x128xi32, #tpu.memory_space<hbm>>) target(%arg7 : memref<1x128xi32, #tpu.memory_space<vmem>>) target_semaphore(%arg11 : memref<!tpu.dma_semaphore, #tpu.memory_space<semaphore_mem>>)
          %mul3A_100 = arith.constant 128 : i32
          %mul3A_101 = arith.muli %add3A_90, %mul3A_100 : i32
          %dma_start3A_102 = arith.constant 0 : i32
          %dma_start3A_103 = tpu.memref_slice %arg2[%mul3A_101, %dma_start3A_102] : memref<320000x128xf32, #tpu.memory_space<hbm>> -> memref<128x128xf32, #tpu.memory_space<hbm>>
          %dma_start3A_104 = arith.constant 0 : i32
          %dma_start3A_105 = tpu.memref_slice %arg2[%mul3A_101, %dma_start3A_104] : memref<320000x128xf32, #tpu.memory_space<hbm>> -> memref<128x128xf32, #tpu.memory_space<hbm>>
          tpu.enqueue_dma source(%dma_start3A_105 : memref<128x128xf32, #tpu.memory_space<hbm>>) target(%arg9 : memref<128x128xf32, #tpu.memory_space<vmem>>) target_semaphore(%arg13 : memref<!tpu.dma_semaphore, #tpu.memory_space<semaphore_mem>>)
        } else {
        }
      } else {
      }
      %mul3A_59 = arith.constant 2 : i32
      %mul3A_60 = arith.muli %add3A_46, %mul3A_59 : i32
      %add3A_61 = arith.constant 1 : i32
      %add3A_62 = arith.addi %mul3A_60, %add3A_61 : i32
      %mul3A_63 = arith.constant 2 : i32
      %mul3A_64 = arith.muli %mul3A_63, %add3A_62 : i32
      %add3A_65 = arith.addi %mul3A_64, %arg0 : i32
      %mul3A_66 = arith.constant 16 : i32
      %mul3A_67 = arith.muli %add3A_65, %mul3A_66 : i32
      %add3A_68 = arith.addi %arg1, %mul3A_67 : i32
      %lt3A_69 = arith.constant 2500 : i32
      %lt3A_70 = arith.cmpi slt, %add3A_68, %lt3A_69 : i32
      %convert_element_type3A_71 = arith.extui %lt3A_70 : i1 to i32
      %cond3A_72 = arith.constant 0 : i32
      %cond3A_73 = arith.cmpi ne, %convert_element_type3A_71, %cond3A_72 : i32
      scf.if %cond3A_73 {
        %dma_wait3A = arith.constant 0 : i32
        %dma_wait3A_74 = tpu.memref_slice %arg3[%add3A_68, %dma_wait3A] : memref<2500x128xi32, #tpu.memory_space<hbm>> -> memref<1x128xi32, #tpu.memory_space<hbm>>
        %dma_wait3A_75 = arith.constant 0 : i32
        %dma_wait3A_76 = tpu.memref_slice %arg3[%add3A_68, %dma_wait3A_75] : memref<2500x128xi32, #tpu.memory_space<hbm>> -> memref<1x128xi32, #tpu.memory_space<hbm>>
        tpu.wait_dma2 semaphore(%arg12 : memref<!tpu.dma_semaphore, #tpu.memory_space<semaphore_mem>>) src(%dma_wait3A_76 : memref<1x128xi32, #tpu.memory_space<hbm>>) dst(%arg8 : memref<1x128xi32, #tpu.memory_space<vmem>>)
        %mul3A_77 = arith.constant 128 : i32
        %mul3A_78 = arith.muli %add3A_68, %mul3A_77 : i32
        %dma_wait3A_79 = arith.constant 0 : i32
        %dma_wait3A_80 = tpu.memref_slice %arg2[%mul3A_78, %dma_wait3A_79] : memref<320000x128xf32, #tpu.memory_space<hbm>> -> memref<128x128xf32, #tpu.memory_space<hbm>>
        %dma_wait3A_81 = arith.constant 0 : i32
        %dma_wait3A_82 = tpu.memref_slice %arg2[%mul3A_78, %dma_wait3A_81] : memref<320000x128xf32, #tpu.memory_space<hbm>> -> memref<128x128xf32, #tpu.memory_space<hbm>>
        tpu.wait_dma2 semaphore(%arg14 : memref<!tpu.dma_semaphore, #tpu.memory_space<semaphore_mem>>) src(%dma_wait3A_82 : memref<128x128xf32, #tpu.memory_space<hbm>>) dst(%arg10 : memref<128x128xf32, #tpu.memory_space<vmem>>)
        %run_scoped3A = arith.constant 0 : i32
        "tpu.region"() ({
          %run_scoped3A_96 = tpu.sem_alloc : memref<!tpu.dma_semaphore, #tpu.memory_space<semaphore_mem>>
          %dma_start3A_97 = arith.constant 0 : i32
          %dma_start3A_98 = tpu.memref_slice %arg8[%run_scoped3A, %dma_start3A_97] : memref<1x128xi32, #tpu.memory_space<vmem>> -> memref<1x128xi32, #tpu.memory_space<vmem>>
          %dma_start3A_99 = tpu.memref_squeeze %dma_start3A_98 : memref<1x128xi32, #tpu.memory_space<vmem>> -> memref<128xi32, #tpu.memory_space<vmem>>
          %dma_start3A_100 = arith.constant 0 : i32
          %dma_start3A_101 = arith.constant 0 : i32
          %dma_start3A_102 = tpu.memref_slice %arg17[%dma_start3A_100, %dma_start3A_101] : memref<10000x128xf32, #tpu.memory_space<vmem_shared>> -> memref<10000x128xf32, #tpu.memory_space<vmem_shared>>
          tpu.enqueue_indirect_dma source(%arg10 : memref<128x128xf32, #tpu.memory_space<vmem>>) target(%dma_start3A_102 : memref<10000x128xf32, #tpu.memory_space<vmem_shared>>) offsets(%dma_start3A_99 : memref<128xi32, #tpu.memory_space<vmem>>) semaphore(%run_scoped3A_96 : memref<!tpu.dma_semaphore, #tpu.memory_space<semaphore_mem>>) {add = true}
          %dma_wait3A_103 = arith.constant 0 : i32
          %dma_wait3A_104 = tpu.memref_slice %arg8[%run_scoped3A, %dma_wait3A_103] : memref<1x128xi32, #tpu.memory_space<vmem>> -> memref<1x128xi32, #tpu.memory_space<vmem>>
          %dma_wait3A_105 = tpu.memref_squeeze %dma_wait3A_104 : memref<1x128xi32, #tpu.memory_space<vmem>> -> memref<128xi32, #tpu.memory_space<vmem>>
          %dma_wait3A_106 = arith.constant 0 : i32
          %dma_wait3A_107 = arith.constant 0 : i32
          %dma_wait3A_108 = tpu.memref_slice %arg17[%dma_wait3A_106, %dma_wait3A_107] : memref<10000x128xf32, #tpu.memory_space<vmem_shared>> -> memref<10000x128xf32, #tpu.memory_space<vmem_shared>>
          tpu.wait_indirect_dma semaphore(%run_scoped3A_96 : memref<!tpu.dma_semaphore, #tpu.memory_space<semaphore_mem>>) src(%arg10 : memref<128x128xf32, #tpu.memory_space<vmem>>) dst(%dma_wait3A_108 : memref<10000x128xf32, #tpu.memory_space<vmem_shared>>)
          tpu.yield
        }) : () -> ()
        %add3A_83 = arith.constant 2 : i32
        %add3A_84 = arith.addi %add3A_62, %add3A_83 : i32
        %mul3A_85 = arith.constant 2 : i32
        %mul3A_86 = arith.muli %mul3A_85, %add3A_84 : i32
        %add3A_87 = arith.addi %mul3A_86, %arg0 : i32
        %mul3A_88 = arith.constant 16 : i32
        %mul3A_89 = arith.muli %add3A_87, %mul3A_88 : i32
        %add3A_90 = arith.addi %arg1, %mul3A_89 : i32
        %lt3A_91 = arith.constant 2500 : i32
        %lt3A_92 = arith.cmpi slt, %add3A_90, %lt3A_91 : i32
        %convert_element_type3A_93 = arith.extui %lt3A_92 : i1 to i32
        %cond3A_94 = arith.constant 0 : i32
        %cond3A_95 = arith.cmpi ne, %convert_element_type3A_93, %cond3A_94 : i32
        scf.if %cond3A_95 {
          %dma_start3A_96 = arith.constant 0 : i32
          %dma_start3A_97 = tpu.memref_slice %arg3[%add3A_90, %dma_start3A_96] : memref<2500x128xi32, #tpu.memory_space<hbm>> -> memref<1x128xi32, #tpu.memory_space<hbm>>
          %dma_start3A_98 = arith.constant 0 : i32
          %dma_start3A_99 = tpu.memref_slice %arg3[%add3A_90, %dma_start3A_98] : memref<2500x128xi32, #tpu.memory_space<hbm>> -> memref<1x128xi32, #tpu.memory_space<hbm>>
          tpu.enqueue_dma source(%dma_start3A_99 : memref<1x128xi32, #tpu.memory_space<hbm>>) target(%arg8 : memref<1x128xi32, #tpu.memory_space<vmem>>) target_semaphore(%arg12 : memref<!tpu.dma_semaphore, #tpu.memory_space<semaphore_mem>>)
          %mul3A_100 = arith.constant 128 : i32
          %mul3A_101 = arith.muli %add3A_90, %mul3A_100 : i32
          %dma_start3A_102 = arith.constant 0 : i32
          %dma_start3A_103 = tpu.memref_slice %arg2[%mul3A_101, %dma_start3A_102] : memref<320000x128xf32, #tpu.memory_space<hbm>> -> memref<128x128xf32, #tpu.memory_space<hbm>>
          %dma_start3A_104 = arith.constant 0 : i32
          %dma_start3A_105 = tpu.memref_slice %arg2[%mul3A_101, %dma_start3A_104] : memref<320000x128xf32, #tpu.memory_space<hbm>> -> memref<128x128xf32, #tpu.memory_space<hbm>>
          tpu.enqueue_dma source(%dma_start3A_105 : memref<128x128xf32, #tpu.memory_space<hbm>>) target(%arg10 : memref<128x128xf32, #tpu.memory_space<vmem>>) target_semaphore(%arg14 : memref<!tpu.dma_semaphore, #tpu.memory_space<semaphore_mem>>)
        } else {
        }
      } else {
      }
    }
    %scan3A_35 = arith.constant 40 : i32
    %barrier3A_36 = arith.constant 0 : index
    tpu.barrier barrier_id(%barrier3A_36)
    %scan3A_37 = arith.constant 0 : i32
    %scan3A_38 = arith.constant 8 : i32
    %scan3A_39 = arith.addi %scan3A_37, %scan3A_38 : i32
    %scan3A_40 = arith.constant 1 : i32
    scf.for %scan3A_42 = %scan3A_37 to %scan3A_39 step %scan3A_40  : i32 {
      %mul3A_43 = arith.constant 1 : i32
      %mul3A_44 = arith.muli %scan3A_42, %mul3A_43 : i32
      %add3A_45 = arith.constant 0 : i32
      %add3A_46 = arith.addi %add3A_45, %mul3A_44 : i32
      %mul3A_47 = arith.constant 16 : i32
      %mul3A_48 = arith.muli %add3A_46, %mul3A_47 : i32
      %add3A_49 = arith.addi %arg1, %mul3A_48 : i32
      %lt3A = arith.constant 125 : i32
      %lt3A_50 = arith.cmpi slt, %add3A_49, %lt3A : i32
      %convert_element_type3A = arith.extui %lt3A_50 : i1 to i32
      %cond3A = arith.constant 0 : i32
      %cond3A_51 = arith.cmpi ne, %convert_element_type3A, %cond3A : i32
      scf.if %cond3A_51 {
        %mul3A_52 = arith.constant 80 : i32
        %mul3A_53 = arith.muli %add3A_49, %mul3A_52 : i32
        "tpu.region"() ({
          %run_scoped3A = tpu.sem_alloc : memref<!tpu.dma_semaphore, #tpu.memory_space<semaphore_mem>>
          %dma_start3A_63 = arith.constant 0 : i32
          %dma_start3A_64 = arith.constant 0 : i32
          %dma_start3A_65 = tpu.memref_slice %arg9[%dma_start3A_63, %dma_start3A_64] : memref<128x128xf32, #tpu.memory_space<vmem>> -> memref<80x128xf32, #tpu.memory_space<vmem>>
          %dma_start3A_66 = arith.constant 0 : i32
          %dma_start3A_67 = tpu.memref_slice %arg17[%mul3A_53, %dma_start3A_66] : memref<10000x128xf32, #tpu.memory_space<vmem_shared>> -> memref<80x128xf32, #tpu.memory_space<vmem_shared>>
          %dma_start3A_68 = arith.constant 0 : i32
          %dma_start3A_69 = arith.constant 0 : i32
          %dma_start3A_70 = tpu.memref_slice %arg9[%dma_start3A_68, %dma_start3A_69] : memref<128x128xf32, #tpu.memory_space<vmem>> -> memref<80x128xf32, #tpu.memory_space<vmem>>
          %dma_start3A_71 = arith.constant 0 : i32
          %dma_start3A_72 = tpu.memref_slice %arg17[%mul3A_53, %dma_start3A_71] : memref<10000x128xf32, #tpu.memory_space<vmem_shared>> -> memref<80x128xf32, #tpu.memory_space<vmem_shared>>
          tpu.enqueue_dma source(%dma_start3A_72 : memref<80x128xf32, #tpu.memory_space<vmem_shared>>) target(%dma_start3A_70 : memref<80x128xf32, #tpu.memory_space<vmem>>) target_semaphore(%run_scoped3A : memref<!tpu.dma_semaphore, #tpu.memory_space<semaphore_mem>>)
          %dma_wait3A = arith.constant 0 : i32
          %dma_wait3A_73 = arith.constant 0 : i32
          %dma_wait3A_74 = tpu.memref_slice %arg9[%dma_wait3A, %dma_wait3A_73] : memref<128x128xf32, #tpu.memory_space<vmem>> -> memref<80x128xf32, #tpu.memory_space<vmem>>
          %dma_wait3A_75 = arith.constant 0 : i32
          %dma_wait3A_76 = tpu.memref_slice %arg17[%mul3A_53, %dma_wait3A_75] : memref<10000x128xf32, #tpu.memory_space<vmem_shared>> -> memref<80x128xf32, #tpu.memory_space<vmem_shared>>
          %dma_wait3A_77 = arith.constant 0 : i32
          %dma_wait3A_78 = arith.constant 0 : i32
          %dma_wait3A_79 = tpu.memref_slice %arg9[%dma_wait3A_77, %dma_wait3A_78] : memref<128x128xf32, #tpu.memory_space<vmem>> -> memref<80x128xf32, #tpu.memory_space<vmem>>
          %dma_wait3A_80 = arith.constant 0 : i32
          %dma_wait3A_81 = tpu.memref_slice %arg17[%mul3A_53, %dma_wait3A_80] : memref<10000x128xf32, #tpu.memory_space<vmem_shared>> -> memref<80x128xf32, #tpu.memory_space<vmem_shared>>
          tpu.wait_dma2 semaphore(%run_scoped3A : memref<!tpu.dma_semaphore, #tpu.memory_space<semaphore_mem>>) src(%dma_wait3A_81 : memref<80x128xf32, #tpu.memory_space<vmem_shared>>) dst(%dma_wait3A_79 : memref<80x128xf32, #tpu.memory_space<vmem>>)
          tpu.yield
        }) : () -> ()
        %eq3A = arith.constant 0 : i32
        %eq3A_54 = arith.cmpi eq, %arg0, %eq3A : i32
        %convert_element_type3A_55 = arith.extui %eq3A_54 : i1 to i32
        %cond3A_56 = arith.constant 0 : i32
        %cond3A_57 = arith.cmpi ne, %convert_element_type3A_55, %cond3A_56 : i32
        scf.if %cond3A_57 {
          "tpu.region"() ({
            %run_scoped3A = tpu.sem_alloc : memref<!tpu.dma_semaphore, #tpu.memory_space<semaphore_mem>>
            %dma_start3A_63 = arith.constant 0 : i32
            %dma_start3A_64 = arith.constant 0 : i32
            %dma_start3A_65 = tpu.memref_slice %arg9[%dma_start3A_63, %dma_start3A_64] : memref<128x128xf32, #tpu.memory_space<vmem>> -> memref<80x128xf32, #tpu.memory_space<vmem>>
            %dma_start3A_66 = arith.constant 0 : i32
            %dma_start3A_67 = tpu.memref_slice %arg5[%mul3A_53, %dma_start3A_66] : memref<10000x128xf32, #tpu.memory_space<hbm>> -> memref<80x128xf32, #tpu.memory_space<hbm>>
            %dma_start3A_68 = arith.constant 0 : i32
            %dma_start3A_69 = tpu.memref_slice %arg5[%mul3A_53, %dma_start3A_68] : memref<10000x128xf32, #tpu.memory_space<hbm>> -> memref<80x128xf32, #tpu.memory_space<hbm>>
            %dma_start3A_70 = arith.constant 0 : i32
            %dma_start3A_71 = arith.constant 0 : i32
            %dma_start3A_72 = tpu.memref_slice %arg9[%dma_start3A_70, %dma_start3A_71] : memref<128x128xf32, #tpu.memory_space<vmem>> -> memref<80x128xf32, #tpu.memory_space<vmem>>
            tpu.enqueue_dma source(%dma_start3A_72 : memref<80x128xf32, #tpu.memory_space<vmem>>) target(%dma_start3A_69 : memref<80x128xf32, #tpu.memory_space<hbm>>) target_semaphore(%run_scoped3A : memref<!tpu.dma_semaphore, #tpu.memory_space<semaphore_mem>>)
            %dma_wait3A = arith.constant 0 : i32
            %dma_wait3A_73 = arith.constant 0 : i32
            %dma_wait3A_74 = tpu.memref_slice %arg9[%dma_wait3A, %dma_wait3A_73] : memref<128x128xf32, #tpu.memory_space<vmem>> -> memref<80x128xf32, #tpu.memory_space<vmem>>
            %dma_wait3A_75 = arith.constant 0 : i32
            %dma_wait3A_76 = tpu.memref_slice %arg5[%mul3A_53, %dma_wait3A_75] : memref<10000x128xf32, #tpu.memory_space<hbm>> -> memref<80x128xf32, #tpu.memory_space<hbm>>
            %dma_wait3A_77 = arith.constant 0 : i32
            %dma_wait3A_78 = tpu.memref_slice %arg5[%mul3A_53, %dma_wait3A_77] : memref<10000x128xf32, #tpu.memory_space<hbm>> -> memref<80x128xf32, #tpu.memory_space<hbm>>
            %dma_wait3A_79 = arith.constant 0 : i32
            %dma_wait3A_80 = arith.constant 0 : i32
            %dma_wait3A_81 = tpu.memref_slice %arg9[%dma_wait3A_79, %dma_wait3A_80] : memref<128x128xf32, #tpu.memory_space<vmem>> -> memref<80x128xf32, #tpu.memory_space<vmem>>
            tpu.wait_dma2 semaphore(%run_scoped3A : memref<!tpu.dma_semaphore, #tpu.memory_space<semaphore_mem>>) src(%dma_wait3A_81 : memref<80x128xf32, #tpu.memory_space<vmem>>) dst(%dma_wait3A_78 : memref<80x128xf32, #tpu.memory_space<hbm>>)
            tpu.yield
          }) : () -> ()
        } else {
        }
        %eq3A_58 = arith.constant 1 : i32
        %eq3A_59 = arith.cmpi eq, %arg0, %eq3A_58 : i32
        %convert_element_type3A_60 = arith.extui %eq3A_59 : i1 to i32
        %cond3A_61 = arith.constant 0 : i32
        %cond3A_62 = arith.cmpi ne, %convert_element_type3A_60, %cond3A_61 : i32
        scf.if %cond3A_62 {
          "tpu.region"() ({
            %run_scoped3A = tpu.sem_alloc : memref<!tpu.dma_semaphore, #tpu.memory_space<semaphore_mem>>
            %dma_start3A_63 = arith.constant 0 : i32
            %dma_start3A_64 = arith.constant 0 : i32
            %dma_start3A_65 = tpu.memref_slice %arg9[%dma_start3A_63, %dma_start3A_64] : memref<128x128xf32, #tpu.memory_space<vmem>> -> memref<80x128xf32, #tpu.memory_space<vmem>>
            %dma_start3A_66 = arith.constant 0 : i32
            %dma_start3A_67 = tpu.memref_slice %arg6[%mul3A_53, %dma_start3A_66] : memref<10000x128xf32, #tpu.memory_space<hbm>> -> memref<80x128xf32, #tpu.memory_space<hbm>>
            %dma_start3A_68 = arith.constant 0 : i32
            %dma_start3A_69 = tpu.memref_slice %arg6[%mul3A_53, %dma_start3A_68] : memref<10000x128xf32, #tpu.memory_space<hbm>> -> memref<80x128xf32, #tpu.memory_space<hbm>>
            %dma_start3A_70 = arith.constant 0 : i32
            %dma_start3A_71 = arith.constant 0 : i32
            %dma_start3A_72 = tpu.memref_slice %arg9[%dma_start3A_70, %dma_start3A_71] : memref<128x128xf32, #tpu.memory_space<vmem>> -> memref<80x128xf32, #tpu.memory_space<vmem>>
            tpu.enqueue_dma source(%dma_start3A_72 : memref<80x128xf32, #tpu.memory_space<vmem>>) target(%dma_start3A_69 : memref<80x128xf32, #tpu.memory_space<hbm>>) target_semaphore(%run_scoped3A : memref<!tpu.dma_semaphore, #tpu.memory_space<semaphore_mem>>)
            %dma_wait3A = arith.constant 0 : i32
            %dma_wait3A_73 = arith.constant 0 : i32
            %dma_wait3A_74 = tpu.memref_slice %arg9[%dma_wait3A, %dma_wait3A_73] : memref<128x128xf32, #tpu.memory_space<vmem>> -> memref<80x128xf32, #tpu.memory_space<vmem>>
            %dma_wait3A_75 = arith.constant 0 : i32
            %dma_wait3A_76 = tpu.memref_slice %arg6[%mul3A_53, %dma_wait3A_75] : memref<10000x128xf32, #tpu.memory_space<hbm>> -> memref<80x128xf32, #tpu.memory_space<hbm>>
            %dma_wait3A_77 = arith.constant 0 : i32
            %dma_wait3A_78 = tpu.memref_slice %arg6[%mul3A_53, %dma_wait3A_77] : memref<10000x128xf32, #tpu.memory_space<hbm>> -> memref<80x128xf32, #tpu.memory_space<hbm>>
            %dma_wait3A_79 = arith.constant 0 : i32
            %dma_wait3A_80 = arith.constant 0 : i32
            %dma_wait3A_81 = tpu.memref_slice %arg9[%dma_wait3A_79, %dma_wait3A_80] : memref<128x128xf32, #tpu.memory_space<vmem>> -> memref<80x128xf32, #tpu.memory_space<vmem>>
            tpu.wait_dma2 semaphore(%run_scoped3A : memref<!tpu.dma_semaphore, #tpu.memory_space<semaphore_mem>>) src(%dma_wait3A_81 : memref<80x128xf32, #tpu.memory_space<vmem>>) dst(%dma_wait3A_78 : memref<80x128xf32, #tpu.memory_space<hbm>>)
            tpu.yield
          }) : () -> ()
        } else {
        }
      } else {
      }
    }
    %scan3A_41 = arith.constant 8 : i32
    return
  }
}

module attributes {stable_mosaic.version = 14 : i64} {
  func.func @_node_pre_body(%arg0: i32, %arg1: memref<1000x128xf32, #tpu.memory_space<vmem>>, %arg2: memref<128x128xf32, #tpu.memory_space<vmem>>, %arg3: memref<128x128xf32, #tpu.memory_space<vmem>>, %arg4: memref<1000x128xf32, #tpu.memory_space<vmem>>, %arg5: memref<1000x128xf32, #tpu.memory_space<vmem>>) attributes {dimension_semantics = [#tpu.dimension_semantics<arbitrary>], iteration_bounds = array<i64: 10>, scalar_prefetch = 0 : i64, scratch_operands = 0 : i64, tpu.core_type = #tpu.core_type<tc>, window_params = [{transform_indices = @transform_0, window_bounds = array<i64: 1000, 128>}, {pipeline_mode = #tpu.pipeline_mode<synchronous>, transform_indices = @transform_1, window_bounds = array<i64: 128, 128>}, {pipeline_mode = #tpu.pipeline_mode<synchronous>, transform_indices = @transform_2, window_bounds = array<i64: 128, 128>}, {transform_indices = @transform_3, window_bounds = array<i64: 1000, 128>}, {transform_indices = @transform_4, window_bounds = array<i64: 1000, 128>}]} {
    %get3A = arith.constant 0 : index
    %get3A_0 = arith.constant 0 : index
    %get3A_1 = vector.load %arg1[%get3A, %get3A_0] : memref<1000x128xf32, #tpu.memory_space<vmem>>, vector<1000x128xf32>
    %get3A_2 = arith.constant 0 : index
    %get3A_3 = arith.constant 0 : index
    %get3A_4 = vector.load %arg2[%get3A_2, %get3A_3] : memref<128x128xf32, #tpu.memory_space<vmem>>, vector<128x128xf32>
    %dot_general3A = arith.constant dense<0.000000e+00> : vector<1000x128xf32>
    %dot_general3A_5 = tpu.matmul %get3A_1, %get3A_4, %dot_general3A {dimension_numbers = #tpu.dot_dimension_numbers<[1], [0], [0], [1], [0, 0, 1, 1], [], []>, transpose_lhs_hint = false} : vector<1000x128xf32>, vector<128x128xf32>, vector<1000x128xf32> -> vector<1000x128xf32>
    %swap3A = arith.constant 0 : index
    %swap3A_6 = arith.constant 0 : index
    %swap3A_7 = vector.load %arg4[%swap3A, %swap3A_6] : memref<1000x128xf32, #tpu.memory_space<vmem>>, vector<1000x128xf32>
    tpu.vector_store %arg4[%swap3A, %swap3A_6], %dot_general3A_5 {strides = array<i32>} : memref<1000x128xf32, #tpu.memory_space<vmem>>, vector<1000x128xf32>,
    %get3A_8 = arith.constant 0 : index
    %get3A_9 = arith.constant 0 : index
    %get3A_10 = vector.load %arg3[%get3A_8, %get3A_9] : memref<128x128xf32, #tpu.memory_space<vmem>>, vector<128x128xf32>
    %dot_general3A_11 = arith.constant dense<0.000000e+00> : vector<1000x128xf32>
    %dot_general3A_12 = tpu.matmul %get3A_1, %get3A_10, %dot_general3A_11 {dimension_numbers = #tpu.dot_dimension_numbers<[1], [0], [0], [1], [0, 0, 1, 1], [], []>, transpose_lhs_hint = false} : vector<1000x128xf32>, vector<128x128xf32>, vector<1000x128xf32> -> vector<1000x128xf32>
    %swap3A_13 = arith.constant 0 : index
    %swap3A_14 = arith.constant 0 : index
    %swap3A_15 = vector.load %arg5[%swap3A_13, %swap3A_14] : memref<1000x128xf32, #tpu.memory_space<vmem>>, vector<1000x128xf32>
    tpu.vector_store %arg5[%swap3A_13, %swap3A_14], %dot_general3A_12 {strides = array<i32>} : memref<1000x128xf32, #tpu.memory_space<vmem>>, vector<1000x128xf32>,
    return
  }
  func.func @transform_0(%arg0: i32) -> (i32, i32) {
    %c0_i32 = arith.constant 0 : i32
    %c0_i32_0 = arith.constant 0 : i32
    return %arg0, %c0_i32 : i32, i32
  }
  func.func @transform_1(%arg0: i32) -> (i32, i32) {
    %c0_i32 = arith.constant 0 : i32
    %c0_i32_0 = arith.constant 0 : i32
    %c0_i32_1 = arith.constant 0 : i32
    return %c0_i32, %c0_i32_0 : i32, i32
  }
  func.func @transform_2(%arg0: i32) -> (i32, i32) {
    %c0_i32 = arith.constant 0 : i32
    %c0_i32_0 = arith.constant 0 : i32
    %c0_i32_1 = arith.constant 0 : i32
    return %c0_i32, %c0_i32_0 : i32, i32
  }
  func.func @transform_3(%arg0: i32) -> (i32, i32) {
    %c0_i32 = arith.constant 0 : i32
    %c0_i32_0 = arith.constant 0 : i32
    return %arg0, %c0_i32 : i32, i32
  }
  func.func @transform_4(%arg0: i32) -> (i32, i32) {
    %c0_i32 = arith.constant 0 : i32
    %c0_i32_0 = arith.constant 0 : i32
    return %arg0, %c0_i32 : i32, i32
  }
}

module attributes {stable_mosaic.version = 14 : i64} {
  func.func @_h0_body(%arg0: i32, %arg1: memref<3200x128xf32, #tpu.memory_space<vmem>>, %arg2: memref<3200x16xf32, #tpu.memory_space<vmem>>, %arg3: memref<16x128xf32, #tpu.memory_space<vmem>>, %arg4: memref<1x1xf32, #tpu.memory_space<vmem>>, %arg5: memref<3200x128xf32, #tpu.memory_space<vmem>>) attributes {dimension_semantics = [#tpu.dimension_semantics<arbitrary>], iteration_bounds = array<i64: 100>, scalar_prefetch = 0 : i64, scratch_operands = 0 : i64, tpu.core_type = #tpu.core_type<tc>, window_params = [{transform_indices = @transform_0, window_bounds = array<i64: 3200, 128>}, {transform_indices = @transform_1, window_bounds = array<i64: 3200, 16>}, {pipeline_mode = #tpu.pipeline_mode<synchronous>, transform_indices = @transform_2, window_bounds = array<i64: 16, 128>}, {pipeline_mode = #tpu.pipeline_mode<synchronous>, transform_indices = @transform_3, window_bounds = array<i64: 1, 1>}, {transform_indices = @transform_4, window_bounds = array<i64: 3200, 128>}]} {
    %get3A = arith.constant 0 : index
    %get3A_0 = arith.constant 0 : index
    %get3A_1 = vector.load %arg4[%get3A, %get3A_0] : memref<1x1xf32, #tpu.memory_space<vmem>>, vector<1x1xf32>
    %get3A_2 = vector.extract %get3A_1[0, 0] : f32 from vector<1x1xf32>
    %get3A_3 = arith.constant 0 : index
    %get3A_4 = arith.constant 0 : index
    %get3A_5 = vector.load %arg1[%get3A_3, %get3A_4] : memref<3200x128xf32, #tpu.memory_space<vmem>>, vector<3200x128xf32>
    %get3A_6 = arith.constant 0 : index
    %get3A_7 = arith.constant 0 : index
    %get3A_8 = vector.load %arg2[%get3A_6, %get3A_7] : memref<3200x16xf32, #tpu.memory_space<vmem>>, vector<3200x16xf32>
    %get3A_9 = arith.constant 0 : index
    %get3A_10 = arith.constant 0 : index
    %get3A_11 = vector.load %arg3[%get3A_9, %get3A_10] : memref<16x128xf32, #tpu.memory_space<vmem>>, vector<16x128xf32>
    %dot_general3A = arith.constant dense<0.000000e+00> : vector<3200x128xf32>
    %dot_general3A_12 = tpu.matmul %get3A_8, %get3A_11, %dot_general3A {dimension_numbers = #tpu.dot_dimension_numbers<[1], [0], [0], [1], [0, 0, 1, 1], [], []>, transpose_lhs_hint = false} : vector<3200x16xf32>, vector<16x128xf32>, vector<3200x128xf32> -> vector<3200x128xf32>
    %add3A = arith.addf %get3A_5, %dot_general3A_12 : vector<3200x128xf32>
    %ge3A = arith.constant 0.000000e+00 : f32
    %ge3A_13 = vector.broadcast %ge3A : f32 to vector<3200x128xf32>
    %ge3A_14 = arith.cmpf oge, %add3A, %ge3A_13 : vector<3200x128xf32>
    %mul3A = vector.broadcast %get3A_2 : f32 to vector<3200x128xf32>
    %mul3A_15 = arith.mulf %mul3A, %add3A : vector<3200x128xf32>
    %select_n3A = arith.select %ge3A_14, %add3A, %mul3A_15 : vector<3200x128xi1>, vector<3200x128xf32>
    %swap3A = arith.constant 0 : index
    %swap3A_16 = arith.constant 0 : index
    %swap3A_17 = vector.load %arg5[%swap3A, %swap3A_16] : memref<3200x128xf32, #tpu.memory_space<vmem>>, vector<3200x128xf32>
    tpu.vector_store %arg5[%swap3A, %swap3A_16], %select_n3A {strides = array<i32>} : memref<3200x128xf32, #tpu.memory_space<vmem>>, vector<3200x128xf32>,
    return
  }
  func.func @transform_0(%arg0: i32) -> (i32, i32) {
    %c0_i32 = arith.constant 0 : i32
    %c0_i32_0 = arith.constant 0 : i32
    return %arg0, %c0_i32 : i32, i32
  }
  func.func @transform_1(%arg0: i32) -> (i32, i32) {
    %c0_i32 = arith.constant 0 : i32
    %c0_i32_0 = arith.constant 0 : i32
    return %arg0, %c0_i32 : i32, i32
  }
  func.func @transform_2(%arg0: i32) -> (i32, i32) {
    %c0_i32 = arith.constant 0 : i32
    %c0_i32_0 = arith.constant 0 : i32
    %c0_i32_1 = arith.constant 0 : i32
    return %c0_i32, %c0_i32_0 : i32, i32
  }
  func.func @transform_3(%arg0: i32) -> (i32, i32) {
    %c0_i32 = arith.constant 0 : i32
    %c0_i32_0 = arith.constant 0 : i32
    %c0_i32_1 = arith.constant 0 : i32
    return %c0_i32, %c0_i32_0 : i32, i32
  }
  func.func @transform_4(%arg0: i32) -> (i32, i32) {
    %c0_i32 = arith.constant 0 : i32
    %c0_i32_0 = arith.constant 0 : i32
    return %arg0, %c0_i32 : i32, i32
  }
}

module attributes {stable_mosaic.version = 14 : i64} {
  func.func @_round_body(%arg0: i32, %arg1: memref<3200x128xf32, #tpu.memory_space<vmem>>, %arg2: memref<3200x128xf32, #tpu.memory_space<vmem>>, %arg3: memref<3200x128xf32, #tpu.memory_space<vmem>>, %arg4: memref<128x128xf32, #tpu.memory_space<vmem>>, %arg5: memref<1x1xf32, #tpu.memory_space<vmem>>, %arg6: memref<3200x128xf32, #tpu.memory_space<vmem>>) attributes {dimension_semantics = [#tpu.dimension_semantics<arbitrary>], iteration_bounds = array<i64: 100>, scalar_prefetch = 0 : i64, scratch_operands = 0 : i64, tpu.core_type = #tpu.core_type<tc>, window_params = [{transform_indices = @transform_0, window_bounds = array<i64: 3200, 128>}, {transform_indices = @transform_1, window_bounds = array<i64: 3200, 128>}, {transform_indices = @transform_2, window_bounds = array<i64: 3200, 128>}, {pipeline_mode = #tpu.pipeline_mode<synchronous>, transform_indices = @transform_3, window_bounds = array<i64: 128, 128>}, {pipeline_mode = #tpu.pipeline_mode<synchronous>, transform_indices = @transform_4, window_bounds = array<i64: 1, 1>}, {transform_indices = @transform_5, window_bounds = array<i64: 3200, 128>}]} {
    %get3A = arith.constant 0 : index
    %get3A_0 = arith.constant 0 : index
    %get3A_1 = vector.load %arg5[%get3A, %get3A_0] : memref<1x1xf32, #tpu.memory_space<vmem>>, vector<1x1xf32>
    %get3A_2 = vector.extract %get3A_1[0, 0] : f32 from vector<1x1xf32>
    %get3A_3 = arith.constant 0 : index
    %get3A_4 = arith.constant 0 : index
    %get3A_5 = vector.load %arg1[%get3A_3, %get3A_4] : memref<3200x128xf32, #tpu.memory_space<vmem>>, vector<3200x128xf32>
    %get3A_6 = arith.constant 0 : index
    %get3A_7 = arith.constant 0 : index
    %get3A_8 = vector.load %arg2[%get3A_6, %get3A_7] : memref<3200x128xf32, #tpu.memory_space<vmem>>, vector<3200x128xf32>
    %sub3A = arith.subf %get3A_5, %get3A_8 : vector<3200x128xf32>
    %get3A_9 = arith.constant 0 : index
    %get3A_10 = arith.constant 0 : index
    %get3A_11 = vector.load %arg4[%get3A_9, %get3A_10] : memref<128x128xf32, #tpu.memory_space<vmem>>, vector<128x128xf32>
    %dot_general3A = arith.constant dense<0.000000e+00> : vector<3200x128xf32>
    %dot_general3A_12 = tpu.matmul %sub3A, %get3A_11, %dot_general3A {dimension_numbers = #tpu.dot_dimension_numbers<[1], [0], [0], [1], [0, 0, 1, 1], [], []>, transpose_lhs_hint = false} : vector<3200x128xf32>, vector<128x128xf32>, vector<3200x128xf32> -> vector<3200x128xf32>
    %get3A_13 = arith.constant 0 : index
    %get3A_14 = arith.constant 0 : index
    %get3A_15 = vector.load %arg3[%get3A_13, %get3A_14] : memref<3200x128xf32, #tpu.memory_space<vmem>>, vector<3200x128xf32>
    %add3A = arith.addf %dot_general3A_12, %get3A_15 : vector<3200x128xf32>
    %ge3A = arith.constant 0.000000e+00 : f32
    %ge3A_16 = vector.broadcast %ge3A : f32 to vector<3200x128xf32>
    %ge3A_17 = arith.cmpf oge, %add3A, %ge3A_16 : vector<3200x128xf32>
    %mul3A = vector.broadcast %get3A_2 : f32 to vector<3200x128xf32>
    %mul3A_18 = arith.mulf %mul3A, %add3A : vector<3200x128xf32>
    %select_n3A = arith.select %ge3A_17, %add3A, %mul3A_18 : vector<3200x128xi1>, vector<3200x128xf32>
    %swap3A = arith.constant 0 : index
    %swap3A_19 = arith.constant 0 : index
    %swap3A_20 = vector.load %arg6[%swap3A, %swap3A_19] : memref<3200x128xf32, #tpu.memory_space<vmem>>, vector<3200x128xf32>
    tpu.vector_store %arg6[%swap3A, %swap3A_19], %select_n3A {strides = array<i32>} : memref<3200x128xf32, #tpu.memory_space<vmem>>, vector<3200x128xf32>,
    return
  }
  func.func @transform_0(%arg0: i32) -> (i32, i32) {
    %c0_i32 = arith.constant 0 : i32
    %c0_i32_0 = arith.constant 0 : i32
    return %arg0, %c0_i32 : i32, i32
  }
  func.func @transform_1(%arg0: i32) -> (i32, i32) {
    %c0_i32 = arith.constant 0 : i32
    %c0_i32_0 = arith.constant 0 : i32
    return %arg0, %c0_i32 : i32, i32
  }
  func.func @transform_2(%arg0: i32) -> (i32, i32) {
    %c0_i32 = arith.constant 0 : i32
    %c0_i32_0 = arith.constant 0 : i32
    return %arg0, %c0_i32 : i32, i32
  }
  func.func @transform_3(%arg0: i32) -> (i32, i32) {
    %c0_i32 = arith.constant 0 : i32
    %c0_i32_0 = arith.constant 0 : i32
    %c0_i32_1 = arith.constant 0 : i32
    return %c0_i32, %c0_i32_0 : i32, i32
  }
  func.func @transform_4(%arg0: i32) -> (i32, i32) {
    %c0_i32 = arith.constant 0 : i32
    %c0_i32_0 = arith.constant 0 : i32
    %c0_i32_1 = arith.constant 0 : i32
    return %c0_i32, %c0_i32_0 : i32, i32
  }
  func.func @transform_5(%arg0: i32) -> (i32, i32) {
    %c0_i32 = arith.constant 0 : i32
    %c0_i32_0 = arith.constant 0 : i32
    return %arg0, %c0_i32 : i32, i32
  }
}

module attributes {stable_mosaic.version = 14 : i64} {
  func.func @_node_out_body(%arg0: i32, %arg1: memref<1000x128xf32, #tpu.memory_space<vmem>>, %arg2: memref<1000x128xf32, #tpu.memory_space<vmem>>, %arg3: memref<1000x128xf32, #tpu.memory_space<vmem>>, %arg4: memref<128x128xf32, #tpu.memory_space<vmem>>, %arg5: memref<1x128xf32, #tpu.memory_space<vmem>>, %arg6: memref<1x1xf32, #tpu.memory_space<vmem>>, %arg7: memref<1x128xf32, #tpu.memory_space<vmem>>) attributes {dimension_semantics = [#tpu.dimension_semantics<arbitrary>], iteration_bounds = array<i64: 10>, scalar_prefetch = 0 : i64, scratch_operands = 0 : i64, tpu.core_type = #tpu.core_type<tc>, window_params = [{transform_indices = @transform_0, window_bounds = array<i64: 1000, 128>}, {transform_indices = @transform_1, window_bounds = array<i64: 1000, 128>}, {transform_indices = @transform_2, window_bounds = array<i64: 1000, 128>}, {pipeline_mode = #tpu.pipeline_mode<synchronous>, transform_indices = @transform_3, window_bounds = array<i64: 128, 128>}, {pipeline_mode = #tpu.pipeline_mode<synchronous>, transform_indices = @transform_4, window_bounds = array<i64: 1, 128>}, {pipeline_mode = #tpu.pipeline_mode<synchronous>, transform_indices = @transform_5, window_bounds = array<i64: 1, 1>}, {pipeline_mode = #tpu.pipeline_mode<synchronous>, transform_indices = @transform_6, window_bounds = array<i64: 1, 128>}]} {
    %get3A = arith.constant 0 : index
    %get3A_0 = arith.constant 0 : index
    %get3A_1 = vector.load %arg6[%get3A, %get3A_0] : memref<1x1xf32, #tpu.memory_space<vmem>>, vector<1x1xf32>
    %get3A_2 = vector.extract %get3A_1[0, 0] : f32 from vector<1x1xf32>
    %get3A_3 = arith.constant 0 : index
    %get3A_4 = arith.constant 0 : index
    %get3A_5 = vector.load %arg2[%get3A_3, %get3A_4] : memref<1000x128xf32, #tpu.memory_space<vmem>>, vector<1000x128xf32>
    %get3A_6 = arith.constant 0 : index
    %get3A_7 = arith.constant 0 : index
    %get3A_8 = vector.load %arg3[%get3A_6, %get3A_7] : memref<1000x128xf32, #tpu.memory_space<vmem>>, vector<1000x128xf32>
    %add3A = arith.addf %get3A_5, %get3A_8 : vector<1000x128xf32>
    %get3A_9 = arith.constant 0 : index
    %get3A_10 = arith.constant 0 : index
    %get3A_11 = vector.load %arg1[%get3A_9, %get3A_10] : memref<1000x128xf32, #tpu.memory_space<vmem>>, vector<1000x128xf32>
    %get3A_12 = arith.constant 0 : index
    %get3A_13 = arith.constant 0 : index
    %get3A_14 = vector.load %arg4[%get3A_12, %get3A_13] : memref<128x128xf32, #tpu.memory_space<vmem>>, vector<128x128xf32>
    %dot_general3A = arith.constant dense<0.000000e+00> : vector<1000x128xf32>
    %dot_general3A_15 = tpu.matmul %add3A, %get3A_14, %dot_general3A {dimension_numbers = #tpu.dot_dimension_numbers<[1], [0], [0], [1], [0, 0, 1, 1], [], []>, transpose_lhs_hint = false} : vector<1000x128xf32>, vector<128x128xf32>, vector<1000x128xf32> -> vector<1000x128xf32>
    %add3A_16 = arith.addf %get3A_11, %dot_general3A_15 : vector<1000x128xf32>
    %get3A_17 = arith.constant 0 : index
    %get3A_18 = arith.constant 0 : index
    %get3A_19 = vector.load %arg5[%get3A_17, %get3A_18] : memref<1x128xf32, #tpu.memory_space<vmem>>, vector<1x128xf32>
    %add3A_20 = vector.broadcast %get3A_19 : vector<1x128xf32> to vector<1000x128xf32>
    %add3A_21 = arith.addf %add3A_16, %add3A_20 : vector<1000x128xf32>
    %ge3A = arith.constant 0.000000e+00 : f32
    %ge3A_22 = vector.broadcast %ge3A : f32 to vector<1000x128xf32>
    %ge3A_23 = arith.cmpf oge, %add3A_21, %ge3A_22 : vector<1000x128xf32>
    %mul3A = vector.broadcast %get3A_2 : f32 to vector<1000x128xf32>
    %mul3A_24 = arith.mulf %mul3A, %add3A_21 : vector<1000x128xf32>
    %select_n3A = arith.select %ge3A_23, %add3A_21, %mul3A_24 : vector<1000x128xi1>, vector<1000x128xf32>
    %reduce_sum3A = arith.constant dense<0.000000e+00> : vector<128xf32>
    %reduce_sum3A_25 = vector.multi_reduction <add>, %select_n3A, %reduce_sum3A [0] : vector<1000x128xf32> to vector<128xf32>
    %broadcast_in_dim3A = vector.shape_cast %reduce_sum3A_25 : vector<128xf32> to vector<1x128xf32>
    %eq3A = arith.constant 0 : i32
    %eq3A_26 = arith.cmpi eq, %arg0, %eq3A : i32
    %convert_element_type3A = arith.extui %eq3A_26 : i1 to i32
    %cond3A = arith.constant 0 : i32
    %cond3A_27 = arith.cmpi ne, %convert_element_type3A, %cond3A : i32
    scf.if %cond3A_27 {
      %broadcast_in_dim3A_34 = arith.constant 0.000000e+00 : f32
      %broadcast_in_dim3A_35 = vector.broadcast %broadcast_in_dim3A_34 : f32 to vector<1x128xf32>
      %swap3A_36 = arith.constant 0 : index
      %swap3A_37 = arith.constant 0 : index
      %swap3A_38 = vector.load %arg7[%swap3A_36, %swap3A_37] : memref<1x128xf32, #tpu.memory_space<vmem>>, vector<1x128xf32>
      tpu.vector_store %arg7[%swap3A_36, %swap3A_37], %broadcast_in_dim3A_35 {strides = array<i32>} : memref<1x128xf32, #tpu.memory_space<vmem>>, vector<1x128xf32>,
    } else {
    }
    %get3A_28 = arith.constant 0 : index
    %get3A_29 = arith.constant 0 : index
    %get3A_30 = vector.load %arg7[%get3A_28, %get3A_29] : memref<1x128xf32, #tpu.memory_space<vmem>>, vector<1x128xf32>
    %add3A_31 = arith.addf %get3A_30, %broadcast_in_dim3A : vector<1x128xf32>
    %swap3A = arith.constant 0 : index
    %swap3A_32 = arith.constant 0 : index
    %swap3A_33 = vector.load %arg7[%swap3A, %swap3A_32] : memref<1x128xf32, #tpu.memory_space<vmem>>, vector<1x128xf32>
    tpu.vector_store %arg7[%swap3A, %swap3A_32], %add3A_31 {strides = array<i32>} : memref<1x128xf32, #tpu.memory_space<vmem>>, vector<1x128xf32>,
    return
  }
  func.func @transform_0(%arg0: i32) -> (i32, i32) {
    %c0_i32 = arith.constant 0 : i32
    %c0_i32_0 = arith.constant 0 : i32
    return %arg0, %c0_i32 : i32, i32
  }
  func.func @transform_1(%arg0: i32) -> (i32, i32) {
    %c0_i32 = arith.constant 0 : i32
    %c0_i32_0 = arith.constant 0 : i32
    return %arg0, %c0_i32 : i32, i32
  }
  func.func @transform_2(%arg0: i32) -> (i32, i32) {
    %c0_i32 = arith.constant 0 : i32
    %c0_i32_0 = arith.constant 0 : i32
    return %arg0, %c0_i32 : i32, i32
  }
  func.func @transform_3(%arg0: i32) -> (i32, i32) {
    %c0_i32 = arith.constant 0 : i32
    %c0_i32_0 = arith.constant 0 : i32
    %c0_i32_1 = arith.constant 0 : i32
    return %c0_i32, %c0_i32_0 : i32, i32
  }
  func.func @transform_4(%arg0: i32) -> (i32, i32) {
    %c0_i32 = arith.constant 0 : i32
    %c0_i32_0 = arith.constant 0 : i32
    %c0_i32_1 = arith.constant 0 : i32
    return %c0_i32, %c0_i32_0 : i32, i32
  }
  func.func @transform_5(%arg0: i32) -> (i32, i32) {
    %c0_i32 = arith.constant 0 : i32
    %c0_i32_0 = arith.constant 0 : i32
    %c0_i32_1 = arith.constant 0 : i32
    return %c0_i32, %c0_i32_0 : i32, i32
  }
  func.func @transform_6(%arg0: i32) -> (i32, i32) {
    %c0_i32 = arith.constant 0 : i32
    %c0_i32_0 = arith.constant 0 : i32
    %c0_i32_1 = arith.constant 0 : i32
    return %c0_i32, %c0_i32_0 : i32, i32
  }
}

</mosaic_0001>

<sc_bundles>
// kernel: kernel.13.cloned.1.call-start
scs
__scs_entry_jumppad:
0x0: {  	(pc) =	sbr.rel $0x88, $3  }
0x1: {  	(tag) =	ssettag $0x0;
	lr =	simm.s32 $0x1  }
0x2: {  	[smem:$0x3F8A] =	sst lr;
	_ =	strace $0xD0000000  }
0x3: {  	_ = 	snop  }
0x4: {  	_ = 	snop  }
0x5: {  	_ = 	snop  }
0x6: {  	_ = 	snop  }
0x7: {  	_ = 	snop  }
__scs_overlays_trampoline_lowered:
0x8: {  	[smem:$0x3F99] =	sst s0  }
0x9: {  	[smem:$0x3F9A] =	sst s1  }
0xa: {  	[smem:$0x3F9B] =	sst s2  }
0xb: {  	[smem:$0x3F9C] =	sst s3  }
0xc: {  	[smem:$0x3F9D] =	sst s4  }
0xd: {  	[smem:$0x3F9E] =	sst s5  }
0xe: {  	[smem:$0x3F9F] =	sst s6  }
0xf: {  	[smem:$0x3FA0] =	sst s7  }
0x10: {  	[smem:$0x3FA1] =	sst s8  }
0x11: {  	[smem:$0x3FA2] =	sst s9;
	s0 =	simm.s32 @!p0 $0x0  }
0x12: {  	s1 =	sld [smem:$0x3F88];
	s0 =	simm.s32 @p0 $0x1  }
0x13: {  	[smem:$0x3FA3] =	sst s0;
	s0 =	simm.s32 @!p1 $0x0  }
0x14: {  	s2 =	sld [smem:$0x3F87];
	s0 =	simm.s32 @p1 $0x1  }
0x15: {  	[smem:$0x3FA4] =	sst s0;
	s0 =	simm.s32 @!p2 $0x0  }
0x16: {  	s3 =	sld [smem:$0x3FDB];
	s0 =	simm.s32 @p2 $0x1  }
0x17: {  	s4 =	simm.s32 $0x1BF5;
	[smem:$0x3FA6] =	sst s0  }
0x18: {  	s0 =	sld [smem:$0x3F89];
	_ =	swait.ge [sflag:s4], $0x0  }
0x19: {  	s7 =	sld [smem:$0x3F8A]  }
0x1a: {  	s8 =	sadd.s32 $0xFFFFE003, lr  }
0x1b: {  	s9 =	sadd.s32 $0xFFFFFEF7, lr;
	s5 =	simm.s32 $0xFFFFFFFF;
	p2 =	slt.u32 s8, $0xFFFFF086  }
0x1c: {  	p1 =	slt.u32 s9, $0xF7A;
	s5 =	simm.s32 @!p2 $0x0  }
0x1d: {  	s5 =	simm.s32 @p1 $0x1;
	p0 =	seq.s32 s7, s2  }
0x1e: {  	s7 =	smul.u32 @!p0 $0xF7A, s2;
	p2 =	seq.s32 @!p0 s5, $0x0  }
0x1f: {  	s9 =	smul.u32 $0xF7A, s1;
	s8 =	simm.s32 @!p0 $0x1BF5;
	p2 =	por !p2, p0  }
0x20: {  	[sflag:s8] =	ssyncset.s32 @!p0 $0xFFFFF086;
	s6 =	sadd.s32 @!p0 s3, s7;
	s7 =	simm.s32 @!p0 $0x108  }
0x21: {  	s3 =	sadd.s32 s3, s9;
	s6 =	sadd.s32 @!p0 $0x88, s6;
	s7 =	simm.s32 @p2 $0x1082  }
0x22: {  	[simem:s7], [sflag:s8] =	dma.local @!p0 [hbm:s6], $0xF7A  }
0x23: {  	s9 =	sor.u32 $0xD0000000, s2;
	s6 =	simm.s32 $0x108;
	_ =	swait.ge @!p0 [sflag:s8], $0x0  }
0x24: {  	s3 =	sadd.s32 $0x88, s3;
	s6 =	simm.s32 @!p1 $0x1082;
	[sflag:s4] =	ssyncset.s32 $0xFFFFF086  }
0x25: {  	[simem:s6], [sflag:s4] =	dma.local [hbm:s3], $0xF7A  }
0x26: {  	[smem:$0x3F8A] =	sst s1;
	(tag) =	ssettag s2;
	_ =	strace s9  }
0x27: {  	s1 =	sld [smem:$0x3F9A]  }
0x28: {  	s2 =	sld [smem:$0x3F9B]  }
0x29: {  	s4 =	sld [smem:$0x3F9D]  }
0x2a: {  	p0 =	seq.s32 s5, $0x0;
	s5 =	sld [smem:$0x3F9E]  }
0x2b: {  	s6 =	sld [smem:$0x3F9F]  }
0x2c: {  	s7 =	sld [smem:$0x3FA0]  }
0x2d: {  	s3 =	simm.s32 $0x108;
	s8 =	sld [smem:$0x3FA1]  }
0x2e: {  	s3 =	simm.s32 @!p0 $0x1082;
	s9 =	sld [smem:$0x3FA2]  }
0x2f: {  	lr =	sadd.s32 s0, s3;
	s0 =	sld [smem:$0x3F99]  }
0x30: {  	s3 =	sld [smem:$0x3F9C]  }
0x31: {  	[smem:$0x3FA5] =	sst s10  }
0x32: {  	s10 =	sld [smem:$0x3FA3];
	_ =	sdelay $0x3  }
0x33: {  	p0 =	seq.s32 s10, $0x1;
	s10 =	sld [smem:$0x3FA5];
	_ =	sdelay $0x3  }
0x34: {  	[smem:$0x3FA5] =	sst s10  }
0x35: {  	s10 =	sld [smem:$0x3FA4];
	_ =	sdelay $0x3  }
0x36: {  	p1 =	seq.s32 s10, $0x1;
	s10 =	sld [smem:$0x3FA5];
	_ =	sdelay $0x3  }
0x37: {  	[smem:$0x3FA5] =	sst s10  }
0x38: {  	s10 =	sld [smem:$0x3FA6]  }
0x39: {  	_ = 	snop;
	(pc) =	sbr.ind lr, $3  }
0x3a: {  	_ = 	snop  }
0x3b: {  	_ = 	snop  }
0x3c: {  	p2 =	seq.s32 s10, $0x1;
	s10 =	sld [smem:$0x3FA5]  }
0x3d: {  	_ =	shalt  }
0x3e: {  	_ =	shalt  }
0x3f: {  	_ =	shalt  }
0x40: {  	_ =	shalt  }
0x41: {  	_ =	shalt  }
0x42: {  	_ =	shalt  }
0x43: {  	_ =	shalt  }
0x44: {  	_ =	shalt  }
0x45: {  	_ =	shalt  }
0x46: {  	_ =	shalt  }
0x47: {  	_ =	shalt  }
0x48: {  	_ =	shalt  }
0x49: {  	_ =	shalt  }
0x4a: {  	_ =	shalt  }
0x4b: {  	_ =	shalt  }
0x4c: {  	_ =	shalt  }
0x4d: {  	_ =	shalt  }
0x4e: {  	_ =	shalt  }
0x4f: {  	_ =	shalt  }
0x50: {  	_ =	shalt  }
0x51: {  	_ =	shalt  }
0x52: {  	_ =	shalt  }
0x53: {  	_ =	shalt  }
0x54: {  	_ =	shalt  }
0x55: {  	_ =	shalt  }
0x56: {  	_ =	shalt  }
0x57: {  	_ =	shalt  }
0x58: {  	_ =	shalt  }
0x59: {  	_ =	shalt  }
0x5a: {  	_ =	shalt  }
0x5b: {  	_ =	shalt  }
0x5c: {  	_ =	shalt  }
0x5d: {  	_ =	shalt  }
0x5e: {  	_ =	shalt  }
0x5f: {  	_ =	shalt  }
0x60: {  	_ =	shalt  }
0x61: {  	_ =	shalt  }
0x62: {  	_ =	shalt  }
0x63: {  	_ =	shalt  }
0x64: {  	_ =	shalt  }
0x65: {  	_ =	shalt  }
0x66: {  	_ =	shalt  }
0x67: {  	_ =	shalt  }
0x68: {  	_ =	shalt  }
0x69: {  	_ =	shalt  }
0x6a: {  	_ =	shalt  }
0x6b: {  	_ =	shalt  }
0x6c: {  	_ =	shalt  }
0x6d: {  	_ =	shalt  }
0x6e: {  	_ =	shalt  }
0x6f: {  	_ =	shalt  }
0x70: {  	_ =	shalt  }
0x71: {  	_ =	shalt  }
0x72: {  	_ =	shalt  }
0x73: {  	_ =	shalt  }
0x74: {  	_ =	shalt  }
0x75: {  	_ =	shalt  }
0x76: {  	_ =	shalt  }
0x77: {  	_ =	shalt  }
0x78: {  	_ =	shalt  }
0x79: {  	_ =	shalt  }
0x7a: {  	_ =	shalt  }
0x7b: {  	_ =	shalt  }
0x7c: {  	_ =	shalt  }
0x7d: {  	_ =	shalt  }
0x7e: {  	_ =	shalt  }
0x7f: {  	_ =	shalt  }
0x80: {  	_ =	shalt  }
0x81: {  	_ =	shalt  }
0x82: {  	_ =	shalt  }
0x83: {  	_ =	shalt  }
0x84: {  	_ =	shalt  }
0x85: {  	_ =	shalt  }
0x86: {  	_ =	shalt  }
0x87: {  	_ =	shalt  }
.Lfunc_end0:
.L_simem_size_0:
called_computation_lowered:
.L_overlay_start_0:
0x88: {  	s2 =	sld [smem:$0x3FD9]  }
0x89: {  	s3 =	sld [smem:$0x3FFE];
	_ =	sdelay $0x1  }
0x8a: {  	s1 =	srdreg.scid  }
0x8b: {  	s0 =	sand.u32 $0x1, s1  }
0x8c: {  	s16 =	sshll.u32 s0, $0xA;
	s2 =	sadd.s32 s3, s2  }
0x8d: {  	s2 =	sadd.s32 s2, s16  }
0x8e: {  	[smem:$0x3FB1] =	sst s2  }
0x8f: {  	_ = 	snop  }
0x90: {  	(tm) =	ssettm $0x1  }
0x91: {  	s17 =	sld [smem:$0x3FFB];
	_ =	sdelay $0x3  }
0x92: {  	_ =	strace s17  }
0x93: {  	s2 =	sld [smem:$0x3FFC];
	_ =	sdelay $0x3  }
0x94: {  	_ =	strace s2  }
0x95: {  	s2 =	sld [smem:$0x3FFD];
	_ =	sdelay $0x3  }
0x96: {  	_ =	strace s2  }
0x97: {  	_ =	strace $0x8FFFFFFF  }
0x98: {  	s18 =	sld [smem:$0x3FDB];
	_ =	sdelay $0x1  }
0x99: {  	s19 =	simm.s32 $_scs_section_size  }
0x9a: {  	s4 =	simm.s32 $_size__tile_overlayer_lowered;
	s5 =	simm.s32 $_tile_overlayer_lowered  }
0x9b: {  	s22 =	simm.s32 $0x1BFF;
	s21 =	sshll.u32 s5, $0x1;
	s2 =	sadd.s32 s19, s18  }
0x9c: {  	s6 =	simm.s32 $0x0;
	s20 =	sshll.u32 s4, $0x1;
	s4 =	sadd.s32 s21, s2  }
0x9d: {  	[timem:s6], [sflag:s22] =	dma.local [hbm:s4], s20  }
0x9e: {  	_ =	swait.ge [sflag:s22], s20  }
0x9f: {  	s3 =	ssub.s32 $0x0, s20;
	[sflag:s22] =	ssyncset.done $0x0  }
0xa0: {  	[sflag:s22] =	ssyncadd.s32 s3;
	_ =	sdelay $0x1  }
0xa1: {  	s23 =	simm.s32 $0x1B8B  }
0xa2: {  	_ =	swait.ge [sflag:s23], $0x1  }
0xa3: {  	[sflag:s23] =	ssyncset.done $0x0  }
0xa4: {  	s25 =	simm.s32 $0x1B8E;
	s24 =	sld [smem:$0x3FFE];
	[sflag:s23] =	ssyncadd.s32 $0xFFFFFFFF  }
0xa5: {  	s26 =	simm.s32 $execute0_lowered;
	[smem:$0x3FD2] =	sst s25  }
0xa6: {  	s4 =	sshll.u32 s26, $0x1;
	_ =	strace $0x80000046;
	[dreg:$0x1] =	wrdreg $0xFFFFFFFF  }
0xa7: {  	s28 =	simm.s32 $_size_execute0_lowered;
	s2 =	sadd.s32 s2, s4;
	[dreg:$0x0] =	wrdreg $0x0  }
0xa8: {  	s4 =	sshll.u32 s28, $0x1;
	[dreg:$0x2] =	wrdreg s2  }
0xa9: {  	[dreg:$0x3] =	wrdreg s4  }
0xaa: {  	[dreg:$0x4] =	wrdreg $0xC0  }
0xab: {  	_ =	task [dreg:s6], $0x5FFFF  }
0xac: {  	[dreg:$0x1] =	wrdreg $0xFFFFFFFF  }
0xad: {  	[dreg:$0x0] =	wrdreg $0x60  }
0xae: {  	[dreg:$0x2] =	wrdreg s24  }
0xaf: {  	[dreg:$0x3] =	wrdreg $0x81000  }
0xb0: {  	[dreg:$0x4] =	wrdreg $0x9  }
0xb1: {  	_ =	task.clear_ibuf [dreg:s6], $0x5FFFF;
	_ =	strace $0x90000046  }
0xb2: {  	s29 =	simm.s32 $0x9;
	_ =	strace $0x80000048  }
0xb3: {  	_ =	swait.ge [sflag:s29], $0x1  }
0xb4: {  	[sflag:s29] =	ssyncadd.s32 $0xFFFFFFFF  }
0xb5: {  	_ =	strace $0x90000048  }
0xb6: {  	_ =	sfence  }
0xb7: {  	s30 =	sld [smem:$0x0];
	_ =	sdelay $0x2  }
0xb8: {  	s31 =	sshll.u32 s1, $0xD;
	s1 =	sshrl.u32 s1, $0x2  }
0xb9: {  	s3 =	sand.u32 $0x4000, s31;
	s1 =	sadd.s32 s1, s30  }
0xba: {  	s0 =	sor.u32 s3, s0;
	s1 =	sshll.u32 s1, $0x11  }
0xbb: {  	s0 =	sor.u32 s1, s0  }
0xbc: {  	s0 =	sadd.s32 $0x8F2B, s0  }
0xbd: {  	[sflag:s0] =	ssyncadd.remote.s32 $0x1  }
0xbe: {  	_ =	sfence.sel $0xFFFF  }
0xbf: {  	[dreg:$0x0] =	wrdreg $0xFFFFFFFF;
	(pc) =	sbr.abs _section_cstart, $3  }
0xc0: {  	[dreg:$0x1] =	wrdreg $0xFFFFFFFF  }
0xc1: {  	_ =	task.clear_ibuf [dreg:s6], $0x2FFFF;
	_ =	strace $0x9FFFFFFF  }
0xc2: {  	(tm) =	ssettm $0x7FFFFFFF  }
0xc3: {  	_ =	shalt  }
tec
execute0_lowered:
.L_overlay_start_1:
0x0: {  	(tag) =	ssettag $0x1  }
0x1: {  	s0 =	srdreg.scid  }
0x2: {  	s8 =	rddreg [dreg:$0x0];
	s20 =	stileid.u32  }
0x3: {  	s7 =	sand.u32 $0x1, s0;
	s6 =	smul.u32 $0x500, s20;
	s2 =	sor.u32 $0x10, s20  }
0x4: {  	s9 =	sadd.s32 $0x17800, s8;
	s3 =	sor.u32 $0x20, s20;
	s24 =	smul.u32 $0x500, s2  }
0x5: {  	s10 =	sadd.s32 $0xDA00, s8;
	s15 =	sor.u32 $0x30, s20;
	s11 =	smul.u32 $0x500, s3  }
0x6: {  	s5 =	sshll.u32 s20, $0x4;
	s4 =	sor.u32 $0x40, s20;
	s14 =	smul.u32 $0x500, s15  }
0x7: {  	s8 =	sadd.s32 $0x65C00, s8;
	s0 =	ssub.s32 $0x2, s7;
	s17 =	smul.u32 $0x500, s4  }
0x8: {  	s23 =	sshll.u32 s7, $0x4;
	s16 =	sand.u32 $0x70, s5;
	s2 =	smul.u32 $0xA000, s2  }
0x9: {  	s5 =	sor.u32 $0x50, s20;
	s7 =	sshll.u32 s7, $0xF;
	s3 =	smul.u32 $0xA000, s3  }
0xa: {  	s4 =	smul.u32 $0xA000, s4;
	s1 =	sshrl.u32 s0, $0x1;
	s12 =	sor.u32 s20, s23  }
0xb: {  	s6 =	sadd.s32 s9, s6;
	s18 =	smul.u32 $0x500, s5;
	s7 =	sadd.s32 s7, s8  }
0xc: {  	s5 =	smul.u32 $0xA000, s5;
	s0 =	ssub.s32 s0, s1;
	s13 =	sshll.u32 s12, $0x4  }
0xd: {  	[dreg:$0x3] =	wrdreg s6;
	s6 =	sor.u32 $0x60, s20;
	s1 =	sadd.s32 s9, s24  }
0xe: {  	s11 =	sadd.s32 s9, s11;
	s25 =	sadd.s32 s9, s14;
	[dreg:$0x4] =	wrdreg s1  }
0xf: {  	s21 =	sadd.s32 s9, s17;
	s2 =	sshrl.u32 s2, $0x2;
	[dreg:$0x5] =	wrdreg s11  }
0x10: {  	s3 =	sshrl.u32 s3, $0x2;
	s4 =	sshrl.u32 s4, $0x2;
	[dreg:$0x6] =	wrdreg s25  }
0x11: {  	s19 =	smul.u32 $0x500, s6;
	s1 =	sor.u32 $0x70, s20;
	[dreg:$0x7] =	wrdreg s21  }
0x12: {  	s22 =	sadd.s32 s9, s18;
	s24 =	sor.u32 $0x400, s13;
	s25 =	sor.u32 $0x600, s13  }
0x13: {  	s18 =	sand.u32 $0x180, s13;
	s13 =	sor.u32 $0x800, s13;
	s6 =	smul.u32 $0xA000, s6  }
0x14: {  	s0 =	smax.u32 s0, $0x1;
	s5 =	sshrl.u32 s5, $0x2;
	s26 =	smul.u32 $0x500, s1  }
0x15: {  	[dreg:$0x8] =	wrdreg s22;
	s11 =	sand.u32 $0x780, s25;
	s13 =	sand.u32 $0x980, s13  }
0x16: {  	s22 =	sshll.u32 s12, $0xB;
	s25 =	smul.u32 $0xA000, s20;
	p1 =	sgt.u32 s1, $0x7C  }
0x17: {  	s1 =	smul.u32 $0xA000, s1;
	s23 =	sadd.s32 s9, s19;
	s22 =	sadd.s32 s8, s22  }
0x18: {  	s6 =	sshrl.u32 s6, $0x2;
	[dreg:$0x9] =	wrdreg s23;
	s9 =	sadd.s32 s9, s26  }
0x19: {  	s26 =	sadd.s32 s10, s16;
	s23 =	sor.u32 $0x9C0, s12;
	s1 =	sshrl.u32 s1, $0x2  }
0x1a: {  	s28 =	smov.u32 s22;
	[dreg:$0xa] =	wrdreg s9;
	s9 =	sand.u32 $0x580, s24  }
0x1b: {  	s17 =	sadd.s32 s11, s26;
	s11 =	sor.u32 $0xA0, s12;
	s24 =	sshll.u32 s23, $0xB  }
0x1c: {  	p0 =	sgt.u32 s23, $0x9C3;
	s9 =	sadd.s32 s9, s26;
	[dreg:$0xc] =	wrdreg s17  }
0x1d: {  	s19 =	sshll.u32 s11, $0x4;
	s26 =	sshll.u32 s20, $0xB;
	[dreg:$0xb] =	wrdreg s9  }
0x1e: {  	s9 =	sor.u32 s16, s18;
	s14 =	sand.u32 $0xB80, s19;
	s19 =	rddreg [dreg:$0x1]  }
0x1f: {  	s7 =	sadd.s32 s26, s7;
	s18 =	smul.u32 $0xA000, s15;
	s17 =	sadd.s32 s10, s9  }
0x20: {  	s21 =	sadd.s32 s14, s10;
	s10 =	sadd.s32 s13, s10;
	s2 =	sadd.s32 s2, s19  }
0x21: {  	s3 =	sadd.s32 s3, s19;
	s4 =	sadd.s32 s4, s19;
	s5 =	sadd.s32 s5, s19  }
0x22: {  	s6 =	sadd.s32 s6, s19;
	s1 =	sadd.s32 s1, s19;
	s15 =	sadd.s32 $0x30000, s7  }
0x23: {  	s7 =	simm.s32 $0x3;
	s9 =	simm.s32 $0x0;
	s13 =	sadd.s32 s16, s21  }
0x24: {  	s14 =	sadd.s32 s16, s10;
	s16 =	simm.s32 $0x0;
	s10 =	sadd.s32 s8, s24  }
0x25: {  	s8 =	sshrl.u32 s25, $0x2;
	s21 =	sshll.u32 s20, $0x6;
	s23 =	sshrl.u32 s2, $0x3  }
0x26: {  	s24 =	sshrl.u32 s3, $0x3;
	s26 =	sshrl.u32 s4, $0x3;
	s29 =	sshrl.u32 s5, $0x3  }
0x27: {  	s30 =	sshrl.u32 s6, $0x3;
	s31 =	sshrl.u32 @!p1 s1, $0x3;
	s1 =	simm.s32 $0x5  }
0x28: {  	s2 =	simm.s32 $0x80;
	s3 =	simm.s32 $0x1;
	[dreg:$0xd] =	wrdreg s10  }
0x29: {  	s4 =	simm.s32 $0x100;
	s5 =	simm.s32 $0x2;
	[smem:$0x7FF] =	sst s16  }
0x2a: {  	s6 =	simm.s32 $0x4100;
	_ =	strace $0x80000047;
	[dreg:$0xe] =	wrdreg s0  }
0x2b: {  	s12 =	sadd.s32 s8, s19;
	s21 =	sor.u32 $0x1C05, s21;
	[dreg:$0x10] =	wrdreg s23  }
0x2c: {  	s8 =	sshrl.u32 s18, $0x2;
	s18 =	sadd.s32 $0x200, s17;
	[dreg:$0x11] =	wrdreg s24  }
0x2d: {  	s8 =	sadd.s32 s8, s19;
	s0 =	sshrl.u32 s12, $0x3;
	[dreg:$0x13] =	wrdreg s26  }
0x2e: {  	s26 =	smov.u32 s17;
	[dreg:$0xf] =	wrdreg s0;
	s25 =	sshrl.u32 s8, $0x3  }
0x2f: {  	s0 =	sadd.s32 $0x10000, s22;
	s8 =	simm.s32 $0x4;
	[dreg:$0x12] =	wrdreg s25  }
.LBB2_1:
0x30: {  	s10 =	rddreg [dreg:$0x3]  }
0x31: {  	s12 =	rddreg [dreg:$0xf]  }
0x32: {  	[spmem:s12], [sflag:s21] =	dma.local [hbm:s10], $0x500  }
0x33: {  	_ =	swait.ge [sflag:s1], $0x500  }
0x34: {  	[sflag:s1] =	ssyncset.done $0x0;
	s24 =	rddreg [dreg:$0x4]  }
0x35: {  	s25 =	rddreg [dreg:$0x10];
	[sflag:s1] =	ssyncadd.s32 $0xFFFFFB00  }
0x36: {  	[spmem:s25], [sflag:s21] =	dma.local [hbm:s24], $0x500  }
0x37: {  	_ =	swait.ge [sflag:s1], $0x500  }
0x38: {  	[sflag:s1] =	ssyncset.done $0x0;
	s17 =	rddreg [dreg:$0x5]  }
0x39: {  	s20 =	rddreg [dreg:$0x11];
	[sflag:s1] =	ssyncadd.s32 $0xFFFFFB00  }
0x3a: {  	[spmem:s20], [sflag:s21] =	dma.local [hbm:s17], $0x500  }
0x3b: {  	_ =	swait.ge [sflag:s1], $0x500  }
0x3c: {  	[sflag:s1] =	ssyncset.done $0x0;
	s22 =	rddreg [dreg:$0x6]  }
0x3d: {  	s23 =	rddreg [dreg:$0x12];
	[sflag:s1] =	ssyncadd.s32 $0xFFFFFB00  }
0x3e: {  	[spmem:s23], [sflag:s21] =	dma.local [hbm:s22], $0x500  }
0x3f: {  	_ =	swait.ge [sflag:s1], $0x500  }
0x40: {  	[sflag:s1] =	ssyncset.done $0x0;
	s24 =	rddreg [dreg:$0x7]  }
0x41: {  	s25 =	rddreg [dreg:$0x13];
	[sflag:s1] =	ssyncadd.s32 $0xFFFFFB00  }
0x42: {  	[spmem:s25], [sflag:s21] =	dma.local [hbm:s24], $0x500  }
0x43: {  	_ =	swait.ge [sflag:s1], $0x500  }
0x44: {  	[sflag:s1] =	ssyncset.done $0x0  }
0x45: {  	s17 =	rddreg [dreg:$0x8];
	[sflag:s1] =	ssyncadd.s32 $0xFFFFFB00  }
0x46: {  	[spmem:s29], [sflag:s21] =	dma.local [hbm:s17], $0x500  }
0x47: {  	_ =	swait.ge [sflag:s1], $0x500  }
0x48: {  	[sflag:s1] =	ssyncset.done $0x0  }
0x49: {  	s20 =	rddreg [dreg:$0x9];
	[sflag:s1] =	ssyncadd.s32 $0xFFFFFB00  }
0x4a: {  	[spmem:s30], [sflag:s21] =	dma.local [hbm:s20], $0x500  }
0x4b: {  	_ =	swait.ge [sflag:s1], $0x500  }
0x4c: {  	[sflag:s1] =	ssyncset.done $0x0  }
0x4d: {  	s10 =	rddreg [dreg:$0xa];
	[sflag:s1] =	ssyncadd.s32 $0xFFFFFB00  }
0x4e: {  	[spmem:s31], [sflag:s21] =	dma.local @!p1 [hbm:s10], $0x500  }
0x4f: {  	s10 =	simm.s32 @!p1 $0x5  }
0x50: {  	_ =	swait.ge @!p1 [sflag:s10], $0x500  }
0x51: {  	[sflag:s10] =	ssyncset.done @!p1 $0x0  }
0x52: {  	[sflag:s10] =	ssyncadd.s32 @!p1 $0xFFFFFB00  }
0x53: {  	[bflag:$0x0] =	sbarrier.arrive $0xFFFF  }
0x54: {  	[tilespmem:s16], [sflag:$0x1] =	stream.linear.gather [hbm4b:s26+s16], $0x80, $0x38;
	[tilespmem:$0x1B980] =	vst v63  }
0x55: {  	_ = 	snop  }
0x56: {  	[tilespmem:s2], [sflag:$0x2] =	stream.linear.gather [hbm4b:s18+s16], $0x80, $0x38;
	[tilespmem:$0x1B980] =	vst v63  }
0x57: {  	_ =	swait.ge [sflag:s3], $0x80  }
0x58: {  	[sflag:s3] =	ssyncset.done $0x0  }
0x59: {  	[sflag:s3] =	ssyncadd.s32 $0xFFFFFF80  }
0x5a: {  	[tilespmem:s4], [sflag:$0x5] =	stream.indirect.gather [spmem:s19], $0x80, s16, s2, $0xb8;
	[tilespmem:$0x1B980] =	vst v63  }
0x5b: {  	_ =	swait.ge [sflag:s1], $0x4000  }
0x5c: {  	[sflag:s1] =	ssyncset.done $0x0  }
0x5d: {  	[sflag:s1] =	ssyncadd.s32 $0xFFFFC000  }
0x5e: {  	[hbm4b:s28+s16] =	stream.linear.scatter [tilespmem:s4], [sflag:$0x3], $0x4000, $0x38;
	[tilespmem:$0x1B980] =	vst v63  }
0x5f: {  	s22 =	rddreg [dreg:$0xb]  }
0x60: {  	[tilespmem:s16], [sflag:$0x1] =	stream.linear.gather [hbm4b:s22+s16], $0x80, $0x38;
	[tilespmem:$0x1B980] =	vst v63  }
0x61: {  	_ =	swait.ge [sflag:s5], $0x80  }
0x62: {  	[sflag:s5] =	ssyncset.done $0x0  }
0x63: {  	[sflag:s5] =	ssyncadd.s32 $0xFFFFFF80  }
0x64: {  	[tilespmem:s6], [sflag:$0x5] =	stream.indirect.gather [spmem:s19], $0x80, s2, s2, $0xb8;
	[tilespmem:$0x1B980] =	vst v63  }
0x65: {  	_ =	swait.ge [sflag:s1], $0x4000  }
0x66: {  	[sflag:s1] =	ssyncset.done $0x0  }
0x67: {  	[sflag:s1] =	ssyncadd.s32 $0xFFFFC000  }
0x68: {  	[hbm4b:s0+s16] =	stream.linear.scatter [tilespmem:s6], [sflag:$0x4], $0x4000, $0x38;
	[tilespmem:$0x1B980] =	vst v63  }
0x69: {  	s23 =	rddreg [dreg:$0xc]  }
0x6a: {  	[tilespmem:s2], [sflag:$0x2] =	stream.linear.gather [hbm4b:s23+s16], $0x80, $0x38;
	[tilespmem:$0x1B980] =	vst v63  }
0x6b: {  	_ =	swait.ge [sflag:s7], $0x4000  }
0x6c: {  	[sflag:s7] =	ssyncset.done $0x0  }
0x6d: {  	[sflag:s7] =	ssyncadd.s32 $0xFFFFC000  }
0x6e: {  	_ =	swait.ge [sflag:s3], $0x80  }
0x6f: {  	[sflag:s3] =	ssyncset.done $0x0  }
0x70: {  	[sflag:s3] =	ssyncadd.s32 $0xFFFFFF80  }
0x71: {  	[tilespmem:s4], [sflag:$0x5] =	stream.indirect.gather [spmem:s19], $0x80, s16, s2, $0xb8;
	[tilespmem:$0x1B980] =	vst v63  }
0x72: {  	_ =	swait.ge [sflag:s1], $0x4000  }
0x73: {  	s24 =	sadd.s32 $0xFFFFFFE0, s11;
	[sflag:s1] =	ssyncset.done $0x0  }
0x74: {  	s25 =	sadd.s32 $0xFFFF0000, s15;
	p2 =	sgt.u32 s24, $0x9C3;
	[sflag:s1] =	ssyncadd.s32 $0xFFFFC000  }
0x75: {  	[hbm4b:s25+s16] =	stream.linear.scatter [tilespmem:s4], [sflag:$0x3], $0x4000, $0x38;
	[tilespmem:$0x1B980] =	vst v63  }
0x76: {  	s12 =	simm.s32 @!p2 $0x0;
	s10 =	sadd.s32 @!p2 $0x0, s14  }
0x77: {  	[tilespmem:s12], [sflag:$0x1] =	stream.linear.gather @!p2 [hbm4b:s10+s12], $0x80, $0x38;
	[tilespmem:$0x1B980] =	vst v63  }
0x78: {  	_ =	swait.ge [sflag:s8], $0x4000  }
0x79: {  	[sflag:s8] =	ssyncset.done $0x0  }
0x7a: {  	[sflag:s8] =	ssyncadd.s32 $0xFFFFC000  }
0x7b: {  	_ =	swait.ge [sflag:s5], $0x80  }
0x7c: {  	p3 =	sgt.u32 s11, $0x9C3;
	[sflag:s5] =	ssyncset.done $0x0  }
0x7d: {  	s24 =	simm.s32 @!p3 $0x80;
	[sflag:s5] =	ssyncadd.s32 $0xFFFFFF80  }
0x7e: {  	[tilespmem:s6], [sflag:$0x5] =	stream.indirect.gather [spmem:s19], $0x80, s2, s2, $0xb8;
	[tilespmem:$0x1B980] =	vst v63  }
0x7f: {  	s17 =	sadd.s32 $0x40, s11;
	s20 =	sadd.s32 @!p3 $0x0, s13;
	_ =	swait.ge [sflag:s1], $0x4000  }
0x80: {  	s22 =	smov.u32 s15;
	s23 =	simm.s32 @!p3 $0x0;
	[sflag:s1] =	ssyncset.done $0x0  }
0x81: {  	s10 =	simm.s32 $0x400;
	s12 =	sadd.s32 $0x20000, s15;
	[sflag:s1] =	ssyncadd.s32 $0xFFFFC000  }
.LBB2_2:
0x82: {  	[hbm4b:s22+s16] =	stream.linear.scatter [tilespmem:s6], [sflag:$0x4], $0x4000, $0x38;
	[tilespmem:$0x1B980] =	vst v63  }
0x83: {  	s25 =	smov.u32 s10;
	s10 =	sadd.s32 $0x400, s10;
	s22 =	smov.u32 s12  }
0x84: {  	[tilespmem:s24], [sflag:$0x2] =	stream.linear.gather @!p3 [hbm4b:s20+s23], $0x80, $0x38;
	[tilespmem:$0x1B980] =	vst v63  }
0x85: {  	p2 =	sne.s32 s10, $0x9800;
	_ =	swait.ge [sflag:s7], $0x4000  }
0x86: {  	[sflag:s7] =	ssyncset.done $0x0  }
0x87: {  	[sflag:s7] =	ssyncadd.s32 $0xFFFFC000  }
0x88: {  	_ =	swait.ge [sflag:s3], $0x80  }
0x89: {  	[sflag:s3] =	ssyncset.done $0x0  }
0x8a: {  	[sflag:s3] =	ssyncadd.s32 $0xFFFFFF80  }
0x8b: {  	[tilespmem:s4], [sflag:$0x5] =	stream.indirect.gather [spmem:s19], $0x80, s16, s2, $0xb8;
	[tilespmem:$0x1B980] =	vst v63  }
0x8c: {  	_ =	swait.ge [sflag:s1], $0x4000  }
0x8d: {  	s20 =	sadd.s32 $0xFFFF0000, s12;
	s23 =	sadd.s32 $0xFFFFFFE0, s17;
	[sflag:s1] =	ssyncset.done $0x0  }
0x8e: {  	p3 =	sgt.u32 s23, $0x9C3;
	[sflag:s1] =	ssyncadd.s32 $0xFFFFC000  }
0x8f: {  	[hbm4b:s20+s16] =	stream.linear.scatter [tilespmem:s4], [sflag:$0x3], $0x4000, $0x38;
	[tilespmem:$0x1B980] =	vst v63  }
0x90: {  	s23 =	simm.s32 @!p3 $0x0;
	s20 =	sadd.s32 @!p3 s25, s14  }
0x91: {  	[tilespmem:s23], [sflag:$0x1] =	stream.linear.gather @!p3 [hbm4b:s20+s23], $0x80, $0x38;
	[tilespmem:$0x1B980] =	vst v63  }
0x92: {  	_ =	swait.ge [sflag:s8], $0x4000  }
0x93: {  	[sflag:s8] =	ssyncset.done $0x0  }
0x94: {  	[sflag:s8] =	ssyncadd.s32 $0xFFFFC000  }
0x95: {  	_ =	swait.ge [sflag:s5], $0x80  }
0x96: {  	[sflag:s5] =	ssyncset.done $0x0  }
0x97: {  	[sflag:s5] =	ssyncadd.s32 $0xFFFFFF80  }
0x98: {  	[tilespmem:s6], [sflag:$0x5] =	stream.indirect.gather [spmem:s19], $0x80, s2, s2, $0xb8;
	[tilespmem:$0x1B980] =	vst v63  }
.Ltmp0:
0x99: {  	_ = 	snop;
	(pc) =	sbr.rel @p2 .LBB2_2-.Ltmp0, $4  }
0x9a: {  	_ =	swait.ge [sflag:s1], $0x4000  }
0x9b: {  	s12 =	sadd.s32 $0x20000, s12;
	[sflag:s1] =	ssyncset.done $0x0  }
0x9c: {  	p3 =	sgt.u32 s17, $0x9C3;
	s17 =	sadd.s32 $0x40, s17;
	[sflag:s1] =	ssyncadd.s32 $0xFFFFC000  }
0x9d: {  	s20 =	sadd.s32 @!p3 s25, s13;
	s23 =	simm.s32 @!p3 $0x0;
	s24 =	simm.s32 @!p3 $0x80  }
0x9e: {  	[hbm4b:s22+s16] =	stream.linear.scatter [tilespmem:s6], [sflag:$0x4], $0x4000, $0x38;
	[tilespmem:$0x1B980] =	vst v63  }
0x9f: {  	s10 =	simm.s32 @!p0 $0x3  }
0xa0: {  	[tilespmem:s24], [sflag:$0x2] =	stream.linear.gather @!p3 [hbm4b:s20+s23], $0x80, $0x38;
	[tilespmem:$0x1B980] =	vst v63  }
0xa1: {  	_ =	swait.ge @!p0 [sflag:s10], $0x4000  }
0xa2: {  	[sflag:s10] =	ssyncset.done @!p0 $0x0  }
0xa3: {  	[sflag:s10] =	ssyncadd.s32 @!p0 $0xFFFFC000;
	s10 =	simm.s32 @!p0 $0x1  }
0xa4: {  	_ =	swait.ge @!p0 [sflag:s10], $0x80  }
0xa5: {  	s12 =	simm.s32 @!p0 $0x0;
	[sflag:s10] =	ssyncset.done @!p0 $0x0  }
0xa6: {  	s17 =	simm.s32 @!p0 $0x100;
	[sflag:s10] =	ssyncadd.s32 @!p0 $0xFFFFFF80;
	s10 =	simm.s32 @!p0 $0x80  }
0xa7: {  	[tilespmem:s17], [sflag:$0x5] =	stream.indirect.gather @!p0 [spmem:s19], $0x80, s12, s10, $0xb8;
	[tilespmem:$0x1B980] =	vst v63  }
0xa8: {  	s10 =	simm.s32 @!p0 $0x5  }
0xa9: {  	_ =	swait.ge @!p0 [sflag:s10], $0x4000  }
0xaa: {  	[sflag:s10] =	ssyncset.done @!p0 $0x0  }
0xab: {  	[sflag:s10] =	ssyncadd.s32 @!p0 $0xFFFFC000;
	s10 =	rddreg [dreg:$0xd]  }
0xac: {  	[hbm4b:s10+s12] =	stream.linear.scatter @!p0 [tilespmem:s17], [sflag:$0x3], $0x4000, $0x38;
	[tilespmem:$0x1B980] =	vst v63  }
0xad: {  	_ =	swait.ge [sflag:s7], $0x4000  }
0xae: {  	[sflag:s7] =	ssyncset.done $0x0  }
0xaf: {  	[sflag:s7] =	ssyncadd.s32 $0xFFFFC000  }
0xb0: {  	_ =	swait.ge [sflag:s8], $0x4000  }
0xb1: {  	s9 =	sadd.s32 $0x1, s9;
	s25 =	rddreg [dreg:$0xe]  }
0xb2: {  	p2 =	sne.s32 s9, s25  }
.Ltmp1:
0xb3: {  	_ = 	snop;
	(pc) =	sbr.rel @p2 .LBB2_1-.Ltmp1, $3  }
0xb4: {  	_ =	sdelay $0x1  }
0xb5: {  	[sflag:s8] =	ssyncset.done $0x0  }
0xb6: {  	[sflag:s8] =	ssyncadd.s32 $0xFFFFC000  }
0xb7: {  	_ =	sfence.sel $0x180000  }
0xb8: {  	[bflag:$0x0] =	sbarrier.arrive $0xFFFF  }
0xb9: {  	_ =	strace $0x90000047  }
0xba: {  	s0 =	stileid.u32;
	[bflag:$0x2] =	sbarrier.arrive $0xFFFF  }
0xbb: {  	p0 =	sne.s32 s0, $0x0;
	s0 =	rddreg [dreg:$0x2]  }
0xbc: {  	s0 =	sadd.s32 @!p0 $0x100000, s0  }
0xbd: {  	[sflag:s0] =	ssyncadd.tile.s32 @!p0 $0x1;
	_ =	shalt  }
.Lfunc_end2:
_tile_overlayer_lowered:
.L_overlay_start_2:
0xbe: {  	(tag) =	ssettag $0x2  }
0xbf: {  	s0 =	rddreg [dreg:$0x0];
	s2 =	stileid.u32  }
0xc0: {  	s1 =	rddreg [dreg:$0x1];
	p0 =	sne.s32 s2, $0x0  }
0xc1: {  	s3 =	rddreg [dreg:$0x2];
	[bflag:$0x3] =	sbarrier.arrive $0xFFFF;
	s2 =	simm.s32 @!p0 $0x1C05  }
0xc2: {  	[timem:s3], [sflag:s2] =	dma.local @!p0 [hbm:s0], s1  }
0xc3: {  	s0 =	simm.s32 @!p0 $0x5  }
0xc4: {  	_ =	swait.ge @!p0 [sflag:s0], s1  }
0xc5: {  	s1 =	ssub.s32 @!p0 $0x0, s1;
	[sflag:s0] =	ssyncset.done @!p0 $0x0  }
0xc6: {  	[sflag:s0] =	ssyncadd.s32 @!p0 s1  }
0xc7: {  	[bflag:$0x3] =	sbarrier.arrive $0xFFFF  }
0xc8: {  	_ =	shalt  }

// kernel: kernel.16.cloned.1.call-start
scs
__scs_entry_jumppad:
0x0: {  	(pc) =	sbr.rel $0x88, $3  }
0x1: {  	(tag) =	ssettag $0x0;
	lr =	simm.s32 $0x1  }
0x2: {  	[smem:$0x3F8A] =	sst lr;
	_ =	strace $0xD0000000  }
0x3: {  	_ = 	snop  }
0x4: {  	_ = 	snop  }
0x5: {  	_ = 	snop  }
0x6: {  	_ = 	snop  }
0x7: {  	_ = 	snop  }
__scs_overlays_trampoline_lowered:
0x8: {  	[smem:$0x3F99] =	sst s0  }
0x9: {  	[smem:$0x3F9A] =	sst s1  }
0xa: {  	[smem:$0x3F9B] =	sst s2  }
0xb: {  	[smem:$0x3F9C] =	sst s3  }
0xc: {  	[smem:$0x3F9D] =	sst s4  }
0xd: {  	[smem:$0x3F9E] =	sst s5  }
0xe: {  	[smem:$0x3F9F] =	sst s6  }
0xf: {  	[smem:$0x3FA0] =	sst s7  }
0x10: {  	[smem:$0x3FA1] =	sst s8  }
0x11: {  	[smem:$0x3FA2] =	sst s9;
	s0 =	simm.s32 @!p0 $0x0  }
0x12: {  	s1 =	sld [smem:$0x3F88];
	s0 =	simm.s32 @p0 $0x1  }
0x13: {  	[smem:$0x3FA3] =	sst s0;
	s0 =	simm.s32 @!p1 $0x0  }
0x14: {  	s2 =	sld [smem:$0x3F87];
	s0 =	simm.s32 @p1 $0x1  }
0x15: {  	[smem:$0x3FA4] =	sst s0;
	s0 =	simm.s32 @!p2 $0x0  }
0x16: {  	s3 =	sld [smem:$0x3FDB];
	s0 =	simm.s32 @p2 $0x1  }
0x17: {  	s4 =	simm.s32 $0x1BF5;
	[smem:$0x3FA6] =	sst s0  }
0x18: {  	s0 =	sld [smem:$0x3F89];
	_ =	swait.ge [sflag:s4], $0x0  }
0x19: {  	s7 =	sld [smem:$0x3F8A]  }
0x1a: {  	s8 =	sadd.s32 $0xFFFFE003, lr  }
0x1b: {  	s9 =	sadd.s32 $0xFFFFFEF7, lr;
	s5 =	simm.s32 $0xFFFFFFFF;
	p2 =	slt.u32 s8, $0xFFFFF086  }
0x1c: {  	p1 =	slt.u32 s9, $0xF7A;
	s5 =	simm.s32 @!p2 $0x0  }
0x1d: {  	s5 =	simm.s32 @p1 $0x1;
	p0 =	seq.s32 s7, s2  }
0x1e: {  	s7 =	smul.u32 @!p0 $0xF7A, s2;
	p2 =	seq.s32 @!p0 s5, $0x0  }
0x1f: {  	s9 =	smul.u32 $0xF7A, s1;
	s8 =	simm.s32 @!p0 $0x1BF5;
	p2 =	por !p2, p0  }
0x20: {  	[sflag:s8] =	ssyncset.s32 @!p0 $0xFFFFF086;
	s6 =	sadd.s32 @!p0 s3, s7;
	s7 =	simm.s32 @!p0 $0x108  }
0x21: {  	s3 =	sadd.s32 s3, s9;
	s6 =	sadd.s32 @!p0 $0x88, s6;
	s7 =	simm.s32 @p2 $0x1082  }
0x22: {  	[simem:s7], [sflag:s8] =	dma.local @!p0 [hbm:s6], $0xF7A  }
0x23: {  	s9 =	sor.u32 $0xD0000000, s2;
	s6 =	simm.s32 $0x108;
	_ =	swait.ge @!p0 [sflag:s8], $0x0  }
0x24: {  	s3 =	sadd.s32 $0x88, s3;
	s6 =	simm.s32 @!p1 $0x1082;
	[sflag:s4] =	ssyncset.s32 $0xFFFFF086  }
0x25: {  	[simem:s6], [sflag:s4] =	dma.local [hbm:s3], $0xF7A  }
0x26: {  	[smem:$0x3F8A] =	sst s1;
	(tag) =	ssettag s2;
	_ =	strace s9  }
0x27: {  	s1 =	sld [smem:$0x3F9A]  }
0x28: {  	s2 =	sld [smem:$0x3F9B]  }
0x29: {  	s4 =	sld [smem:$0x3F9D]  }
0x2a: {  	p0 =	seq.s32 s5, $0x0;
	s5 =	sld [smem:$0x3F9E]  }
0x2b: {  	s6 =	sld [smem:$0x3F9F]  }
0x2c: {  	s7 =	sld [smem:$0x3FA0]  }
0x2d: {  	s3 =	simm.s32 $0x108;
	s8 =	sld [smem:$0x3FA1]  }
0x2e: {  	s3 =	simm.s32 @!p0 $0x1082;
	s9 =	sld [smem:$0x3FA2]  }
0x2f: {  	lr =	sadd.s32 s0, s3;
	s0 =	sld [smem:$0x3F99]  }
0x30: {  	s3 =	sld [smem:$0x3F9C]  }
0x31: {  	[smem:$0x3FA5] =	sst s10  }
0x32: {  	s10 =	sld [smem:$0x3FA3];
	_ =	sdelay $0x3  }
0x33: {  	p0 =	seq.s32 s10, $0x1;
	s10 =	sld [smem:$0x3FA5];
	_ =	sdelay $0x3  }
0x34: {  	[smem:$0x3FA5] =	sst s10  }
0x35: {  	s10 =	sld [smem:$0x3FA4];
	_ =	sdelay $0x3  }
0x36: {  	p1 =	seq.s32 s10, $0x1;
	s10 =	sld [smem:$0x3FA5];
	_ =	sdelay $0x3  }
0x37: {  	[smem:$0x3FA5] =	sst s10  }
0x38: {  	s10 =	sld [smem:$0x3FA6]  }
0x39: {  	_ = 	snop;
	(pc) =	sbr.ind lr, $3  }
0x3a: {  	_ = 	snop  }
0x3b: {  	_ = 	snop  }
0x3c: {  	p2 =	seq.s32 s10, $0x1;
	s10 =	sld [smem:$0x3FA5]  }
0x3d: {  	_ =	shalt  }
0x3e: {  	_ =	shalt  }
0x3f: {  	_ =	shalt  }
0x40: {  	_ =	shalt  }
0x41: {  	_ =	shalt  }
0x42: {  	_ =	shalt  }
0x43: {  	_ =	shalt  }
0x44: {  	_ =	shalt  }
0x45: {  	_ =	shalt  }
0x46: {  	_ =	shalt  }
0x47: {  	_ =	shalt  }
0x48: {  	_ =	shalt  }
0x49: {  	_ =	shalt  }
0x4a: {  	_ =	shalt  }
0x4b: {  	_ =	shalt  }
0x4c: {  	_ =	shalt  }
0x4d: {  	_ =	shalt  }
0x4e: {  	_ =	shalt  }
0x4f: {  	_ =	shalt  }
0x50: {  	_ =	shalt  }
0x51: {  	_ =	shalt  }
0x52: {  	_ =	shalt  }
0x53: {  	_ =	shalt  }
0x54: {  	_ =	shalt  }
0x55: {  	_ =	shalt  }
0x56: {  	_ =	shalt  }
0x57: {  	_ =	shalt  }
0x58: {  	_ =	shalt  }
0x59: {  	_ =	shalt  }
0x5a: {  	_ =	shalt  }
0x5b: {  	_ =	shalt  }
0x5c: {  	_ =	shalt  }
0x5d: {  	_ =	shalt  }
0x5e: {  	_ =	shalt  }
0x5f: {  	_ =	shalt  }
0x60: {  	_ =	shalt  }
0x61: {  	_ =	shalt  }
0x62: {  	_ =	shalt  }
0x63: {  	_ =	shalt  }
0x64: {  	_ =	shalt  }
0x65: {  	_ =	shalt  }
0x66: {  	_ =	shalt  }
0x67: {  	_ =	shalt  }
0x68: {  	_ =	shalt  }
0x69: {  	_ =	shalt  }
0x6a: {  	_ =	shalt  }
0x6b: {  	_ =	shalt  }
0x6c: {  	_ =	shalt  }
0x6d: {  	_ =	shalt  }
0x6e: {  	_ =	shalt  }
0x6f: {  	_ =	shalt  }
0x70: {  	_ =	shalt  }
0x71: {  	_ =	shalt  }
0x72: {  	_ =	shalt  }
0x73: {  	_ =	shalt  }
0x74: {  	_ =	shalt  }
0x75: {  	_ =	shalt  }
0x76: {  	_ =	shalt  }
0x77: {  	_ =	shalt  }
0x78: {  	_ =	shalt  }
0x79: {  	_ =	shalt  }
0x7a: {  	_ =	shalt  }
0x7b: {  	_ =	shalt  }
0x7c: {  	_ =	shalt  }
0x7d: {  	_ =	shalt  }
0x7e: {  	_ =	shalt  }
0x7f: {  	_ =	shalt  }
0x80: {  	_ =	shalt  }
0x81: {  	_ =	shalt  }
0x82: {  	_ =	shalt  }
0x83: {  	_ =	shalt  }
0x84: {  	_ =	shalt  }
0x85: {  	_ =	shalt  }
0x86: {  	_ =	shalt  }
0x87: {  	_ =	shalt  }
.Lfunc_end0:
.L_simem_size_0:
called_computation.1_lowered:
.L_overlay_start_0:
0x88: {  	s2 =	sld [smem:$0x3FD9]  }
0x89: {  	s3 =	sld [smem:$0x3FFE];
	_ =	sdelay $0x1  }
0x8a: {  	s1 =	srdreg.scid  }
0x8b: {  	s0 =	sand.u32 $0x1, s1  }
0x8c: {  	s16 =	sshll.u32 s0, $0xA;
	s2 =	sadd.s32 s3, s2  }
0x8d: {  	s2 =	sadd.s32 s2, s16  }
0x8e: {  	[smem:$0x3FB1] =	sst s2  }
0x8f: {  	_ = 	snop  }
0x90: {  	(tm) =	ssettm $0x1  }
0x91: {  	s17 =	sld [smem:$0x3FFB];
	_ =	sdelay $0x3  }
0x92: {  	_ =	strace s17  }
0x93: {  	s2 =	sld [smem:$0x3FFC];
	_ =	sdelay $0x3  }
0x94: {  	_ =	strace s2  }
0x95: {  	s2 =	sld [smem:$0x3FFD];
	_ =	sdelay $0x3  }
0x96: {  	_ =	strace s2  }
0x97: {  	_ =	strace $0x8FFFFFFF  }
0x98: {  	s18 =	sld [smem:$0x3FDB];
	_ =	sdelay $0x1  }
0x99: {  	s19 =	simm.s32 $_scs_section_size  }
0x9a: {  	s4 =	simm.s32 $_size__tile_overlayer_lowered;
	s5 =	simm.s32 $_tile_overlayer_lowered  }
0x9b: {  	s22 =	simm.s32 $0x1BFF;
	s21 =	sshll.u32 s5, $0x1;
	s2 =	sadd.s32 s19, s18  }
0x9c: {  	s6 =	simm.s32 $0x0;
	s20 =	sshll.u32 s4, $0x1;
	s4 =	sadd.s32 s21, s2  }
0x9d: {  	[timem:s6], [sflag:s22] =	dma.local [hbm:s4], s20  }
0x9e: {  	_ =	swait.ge [sflag:s22], s20  }
0x9f: {  	s3 =	ssub.s32 $0x0, s20;
	[sflag:s22] =	ssyncset.done $0x0  }
0xa0: {  	[sflag:s22] =	ssyncadd.s32 s3;
	_ =	sdelay $0x1  }
0xa1: {  	s23 =	simm.s32 $0x1B8B  }
0xa2: {  	_ =	swait.ge [sflag:s23], $0x1  }
0xa3: {  	[sflag:s23] =	ssyncset.done $0x0  }
0xa4: {  	s25 =	simm.s32 $0x1B8E;
	s24 =	sld [smem:$0x3FFE];
	[sflag:s23] =	ssyncadd.s32 $0xFFFFFFFF  }
0xa5: {  	s26 =	simm.s32 $execute0_lowered;
	[smem:$0x3FD2] =	sst s25  }
0xa6: {  	s4 =	sshll.u32 s26, $0x1;
	_ =	strace $0x80000049;
	[dreg:$0x1] =	wrdreg $0xFFFFFFFF  }
0xa7: {  	s28 =	simm.s32 $_size_execute0_lowered;
	s2 =	sadd.s32 s2, s4;
	[dreg:$0x0] =	wrdreg $0x0  }
0xa8: {  	s4 =	sshll.u32 s28, $0x1;
	[dreg:$0x2] =	wrdreg s2  }
0xa9: {  	[dreg:$0x3] =	wrdreg s4  }
0xaa: {  	[dreg:$0x4] =	wrdreg $0xC0  }
0xab: {  	_ =	task [dreg:s6], $0x5FFFF  }
0xac: {  	[dreg:$0x1] =	wrdreg $0xFFFFFFFF  }
0xad: {  	[dreg:$0x0] =	wrdreg $0x60  }
0xae: {  	[dreg:$0x2] =	wrdreg s24  }
0xaf: {  	[dreg:$0x3] =	wrdreg $0x82000  }
0xb0: {  	[dreg:$0x4] =	wrdreg $0x9  }
0xb1: {  	_ =	task.clear_ibuf [dreg:s6], $0x5FFFF;
	_ =	strace $0x90000049  }
0xb2: {  	s29 =	simm.s32 $0x9;
	_ =	strace $0x8000004B  }
0xb3: {  	_ =	swait.ge [sflag:s29], $0x1  }
0xb4: {  	[sflag:s29] =	ssyncadd.s32 $0xFFFFFFFF  }
0xb5: {  	_ =	strace $0x9000004B  }
0xb6: {  	_ =	sfence  }
0xb7: {  	s30 =	sld [smem:$0x0];
	_ =	sdelay $0x2  }
0xb8: {  	s31 =	sshll.u32 s1, $0xD;
	s1 =	sshrl.u32 s1, $0x2  }
0xb9: {  	s3 =	sand.u32 $0x4000, s31;
	s1 =	sadd.s32 s1, s30  }
0xba: {  	s0 =	sor.u32 s3, s0;
	s1 =	sshll.u32 s1, $0x11  }
0xbb: {  	s0 =	sor.u32 s1, s0  }
0xbc: {  	s0 =	sadd.s32 $0x8F2B, s0  }
0xbd: {  	[sflag:s0] =	ssyncadd.remote.s32 $0x1  }
0xbe: {  	_ =	sfence.sel $0xFFFF  }
0xbf: {  	[dreg:$0x0] =	wrdreg $0xFFFFFFFF;
	(pc) =	sbr.abs _section_cstart, $3  }
0xc0: {  	[dreg:$0x1] =	wrdreg $0xFFFFFFFF  }
0xc1: {  	_ =	task.clear_ibuf [dreg:s6], $0x2FFFF;
	_ =	strace $0x9FFFFFFF  }
0xc2: {  	(tm) =	ssettm $0x7FFFFFFF  }
0xc3: {  	_ =	shalt  }
tec
execute0_lowered:
.L_overlay_start_1:
0x0: {  	(tag) =	ssettag $0x1  }
0x1: {  	s0 =	srdreg.scid;
	s1 =	rddreg [dreg:$0x0]  }
0x2: {  	s31 =	rddreg [dreg:$0x1];
	s30 =	simm.s32 $0x4100;
	s29 =	simm.s32 $0x6  }
0x3: {  	s3 =	sand.u32 $0x1, s0;
	s10 =	sadd.s32 $0x3C00, s1;
	s11 =	sadd.s32 $0xA29C00, s1  }
0x4: {  	s0 =	stileid.u32;
	s9 =	sadd.s32 $0x17800, s1;
	s28 =	sadd.s32 $0x547C00, s1  }
0x5: {  	s2 =	ssub.s32 $0x2, s3;
	s5 =	sshll.u32 s3, $0x4;
	s6 =	sshll.u32 s0, $0x7  }
0x6: {  	s13 =	sshll.u32 s0, $0x4;
	s26 =	smul.u32 $0x500, s0;
	s21 =	sor.u32 $0x20, s0  }
0x7: {  	s24 =	sor.u32 $0x30, s0;
	s8 =	sor.u32 $0x40, s0;
	p0 =	sne.s32 s3, $0x0  }
0x8: {  	p1 =	seq.s32 s3, $0x0;
	s4 =	sshrl.u32 s2, $0x1;
	s16 =	smul.u32 $0x500, s21  }
0x9: {  	s12 =	sor.u32 s0, s5;
	s23 =	sand.u32 $0x380, s6;
	s17 =	smul.u32 $0x500, s24  }
0xa: {  	s5 =	sor.u32 $0x70, s0;
	s2 =	ssub.s32 s2, s4;
	s4 =	sor.u32 $0x10, s0  }
0xb: {  	s19 =	sshll.u32 s12, $0x7;
	s20 =	sadd.s32 s9, s26;
	s26 =	smul.u32 $0x500, s5  }
0xc: {  	p3 =	sgt.u32 s5, $0x7C;
	s5 =	smul.u32 $0xA000, s5;
	s7 =	sshll.u32 s4, $0x7  }
0xd: {  	s15 =	smul.u32 $0x500, s4;
	[dreg:$0x5] =	wrdreg s20;
	s16 =	sadd.s32 s9, s16  }
0xe: {  	s2 =	smax.u32 s2, $0x1;
	s25 =	sand.u32 $0xC00, s7;
	s7 =	sor.u32 $0x60, s0  }
0xf: {  	[dreg:$0x7] =	wrdreg s16;
	s16 =	sor.u32 $0xA0, s12;
	s5 =	sshrl.u32 s5, $0x2  }
0x10: {  	s6 =	sor.u32 s23, s25;
	s22 =	sadd.s32 s9, s15;
	s25 =	sadd.s32 s9, s17  }
0x11: {  	[dreg:$0x13] =	wrdreg s16;
	s5 =	sadd.s32 s5, s31;
	s14 =	sshrl.u32 s6, $0x3  }
0x12: {  	s6 =	sand.u32 $0xC00, s19;
	s19 =	smul.u32 $0x500, s8;
	[dreg:$0x6] =	wrdreg s22  }
0x13: {  	[dreg:$0x8] =	wrdreg s25;
	s25 =	sor.u32 $0x300, s13;
	s18 =	sor.u32 s23, s6  }
0x14: {  	s6 =	sor.u32 $0x50, s0;
	s23 =	smul.u32 $0x500, s7;
	s22 =	sadd.s32 s10, s14  }
0x15: {  	s14 =	sadd.s32 s11, s14;
	s7 =	smul.u32 $0xA000, s7;
	[dreg:$0xd] =	wrdreg s22  }
0x16: {  	s20 =	smul.u32 $0x500, s6;
	s19 =	sadd.s32 s9, s19;
	[dreg:$0xe] =	wrdreg s14  }
0x17: {  	s14 =	sadd.s32 s10, s13;
	s6 =	smul.u32 $0xA000, s6;
	[dreg:$0x9] =	wrdreg s19  }
0x18: {  	s15 =	sadd.s32 s9, s23;
	s23 =	sshrl.u32 s18, $0x3;
	[dreg:$0x11] =	wrdreg s14  }
0x19: {  	s14 =	sand.u32 $0x70, s13;
	s18 =	sshll.u32 s12, $0xB;
	s7 =	sshrl.u32 s7, $0x2  }
0x1a: {  	s20 =	sadd.s32 s9, s20;
	[dreg:$0xb] =	wrdreg s15;
	s9 =	sadd.s32 s9, s26  }
0x1b: {  	s17 =	sadd.s32 s10, s23;
	s26 =	sand.u32 $0x380, s25;
	[dreg:$0xa] =	wrdreg s20  }
0x1c: {  	s15 =	sadd.s32 s11, s13;
	s13 =	sor.u32 $0x200, s13;
	[dreg:$0xc] =	wrdreg s9  }
0x1d: {  	s6 =	sshrl.u32 s6, $0x2;
	s7 =	sadd.s32 s7, s31;
	[dreg:$0x12] =	wrdreg s15  }
0x1e: {  	s9 =	sshll.u32 s12, $0x4;
	s15 =	sshll.u32 s16, $0x4;
	s20 =	sand.u32 $0x280, s13  }
0x1f: {  	[dreg:$0x10] =	wrdreg s26;
	s25 =	sadd.s32 s26, s11;
	s6 =	sadd.s32 s6, s31  }
0x20: {  	s19 =	sor.u32 $0x800, s9;
	s22 =	sand.u32 $0xB80, s15;
	s26 =	sadd.s32 s14, s25  }
0x21: {  	[dreg:$0x14] =	wrdreg s20;
	s16 =	sadd.s32 s20, s11;
	s11 =	sor.u32 $0x9C0, s12  }
0x22: {  	s20 =	sadd.s32 $0x65C00, s1;
	s23 =	sand.u32 $0x980, s19;
	s13 =	sadd.s32 s22, s10  }
0x23: {  	s19 =	sadd.s32 s10, s14;
	[dreg:$0x15] =	wrdreg s26;
	s25 =	sshll.u32 s11, $0xB  }
0x24: {  	s26 =	sshll.u32 s3, $0xF;
	p2 =	sgt.u32 s11, $0x9C3;
	s15 =	sadd.s32 s23, s10  }
0x25: {  	s10 =	sadd.s32 s14, s16;
	s22 =	sadd.s32 s14, s13;
	s16 =	sadd.s32 s20, s18  }
0x26: {  	s13 =	sadd.s32 s26, s20;
	s26 =	simm.s32 $0x0;
	s18 =	sadd.s32 $0xA33A00, s1  }
0x27: {  	[dreg:$0x16] =	wrdreg s10;
	s23 =	sadd.s32 s14, s15;
	s10 =	sadd.s32 s20, s25  }
0x28: {  	s20 =	sshll.u32 s0, $0xB;
	s25 =	sshll.u32 s4, $0xB;
	s4 =	smul.u32 $0xA000, s4  }
0x29: {  	[dreg:$0x18] =	wrdreg s10;
	s10 =	sadd.s32 s20, s13;
	s13 =	smul.u32 $0xA000, s0  }
0x2a: {  	s14 =	sadd.s32 s18, s25;
	s12 =	sadd.s32 s18, s20;
	s18 =	smul.u32 $0xA000, s21  }
0x2b: {  	s15 =	smov.u32 s21;
	[smem:$0x7FF] =	sst s26;
	s20 =	smul.u32 $0xA000, s8  }
0x2c: {  	s21 =	smul.u32 $0xA000, s24;
	[dreg:$0x19] =	wrdreg s14;
	s4 =	sshrl.u32 s4, $0x2  }
0x2d: {  	s25 =	sadd.s32 $0x30000, s10;
	_ =	strace $0x8000004A;
	[dreg:$0x1b] =	wrdreg s2  }
0x2e: {  	s14 =	sshrl.u32 s13, $0x2;
	s3 =	sshrl.u32 s18, $0x2;
	[dreg:$0x4] =	wrdreg s24  }
0x2f: {  	s4 =	sadd.s32 s4, s31;
	s8 =	sshrl.u32 s21, $0x2;
	s2 =	sshrl.u32 s20, $0x2  }
0x30: {  	s24 =	sor.u32 $0x400, s9;
	s9 =	sor.u32 $0x600, s9;
	[dreg:$0x1e] =	wrdreg s25  }
0x31: {  	s13 =	sshrl.u32 s6, $0x3;
	s25 =	ssub.s32 $0x9C4, s0;
	[dreg:$0xf] =	wrdreg s17  }
0x32: {  	s18 =	sadd.s32 $0x200, s17;
	[dreg:$0x17] =	wrdreg s16;
	s20 =	sadd.s32 $0x10000, s16  }
0x33: {  	[dreg:$0x1a] =	wrdreg s12;
	s21 =	sadd.s32 $0x18000, s12;
	s12 =	simm.s32 $0x7  }
0x34: {  	s16 =	simm.s32 $0x2;
	s17 =	simm.s32 $0x0;
	[dreg:$0x3] =	wrdreg s15  }
0x35: {  	s1 =	sadd.s32 s14, s31;
	s3 =	sadd.s32 s3, s31;
	[smem:$0x7F8] =	sst s13  }
0x36: {  	s8 =	sadd.s32 s8, s31;
	s2 =	sadd.s32 s2, s31;
	[smem:$0x7FB] =	sst s18  }
0x37: {  	s11 =	sand.u32 $0x580, s24;
	s9 =	sand.u32 $0x780, s9;
	[smem:$0x7FC] =	sst s20  }
0x38: {  	s4 =	sshrl.u32 s4, $0x3;
	s14 =	sshrl.u32 s7, $0x3;
	[smem:$0x7FD] =	sst s21  }
0x39: {  	s24 =	ssub.s32 $0x9B4, s0;
	s7 =	simm.s32 $0x9;
	[smem:$0x7F4] =	sst s4  }
0x3a: {  	s21 =	simm.s32 $0x8100;
	s11 =	sadd.s32 s11, s19;
	[smem:$0x7F9] =	sst s14  }
0x3b: {  	s13 =	simm.s32 $0x4;
	s9 =	sadd.s32 s9, s19;
	[dreg:$0x1c] =	wrdreg s11  }
0x3c: {  	s1 =	sshrl.u32 s1, $0x3;
	s10 =	sshrl.u32 s8, $0x3;
	[dreg:$0x1d] =	wrdreg s9  }
0x3d: {  	s8 =	simm.s32 $0x1;
	s4 =	simm.s32 $0x8180;
	[dreg:$0x1f] =	wrdreg s1  }
0x3e: {  	s9 =	sshrl.u32 s3, $0x3;
	[smem:$0x7F6] =	sst s10;
	s11 =	sshrl.u32 s2, $0x3  }
0x3f: {  	s1 =	sshrl.u32 @!p3 s5, $0x3;
	s5 =	simm.s32 $0x100;
	[smem:$0x7F5] =	sst s9  }
0x40: {  	s10 =	simm.s32 $0x80;
	s3 =	simm.s32 $0x8;
	[smem:$0x7F7] =	sst s11  }
0x41: {  	[smem:$0x7FA] =	sst s1;
	s9 =	simm.s32 $0x3;
	s11 =	simm.s32 $0x5  }
.LBB2_1:
0x42: {  	s1 =	rddreg [dreg:$0x11]  }
0x43: {  	[tilespmem:s26], [sflag:$0x1] =	stream.linear.gather [hbm4b:s1+s26], $0x80, $0x38;
	[tilespmem:$0x1BA80] =	vst v63  }
0x44: {  	s6 =	rddreg [dreg:$0x1a]  }
0x45: {  	[tilespmem:s5], [sflag:$0x3] =	stream.linear.gather [hbm4b:s6+s26], $0x4000, $0x38;
	[tilespmem:$0x1BA80] =	vst v63  }
0x46: {  	s2 =	simm.s32 @p0 $0x80;
	s1 =	simm.s32 @p0 $0x0;
	s6 =	rddreg [dreg:$0xd]  }
0x47: {  	[tilespmem:s2], [sflag:$0x2] =	stream.linear.gather @p0 [hbm4b:s6+s1], $0x80, $0x38;
	[tilespmem:$0x1BA80] =	vst v63  }
0x48: {  	s18 =	rddreg [dreg:$0x19];
	s2 =	simm.s32 @p0 $0x4100  }
0x49: {  	[tilespmem:s2], [sflag:$0x4] =	stream.linear.gather @p0 [hbm4b:s18+s1], $0x4000, $0x38;
	[tilespmem:$0x1BA80] =	vst v63  }
0x4a: {  	s14 =	rddreg [dreg:$0xe];
	s2 =	simm.s32 @p0 $0x8180  }
0x4b: {  	[tilespmem:s2], [sflag:$0x8] =	stream.linear.gather @p0 [hbm4b:s14+s1], $0x80, $0x38;
	[tilespmem:$0x1BA80] =	vst v63  }
0x4c: {  	s1 =	simm.s32 @!p0 $0x0;
	s2 =	simm.s32 @!p0 $0x8100;
	s14 =	rddreg [dreg:$0x12]  }
0x4d: {  	[tilespmem:s2], [sflag:$0x7] =	stream.linear.gather @!p0 [hbm4b:s14+s1], $0x80, $0x38;
	[tilespmem:$0x1BA80] =	vst v63  }
0x4e: {  	s2 =	simm.s32 @!p0 $0x80  }
0x4f: {  	[tilespmem:s2], [sflag:$0x2] =	stream.linear.gather @!p0 [hbm4b:s6+s1], $0x80, $0x38;
	[tilespmem:$0x1BA80] =	vst v63  }
0x50: {  	s20 =	rddreg [dreg:$0x1f];
	s14 =	sshll.u32 s0, $0x6;
	s2 =	simm.s32 @!p0 $0x4100  }
0x51: {  	[tilespmem:s2], [sflag:$0x4] =	stream.linear.gather @!p0 [hbm4b:s18+s1], $0x4000, $0x38;
	[tilespmem:$0x1BA80] =	vst v63  }
0x52: {  	s1 =	sor.u32 $0x1C09, s14;
	s18 =	rddreg [dreg:$0x5]  }
0x53: {  	[spmem:s20], [sflag:s1] =	dma.local [hbm:s18], $0x500  }
0x54: {  	_ =	swait.ge [sflag:s7], $0x500  }
0x55: {  	s14 =	sld [smem:$0x7F4]  }
0x56: {  	[sflag:s7] =	ssyncset.done $0x0  }
0x57: {  	s6 =	rddreg [dreg:$0x6];
	[sflag:s7] =	ssyncadd.s32 $0xFFFFFB00  }
0x58: {  	[spmem:s14], [sflag:s1] =	dma.local [hbm:s6], $0x500  }
0x59: {  	_ =	swait.ge [sflag:s7], $0x500  }
0x5a: {  	s20 =	sld [smem:$0x7F5]  }
0x5b: {  	[sflag:s7] =	ssyncset.done $0x0  }
0x5c: {  	s18 =	rddreg [dreg:$0x7];
	[sflag:s7] =	ssyncadd.s32 $0xFFFFFB00  }
0x5d: {  	[spmem:s20], [sflag:s1] =	dma.local [hbm:s18], $0x500  }
0x5e: {  	_ =	swait.ge [sflag:s7], $0x500  }
0x5f: {  	s14 =	sld [smem:$0x7F6]  }
0x60: {  	[sflag:s7] =	ssyncset.done $0x0  }
0x61: {  	s6 =	rddreg [dreg:$0x8];
	[sflag:s7] =	ssyncadd.s32 $0xFFFFFB00  }
0x62: {  	[spmem:s14], [sflag:s1] =	dma.local [hbm:s6], $0x500  }
0x63: {  	_ =	swait.ge [sflag:s7], $0x500  }
0x64: {  	s20 =	sld [smem:$0x7F7]  }
0x65: {  	[sflag:s7] =	ssyncset.done $0x0  }
0x66: {  	s18 =	rddreg [dreg:$0x9];
	[sflag:s7] =	ssyncadd.s32 $0xFFFFFB00  }
0x67: {  	[spmem:s20], [sflag:s1] =	dma.local [hbm:s18], $0x500  }
0x68: {  	_ =	swait.ge [sflag:s7], $0x500  }
0x69: {  	s14 =	sld [smem:$0x7F8]  }
0x6a: {  	[sflag:s7] =	ssyncset.done $0x0  }
0x6b: {  	s6 =	rddreg [dreg:$0xa];
	[sflag:s7] =	ssyncadd.s32 $0xFFFFFB00  }
0x6c: {  	[spmem:s14], [sflag:s1] =	dma.local [hbm:s6], $0x500  }
0x6d: {  	_ =	swait.ge [sflag:s7], $0x500  }
0x6e: {  	s20 =	sld [smem:$0x7F9]  }
0x6f: {  	[sflag:s7] =	ssyncset.done $0x0  }
0x70: {  	s18 =	rddreg [dreg:$0xb];
	[sflag:s7] =	ssyncadd.s32 $0xFFFFFB00  }
0x71: {  	[spmem:s20], [sflag:s1] =	dma.local [hbm:s18], $0x500  }
0x72: {  	_ =	swait.ge [sflag:s7], $0x500  }
0x73: {  	s6 =	sld [smem:$0x7FA]  }
0x74: {  	[sflag:s7] =	ssyncset.done $0x0  }
0x75: {  	s2 =	rddreg [dreg:$0xc];
	[sflag:s7] =	ssyncadd.s32 $0xFFFFFB00  }
0x76: {  	[spmem:s6], [sflag:s1] =	dma.local @!p3 [hbm:s2], $0x500  }
0x77: {  	s1 =	simm.s32 @!p3 $0x9  }
.Ltmp0:
0x78: {  	_ =	swait.ge @!p3 [sflag:s1], $0x500;
	(pc) =	sbr.rel .LBB2_2-.Ltmp0, $4  }
0x79: {  	[sflag:s1] =	ssyncset.done @!p3 $0x0  }
0x7a: {  	[sflag:s1] =	ssyncadd.s32 @!p3 $0xFFFFFB00  }
0x7b: {  	s14 =	simm.s32 $0x0;
	[bflag:$0x0] =	sbarrier.arrive $0xFFFF  }
0x7c: {  	s6 =	simm.s32 $0x0;
	s2 =	simm.s32 $0x0;
	s1 =	sld [smem:$0x7FD]  }
.LBB2_15:
0x7d: {  	s18 =	sadd.s32 s18, s19  }
0x7e: {  	[tilespmem:s10], [sflag:$0x2] =	stream.linear.gather [hbm4b:s18+s26], $0x80, $0x38;
	[tilespmem:$0x1BA80] =	vst v63  }
0x7f: {  	_ = 	snop  }
0x80: {  	[tilespmem:s30], [sflag:$0x4] =	stream.linear.gather [hbm4b:s1+s26], $0x4000, $0x38;
	[tilespmem:$0x1BA80] =	vst v63  }
.LBB2_16:
0x81: {  	s2 =	sadd.s32 $0x200, s2  }
0x82: {  	p4 =	sne.s32 s2, $0x9E00  }
.Ltmp1:
0x83: {  	_ = 	snop;
	(pc) =	sbr.rel @!p4 .LBB2_17-.Ltmp1, $2  }
0x84: {  	_ =	sdelay $0x2  }
0x85: {  	s14 =	sadd.s32 $0x1, s14;
	s1 =	sadd.s32 $0x10000, s1;
	s6 =	sadd.s32 $0x20, s6  }
.LBB2_2:
0x86: {  	p4 =	sge.u32 s6, s25  }
.Ltmp2:
0x87: {  	_ = 	snop;
	(pc) =	sbr.rel @p4 .LBB2_9-.Ltmp2, $2  }
0x88: {  	_ =	sdelay $0x2  }
0x89: {  	s18 =	sshll.u32 s14, $0x5  }
0x8a: {  	_ =	swait.ge [sflag:s8], $0x80  }
0x8b: {  	[sflag:s8] =	ssyncset.done $0x0  }
0x8c: {  	[sflag:s8] =	ssyncadd.s32 $0xFFFFFF80  }
0x8d: {  	_ =	swait.ge [sflag:s9], $0x4000  }
0x8e: {  	[sflag:s9] =	ssyncset.done $0x0  }
.Ltmp3:
0x8f: {  	[sflag:s9] =	ssyncadd.s32 $0xFFFFC000;
	(pc) =	sbr.rel @p0 .LBB2_6-.Ltmp3, $4  }
0x90: {  	[spmem:s31] =	stream.indirect.scatter.add.f32 [tilespmem:s5], [sflag:$0x9], $0x80, s26, s10, $0xb8;
	[tilespmem:$0x1BA80] =	vst v63  }
0x91: {  	_ =	swait.ge [sflag:s7], $0x4000  }
0x92: {  	s20 =	sadd.s32 s6, s0;
	[sflag:s7] =	ssyncset.done $0x0  }
0x93: {  	s20 =	sadd.s32 $0x20, s20;
	[sflag:s7] =	ssyncadd.s32 $0xFFFFC000  }
0x94: {  	_ =	swait.ge [sflag:s12], $0x80  }
0x95: {  	p4 =	sgt.u32 s20, $0x9C3;
	[sflag:s12] =	ssyncset.done $0x0  }
.Ltmp4:
0x96: {  	[sflag:s12] =	ssyncadd.s32 $0xFFFFFF80;
	(pc) =	sbr.rel @p4 .LBB2_9-.Ltmp4, $4  }
0x97: {  	[hbm4b:s28+s10] =	stream.indirect.scatter [tilespmem:s5], [sflag:$0x9], $0x80, s21, s10, $0xb8;
	[tilespmem:$0x1BA80] =	vst v63  }
0x98: {  	_ =	swait.ge [sflag:s7], $0x4000  }
0x99: {  	[sflag:s7] =	ssyncset.done $0x0  }
0x9a: {  	[sflag:s7] =	ssyncadd.s32 $0xFFFFC000  }
.Ltmp5:
0x9b: {  	(pc) =	sbr.rel .LBB2_8-.Ltmp5, $4  }
0x9c: {  	s20 =	sadd.s32 s15, s18;
	s21 =	rddreg [dreg:$0x16]  }
0x9d: {  	s4 =	simm.s32 $0x8100;
	s21 =	sadd.s32 s2, s21;
	s20 =	sshll.u32 s20, $0x4  }
0x9e: {  	[tilespmem:s4], [sflag:$0x7] =	stream.linear.gather [hbm4b:s21+s26], $0x80, $0x38;
	[tilespmem:$0x1BA80] =	vst v63  }
0x9f: {  	s4 =	simm.s32 $0x8180;
	s21 =	simm.s32 $0x8100;
	s20 =	sand.u32 $0xFE80, s20  }
.LBB2_6:
0xa0: {  	p4 =	sgt.u32 s20, $0x9C3  }
.Ltmp6:
0xa1: {  	_ = 	snop;
	(pc) =	sbr.rel @p4 .LBB2_9-.Ltmp6, $1  }
0xa2: {  	_ =	sdelay $0x3  }
0xa3: {  	s20 =	rddreg [dreg:$0x14]  }
0xa4: {  	s20 =	sadd.s32 s2, s20  }
.LBB2_8:
0xa5: {  	s20 =	sadd.s32 s20, s19  }
0xa6: {  	[tilespmem:s26], [sflag:$0x1] =	stream.linear.gather [hbm4b:s20+s26], $0x80, $0x38;
	[tilespmem:$0x1BA80] =	vst v63  }
0xa7: {  	s20 =	sadd.s32 $0xFFFF8000, s1  }
0xa8: {  	[tilespmem:s5], [sflag:$0x3] =	stream.linear.gather [hbm4b:s20+s26], $0x4000, $0x38;
	[tilespmem:$0x1BA80] =	vst v63  }
.LBB2_9:
0xa9: {  	p4 =	sge.u32 s6, s24  }
.Ltmp7:
0xaa: {  	_ = 	snop;
	(pc) =	sbr.rel @p4 .LBB2_16-.Ltmp7, $1  }
0xab: {  	_ =	sdelay $0x3  }
0xac: {  	_ =	swait.ge [sflag:s16], $0x80  }
0xad: {  	[sflag:s16] =	ssyncset.done $0x0  }
0xae: {  	[sflag:s16] =	ssyncadd.s32 $0xFFFFFF80  }
0xaf: {  	_ =	swait.ge [sflag:s13], $0x4000  }
0xb0: {  	[sflag:s13] =	ssyncset.done $0x0  }
.Ltmp8:
0xb1: {  	[sflag:s13] =	ssyncadd.s32 $0xFFFFC000;
	(pc) =	sbr.rel @!p1 .LBB2_11-.Ltmp8, $4  }
0xb2: {  	[spmem:s31] =	stream.indirect.scatter.add.f32 [tilespmem:s30], [sflag:$0x9], $0x80, s10, s10, $0xb8;
	[tilespmem:$0x1BA80] =	vst v63  }
0xb3: {  	s20 =	sadd.s32 s6, s0;
	_ =	swait.ge [sflag:s7], $0x4000  }
0xb4: {  	s20 =	sadd.s32 $0x30, s20;
	[sflag:s7] =	ssyncset.done $0x0  }
0xb5: {  	p4 =	sgt.u32 s20, $0x9C3;
	[sflag:s7] =	ssyncadd.s32 $0xFFFFC000  }
.Ltmp9:
0xb6: {  	(pc) =	sbr.rel @p4 .LBB2_16-.Ltmp9, $1  }
0xb7: {  	_ =	sdelay $0x3  }
.Ltmp10:
0xb8: {  	(pc) =	sbr.rel .LBB2_15-.Ltmp10, $3  }
0xb9: {  	_ =	sdelay $0x1  }
0xba: {  	s18 =	rddreg [dreg:$0x10]  }
0xbb: {  	s18 =	sadd.s32 s2, s18  }
.LBB2_11:
0xbc: {  	_ =	swait.ge [sflag:s3], $0x80  }
0xbd: {  	[sflag:s3] =	ssyncset.done $0x0  }
.Ltmp11:
0xbe: {  	[sflag:s3] =	ssyncadd.s32 $0xFFFFFF80;
	(pc) =	sbr.rel @p4 .LBB2_16-.Ltmp11, $4  }
0xbf: {  	[hbm4b:s28+s10] =	stream.indirect.scatter [tilespmem:s30], [sflag:$0x9], $0x80, s4, s10, $0xb8;
	[tilespmem:$0x1BA80] =	vst v63  }
0xc0: {  	_ =	swait.ge [sflag:s7], $0x4000  }
0xc1: {  	[sflag:s7] =	ssyncset.done $0x0  }
0xc2: {  	[sflag:s7] =	ssyncadd.s32 $0xFFFFC000  }
.Ltmp12:
0xc3: {  	s20 =	rddreg [dreg:$0x4];
	(pc) =	sbr.rel .LBB2_15-.Ltmp12, $4  }
0xc4: {  	s18 =	sadd.s32 s20, s18;
	s20 =	rddreg [dreg:$0x15]  }
0xc5: {  	s20 =	sadd.s32 s2, s20;
	s18 =	sshll.u32 s18, $0x4  }
0xc6: {  	[tilespmem:s4], [sflag:$0x8] =	stream.linear.gather [hbm4b:s20+s26], $0x80, $0x38;
	[tilespmem:$0x1BA80] =	vst v63  }
0xc7: {  	s18 =	sand.u32 $0xFF80, s18  }
.LBB2_17:
0xc8: {  	[bflag:$0x0] =	sbarrier.arrive $0xFFFF  }
0xc9: {  	s2 =	rddreg [dreg:$0xf]  }
0xca: {  	s1 =	simm.s32 $0x0;
	s21 =	sld [smem:$0x7FB]  }
0xcb: {  	[tilespmem:s1], [sflag:$0x1] =	stream.linear.gather [hbm4b:s2+s1], $0x80, $0x38;
	[tilespmem:$0x1BA80] =	vst v63  }
0xcc: {  	_ = 	snop  }
0xcd: {  	[tilespmem:s10], [sflag:$0x2] =	stream.linear.gather [hbm4b:s21+s1], $0x80, $0x38;
	[tilespmem:$0x1BA80] =	vst v63  }
0xce: {  	_ =	swait.ge [sflag:s8], $0x80  }
0xcf: {  	[sflag:s8] =	ssyncset.done $0x0  }
0xd0: {  	[sflag:s8] =	ssyncadd.s32 $0xFFFFFF80  }
0xd1: {  	[tilespmem:s5], [sflag:$0x9] =	stream.indirect.gather [spmem:s31], $0x80, s1, s10, $0xb8;
	[tilespmem:$0x1BA80] =	vst v63  }
0xd2: {  	_ =	swait.ge [sflag:s7], $0x4000  }
0xd3: {  	[sflag:s7] =	ssyncset.done $0x0  }
0xd4: {  	s6 =	rddreg [dreg:$0x17];
	[sflag:s7] =	ssyncadd.s32 $0xFFFFC000  }
0xd5: {  	[hbm4b:s6+s1] =	stream.linear.scatter [tilespmem:s5], [sflag:$0x5], $0x4000, $0x38;
	[tilespmem:$0x1BA80] =	vst v63  }
0xd6: {  	s14 =	rddreg [dreg:$0x1c]  }
0xd7: {  	[tilespmem:s1], [sflag:$0x1] =	stream.linear.gather [hbm4b:s14+s1], $0x80, $0x38;
	[tilespmem:$0x1BA80] =	vst v63  }
0xd8: {  	_ =	swait.ge [sflag:s16], $0x80  }
0xd9: {  	[sflag:s16] =	ssyncset.done $0x0  }
0xda: {  	[sflag:s16] =	ssyncadd.s32 $0xFFFFFF80  }
0xdb: {  	[tilespmem:s30], [sflag:$0x9] =	stream.indirect.gather [spmem:s31], $0x80, s10, s10, $0xb8;
	[tilespmem:$0x1BA80] =	vst v63  }
0xdc: {  	_ =	swait.ge [sflag:s7], $0x4000  }
0xdd: {  	s15 =	sld [smem:$0x7FC]  }
0xde: {  	[sflag:s7] =	ssyncset.done $0x0  }
0xdf: {  	[sflag:s7] =	ssyncadd.s32 $0xFFFFC000  }
0xe0: {  	[hbm4b:s15+s1] =	stream.linear.scatter [tilespmem:s30], [sflag:$0x6], $0x4000, $0x38;
	[tilespmem:$0x1BA80] =	vst v63  }
0xe1: {  	s18 =	rddreg [dreg:$0x1d]  }
0xe2: {  	[tilespmem:s10], [sflag:$0x2] =	stream.linear.gather [hbm4b:s18+s1], $0x80, $0x38;
	[tilespmem:$0x1BA80] =	vst v63  }
0xe3: {  	_ =	swait.ge [sflag:s11], $0x4000  }
0xe4: {  	[sflag:s11] =	ssyncset.done $0x0  }
0xe5: {  	[sflag:s11] =	ssyncadd.s32 $0xFFFFC000  }
0xe6: {  	_ =	swait.ge [sflag:s8], $0x80  }
0xe7: {  	[sflag:s8] =	ssyncset.done $0x0  }
0xe8: {  	[sflag:s8] =	ssyncadd.s32 $0xFFFFFF80  }
0xe9: {  	[tilespmem:s5], [sflag:$0x9] =	stream.indirect.gather [spmem:s31], $0x80, s26, s10, $0xb8;
	[tilespmem:$0x1BA80] =	vst v63  }
0xea: {  	_ =	swait.ge [sflag:s7], $0x4000  }
0xeb: {  	s6 =	rddreg [dreg:$0x13]  }
0xec: {  	[sflag:s7] =	ssyncset.done $0x0;
	s14 =	rddreg [dreg:$0x1e];
	s20 =	sadd.s32 $0xFFFFFFE0, s6  }
0xed: {  	s21 =	sadd.s32 $0xFFFF0000, s14;
	[sflag:s7] =	ssyncadd.s32 $0xFFFFC000;
	p4 =	sgt.u32 s20, $0x9C3  }
0xee: {  	[hbm4b:s21+s26] =	stream.linear.scatter [tilespmem:s5], [sflag:$0x5], $0x4000, $0x38;
	[tilespmem:$0x1BA80] =	vst v63  }
0xef: {  	s1 =	sadd.s32 @!p4 $0x0, s23;
	s2 =	simm.s32 @!p4 $0x0  }
0xf0: {  	[tilespmem:s2], [sflag:$0x1] =	stream.linear.gather @!p4 [hbm4b:s1+s2], $0x80, $0x38;
	[tilespmem:$0x1BA80] =	vst v63  }
0xf1: {  	_ =	swait.ge [sflag:s29], $0x4000  }
0xf2: {  	[sflag:s29] =	ssyncset.done $0x0  }
0xf3: {  	[sflag:s29] =	ssyncadd.s32 $0xFFFFC000  }
0xf4: {  	_ =	swait.ge [sflag:s16], $0x80  }
0xf5: {  	[sflag:s16] =	ssyncset.done $0x0  }
0xf6: {  	p5 =	sgt.u32 s6, $0x9C3;
	[sflag:s16] =	ssyncadd.s32 $0xFFFFFF80  }
0xf7: {  	[tilespmem:s30], [sflag:$0x9] =	stream.indirect.gather [spmem:s31], $0x80, s10, s10, $0xb8;
	[tilespmem:$0x1BA80] =	vst v63  }
0xf8: {  	s6 =	sadd.s32 $0x40, s6;
	s18 =	sadd.s32 @!p5 $0x0, s22;
	_ =	swait.ge [sflag:s7], $0x4000  }
0xf9: {  	s20 =	simm.s32 @!p5 $0x0;
	s21 =	simm.s32 @!p5 $0x80;
	[sflag:s7] =	ssyncset.done $0x0  }
0xfa: {  	s1 =	simm.s32 $0x400;
	s2 =	sadd.s32 $0x20000, s14;
	[sflag:s7] =	ssyncadd.s32 $0xFFFFC000  }
.LBB2_18:
0xfb: {  	[hbm4b:s14+s26] =	stream.linear.scatter [tilespmem:s30], [sflag:$0x6], $0x4000, $0x38;
	[tilespmem:$0x1BA80] =	vst v63  }
0xfc: {  	s15 =	smov.u32 s1;
	s1 =	sadd.s32 $0x400, s1;
	s14 =	smov.u32 s2  }
0xfd: {  	[tilespmem:s21], [sflag:$0x2] =	stream.linear.gather @!p5 [hbm4b:s18+s20], $0x80, $0x38;
	[tilespmem:$0x1BA80] =	vst v63  }
0xfe: {  	p4 =	sne.s32 s1, $0x9800;
	_ =	swait.ge [sflag:s11], $0x4000  }
0xff: {  	[sflag:s11] =	ssyncset.done $0x0  }
0x100: {  	[sflag:s11] =	ssyncadd.s32 $0xFFFFC000  }
0x101: {  	_ =	swait.ge [sflag:s8], $0x80  }
0x102: {  	[sflag:s8] =	ssyncset.done $0x0  }
0x103: {  	[sflag:s8] =	ssyncadd.s32 $0xFFFFFF80  }
0x104: {  	[tilespmem:s5], [sflag:$0x9] =	stream.indirect.gather [spmem:s31], $0x80, s26, s10, $0xb8;
	[tilespmem:$0x1BA80] =	vst v63  }
0x105: {  	_ =	swait.ge [sflag:s7], $0x4000  }
0x106: {  	s18 =	sadd.s32 $0xFFFF0000, s2;
	s20 =	sadd.s32 $0xFFFFFFE0, s6;
	[sflag:s7] =	ssyncset.done $0x0  }
0x107: {  	p5 =	sgt.u32 s20, $0x9C3;
	[sflag:s7] =	ssyncadd.s32 $0xFFFFC000  }
0x108: {  	[hbm4b:s18+s26] =	stream.linear.scatter [tilespmem:s5], [sflag:$0x5], $0x4000, $0x38;
	[tilespmem:$0x1BA80] =	vst v63  }
0x109: {  	s20 =	simm.s32 @!p5 $0x0;
	s18 =	sadd.s32 @!p5 s15, s23  }
0x10a: {  	[tilespmem:s20], [sflag:$0x1] =	stream.linear.gather @!p5 [hbm4b:s18+s20], $0x80, $0x38;
	[tilespmem:$0x1BA80] =	vst v63  }
0x10b: {  	_ =	swait.ge [sflag:s29], $0x4000  }
0x10c: {  	[sflag:s29] =	ssyncset.done $0x0  }
0x10d: {  	[sflag:s29] =	ssyncadd.s32 $0xFFFFC000  }
0x10e: {  	_ =	swait.ge [sflag:s16], $0x80  }
0x10f: {  	[sflag:s16] =	ssyncset.done $0x0  }
0x110: {  	[sflag:s16] =	ssyncadd.s32 $0xFFFFFF80  }
0x111: {  	[tilespmem:s30], [sflag:$0x9] =	stream.indirect.gather [spmem:s31], $0x80, s10, s10, $0xb8;
	[tilespmem:$0x1BA80] =	vst v63  }
.Ltmp13:
0x112: {  	_ = 	snop;
	(pc) =	sbr.rel @p4 .LBB2_18-.Ltmp13, $4  }
0x113: {  	_ =	swait.ge [sflag:s7], $0x4000  }
0x114: {  	s2 =	sadd.s32 $0x20000, s2;
	[sflag:s7] =	ssyncset.done $0x0  }
0x115: {  	p5 =	sgt.u32 s6, $0x9C3;
	s6 =	sadd.s32 $0x40, s6;
	[sflag:s7] =	ssyncadd.s32 $0xFFFFC000  }
0x116: {  	s18 =	sadd.s32 @!p5 s15, s22;
	s20 =	simm.s32 @!p5 $0x0;
	s21 =	simm.s32 @!p5 $0x80  }
0x117: {  	[hbm4b:s14+s26] =	stream.linear.scatter [tilespmem:s30], [sflag:$0x6], $0x4000, $0x38;
	[tilespmem:$0x1BA80] =	vst v63  }
0x118: {  	s1 =	simm.s32 @!p2 $0x5  }
0x119: {  	[tilespmem:s21], [sflag:$0x2] =	stream.linear.gather @!p5 [hbm4b:s18+s20], $0x80, $0x38;
	[tilespmem:$0x1BA80] =	vst v63  }
0x11a: {  	_ =	swait.ge @!p2 [sflag:s1], $0x4000  }
0x11b: {  	[sflag:s1] =	ssyncset.done @!p2 $0x0  }
0x11c: {  	[sflag:s1] =	ssyncadd.s32 @!p2 $0xFFFFC000;
	s1 =	simm.s32 @!p2 $0x1  }
0x11d: {  	_ =	swait.ge @!p2 [sflag:s1], $0x80  }
0x11e: {  	s2 =	simm.s32 @!p2 $0x0;
	[sflag:s1] =	ssyncset.done @!p2 $0x0  }
0x11f: {  	s6 =	simm.s32 @!p2 $0x100;
	[sflag:s1] =	ssyncadd.s32 @!p2 $0xFFFFFF80;
	s1 =	simm.s32 @!p2 $0x80  }
0x120: {  	[tilespmem:s6], [sflag:$0x9] =	stream.indirect.gather @!p2 [spmem:s31], $0x80, s2, s1, $0xb8;
	[tilespmem:$0x1BA80] =	vst v63  }
0x121: {  	s1 =	simm.s32 @!p2 $0x9  }
0x122: {  	_ =	swait.ge @!p2 [sflag:s1], $0x4000  }
0x123: {  	[sflag:s1] =	ssyncset.done @!p2 $0x0  }
0x124: {  	[sflag:s1] =	ssyncadd.s32 @!p2 $0xFFFFC000;
	s1 =	rddreg [dreg:$0x18]  }
0x125: {  	[hbm4b:s1+s2] =	stream.linear.scatter @!p2 [tilespmem:s6], [sflag:$0x5], $0x4000, $0x38;
	[tilespmem:$0x1BA80] =	vst v63  }
0x126: {  	_ =	swait.ge [sflag:s11], $0x4000  }
0x127: {  	[sflag:s11] =	ssyncset.done $0x0  }
0x128: {  	[sflag:s11] =	ssyncadd.s32 $0xFFFFC000  }
0x129: {  	_ =	swait.ge [sflag:s29], $0x4000  }
0x12a: {  	s17 =	sadd.s32 $0x1, s17;
	s21 =	rddreg [dreg:$0x1b]  }
0x12b: {  	p4 =	sne.s32 s17, s21  }
.Ltmp14:
0x12c: {  	_ = 	snop;
	(pc) =	sbr.rel @p4 .LBB2_1-.Ltmp14, $3  }
0x12d: {  	_ =	sdelay $0x1  }
0x12e: {  	[sflag:s29] =	ssyncset.done $0x0  }
0x12f: {  	s15 =	rddreg [dreg:$0x3];
	[sflag:s29] =	ssyncadd.s32 $0xFFFFC000;
	s21 =	simm.s32 $0x8100  }
0x130: {  	_ =	sfence.sel $0x180000  }
0x131: {  	[bflag:$0x0] =	sbarrier.arrive $0xFFFF  }
0x132: {  	_ =	strace $0x9000004A  }
0x133: {  	[bflag:$0x2] =	sbarrier.arrive $0xFFFF  }
0x134: {  	p0 =	sne.s32 s0, $0x0;
	s0 =	rddreg [dreg:$0x2]  }
0x135: {  	s0 =	sadd.s32 @!p0 $0x100000, s0  }
0x136: {  	[sflag:s0] =	ssyncadd.tile.s32 @!p0 $0x1;
	_ =	shalt  }
.Lfunc_end2:
_tile_overlayer_lowered:
.L_overlay_start_2:
0x137: {  	(tag) =	ssettag $0x2  }
0x138: {  	s0 =	rddreg [dreg:$0x0];
	s2 =	stileid.u32  }
0x139: {  	s1 =	rddreg [dreg:$0x1];
	p0 =	sne.s32 s2, $0x0  }
0x13a: {  	s3 =	rddreg [dreg:$0x2];
	[bflag:$0x3] =	sbarrier.arrive $0xFFFF;
	s2 =	simm.s32 @!p0 $0x1C09  }
0x13b: {  	[timem:s3], [sflag:s2] =	dma.local @!p0 [hbm:s0], s1  }
0x13c: {  	s0 =	simm.s32 @!p0 $0x9  }
0x13d: {  	_ =	swait.ge @!p0 [sflag:s0], s1  }
0x13e: {  	s1 =	ssub.s32 @!p0 $0x0, s1;
	[sflag:s0] =	ssyncset.done @!p0 $0x0  }
0x13f: {  	[sflag:s0] =	ssyncadd.s32 @!p0 s1  }
0x140: {  	[bflag:$0x3] =	sbarrier.arrive $0xFFFF  }
0x141: {  	_ =	shalt  }

// kernel: kernel.19.cloned.1.call-start
scs
__scs_entry_jumppad:
0x0: {  	(pc) =	sbr.rel $0x88, $3  }
0x1: {  	(tag) =	ssettag $0x0;
	lr =	simm.s32 $0x1  }
0x2: {  	[smem:$0x3F8A] =	sst lr;
	_ =	strace $0xD0000000  }
0x3: {  	_ = 	snop  }
0x4: {  	_ = 	snop  }
0x5: {  	_ = 	snop  }
0x6: {  	_ = 	snop  }
0x7: {  	_ = 	snop  }
__scs_overlays_trampoline_lowered:
0x8: {  	[smem:$0x3F99] =	sst s0  }
0x9: {  	[smem:$0x3F9A] =	sst s1  }
0xa: {  	[smem:$0x3F9B] =	sst s2  }
0xb: {  	[smem:$0x3F9C] =	sst s3  }
0xc: {  	[smem:$0x3F9D] =	sst s4  }
0xd: {  	[smem:$0x3F9E] =	sst s5  }
0xe: {  	[smem:$0x3F9F] =	sst s6  }
0xf: {  	[smem:$0x3FA0] =	sst s7  }
0x10: {  	[smem:$0x3FA1] =	sst s8  }
0x11: {  	[smem:$0x3FA2] =	sst s9;
	s0 =	simm.s32 @!p0 $0x0  }
0x12: {  	s1 =	sld [smem:$0x3F88];
	s0 =	simm.s32 @p0 $0x1  }
0x13: {  	[smem:$0x3FA3] =	sst s0;
	s0 =	simm.s32 @!p1 $0x0  }
0x14: {  	s2 =	sld [smem:$0x3F87];
	s0 =	simm.s32 @p1 $0x1  }
0x15: {  	[smem:$0x3FA4] =	sst s0;
	s0 =	simm.s32 @!p2 $0x0  }
0x16: {  	s3 =	sld [smem:$0x3FDB];
	s0 =	simm.s32 @p2 $0x1  }
0x17: {  	s4 =	simm.s32 $0x1BF5;
	[smem:$0x3FA6] =	sst s0  }
0x18: {  	s0 =	sld [smem:$0x3F89];
	_ =	swait.ge [sflag:s4], $0x0  }
0x19: {  	s7 =	sld [smem:$0x3F8A]  }
0x1a: {  	s8 =	sadd.s32 $0xFFFFE003, lr  }
0x1b: {  	s9 =	sadd.s32 $0xFFFFFEF7, lr;
	s5 =	simm.s32 $0xFFFFFFFF;
	p2 =	slt.u32 s8, $0xFFFFF086  }
0x1c: {  	p1 =	slt.u32 s9, $0xF7A;
	s5 =	simm.s32 @!p2 $0x0  }
0x1d: {  	s5 =	simm.s32 @p1 $0x1;
	p0 =	seq.s32 s7, s2  }
0x1e: {  	s7 =	smul.u32 @!p0 $0xF7A, s2;
	p2 =	seq.s32 @!p0 s5, $0x0  }
0x1f: {  	s9 =	smul.u32 $0xF7A, s1;
	s8 =	simm.s32 @!p0 $0x1BF5;
	p2 =	por !p2, p0  }
0x20: {  	[sflag:s8] =	ssyncset.s32 @!p0 $0xFFFFF086;
	s6 =	sadd.s32 @!p0 s3, s7;
	s7 =	simm.s32 @!p0 $0x108  }
0x21: {  	s3 =	sadd.s32 s3, s9;
	s6 =	sadd.s32 @!p0 $0x88, s6;
	s7 =	simm.s32 @p2 $0x1082  }
0x22: {  	[simem:s7], [sflag:s8] =	dma.local @!p0 [hbm:s6], $0xF7A  }
0x23: {  	s9 =	sor.u32 $0xD0000000, s2;
	s6 =	simm.s32 $0x108;
	_ =	swait.ge @!p0 [sflag:s8], $0x0  }
0x24: {  	s3 =	sadd.s32 $0x88, s3;
	s6 =	simm.s32 @!p1 $0x1082;
	[sflag:s4] =	ssyncset.s32 $0xFFFFF086  }
0x25: {  	[simem:s6], [sflag:s4] =	dma.local [hbm:s3], $0xF7A  }
0x26: {  	[smem:$0x3F8A] =	sst s1;
	(tag) =	ssettag s2;
	_ =	strace s9  }
0x27: {  	s1 =	sld [smem:$0x3F9A]  }
0x28: {  	s2 =	sld [smem:$0x3F9B]  }
0x29: {  	s4 =	sld [smem:$0x3F9D]  }
0x2a: {  	p0 =	seq.s32 s5, $0x0;
	s5 =	sld [smem:$0x3F9E]  }
0x2b: {  	s6 =	sld [smem:$0x3F9F]  }
0x2c: {  	s7 =	sld [smem:$0x3FA0]  }
0x2d: {  	s3 =	simm.s32 $0x108;
	s8 =	sld [smem:$0x3FA1]  }
0x2e: {  	s3 =	simm.s32 @!p0 $0x1082;
	s9 =	sld [smem:$0x3FA2]  }
0x2f: {  	lr =	sadd.s32 s0, s3;
	s0 =	sld [smem:$0x3F99]  }
0x30: {  	s3 =	sld [smem:$0x3F9C]  }
0x31: {  	[smem:$0x3FA5] =	sst s10  }
0x32: {  	s10 =	sld [smem:$0x3FA3];
	_ =	sdelay $0x3  }
0x33: {  	p0 =	seq.s32 s10, $0x1;
	s10 =	sld [smem:$0x3FA5];
	_ =	sdelay $0x3  }
0x34: {  	[smem:$0x3FA5] =	sst s10  }
0x35: {  	s10 =	sld [smem:$0x3FA4];
	_ =	sdelay $0x3  }
0x36: {  	p1 =	seq.s32 s10, $0x1;
	s10 =	sld [smem:$0x3FA5];
	_ =	sdelay $0x3  }
0x37: {  	[smem:$0x3FA5] =	sst s10  }
0x38: {  	s10 =	sld [smem:$0x3FA6]  }
0x39: {  	_ = 	snop;
	(pc) =	sbr.ind lr, $3  }
0x3a: {  	_ = 	snop  }
0x3b: {  	_ = 	snop  }
0x3c: {  	p2 =	seq.s32 s10, $0x1;
	s10 =	sld [smem:$0x3FA5]  }
0x3d: {  	_ =	shalt  }
0x3e: {  	_ =	shalt  }
0x3f: {  	_ =	shalt  }
0x40: {  	_ =	shalt  }
0x41: {  	_ =	shalt  }
0x42: {  	_ =	shalt  }
0x43: {  	_ =	shalt  }
0x44: {  	_ =	shalt  }
0x45: {  	_ =	shalt  }
0x46: {  	_ =	shalt  }
0x47: {  	_ =	shalt  }
0x48: {  	_ =	shalt  }
0x49: {  	_ =	shalt  }
0x4a: {  	_ =	shalt  }
0x4b: {  	_ =	shalt  }
0x4c: {  	_ =	shalt  }
0x4d: {  	_ =	shalt  }
0x4e: {  	_ =	shalt  }
0x4f: {  	_ =	shalt  }
0x50: {  	_ =	shalt  }
0x51: {  	_ =	shalt  }
0x52: {  	_ =	shalt  }
0x53: {  	_ =	shalt  }
0x54: {  	_ =	shalt  }
0x55: {  	_ =	shalt  }
0x56: {  	_ =	shalt  }
0x57: {  	_ =	shalt  }
0x58: {  	_ =	shalt  }
0x59: {  	_ =	shalt  }
0x5a: {  	_ =	shalt  }
0x5b: {  	_ =	shalt  }
0x5c: {  	_ =	shalt  }
0x5d: {  	_ =	shalt  }
0x5e: {  	_ =	shalt  }
0x5f: {  	_ =	shalt  }
0x60: {  	_ =	shalt  }
0x61: {  	_ =	shalt  }
0x62: {  	_ =	shalt  }
0x63: {  	_ =	shalt  }
0x64: {  	_ =	shalt  }
0x65: {  	_ =	shalt  }
0x66: {  	_ =	shalt  }
0x67: {  	_ =	shalt  }
0x68: {  	_ =	shalt  }
0x69: {  	_ =	shalt  }
0x6a: {  	_ =	shalt  }
0x6b: {  	_ =	shalt  }
0x6c: {  	_ =	shalt  }
0x6d: {  	_ =	shalt  }
0x6e: {  	_ =	shalt  }
0x6f: {  	_ =	shalt  }
0x70: {  	_ =	shalt  }
0x71: {  	_ =	shalt  }
0x72: {  	_ =	shalt  }
0x73: {  	_ =	shalt  }
0x74: {  	_ =	shalt  }
0x75: {  	_ =	shalt  }
0x76: {  	_ =	shalt  }
0x77: {  	_ =	shalt  }
0x78: {  	_ =	shalt  }
0x79: {  	_ =	shalt  }
0x7a: {  	_ =	shalt  }
0x7b: {  	_ =	shalt  }
0x7c: {  	_ =	shalt  }
0x7d: {  	_ =	shalt  }
0x7e: {  	_ =	shalt  }
0x7f: {  	_ =	shalt  }
0x80: {  	_ =	shalt  }
0x81: {  	_ =	shalt  }
0x82: {  	_ =	shalt  }
0x83: {  	_ =	shalt  }
0x84: {  	_ =	shalt  }
0x85: {  	_ =	shalt  }
0x86: {  	_ =	shalt  }
0x87: {  	_ =	shalt  }
.Lfunc_end0:
.L_simem_size_0:
called_computation.2_lowered:
.L_overlay_start_0:
0x88: {  	s2 =	sld [smem:$0x3FD9]  }
0x89: {  	s3 =	sld [smem:$0x3FFE];
	_ =	sdelay $0x1  }
0x8a: {  	s1 =	srdreg.scid  }
0x8b: {  	s0 =	sand.u32 $0x1, s1  }
0x8c: {  	s16 =	sshll.u32 s0, $0xA;
	s2 =	sadd.s32 s3, s2  }
0x8d: {  	s2 =	sadd.s32 s2, s16  }
0x8e: {  	[smem:$0x3FB1] =	sst s2  }
0x8f: {  	_ = 	snop  }
0x90: {  	(tm) =	ssettm $0x1  }
0x91: {  	s17 =	sld [smem:$0x3FFB];
	_ =	sdelay $0x3  }
0x92: {  	_ =	strace s17  }
0x93: {  	s2 =	sld [smem:$0x3FFC];
	_ =	sdelay $0x3  }
0x94: {  	_ =	strace s2  }
0x95: {  	s2 =	sld [smem:$0x3FFD];
	_ =	sdelay $0x3  }
0x96: {  	_ =	strace s2  }
0x97: {  	_ =	strace $0x8FFFFFFF  }
0x98: {  	s18 =	sld [smem:$0x3FDB];
	_ =	sdelay $0x1  }
0x99: {  	s19 =	simm.s32 $_scs_section_size  }
0x9a: {  	s4 =	simm.s32 $_size__tile_overlayer_lowered;
	s5 =	simm.s32 $_tile_overlayer_lowered  }
0x9b: {  	s22 =	simm.s32 $0x1BFF;
	s21 =	sshll.u32 s5, $0x1;
	s2 =	sadd.s32 s19, s18  }
0x9c: {  	s6 =	simm.s32 $0x0;
	s20 =	sshll.u32 s4, $0x1;
	s4 =	sadd.s32 s21, s2  }
0x9d: {  	[timem:s6], [sflag:s22] =	dma.local [hbm:s4], s20  }
0x9e: {  	_ =	swait.ge [sflag:s22], s20  }
0x9f: {  	s3 =	ssub.s32 $0x0, s20;
	[sflag:s22] =	ssyncset.done $0x0  }
0xa0: {  	[sflag:s22] =	ssyncadd.s32 s3;
	_ =	sdelay $0x1  }
0xa1: {  	s23 =	simm.s32 $0x1B8B  }
0xa2: {  	_ =	swait.ge [sflag:s23], $0x1  }
0xa3: {  	[sflag:s23] =	ssyncset.done $0x0  }
0xa4: {  	s25 =	simm.s32 $0x1B8E;
	s24 =	sld [smem:$0x3FFE];
	[sflag:s23] =	ssyncadd.s32 $0xFFFFFFFF  }
0xa5: {  	s26 =	simm.s32 $execute0_lowered;
	[smem:$0x3FD2] =	sst s25  }
0xa6: {  	s4 =	sshll.u32 s26, $0x1;
	_ =	strace $0x8000004C;
	[dreg:$0x1] =	wrdreg $0xFFFFFFFF  }
0xa7: {  	s28 =	simm.s32 $_size_execute0_lowered;
	s2 =	sadd.s32 s2, s4;
	[dreg:$0x0] =	wrdreg $0x0  }
0xa8: {  	s4 =	sshll.u32 s28, $0x1;
	[dreg:$0x2] =	wrdreg s2  }
0xa9: {  	[dreg:$0x3] =	wrdreg s4  }
0xaa: {  	[dreg:$0x4] =	wrdreg $0xC0  }
0xab: {  	_ =	task [dreg:s6], $0x5FFFF  }
0xac: {  	[dreg:$0x1] =	wrdreg $0xFFFFFFFF  }
0xad: {  	[dreg:$0x0] =	wrdreg $0x60  }
0xae: {  	[dreg:$0x2] =	wrdreg s24  }
0xaf: {  	[dreg:$0x3] =	wrdreg $0x81000  }
0xb0: {  	[dreg:$0x4] =	wrdreg $0x9  }
0xb1: {  	_ =	task.clear_ibuf [dreg:s6], $0x5FFFF;
	_ =	strace $0x9000004C  }
0xb2: {  	s29 =	simm.s32 $0x9;
	_ =	strace $0x8000004E  }
0xb3: {  	_ =	swait.ge [sflag:s29], $0x1  }
0xb4: {  	[sflag:s29] =	ssyncadd.s32 $0xFFFFFFFF  }
0xb5: {  	_ =	strace $0x9000004E  }
0xb6: {  	_ =	sfence  }
0xb7: {  	s30 =	sld [smem:$0x0];
	_ =	sdelay $0x2  }
0xb8: {  	s31 =	sshll.u32 s1, $0xD;
	s1 =	sshrl.u32 s1, $0x2  }
0xb9: {  	s3 =	sand.u32 $0x4000, s31;
	s1 =	sadd.s32 s1, s30  }
0xba: {  	s0 =	sor.u32 s3, s0;
	s1 =	sshll.u32 s1, $0x11  }
0xbb: {  	s0 =	sor.u32 s1, s0  }
0xbc: {  	s0 =	sadd.s32 $0x8F2B, s0  }
0xbd: {  	[sflag:s0] =	ssyncadd.remote.s32 $0x1  }
0xbe: {  	_ =	sfence.sel $0xFFFF  }
0xbf: {  	[dreg:$0x0] =	wrdreg $0xFFFFFFFF;
	(pc) =	sbr.abs _section_cstart, $3  }
0xc0: {  	[dreg:$0x1] =	wrdreg $0xFFFFFFFF  }
0xc1: {  	_ =	task.clear_ibuf [dreg:s6], $0x2FFFF;
	_ =	strace $0x9FFFFFFF  }
0xc2: {  	(tm) =	ssettm $0x7FFFFFFF  }
0xc3: {  	_ =	shalt  }
tec
execute0_lowered:
.L_overlay_start_1:
0x0: {  	(tag) =	ssettag $0x1  }
0x1: {  	s0 =	srdreg.scid;
	s9 =	rddreg [dreg:$0x0]  }
0x2: {  	s22 =	stileid.u32;
	s28 =	rddreg [dreg:$0x1];
	s29 =	simm.s32 $0x6  }
0x3: {  	s5 =	sand.u32 $0x1, s0;
	s10 =	sadd.s32 $0xDA00, s9;
	s12 =	sadd.s32 $0x17800, s9  }
0x4: {  	s3 =	sshll.u32 s22, $0x7;
	s13 =	sshll.u32 s22, $0x4;
	s7 =	smul.u32 $0x500, s22  }
0x5: {  	s8 =	sor.u32 $0x40, s22;
	p3 =	sgt.u32 s22, $0x3;
	s0 =	ssub.s32 $0x2, s5  }
0x6: {  	s2 =	sshll.u32 s5, $0x4;
	s4 =	sand.u32 $0x380, s3;
	s19 =	smul.u32 $0x500, s8  }
0x7: {  	s3 =	sor.u32 $0x20, s22;
	s5 =	sshll.u32 s5, $0xF;
	s8 =	smul.u32 $0xA000, s8  }
0x8: {  	s1 =	sshrl.u32 s0, $0x1;
	s11 =	sor.u32 s22, s2;
	s16 =	smul.u32 $0x500, s3  }
0x9: {  	s23 =	sadd.s32 s12, s7;
	s7 =	sor.u32 $0x60, s22;
	s3 =	smul.u32 $0xA000, s3  }
0xa: {  	s0 =	ssub.s32 s0, s1;
	s1 =	sor.u32 $0x10, s22;
	s6 =	sshll.u32 s11, $0x7  }
0xb: {  	[dreg:$0x3] =	wrdreg s23;
	s25 =	smul.u32 $0x500, s7;
	s19 =	sadd.s32 s12, s19  }
0xc: {  	s7 =	smul.u32 $0xA000, s7;
	s8 =	sshrl.u32 s8, $0x2;
	s21 =	sshll.u32 s1, $0x7  }
0xd: {  	s15 =	smul.u32 $0x500, s1;
	s6 =	sand.u32 $0xC00, s6;
	s16 =	sadd.s32 s12, s16  }
0xe: {  	[dreg:$0x7] =	wrdreg s19;
	s19 =	sand.u32 $0x70, s13;
	s0 =	smax.u32 s0, $0x1  }
0xf: {  	s3 =	sshrl.u32 s3, $0x2;
	s8 =	sadd.s32 s8, s28;
	s2 =	sand.u32 $0xC00, s21  }
0x10: {  	s18 =	sor.u32 s4, s6;
	s6 =	sor.u32 $0x50, s22;
	[dreg:$0x5] =	wrdreg s16  }
0x11: {  	s14 =	sor.u32 s4, s2;
	s2 =	sor.u32 $0x30, s22;
	s20 =	smul.u32 $0x500, s6  }
0x12: {  	s24 =	sadd.s32 s12, s15;
	s4 =	sor.u32 $0x70, s22;
	s6 =	smul.u32 $0xA000, s6  }
0x13: {  	s15 =	sadd.s32 s12, s25;
	s17 =	smul.u32 $0x500, s2;
	[dreg:$0x4] =	wrdreg s24  }
0x14: {  	s3 =	sadd.s32 s3, s28;
	s31 =	smul.u32 $0x500, s4;
	[dreg:$0x9] =	wrdreg s15  }
0x15: {  	s24 =	sadd.s32 s10, s19;
	s14 =	sshrl.u32 s14, $0x3;
	s2 =	smul.u32 $0xA000, s2  }
0x16: {  	s15 =	sor.u32 $0xA0, s11;
	p2 =	sgt.u32 s4, $0x7C;
	s4 =	smul.u32 $0xA000, s4  }
0x17: {  	s21 =	sadd.s32 s12, s20;
	s20 =	sor.u32 $0x9C0, s22;
	s14 =	sadd.s32 s10, s14  }
0x18: {  	s26 =	sadd.s32 s12, s17;
	[dreg:$0x8] =	wrdreg s21;
	s17 =	sshll.u32 s11, $0x4  }
0x19: {  	s12 =	sadd.s32 s12, s31;
	s21 =	sshll.u32 s20, $0x4;
	[dreg:$0xe] =	wrdreg s14  }
0x1a: {  	p0 =	sgt.u32 s20, $0x9C3;
	s2 =	sshrl.u32 s2, $0x2;
	[dreg:$0x6] =	wrdreg s26  }
0x1b: {  	s4 =	sshrl.u32 s4, $0x2;
	[dreg:$0xa] =	wrdreg s12;
	s23 =	sor.u32 $0x400, s17  }
0x1c: {  	s25 =	sor.u32 $0x600, s17;
	s31 =	sand.u32 $0x9C80, s21;
	s21 =	sor.u32 $0x300, s13  }
0x1d: {  	s4 =	sadd.s32 s4, s28;
	s12 =	sand.u32 $0x580, s23;
	s26 =	sand.u32 $0x780, s25  }
0x1e: {  	s16 =	sadd.s32 s31, s24;
	s23 =	sshrl.u32 s18, $0x3;
	s25 =	sor.u32 $0x800, s17  }
0x1f: {  	s12 =	sadd.s32 s12, s24;
	[dreg:$0xd] =	wrdreg s16;
	s14 =	sand.u32 $0x980, s25  }
0x20: {  	s25 =	sshll.u32 s1, $0xB;
	s1 =	smul.u32 $0xA000, s1;
	[dreg:$0xb] =	wrdreg s12  }
0x21: {  	s12 =	sadd.s32 s26, s24;
	s24 =	sadd.s32 s10, s13;
	s13 =	sor.u32 $0x200, s13  }
0x22: {  	s26 =	sshll.u32 s15, $0x4;
	[dreg:$0xc] =	wrdreg s12;
	s12 =	sand.u32 $0x380, s21  }
0x23: {  	s21 =	sadd.s32 s10, s23;
	[dreg:$0xf] =	wrdreg s24;
	s13 =	sand.u32 $0x280, s13  }
0x24: {  	s16 =	sand.u32 $0xB80, s26;
	s23 =	sadd.s32 $0x65C00, s9;
	s9 =	sadd.s32 $0xF16200, s9  }
0x25: {  	s26 =	sshll.u32 s20, $0xB;
	s1 =	sshrl.u32 s1, $0x2;
	s20 =	sshll.u32 s22, $0x6  }
0x26: {  	s12 =	sadd.s32 s12, s10;
	s13 =	sadd.s32 s13, s10;
	s31 =	sadd.s32 s16, s10  }
0x27: {  	s10 =	sadd.s32 s14, s10;
	s14 =	sshll.u32 s11, $0xB;
	s11 =	sor.u32 $0x9C0, s11  }
0x28: {  	s5 =	sadd.s32 s5, s23;
	s30 =	sor.u32 $0x1C07, s20;
	s1 =	sadd.s32 s1, s28  }
0x29: {  	s20 =	sshrl.u32 s8, $0x3;
	s16 =	sadd.s32 s19, s12;
	s17 =	sadd.s32 s19, s13  }
0x2a: {  	s18 =	sadd.s32 s19, s31;
	s19 =	sadd.s32 s19, s10;
	s13 =	sadd.s32 s23, s14  }
0x2b: {  	s24 =	sshll.u32 s11, $0xB;
	s31 =	sshll.u32 s22, $0xB;
	p1 =	sgt.u32 s11, $0x9C3  }
0x2c: {  	s11 =	sshrl.u32 s3, $0x3;
	s10 =	sadd.s32 s23, s24;
	s24 =	simm.s32 $0x0  }
0x2d: {  	s12 =	sadd.s32 s9, s31;
	s5 =	sadd.s32 s31, s5;
	[dreg:$0x10] =	wrdreg s10  }
0x2e: {  	s23 =	sadd.s32 s2, s28;
	s10 =	sadd.s32 s9, s25;
	[smem:$0x7FF] =	sst s24  }
0x2f: {  	s8 =	smov.u32 s13;
	[dreg:$0x11] =	wrdreg s10;
	s10 =	sadd.s32 s9, s26  }
0x30: {  	s25 =	sshrl.u32 s6, $0x2;
	s2 =	sadd.s32 $0x30000, s5;
	[dreg:$0x12] =	wrdreg s10  }
0x31: {  	s26 =	sshrl.u32 s7, $0x2;
	_ =	strace $0x8000004D;
	[dreg:$0x14] =	wrdreg s0  }
0x32: {  	s31 =	sadd.s32 s25, s28;
	s7 =	smov.u32 s12;
	[dreg:$0x17] =	wrdreg s11  }
0x33: {  	s10 =	smul.u32 $0xA000, s22;
	s6 =	sadd.s32 s26, s28;
	[dreg:$0x19] =	wrdreg s20  }
0x34: {  	s26 =	sadd.s32 $0x200, s21;
	s22 =	simm.s32 $0x2;
	[dreg:$0x13] =	wrdreg s21  }
0x35: {  	s25 =	sshrl.u32 s6, $0x3;
	[dreg:$0x1d] =	wrdreg s26;
	s11 =	simm.s32 $0x80  }
0x36: {  	s21 =	simm.s32 $0x3;
	s20 =	simm.s32 $0x5;
	s9 =	sshrl.u32 s10, $0x2  }
0x37: {  	s10 =	sshrl.u32 s1, $0x3;
	[dreg:$0x1b] =	wrdreg s25;
	s14 =	sadd.s32 s9, s28  }
0x38: {  	s25 =	simm.s32 $0x0;
	[dreg:$0x16] =	wrdreg s10;
	s0 =	sshrl.u32 s14, $0x3  }
0x39: {  	s9 =	sadd.s32 $0x18000, s12;
	s14 =	sshrl.u32 s23, $0x3;
	[dreg:$0x15] =	wrdreg s0  }
0x3a: {  	s10 =	simm.s32 $0x100;
	s23 =	sshrl.u32 s31, $0x3;
	[dreg:$0x18] =	wrdreg s14  }
0x3b: {  	s12 =	simm.s32 $0x4100;
	s31 =	sadd.s32 $0x10000, s13;
	[dreg:$0x1a] =	wrdreg s23  }
0x3c: {  	s13 =	simm.s32 $0x1;
	s0 =	sshrl.u32 @!p2 s4, $0x3;
	[dreg:$0x1e] =	wrdreg s31  }
0x3d: {  	s14 =	simm.s32 $0x7;
	s23 =	simm.s32 $0x4;
	[dreg:$0x1c] =	wrdreg s0  }
.LBB2_1:
0x3e: {  	s0 =	rddreg [dreg:$0xf]  }
0x3f: {  	s4 =	rddreg [dreg:$0xe]  }
0x40: {  	[tilespmem:s24], [sflag:$0x1] =	stream.linear.gather [hbm4b:s0+s24], $0x80, $0x38;
	[tilespmem:$0x1B980] =	vst v63  }
0x41: {  	s5 =	rddreg [dreg:$0x11]  }
0x42: {  	[tilespmem:s10], [sflag:$0x3] =	stream.linear.gather [hbm4b:s7+s24], $0x4000, $0x38;
	[tilespmem:$0x1B980] =	vst v63  }
0x43: {  	s6 =	rddreg [dreg:$0x3]  }
0x44: {  	[tilespmem:s11], [sflag:$0x2] =	stream.linear.gather [hbm4b:s4+s24], $0x80, $0x38;
	[tilespmem:$0x1B980] =	vst v63  }
0x45: {  	s1 =	rddreg [dreg:$0x15]  }
0x46: {  	[tilespmem:s12], [sflag:$0x4] =	stream.linear.gather [hbm4b:s5+s24], $0x4000, $0x38;
	[tilespmem:$0x1B980] =	vst v63  }
0x47: {  	[spmem:s1], [sflag:s30] =	dma.local [hbm:s6], $0x500  }
0x48: {  	_ =	swait.ge [sflag:s14], $0x500  }
0x49: {  	[sflag:s14] =	ssyncset.done $0x0;
	s26 =	rddreg [dreg:$0x4]  }
0x4a: {  	s31 =	rddreg [dreg:$0x16];
	[sflag:s14] =	ssyncadd.s32 $0xFFFFFB00  }
0x4b: {  	[spmem:s31], [sflag:s30] =	dma.local [hbm:s26], $0x500  }
0x4c: {  	_ =	swait.ge [sflag:s14], $0x500  }
0x4d: {  	[sflag:s14] =	ssyncset.done $0x0;
	s3 =	rddreg [dreg:$0x5]  }
0x4e: {  	s4 =	rddreg [dreg:$0x17];
	[sflag:s14] =	ssyncadd.s32 $0xFFFFFB00  }
0x4f: {  	[spmem:s4], [sflag:s30] =	dma.local [hbm:s3], $0x500  }
0x50: {  	_ =	swait.ge [sflag:s14], $0x500  }
0x51: {  	[sflag:s14] =	ssyncset.done $0x0;
	s5 =	rddreg [dreg:$0x6]  }
0x52: {  	s6 =	rddreg [dreg:$0x18];
	[sflag:s14] =	ssyncadd.s32 $0xFFFFFB00  }
0x53: {  	[spmem:s6], [sflag:s30] =	dma.local [hbm:s5], $0x500  }
0x54: {  	_ =	swait.ge [sflag:s14], $0x500  }
0x55: {  	[sflag:s14] =	ssyncset.done $0x0;
	s26 =	rddreg [dreg:$0x7]  }
0x56: {  	s31 =	rddreg [dreg:$0x19];
	[sflag:s14] =	ssyncadd.s32 $0xFFFFFB00  }
0x57: {  	[spmem:s31], [sflag:s30] =	dma.local [hbm:s26], $0x500  }
0x58: {  	_ =	swait.ge [sflag:s14], $0x500  }
0x59: {  	[sflag:s14] =	ssyncset.done $0x0;
	s1 =	rddreg [dreg:$0x8]  }
0x5a: {  	s3 =	rddreg [dreg:$0x1a];
	[sflag:s14] =	ssyncadd.s32 $0xFFFFFB00  }
0x5b: {  	[spmem:s3], [sflag:s30] =	dma.local [hbm:s1], $0x500  }
0x5c: {  	_ =	swait.ge [sflag:s14], $0x500  }
0x5d: {  	[sflag:s14] =	ssyncset.done $0x0;
	s4 =	rddreg [dreg:$0x9]  }
0x5e: {  	s5 =	rddreg [dreg:$0x1b];
	[sflag:s14] =	ssyncadd.s32 $0xFFFFFB00  }
0x5f: {  	[spmem:s5], [sflag:s30] =	dma.local [hbm:s4], $0x500  }
0x60: {  	_ =	swait.ge [sflag:s14], $0x500  }
0x61: {  	[sflag:s14] =	ssyncset.done $0x0;
	s0 =	rddreg [dreg:$0xa]  }
0x62: {  	s1 =	rddreg [dreg:$0x1c];
	[sflag:s14] =	ssyncadd.s32 $0xFFFFFB00  }
0x63: {  	[spmem:s1], [sflag:s30] =	dma.local @!p2 [hbm:s0], $0x500  }
0x64: {  	s0 =	simm.s32 @!p2 $0x7  }
0x65: {  	_ =	swait.ge @!p2 [sflag:s0], $0x500  }
0x66: {  	[sflag:s0] =	ssyncset.done @!p2 $0x0  }
0x67: {  	[sflag:s0] =	ssyncadd.s32 @!p2 $0xFFFFFB00  }
0x68: {  	[bflag:$0x0] =	sbarrier.arrive $0xFFFF  }
0x69: {  	_ =	swait.ge [sflag:s13], $0x80  }
0x6a: {  	[sflag:s13] =	ssyncset.done $0x0  }
0x6b: {  	[sflag:s13] =	ssyncadd.s32 $0xFFFFFF80  }
0x6c: {  	_ =	swait.ge [sflag:s21], $0x4000  }
0x6d: {  	[sflag:s21] =	ssyncset.done $0x0  }
0x6e: {  	[sflag:s21] =	ssyncadd.s32 $0xFFFFC000  }
0x6f: {  	[spmem:s28] =	stream.indirect.scatter.add.f32 [tilespmem:s10], [sflag:$0x7], $0x80, s24, s11, $0xb8;
	[tilespmem:$0x1B980] =	vst v63  }
0x70: {  	_ =	swait.ge [sflag:s14], $0x4000  }
0x71: {  	[sflag:s14] =	ssyncset.done $0x0  }
0x72: {  	s6 =	sadd.s32 $0x0, s17;
	[sflag:s14] =	ssyncadd.s32 $0xFFFFC000  }
0x73: {  	[tilespmem:s24], [sflag:$0x1] =	stream.linear.gather [hbm4b:s6+s24], $0x80, $0x38;
	[tilespmem:$0x1B980] =	vst v63  }
0x74: {  	s26 =	sadd.s32 $0xFFFF8000, s9  }
0x75: {  	[tilespmem:s10], [sflag:$0x3] =	stream.linear.gather [hbm4b:s26+s24], $0x4000, $0x38;
	[tilespmem:$0x1B980] =	vst v63  }
0x76: {  	_ =	swait.ge [sflag:s22], $0x80  }
0x77: {  	[sflag:s22] =	ssyncset.done $0x0  }
0x78: {  	[sflag:s22] =	ssyncadd.s32 $0xFFFFFF80  }
0x79: {  	_ =	swait.ge [sflag:s23], $0x4000  }
0x7a: {  	[sflag:s23] =	ssyncset.done $0x0  }
0x7b: {  	[sflag:s23] =	ssyncadd.s32 $0xFFFFC000  }
0x7c: {  	[spmem:s28] =	stream.indirect.scatter.add.f32 [tilespmem:s12], [sflag:$0x7], $0x80, s11, s11, $0xb8;
	[tilespmem:$0x1B980] =	vst v63  }
0x7d: {  	_ =	swait.ge [sflag:s14], $0x4000  }
0x7e: {  	s31 =	sadd.s32 $0x0, s16;
	s1 =	sadd.s32 $0x10000, s9;
	[sflag:s14] =	ssyncset.done $0x0  }
0x7f: {  	s0 =	simm.s32 $0x200;
	s26 =	smov.u32 s9;
	[sflag:s14] =	ssyncadd.s32 $0xFFFFC000  }
0x80: {  	[tilespmem:s11], [sflag:$0x2] =	stream.linear.gather [hbm4b:s31+s24], $0x80, $0x38;
	[tilespmem:$0x1B980] =	vst v63  }
.LBB2_2:
0x81: {  	[tilespmem:s12], [sflag:$0x4] =	stream.linear.gather [hbm4b:s26+s24], $0x4000, $0x38;
	[tilespmem:$0x1B980] =	vst v63  }
0x82: {  	s3 =	smov.u32 s0;
	s26 =	smov.u32 s1  }
0x83: {  	p4 =	sne.s32 s0, $0x9800;
	s0 =	sadd.s32 $0x200, s0;
	_ =	swait.ge [sflag:s13], $0x80  }
0x84: {  	[sflag:s13] =	ssyncset.done $0x0  }
0x85: {  	[sflag:s13] =	ssyncadd.s32 $0xFFFFFF80  }
0x86: {  	_ =	swait.ge [sflag:s21], $0x4000  }
0x87: {  	[sflag:s21] =	ssyncset.done $0x0  }
0x88: {  	[sflag:s21] =	ssyncadd.s32 $0xFFFFC000  }
0x89: {  	[spmem:s28] =	stream.indirect.scatter.add.f32 [tilespmem:s10], [sflag:$0x7], $0x80, s24, s11, $0xb8;
	[tilespmem:$0x1B980] =	vst v63  }
0x8a: {  	_ =	swait.ge [sflag:s14], $0x4000  }
0x8b: {  	[sflag:s14] =	ssyncset.done $0x0  }
0x8c: {  	s4 =	sadd.s32 s3, s17;
	[sflag:s14] =	ssyncadd.s32 $0xFFFFC000  }
0x8d: {  	[tilespmem:s24], [sflag:$0x1] =	stream.linear.gather [hbm4b:s4+s24], $0x80, $0x38;
	[tilespmem:$0x1B980] =	vst v63  }
0x8e: {  	s4 =	sadd.s32 $0xFFFF8000, s1  }
0x8f: {  	[tilespmem:s10], [sflag:$0x3] =	stream.linear.gather [hbm4b:s4+s24], $0x4000, $0x38;
	[tilespmem:$0x1B980] =	vst v63  }
0x90: {  	_ =	swait.ge [sflag:s22], $0x80  }
0x91: {  	[sflag:s22] =	ssyncset.done $0x0  }
0x92: {  	[sflag:s22] =	ssyncadd.s32 $0xFFFFFF80  }
0x93: {  	_ =	swait.ge [sflag:s23], $0x4000  }
0x94: {  	[sflag:s23] =	ssyncset.done $0x0  }
0x95: {  	[sflag:s23] =	ssyncadd.s32 $0xFFFFC000  }
0x96: {  	[spmem:s28] =	stream.indirect.scatter.add.f32 [tilespmem:s12], [sflag:$0x7], $0x80, s11, s11, $0xb8;
	[tilespmem:$0x1B980] =	vst v63  }
.Ltmp0:
0x97: {  	_ =	swait.ge [sflag:s14], $0x4000;
	(pc) =	sbr.rel @p4 .LBB2_2-.Ltmp0, $4  }
0x98: {  	[sflag:s14] =	ssyncset.done $0x0  }
0x99: {  	s3 =	sadd.s32 s3, s16;
	[sflag:s14] =	ssyncadd.s32 $0xFFFFC000  }
0x9a: {  	[tilespmem:s11], [sflag:$0x2] =	stream.linear.gather [hbm4b:s3+s24], $0x80, $0x38;
	[tilespmem:$0x1B980] =	vst v63  }
0x9b: {  	s1 =	sadd.s32 $0x10000, s1  }
0x9c: {  	[tilespmem:s12], [sflag:$0x4] =	stream.linear.gather [hbm4b:s26+s24], $0x4000, $0x38;
	[tilespmem:$0x1B980] =	vst v63  }
0x9d: {  	_ =	swait.ge [sflag:s13], $0x80  }
0x9e: {  	[sflag:s13] =	ssyncset.done $0x0  }
0x9f: {  	[sflag:s13] =	ssyncadd.s32 $0xFFFFFF80  }
0xa0: {  	_ =	swait.ge [sflag:s21], $0x4000  }
0xa1: {  	[sflag:s21] =	ssyncset.done $0x0  }
0xa2: {  	[sflag:s21] =	ssyncadd.s32 $0xFFFFC000  }
0xa3: {  	[spmem:s28] =	stream.indirect.scatter.add.f32 [tilespmem:s10], [sflag:$0x7], $0x80, s24, s11, $0xb8;
	[tilespmem:$0x1B980] =	vst v63  }
0xa4: {  	_ =	swait.ge [sflag:s14], $0x4000  }
0xa5: {  	[sflag:s14] =	ssyncset.done $0x0  }
0xa6: {  	s0 =	simm.s32 @!p0 $0x0;
	s1 =	rddreg [dreg:$0xd];
	[sflag:s14] =	ssyncadd.s32 $0xFFFFC000  }
0xa7: {  	[tilespmem:s0], [sflag:$0x1] =	stream.linear.gather @!p0 [hbm4b:s1+s0], $0x80, $0x38;
	[tilespmem:$0x1B980] =	vst v63  }
0xa8: {  	s3 =	rddreg [dreg:$0x12];
	s1 =	simm.s32 @!p0 $0x100  }
0xa9: {  	[tilespmem:s1], [sflag:$0x3] =	stream.linear.gather @!p0 [hbm4b:s3+s0], $0x4000, $0x38;
	[tilespmem:$0x1B980] =	vst v63  }
0xaa: {  	_ =	swait.ge [sflag:s22], $0x80  }
0xab: {  	[sflag:s22] =	ssyncset.done $0x0  }
0xac: {  	[sflag:s22] =	ssyncadd.s32 $0xFFFFFF80  }
0xad: {  	_ =	swait.ge [sflag:s23], $0x4000  }
0xae: {  	[sflag:s23] =	ssyncset.done $0x0  }
0xaf: {  	[sflag:s23] =	ssyncadd.s32 $0xFFFFC000  }
0xb0: {  	[spmem:s28] =	stream.indirect.scatter.add.f32 [tilespmem:s12], [sflag:$0x7], $0x80, s11, s11, $0xb8;
	[tilespmem:$0x1B980] =	vst v63  }
0xb1: {  	_ =	swait.ge [sflag:s14], $0x4000  }
0xb2: {  	[sflag:s14] =	ssyncset.done $0x0  }
0xb3: {  	s0 =	simm.s32 @!p3 $0x1;
	[sflag:s14] =	ssyncadd.s32 $0xFFFFC000  }
0xb4: {  	_ =	swait.ge @!p3 [sflag:s0], $0x80  }
0xb5: {  	[sflag:s0] =	ssyncset.done @!p3 $0x0  }
0xb6: {  	[sflag:s0] =	ssyncadd.s32 @!p3 $0xFFFFFF80;
	s0 =	simm.s32 @!p3 $0x3  }
0xb7: {  	_ =	swait.ge @!p3 [sflag:s0], $0x4000  }
0xb8: {  	s1 =	simm.s32 @!p3 $0x0;
	[sflag:s0] =	ssyncset.done @!p3 $0x0  }
0xb9: {  	s3 =	simm.s32 @!p3 $0x100;
	[sflag:s0] =	ssyncadd.s32 @!p3 $0xFFFFC000;
	s0 =	simm.s32 @!p3 $0x80  }
0xba: {  	[spmem:s28] =	stream.indirect.scatter.add.f32 @!p3 [tilespmem:s3], [sflag:$0x7], $0x80, s1, s0, $0xb8;
	[tilespmem:$0x1B980] =	vst v63  }
0xbb: {  	s0 =	simm.s32 @!p3 $0x7  }
0xbc: {  	_ =	swait.ge @!p3 [sflag:s0], $0x4000  }
0xbd: {  	[sflag:s0] =	ssyncset.done @!p3 $0x0  }
0xbe: {  	[sflag:s0] =	ssyncadd.s32 @!p3 $0xFFFFC000  }
0xbf: {  	[bflag:$0x0] =	sbarrier.arrive $0xFFFF  }
0xc0: {  	s0 =	simm.s32 $0x0;
	s6 =	rddreg [dreg:$0x13]  }
0xc1: {  	[tilespmem:s0], [sflag:$0x1] =	stream.linear.gather [hbm4b:s6+s0], $0x80, $0x38;
	[tilespmem:$0x1B980] =	vst v63  }
0xc2: {  	s26 =	rddreg [dreg:$0x1d]  }
0xc3: {  	[tilespmem:s11], [sflag:$0x2] =	stream.linear.gather [hbm4b:s26+s0], $0x80, $0x38;
	[tilespmem:$0x1B980] =	vst v63  }
0xc4: {  	_ =	swait.ge [sflag:s13], $0x80  }
0xc5: {  	[sflag:s13] =	ssyncset.done $0x0  }
0xc6: {  	[sflag:s13] =	ssyncadd.s32 $0xFFFFFF80  }
0xc7: {  	[tilespmem:s10], [sflag:$0x7] =	stream.indirect.gather [spmem:s28], $0x80, s0, s11, $0xb8;
	[tilespmem:$0x1B980] =	vst v63  }
0xc8: {  	_ =	swait.ge [sflag:s14], $0x4000  }
0xc9: {  	[sflag:s14] =	ssyncset.done $0x0  }
0xca: {  	[sflag:s14] =	ssyncadd.s32 $0xFFFFC000  }
0xcb: {  	[hbm4b:s8+s0] =	stream.linear.scatter [tilespmem:s10], [sflag:$0x5], $0x4000, $0x38;
	[tilespmem:$0x1B980] =	vst v63  }
0xcc: {  	s3 =	rddreg [dreg:$0xb]  }
0xcd: {  	[tilespmem:s0], [sflag:$0x1] =	stream.linear.gather [hbm4b:s3+s0], $0x80, $0x38;
	[tilespmem:$0x1B980] =	vst v63  }
0xce: {  	_ =	swait.ge [sflag:s22], $0x80  }
0xcf: {  	[sflag:s22] =	ssyncset.done $0x0  }
0xd0: {  	[sflag:s22] =	ssyncadd.s32 $0xFFFFFF80  }
0xd1: {  	[tilespmem:s12], [sflag:$0x7] =	stream.indirect.gather [spmem:s28], $0x80, s11, s11, $0xb8;
	[tilespmem:$0x1B980] =	vst v63  }
0xd2: {  	_ =	swait.ge [sflag:s14], $0x4000  }
0xd3: {  	[sflag:s14] =	ssyncset.done $0x0  }
0xd4: {  	s4 =	rddreg [dreg:$0x1e];
	[sflag:s14] =	ssyncadd.s32 $0xFFFFC000  }
0xd5: {  	[hbm4b:s4+s0] =	stream.linear.scatter [tilespmem:s12], [sflag:$0x6], $0x4000, $0x38;
	[tilespmem:$0x1B980] =	vst v63  }
0xd6: {  	s5 =	rddreg [dreg:$0xc]  }
0xd7: {  	[tilespmem:s11], [sflag:$0x2] =	stream.linear.gather [hbm4b:s5+s0], $0x80, $0x38;
	[tilespmem:$0x1B980] =	vst v63  }
0xd8: {  	_ =	swait.ge [sflag:s20], $0x4000  }
0xd9: {  	[sflag:s20] =	ssyncset.done $0x0  }
0xda: {  	[sflag:s20] =	ssyncadd.s32 $0xFFFFC000  }
0xdb: {  	_ =	swait.ge [sflag:s13], $0x80  }
0xdc: {  	[sflag:s13] =	ssyncset.done $0x0  }
0xdd: {  	[sflag:s13] =	ssyncadd.s32 $0xFFFFFF80  }
0xde: {  	[tilespmem:s10], [sflag:$0x7] =	stream.indirect.gather [spmem:s28], $0x80, s24, s11, $0xb8;
	[tilespmem:$0x1B980] =	vst v63  }
0xdf: {  	_ =	swait.ge [sflag:s14], $0x4000  }
0xe0: {  	s6 =	sadd.s32 $0xFFFFFFE0, s15;
	[sflag:s14] =	ssyncset.done $0x0  }
0xe1: {  	p4 =	sgt.u32 s6, $0x9C3;
	s26 =	sadd.s32 $0xFFFF0000, s2;
	[sflag:s14] =	ssyncadd.s32 $0xFFFFC000  }
0xe2: {  	[hbm4b:s26+s24] =	stream.linear.scatter [tilespmem:s10], [sflag:$0x5], $0x4000, $0x38;
	[tilespmem:$0x1B980] =	vst v63  }
0xe3: {  	s1 =	simm.s32 @!p4 $0x0;
	s0 =	sadd.s32 @!p4 $0x0, s19  }
0xe4: {  	[tilespmem:s1], [sflag:$0x1] =	stream.linear.gather @!p4 [hbm4b:s0+s1], $0x80, $0x38;
	[tilespmem:$0x1B980] =	vst v63  }
0xe5: {  	_ =	swait.ge [sflag:s29], $0x4000  }
0xe6: {  	[sflag:s29] =	ssyncset.done $0x0  }
0xe7: {  	[sflag:s29] =	ssyncadd.s32 $0xFFFFC000  }
0xe8: {  	_ =	swait.ge [sflag:s22], $0x80  }
0xe9: {  	[sflag:s22] =	ssyncset.done $0x0  }
0xea: {  	p5 =	sgt.u32 s15, $0x9C3;
	s31 =	smov.u32 s2;
	[sflag:s22] =	ssyncadd.s32 $0xFFFFFF80  }
0xeb: {  	[tilespmem:s12], [sflag:$0x7] =	stream.indirect.gather [spmem:s28], $0x80, s11, s11, $0xb8;
	[tilespmem:$0x1B980] =	vst v63  }
0xec: {  	s3 =	sadd.s32 @!p5 $0x0, s18;
	s4 =	simm.s32 @!p5 $0x0;
	_ =	swait.ge [sflag:s14], $0x4000  }
0xed: {  	s5 =	simm.s32 @!p5 $0x80;
	s26 =	simm.s32 $0x400;
	[sflag:s14] =	ssyncset.done $0x0  }
0xee: {  	s0 =	sadd.s32 $0x20000, s2;
	s1 =	sadd.s32 $0x40, s15;
	[sflag:s14] =	ssyncadd.s32 $0xFFFFC000  }
.LBB2_4:
0xef: {  	[hbm4b:s31+s24] =	stream.linear.scatter [tilespmem:s12], [sflag:$0x6], $0x4000, $0x38;
	[tilespmem:$0x1B980] =	vst v63  }
0xf0: {  	s6 =	smov.u32 s26;
	s26 =	sadd.s32 $0x400, s26;
	s31 =	smov.u32 s0  }
0xf1: {  	[tilespmem:s5], [sflag:$0x2] =	stream.linear.gather @!p5 [hbm4b:s3+s4], $0x80, $0x38;
	[tilespmem:$0x1B980] =	vst v63  }
0xf2: {  	p4 =	sne.s32 s26, $0x9800;
	_ =	swait.ge [sflag:s20], $0x4000  }
0xf3: {  	[sflag:s20] =	ssyncset.done $0x0  }
0xf4: {  	[sflag:s20] =	ssyncadd.s32 $0xFFFFC000  }
0xf5: {  	_ =	swait.ge [sflag:s13], $0x80  }
0xf6: {  	[sflag:s13] =	ssyncset.done $0x0  }
0xf7: {  	[sflag:s13] =	ssyncadd.s32 $0xFFFFFF80  }
0xf8: {  	[tilespmem:s10], [sflag:$0x7] =	stream.indirect.gather [spmem:s28], $0x80, s24, s11, $0xb8;
	[tilespmem:$0x1B980] =	vst v63  }
0xf9: {  	_ =	swait.ge [sflag:s14], $0x4000  }
0xfa: {  	s3 =	sadd.s32 $0xFFFF0000, s0;
	s4 =	sadd.s32 $0xFFFFFFE0, s1;
	[sflag:s14] =	ssyncset.done $0x0  }
0xfb: {  	p5 =	sgt.u32 s4, $0x9C3;
	[sflag:s14] =	ssyncadd.s32 $0xFFFFC000  }
0xfc: {  	[hbm4b:s3+s24] =	stream.linear.scatter [tilespmem:s10], [sflag:$0x5], $0x4000, $0x38;
	[tilespmem:$0x1B980] =	vst v63  }
0xfd: {  	s4 =	simm.s32 @!p5 $0x0;
	s3 =	sadd.s32 @!p5 s6, s19  }
0xfe: {  	[tilespmem:s4], [sflag:$0x1] =	stream.linear.gather @!p5 [hbm4b:s3+s4], $0x80, $0x38;
	[tilespmem:$0x1B980] =	vst v63  }
0xff: {  	_ =	swait.ge [sflag:s29], $0x4000  }
0x100: {  	[sflag:s29] =	ssyncset.done $0x0  }
0x101: {  	[sflag:s29] =	ssyncadd.s32 $0xFFFFC000  }
0x102: {  	_ =	swait.ge [sflag:s22], $0x80  }
0x103: {  	[sflag:s22] =	ssyncset.done $0x0  }
0x104: {  	[sflag:s22] =	ssyncadd.s32 $0xFFFFFF80  }
0x105: {  	[tilespmem:s12], [sflag:$0x7] =	stream.indirect.gather [spmem:s28], $0x80, s11, s11, $0xb8;
	[tilespmem:$0x1B980] =	vst v63  }
.Ltmp1:
0x106: {  	_ = 	snop;
	(pc) =	sbr.rel @p4 .LBB2_4-.Ltmp1, $4  }
0x107: {  	_ =	swait.ge [sflag:s14], $0x4000  }
0x108: {  	s0 =	sadd.s32 $0x20000, s0;
	[sflag:s14] =	ssyncset.done $0x0  }
0x109: {  	p5 =	sgt.u32 s1, $0x9C3;
	s1 =	sadd.s32 $0x40, s1;
	[sflag:s14] =	ssyncadd.s32 $0xFFFFC000  }
0x10a: {  	s3 =	sadd.s32 @!p5 s6, s18;
	s4 =	simm.s32 @!p5 $0x0;
	s5 =	simm.s32 @!p5 $0x80  }
0x10b: {  	[hbm4b:s31+s24] =	stream.linear.scatter [tilespmem:s12], [sflag:$0x6], $0x4000, $0x38;
	[tilespmem:$0x1B980] =	vst v63  }
0x10c: {  	s0 =	simm.s32 @!p1 $0x5  }
0x10d: {  	[tilespmem:s5], [sflag:$0x2] =	stream.linear.gather @!p5 [hbm4b:s3+s4], $0x80, $0x38;
	[tilespmem:$0x1B980] =	vst v63  }
0x10e: {  	_ =	swait.ge @!p1 [sflag:s0], $0x4000  }
0x10f: {  	[sflag:s0] =	ssyncset.done @!p1 $0x0  }
0x110: {  	[sflag:s0] =	ssyncadd.s32 @!p1 $0xFFFFC000;
	s0 =	simm.s32 @!p1 $0x1  }
0x111: {  	_ =	swait.ge @!p1 [sflag:s0], $0x80  }
0x112: {  	s1 =	simm.s32 @!p1 $0x0;
	[sflag:s0] =	ssyncset.done @!p1 $0x0  }
0x113: {  	s3 =	simm.s32 @!p1 $0x100;
	[sflag:s0] =	ssyncadd.s32 @!p1 $0xFFFFFF80;
	s0 =	simm.s32 @!p1 $0x80  }
0x114: {  	[tilespmem:s3], [sflag:$0x7] =	stream.indirect.gather @!p1 [spmem:s28], $0x80, s1, s0, $0xb8;
	[tilespmem:$0x1B980] =	vst v63  }
0x115: {  	s0 =	simm.s32 @!p1 $0x7  }
0x116: {  	_ =	swait.ge @!p1 [sflag:s0], $0x4000  }
0x117: {  	[sflag:s0] =	ssyncset.done @!p1 $0x0  }
0x118: {  	[sflag:s0] =	ssyncadd.s32 @!p1 $0xFFFFC000;
	s0 =	rddreg [dreg:$0x10]  }
0x119: {  	[hbm4b:s0+s1] =	stream.linear.scatter @!p1 [tilespmem:s3], [sflag:$0x5], $0x4000, $0x38;
	[tilespmem:$0x1B980] =	vst v63  }
0x11a: {  	_ =	swait.ge [sflag:s20], $0x4000  }
0x11b: {  	[sflag:s20] =	ssyncset.done $0x0  }
0x11c: {  	[sflag:s20] =	ssyncadd.s32 $0xFFFFC000  }
0x11d: {  	_ =	swait.ge [sflag:s29], $0x4000  }
0x11e: {  	s25 =	sadd.s32 $0x1, s25;
	s31 =	rddreg [dreg:$0x14]  }
0x11f: {  	p4 =	sne.s32 s25, s31  }
.Ltmp2:
0x120: {  	_ = 	snop;
	(pc) =	sbr.rel @p4 .LBB2_1-.Ltmp2, $3  }
0x121: {  	_ =	sdelay $0x1  }
0x122: {  	[sflag:s29] =	ssyncset.done $0x0  }
0x123: {  	[sflag:s29] =	ssyncadd.s32 $0xFFFFC000  }
0x124: {  	_ =	sfence.sel $0x180000  }
0x125: {  	[bflag:$0x0] =	sbarrier.arrive $0xFFFF  }
0x126: {  	_ =	strace $0x9000004D  }
0x127: {  	s0 =	stileid.u32;
	[bflag:$0x2] =	sbarrier.arrive $0xFFFF  }
0x128: {  	p0 =	sne.s32 s0, $0x0;
	s0 =	rddreg [dreg:$0x2]  }
0x129: {  	s0 =	sadd.s32 @!p0 $0x100000, s0  }
0x12a: {  	[sflag:s0] =	ssyncadd.tile.s32 @!p0 $0x1;
	_ =	shalt  }
.Lfunc_end2:
_tile_overlayer_lowered:
.L_overlay_start_2:
0x12b: {  	(tag) =	ssettag $0x2  }
0x12c: {  	s0 =	rddreg [dreg:$0x0];
	s2 =	stileid.u32  }
0x12d: {  	s1 =	rddreg [dreg:$0x1];
	p0 =	sne.s32 s2, $0x0  }
0x12e: {  	s3 =	rddreg [dreg:$0x2];
	[bflag:$0x3] =	sbarrier.arrive $0xFFFF;
	s2 =	simm.s32 @!p0 $0x1C07  }
0x12f: {  	[timem:s3], [sflag:s2] =	dma.local @!p0 [hbm:s0], s1  }
0x130: {  	s0 =	simm.s32 @!p0 $0x7  }
0x131: {  	_ =	swait.ge @!p0 [sflag:s0], s1  }
0x132: {  	s1 =	ssub.s32 @!p0 $0x0, s1;
	[sflag:s0] =	ssyncset.done @!p0 $0x0  }
0x133: {  	[sflag:s0] =	ssyncadd.s32 @!p0 s1  }
0x134: {  	[bflag:$0x3] =	sbarrier.arrive $0xFFFF  }
0x135: {  	_ =	shalt  }

// kernel: kernel.22.cloned.1.call-start
scs
__scs_entry_jumppad:
0x0: {  	(pc) =	sbr.rel $0x88, $3  }
0x1: {  	(tag) =	ssettag $0x0;
	lr =	simm.s32 $0x1  }
0x2: {  	[smem:$0x3F8A] =	sst lr;
	_ =	strace $0xD0000000  }
0x3: {  	_ = 	snop  }
0x4: {  	_ = 	snop  }
0x5: {  	_ = 	snop  }
0x6: {  	_ = 	snop  }
0x7: {  	_ = 	snop  }
__scs_overlays_trampoline_lowered:
0x8: {  	[smem:$0x3F99] =	sst s0  }
0x9: {  	[smem:$0x3F9A] =	sst s1  }
0xa: {  	[smem:$0x3F9B] =	sst s2  }
0xb: {  	[smem:$0x3F9C] =	sst s3  }
0xc: {  	[smem:$0x3F9D] =	sst s4  }
0xd: {  	[smem:$0x3F9E] =	sst s5  }
0xe: {  	[smem:$0x3F9F] =	sst s6  }
0xf: {  	[smem:$0x3FA0] =	sst s7  }
0x10: {  	[smem:$0x3FA1] =	sst s8  }
0x11: {  	[smem:$0x3FA2] =	sst s9;
	s0 =	simm.s32 @!p0 $0x0  }
0x12: {  	s1 =	sld [smem:$0x3F88];
	s0 =	simm.s32 @p0 $0x1  }
0x13: {  	[smem:$0x3FA3] =	sst s0;
	s0 =	simm.s32 @!p1 $0x0  }
0x14: {  	s2 =	sld [smem:$0x3F87];
	s0 =	simm.s32 @p1 $0x1  }
0x15: {  	[smem:$0x3FA4] =	sst s0;
	s0 =	simm.s32 @!p2 $0x0  }
0x16: {  	s3 =	sld [smem:$0x3FDB];
	s0 =	simm.s32 @p2 $0x1  }
0x17: {  	s4 =	simm.s32 $0x1BF5;
	[smem:$0x3FA6] =	sst s0  }
0x18: {  	s0 =	sld [smem:$0x3F89];
	_ =	swait.ge [sflag:s4], $0x0  }
0x19: {  	s7 =	sld [smem:$0x3F8A]  }
0x1a: {  	s8 =	sadd.s32 $0xFFFFE003, lr  }
0x1b: {  	s9 =	sadd.s32 $0xFFFFFEF7, lr;
	s5 =	simm.s32 $0xFFFFFFFF;
	p2 =	slt.u32 s8, $0xFFFFF086  }
0x1c: {  	p1 =	slt.u32 s9, $0xF7A;
	s5 =	simm.s32 @!p2 $0x0  }
0x1d: {  	s5 =	simm.s32 @p1 $0x1;
	p0 =	seq.s32 s7, s2  }
0x1e: {  	s7 =	smul.u32 @!p0 $0xF7A, s2;
	p2 =	seq.s32 @!p0 s5, $0x0  }
0x1f: {  	s9 =	smul.u32 $0xF7A, s1;
	s8 =	simm.s32 @!p0 $0x1BF5;
	p2 =	por !p2, p0  }
0x20: {  	[sflag:s8] =	ssyncset.s32 @!p0 $0xFFFFF086;
	s6 =	sadd.s32 @!p0 s3, s7;
	s7 =	simm.s32 @!p0 $0x108  }
0x21: {  	s3 =	sadd.s32 s3, s9;
	s6 =	sadd.s32 @!p0 $0x88, s6;
	s7 =	simm.s32 @p2 $0x1082  }
0x22: {  	[simem:s7], [sflag:s8] =	dma.local @!p0 [hbm:s6], $0xF7A  }
0x23: {  	s9 =	sor.u32 $0xD0000000, s2;
	s6 =	simm.s32 $0x108;
	_ =	swait.ge @!p0 [sflag:s8], $0x0  }
0x24: {  	s3 =	sadd.s32 $0x88, s3;
	s6 =	simm.s32 @!p1 $0x1082;
	[sflag:s4] =	ssyncset.s32 $0xFFFFF086  }
0x25: {  	[simem:s6], [sflag:s4] =	dma.local [hbm:s3], $0xF7A  }
0x26: {  	[smem:$0x3F8A] =	sst s1;
	(tag) =	ssettag s2;
	_ =	strace s9  }
0x27: {  	s1 =	sld [smem:$0x3F9A]  }
0x28: {  	s2 =	sld [smem:$0x3F9B]  }
0x29: {  	s4 =	sld [smem:$0x3F9D]  }
0x2a: {  	p0 =	seq.s32 s5, $0x0;
	s5 =	sld [smem:$0x3F9E]  }
0x2b: {  	s6 =	sld [smem:$0x3F9F]  }
0x2c: {  	s7 =	sld [smem:$0x3FA0]  }
0x2d: {  	s3 =	simm.s32 $0x108;
	s8 =	sld [smem:$0x3FA1]  }
0x2e: {  	s3 =	simm.s32 @!p0 $0x1082;
	s9 =	sld [smem:$0x3FA2]  }
0x2f: {  	lr =	sadd.s32 s0, s3;
	s0 =	sld [smem:$0x3F99]  }
0x30: {  	s3 =	sld [smem:$0x3F9C]  }
0x31: {  	[smem:$0x3FA5] =	sst s10  }
0x32: {  	s10 =	sld [smem:$0x3FA3];
	_ =	sdelay $0x3  }
0x33: {  	p0 =	seq.s32 s10, $0x1;
	s10 =	sld [smem:$0x3FA5];
	_ =	sdelay $0x3  }
0x34: {  	[smem:$0x3FA5] =	sst s10  }
0x35: {  	s10 =	sld [smem:$0x3FA4];
	_ =	sdelay $0x3  }
0x36: {  	p1 =	seq.s32 s10, $0x1;
	s10 =	sld [smem:$0x3FA5];
	_ =	sdelay $0x3  }
0x37: {  	[smem:$0x3FA5] =	sst s10  }
0x38: {  	s10 =	sld [smem:$0x3FA6]  }
0x39: {  	_ = 	snop;
	(pc) =	sbr.ind lr, $3  }
0x3a: {  	_ = 	snop  }
0x3b: {  	_ = 	snop  }
0x3c: {  	p2 =	seq.s32 s10, $0x1;
	s10 =	sld [smem:$0x3FA5]  }
0x3d: {  	_ =	shalt  }
0x3e: {  	_ =	shalt  }
0x3f: {  	_ =	shalt  }
0x40: {  	_ =	shalt  }
0x41: {  	_ =	shalt  }
0x42: {  	_ =	shalt  }
0x43: {  	_ =	shalt  }
0x44: {  	_ =	shalt  }
0x45: {  	_ =	shalt  }
0x46: {  	_ =	shalt  }
0x47: {  	_ =	shalt  }
0x48: {  	_ =	shalt  }
0x49: {  	_ =	shalt  }
0x4a: {  	_ =	shalt  }
0x4b: {  	_ =	shalt  }
0x4c: {  	_ =	shalt  }
0x4d: {  	_ =	shalt  }
0x4e: {  	_ =	shalt  }
0x4f: {  	_ =	shalt  }
0x50: {  	_ =	shalt  }
0x51: {  	_ =	shalt  }
0x52: {  	_ =	shalt  }
0x53: {  	_ =	shalt  }
0x54: {  	_ =	shalt  }
0x55: {  	_ =	shalt  }
0x56: {  	_ =	shalt  }
0x57: {  	_ =	shalt  }
0x58: {  	_ =	shalt  }
0x59: {  	_ =	shalt  }
0x5a: {  	_ =	shalt  }
0x5b: {  	_ =	shalt  }
0x5c: {  	_ =	shalt  }
0x5d: {  	_ =	shalt  }
0x5e: {  	_ =	shalt  }
0x5f: {  	_ =	shalt  }
0x60: {  	_ =	shalt  }
0x61: {  	_ =	shalt  }
0x62: {  	_ =	shalt  }
0x63: {  	_ =	shalt  }
0x64: {  	_ =	shalt  }
0x65: {  	_ =	shalt  }
0x66: {  	_ =	shalt  }
0x67: {  	_ =	shalt  }
0x68: {  	_ =	shalt  }
0x69: {  	_ =	shalt  }
0x6a: {  	_ =	shalt  }
0x6b: {  	_ =	shalt  }
0x6c: {  	_ =	shalt  }
0x6d: {  	_ =	shalt  }
0x6e: {  	_ =	shalt  }
0x6f: {  	_ =	shalt  }
0x70: {  	_ =	shalt  }
0x71: {  	_ =	shalt  }
0x72: {  	_ =	shalt  }
0x73: {  	_ =	shalt  }
0x74: {  	_ =	shalt  }
0x75: {  	_ =	shalt  }
0x76: {  	_ =	shalt  }
0x77: {  	_ =	shalt  }
0x78: {  	_ =	shalt  }
0x79: {  	_ =	shalt  }
0x7a: {  	_ =	shalt  }
0x7b: {  	_ =	shalt  }
0x7c: {  	_ =	shalt  }
0x7d: {  	_ =	shalt  }
0x7e: {  	_ =	shalt  }
0x7f: {  	_ =	shalt  }
0x80: {  	_ =	shalt  }
0x81: {  	_ =	shalt  }
0x82: {  	_ =	shalt  }
0x83: {  	_ =	shalt  }
0x84: {  	_ =	shalt  }
0x85: {  	_ =	shalt  }
0x86: {  	_ =	shalt  }
0x87: {  	_ =	shalt  }
.Lfunc_end0:
.L_simem_size_0:
called_computation.3_lowered:
.L_overlay_start_0:
0x88: {  	s2 =	sld [smem:$0x3FD9]  }
0x89: {  	s3 =	sld [smem:$0x3FFE];
	_ =	sdelay $0x1  }
0x8a: {  	s1 =	srdreg.scid  }
0x8b: {  	s0 =	sand.u32 $0x1, s1  }
0x8c: {  	s16 =	sshll.u32 s0, $0xA;
	s2 =	sadd.s32 s3, s2  }
0x8d: {  	s2 =	sadd.s32 s2, s16  }
0x8e: {  	[smem:$0x3FB1] =	sst s2  }
0x8f: {  	_ = 	snop  }
0x90: {  	(tm) =	ssettm $0x1  }
0x91: {  	s17 =	sld [smem:$0x3FFB];
	_ =	sdelay $0x3  }
0x92: {  	_ =	strace s17  }
0x93: {  	s2 =	sld [smem:$0x3FFC];
	_ =	sdelay $0x3  }
0x94: {  	_ =	strace s2  }
0x95: {  	s2 =	sld [smem:$0x3FFD];
	_ =	sdelay $0x3  }
0x96: {  	_ =	strace s2  }
0x97: {  	_ =	strace $0x8FFFFFFF  }
0x98: {  	s18 =	sld [smem:$0x3FDB];
	_ =	sdelay $0x1  }
0x99: {  	s19 =	simm.s32 $_scs_section_size  }
0x9a: {  	s4 =	simm.s32 $_size__tile_overlayer_lowered;
	s5 =	simm.s32 $_tile_overlayer_lowered  }
0x9b: {  	s22 =	simm.s32 $0x1BFF;
	s21 =	sshll.u32 s5, $0x1;
	s2 =	sadd.s32 s19, s18  }
0x9c: {  	s6 =	simm.s32 $0x0;
	s20 =	sshll.u32 s4, $0x1;
	s4 =	sadd.s32 s21, s2  }
0x9d: {  	[timem:s6], [sflag:s22] =	dma.local [hbm:s4], s20  }
0x9e: {  	_ =	swait.ge [sflag:s22], s20  }
0x9f: {  	s3 =	ssub.s32 $0x0, s20;
	[sflag:s22] =	ssyncset.done $0x0  }
0xa0: {  	[sflag:s22] =	ssyncadd.s32 s3;
	_ =	sdelay $0x1  }
0xa1: {  	s23 =	simm.s32 $0x1B8B  }
0xa2: {  	_ =	swait.ge [sflag:s23], $0x1  }
0xa3: {  	[sflag:s23] =	ssyncset.done $0x0  }
0xa4: {  	s25 =	simm.s32 $0x1B8E;
	s24 =	sld [smem:$0x3FFE];
	[sflag:s23] =	ssyncadd.s32 $0xFFFFFFFF  }
0xa5: {  	s26 =	simm.s32 $execute0_lowered;
	[smem:$0x3FD2] =	sst s25  }
0xa6: {  	s4 =	sshll.u32 s26, $0x1;
	_ =	strace $0x8000004F;
	[dreg:$0x1] =	wrdreg $0xFFFFFFFF  }
0xa7: {  	s28 =	simm.s32 $_size_execute0_lowered;
	s2 =	sadd.s32 s2, s4;
	[dreg:$0x0] =	wrdreg $0x0  }
0xa8: {  	s4 =	sshll.u32 s28, $0x1;
	[dreg:$0x2] =	wrdreg s2  }
0xa9: {  	[dreg:$0x3] =	wrdreg s4  }
0xaa: {  	[dreg:$0x4] =	wrdreg $0xC0  }
0xab: {  	_ =	task [dreg:s6], $0x5FFFF  }
0xac: {  	[dreg:$0x1] =	wrdreg $0xFFFFFFFF  }
0xad: {  	[dreg:$0x0] =	wrdreg $0x60  }
0xae: {  	[dreg:$0x2] =	wrdreg s24  }
0xaf: {  	[dreg:$0x3] =	wrdreg $0x81000  }
0xb0: {  	[dreg:$0x4] =	wrdreg $0x9  }
0xb1: {  	_ =	task.clear_ibuf [dreg:s6], $0x5FFFF;
	_ =	strace $0x9000004F  }
0xb2: {  	s29 =	simm.s32 $0x9;
	_ =	strace $0x80000051  }
0xb3: {  	_ =	swait.ge [sflag:s29], $0x1  }
0xb4: {  	[sflag:s29] =	ssyncadd.s32 $0xFFFFFFFF  }
0xb5: {  	_ =	strace $0x90000051  }
0xb6: {  	_ =	sfence  }
0xb7: {  	s30 =	sld [smem:$0x0];
	_ =	sdelay $0x2  }
0xb8: {  	s31 =	sshll.u32 s1, $0xD;
	s1 =	sshrl.u32 s1, $0x2  }
0xb9: {  	s3 =	sand.u32 $0x4000, s31;
	s1 =	sadd.s32 s1, s30  }
0xba: {  	s0 =	sor.u32 s3, s0;
	s1 =	sshll.u32 s1, $0x11  }
0xbb: {  	s0 =	sor.u32 s1, s0  }
0xbc: {  	s0 =	sadd.s32 $0x8F2B, s0  }
0xbd: {  	[sflag:s0] =	ssyncadd.remote.s32 $0x1  }
0xbe: {  	_ =	sfence.sel $0xFFFF  }
0xbf: {  	[dreg:$0x0] =	wrdreg $0xFFFFFFFF;
	(pc) =	sbr.abs _section_cstart, $3  }
0xc0: {  	[dreg:$0x1] =	wrdreg $0xFFFFFFFF  }
0xc1: {  	_ =	task.clear_ibuf [dreg:s6], $0x2FFFF;
	_ =	strace $0x9FFFFFFF  }
0xc2: {  	(tm) =	ssettm $0x7FFFFFFF  }
0xc3: {  	_ =	shalt  }
tec
execute0_lowered:
.L_overlay_start_1:
0x0: {  	(tag) =	ssettag $0x1  }
0x1: {  	s0 =	srdreg.scid;
	s9 =	rddreg [dreg:$0x0]  }
0x2: {  	s22 =	stileid.u32;
	s28 =	rddreg [dreg:$0x1];
	s29 =	simm.s32 $0x6  }
0x3: {  	s5 =	sand.u32 $0x1, s0;
	s10 =	sadd.s32 $0x3C00, s9;
	s12 =	sadd.s32 $0x17800, s9  }
0x4: {  	s3 =	sshll.u32 s22, $0x7;
	s13 =	sshll.u32 s22, $0x4;
	s7 =	smul.u32 $0x500, s22  }
0x5: {  	s8 =	sor.u32 $0x40, s22;
	p3 =	sgt.u32 s22, $0x3;
	s0 =	ssub.s32 $0x2, s5  }
0x6: {  	s2 =	sshll.u32 s5, $0x4;
	s4 =	sand.u32 $0x380, s3;
	s19 =	smul.u32 $0x500, s8  }
0x7: {  	s3 =	sor.u32 $0x20, s22;
	s5 =	sshll.u32 s5, $0xF;
	s8 =	smul.u32 $0xA000, s8  }
0x8: {  	s1 =	sshrl.u32 s0, $0x1;
	s11 =	sor.u32 s22, s2;
	s16 =	smul.u32 $0x500, s3  }
0x9: {  	s23 =	sadd.s32 s12, s7;
	s7 =	sor.u32 $0x60, s22;
	s3 =	smul.u32 $0xA000, s3  }
0xa: {  	s0 =	ssub.s32 s0, s1;
	s1 =	sor.u32 $0x10, s22;
	s6 =	sshll.u32 s11, $0x7  }
0xb: {  	[dreg:$0x3] =	wrdreg s23;
	s25 =	smul.u32 $0x500, s7;
	s19 =	sadd.s32 s12, s19  }
0xc: {  	s7 =	smul.u32 $0xA000, s7;
	s8 =	sshrl.u32 s8, $0x2;
	s21 =	sshll.u32 s1, $0x7  }
0xd: {  	s15 =	smul.u32 $0x500, s1;
	s6 =	sand.u32 $0xC00, s6;
	s16 =	sadd.s32 s12, s16  }
0xe: {  	[dreg:$0x7] =	wrdreg s19;
	s19 =	sand.u32 $0x70, s13;
	s0 =	smax.u32 s0, $0x1  }
0xf: {  	s3 =	sshrl.u32 s3, $0x2;
	s8 =	sadd.s32 s8, s28;
	s2 =	sand.u32 $0xC00, s21  }
0x10: {  	s18 =	sor.u32 s4, s6;
	s6 =	sor.u32 $0x50, s22;
	[dreg:$0x5] =	wrdreg s16  }
0x11: {  	s14 =	sor.u32 s4, s2;
	s2 =	sor.u32 $0x30, s22;
	s20 =	smul.u32 $0x500, s6  }
0x12: {  	s24 =	sadd.s32 s12, s15;
	s4 =	sor.u32 $0x70, s22;
	s6 =	smul.u32 $0xA000, s6  }
0x13: {  	s15 =	sadd.s32 s12, s25;
	s17 =	smul.u32 $0x500, s2;
	[dreg:$0x4] =	wrdreg s24  }
0x14: {  	s3 =	sadd.s32 s3, s28;
	s31 =	smul.u32 $0x500, s4;
	[dreg:$0x9] =	wrdreg s15  }
0x15: {  	s24 =	sadd.s32 s10, s19;
	s14 =	sshrl.u32 s14, $0x3;
	s2 =	smul.u32 $0xA000, s2  }
0x16: {  	s15 =	sor.u32 $0xA0, s11;
	p2 =	sgt.u32 s4, $0x7C;
	s4 =	smul.u32 $0xA000, s4  }
0x17: {  	s21 =	sadd.s32 s12, s20;
	s20 =	sor.u32 $0x9C0, s22;
	s14 =	sadd.s32 s10, s14  }
0x18: {  	s26 =	sadd.s32 s12, s17;
	[dreg:$0x8] =	wrdreg s21;
	s17 =	sshll.u32 s11, $0x4  }
0x19: {  	s12 =	sadd.s32 s12, s31;
	s21 =	sshll.u32 s20, $0x4;
	[dreg:$0xe] =	wrdreg s14  }
0x1a: {  	p0 =	sgt.u32 s20, $0x9C3;
	s2 =	sshrl.u32 s2, $0x2;
	[dreg:$0x6] =	wrdreg s26  }
0x1b: {  	s4 =	sshrl.u32 s4, $0x2;
	[dreg:$0xa] =	wrdreg s12;
	s23 =	sor.u32 $0x400, s17  }
0x1c: {  	s25 =	sor.u32 $0x600, s17;
	s31 =	sand.u32 $0x9C80, s21;
	s21 =	sor.u32 $0x300, s13  }
0x1d: {  	s4 =	sadd.s32 s4, s28;
	s12 =	sand.u32 $0x580, s23;
	s26 =	sand.u32 $0x780, s25  }
0x1e: {  	s16 =	sadd.s32 s31, s24;
	s23 =	sshrl.u32 s18, $0x3;
	s25 =	sor.u32 $0x800, s17  }
0x1f: {  	s12 =	sadd.s32 s12, s24;
	[dreg:$0xd] =	wrdreg s16;
	s14 =	sand.u32 $0x980, s25  }
0x20: {  	s25 =	sshll.u32 s1, $0xB;
	s1 =	smul.u32 $0xA000, s1;
	[dreg:$0xb] =	wrdreg s12  }
0x21: {  	s12 =	sadd.s32 s26, s24;
	s24 =	sadd.s32 s10, s13;
	s13 =	sor.u32 $0x200, s13  }
0x22: {  	s26 =	sshll.u32 s15, $0x4;
	[dreg:$0xc] =	wrdreg s12;
	s12 =	sand.u32 $0x380, s21  }
0x23: {  	s21 =	sadd.s32 s10, s23;
	[dreg:$0xf] =	wrdreg s24;
	s13 =	sand.u32 $0x280, s13  }
0x24: {  	s16 =	sand.u32 $0xB80, s26;
	s23 =	sadd.s32 $0x65C00, s9;
	s9 =	sadd.s32 $0x13F8200, s9  }
0x25: {  	s26 =	sshll.u32 s20, $0xB;
	s1 =	sshrl.u32 s1, $0x2;
	s20 =	sshll.u32 s22, $0x6  }
0x26: {  	s12 =	sadd.s32 s12, s10;
	s13 =	sadd.s32 s13, s10;
	s31 =	sadd.s32 s16, s10  }
0x27: {  	s10 =	sadd.s32 s14, s10;
	s14 =	sshll.u32 s11, $0xB;
	s11 =	sor.u32 $0x9C0, s11  }
0x28: {  	s5 =	sadd.s32 s5, s23;
	s30 =	sor.u32 $0x1C07, s20;
	s1 =	sadd.s32 s1, s28  }
0x29: {  	s20 =	sshrl.u32 s8, $0x3;
	s16 =	sadd.s32 s19, s12;
	s17 =	sadd.s32 s19, s13  }
0x2a: {  	s18 =	sadd.s32 s19, s31;
	s19 =	sadd.s32 s19, s10;
	s13 =	sadd.s32 s23, s14  }
0x2b: {  	s24 =	sshll.u32 s11, $0xB;
	s31 =	sshll.u32 s22, $0xB;
	p1 =	sgt.u32 s11, $0x9C3  }
0x2c: {  	s11 =	sshrl.u32 s3, $0x3;
	s10 =	sadd.s32 s23, s24;
	s24 =	simm.s32 $0x0  }
0x2d: {  	s12 =	sadd.s32 s9, s31;
	s5 =	sadd.s32 s31, s5;
	[dreg:$0x10] =	wrdreg s10  }
0x2e: {  	s23 =	sadd.s32 s2, s28;
	s10 =	sadd.s32 s9, s25;
	[smem:$0x7FF] =	sst s24  }
0x2f: {  	s8 =	smov.u32 s13;
	[dreg:$0x11] =	wrdreg s10;
	s10 =	sadd.s32 s9, s26  }
0x30: {  	s25 =	sshrl.u32 s6, $0x2;
	s2 =	sadd.s32 $0x30000, s5;
	[dreg:$0x12] =	wrdreg s10  }
0x31: {  	s26 =	sshrl.u32 s7, $0x2;
	_ =	strace $0x80000050;
	[dreg:$0x14] =	wrdreg s0  }
0x32: {  	s31 =	sadd.s32 s25, s28;
	s7 =	smov.u32 s12;
	[dreg:$0x17] =	wrdreg s11  }
0x33: {  	s10 =	smul.u32 $0xA000, s22;
	s6 =	sadd.s32 s26, s28;
	[dreg:$0x19] =	wrdreg s20  }
0x34: {  	s26 =	sadd.s32 $0x200, s21;
	s22 =	simm.s32 $0x2;
	[dreg:$0x13] =	wrdreg s21  }
0x35: {  	s25 =	sshrl.u32 s6, $0x3;
	[dreg:$0x1d] =	wrdreg s26;
	s11 =	simm.s32 $0x80  }
0x36: {  	s21 =	simm.s32 $0x3;
	s20 =	simm.s32 $0x5;
	s9 =	sshrl.u32 s10, $0x2  }
0x37: {  	s10 =	sshrl.u32 s1, $0x3;
	[dreg:$0x1b] =	wrdreg s25;
	s14 =	sadd.s32 s9, s28  }
0x38: {  	s25 =	simm.s32 $0x0;
	[dreg:$0x16] =	wrdreg s10;
	s0 =	sshrl.u32 s14, $0x3  }
0x39: {  	s9 =	sadd.s32 $0x18000, s12;
	s14 =	sshrl.u32 s23, $0x3;
	[dreg:$0x15] =	wrdreg s0  }
0x3a: {  	s10 =	simm.s32 $0x100;
	s23 =	sshrl.u32 s31, $0x3;
	[dreg:$0x18] =	wrdreg s14  }
0x3b: {  	s12 =	simm.s32 $0x4100;
	s31 =	sadd.s32 $0x10000, s13;
	[dreg:$0x1a] =	wrdreg s23  }
0x3c: {  	s13 =	simm.s32 $0x1;
	s0 =	sshrl.u32 @!p2 s4, $0x3;
	[dreg:$0x1e] =	wrdreg s31  }
0x3d: {  	s14 =	simm.s32 $0x7;
	s23 =	simm.s32 $0x4;
	[dreg:$0x1c] =	wrdreg s0  }
.LBB2_1:
0x3e: {  	s0 =	rddreg [dreg:$0xf]  }
0x3f: {  	s4 =	rddreg [dreg:$0xe]  }
0x40: {  	[tilespmem:s24], [sflag:$0x1] =	stream.linear.gather [hbm4b:s0+s24], $0x80, $0x38;
	[tilespmem:$0x1B980] =	vst v63  }
0x41: {  	s5 =	rddreg [dreg:$0x11]  }
0x42: {  	[tilespmem:s10], [sflag:$0x3] =	stream.linear.gather [hbm4b:s7+s24], $0x4000, $0x38;
	[tilespmem:$0x1B980] =	vst v63  }
0x43: {  	s6 =	rddreg [dreg:$0x3]  }
0x44: {  	[tilespmem:s11], [sflag:$0x2] =	stream.linear.gather [hbm4b:s4+s24], $0x80, $0x38;
	[tilespmem:$0x1B980] =	vst v63  }
0x45: {  	s1 =	rddreg [dreg:$0x15]  }
0x46: {  	[tilespmem:s12], [sflag:$0x4] =	stream.linear.gather [hbm4b:s5+s24], $0x4000, $0x38;
	[tilespmem:$0x1B980] =	vst v63  }
0x47: {  	[spmem:s1], [sflag:s30] =	dma.local [hbm:s6], $0x500  }
0x48: {  	_ =	swait.ge [sflag:s14], $0x500  }
0x49: {  	[sflag:s14] =	ssyncset.done $0x0;
	s26 =	rddreg [dreg:$0x4]  }
0x4a: {  	s31 =	rddreg [dreg:$0x16];
	[sflag:s14] =	ssyncadd.s32 $0xFFFFFB00  }
0x4b: {  	[spmem:s31], [sflag:s30] =	dma.local [hbm:s26], $0x500  }
0x4c: {  	_ =	swait.ge [sflag:s14], $0x500  }
0x4d: {  	[sflag:s14] =	ssyncset.done $0x0;
	s3 =	rddreg [dreg:$0x5]  }
0x4e: {  	s4 =	rddreg [dreg:$0x17];
	[sflag:s14] =	ssyncadd.s32 $0xFFFFFB00  }
0x4f: {  	[spmem:s4], [sflag:s30] =	dma.local [hbm:s3], $0x500  }
0x50: {  	_ =	swait.ge [sflag:s14], $0x500  }
0x51: {  	[sflag:s14] =	ssyncset.done $0x0;
	s5 =	rddreg [dreg:$0x6]  }
0x52: {  	s6 =	rddreg [dreg:$0x18];
	[sflag:s14] =	ssyncadd.s32 $0xFFFFFB00  }
0x53: {  	[spmem:s6], [sflag:s30] =	dma.local [hbm:s5], $0x500  }
0x54: {  	_ =	swait.ge [sflag:s14], $0x500  }
0x55: {  	[sflag:s14] =	ssyncset.done $0x0;
	s26 =	rddreg [dreg:$0x7]  }
0x56: {  	s31 =	rddreg [dreg:$0x19];
	[sflag:s14] =	ssyncadd.s32 $0xFFFFFB00  }
0x57: {  	[spmem:s31], [sflag:s30] =	dma.local [hbm:s26], $0x500  }
0x58: {  	_ =	swait.ge [sflag:s14], $0x500  }
0x59: {  	[sflag:s14] =	ssyncset.done $0x0;
	s1 =	rddreg [dreg:$0x8]  }
0x5a: {  	s3 =	rddreg [dreg:$0x1a];
	[sflag:s14] =	ssyncadd.s32 $0xFFFFFB00  }
0x5b: {  	[spmem:s3], [sflag:s30] =	dma.local [hbm:s1], $0x500  }
0x5c: {  	_ =	swait.ge [sflag:s14], $0x500  }
0x5d: {  	[sflag:s14] =	ssyncset.done $0x0;
	s4 =	rddreg [dreg:$0x9]  }
0x5e: {  	s5 =	rddreg [dreg:$0x1b];
	[sflag:s14] =	ssyncadd.s32 $0xFFFFFB00  }
0x5f: {  	[spmem:s5], [sflag:s30] =	dma.local [hbm:s4], $0x500  }
0x60: {  	_ =	swait.ge [sflag:s14], $0x500  }
0x61: {  	[sflag:s14] =	ssyncset.done $0x0;
	s0 =	rddreg [dreg:$0xa]  }
0x62: {  	s1 =	rddreg [dreg:$0x1c];
	[sflag:s14] =	ssyncadd.s32 $0xFFFFFB00  }
0x63: {  	[spmem:s1], [sflag:s30] =	dma.local @!p2 [hbm:s0], $0x500  }
0x64: {  	s0 =	simm.s32 @!p2 $0x7  }
0x65: {  	_ =	swait.ge @!p2 [sflag:s0], $0x500  }
0x66: {  	[sflag:s0] =	ssyncset.done @!p2 $0x0  }
0x67: {  	[sflag:s0] =	ssyncadd.s32 @!p2 $0xFFFFFB00  }
0x68: {  	[bflag:$0x0] =	sbarrier.arrive $0xFFFF  }
0x69: {  	_ =	swait.ge [sflag:s13], $0x80  }
0x6a: {  	[sflag:s13] =	ssyncset.done $0x0  }
0x6b: {  	[sflag:s13] =	ssyncadd.s32 $0xFFFFFF80  }
0x6c: {  	_ =	swait.ge [sflag:s21], $0x4000  }
0x6d: {  	[sflag:s21] =	ssyncset.done $0x0  }
0x6e: {  	[sflag:s21] =	ssyncadd.s32 $0xFFFFC000  }
0x6f: {  	[spmem:s28] =	stream.indirect.scatter.add.f32 [tilespmem:s10], [sflag:$0x7], $0x80, s24, s11, $0xb8;
	[tilespmem:$0x1B980] =	vst v63  }
0x70: {  	_ =	swait.ge [sflag:s14], $0x4000  }
0x71: {  	[sflag:s14] =	ssyncset.done $0x0  }
0x72: {  	s6 =	sadd.s32 $0x0, s17;
	[sflag:s14] =	ssyncadd.s32 $0xFFFFC000  }
0x73: {  	[tilespmem:s24], [sflag:$0x1] =	stream.linear.gather [hbm4b:s6+s24], $0x80, $0x38;
	[tilespmem:$0x1B980] =	vst v63  }
0x74: {  	s26 =	sadd.s32 $0xFFFF8000, s9  }
0x75: {  	[tilespmem:s10], [sflag:$0x3] =	stream.linear.gather [hbm4b:s26+s24], $0x4000, $0x38;
	[tilespmem:$0x1B980] =	vst v63  }
0x76: {  	_ =	swait.ge [sflag:s22], $0x80  }
0x77: {  	[sflag:s22] =	ssyncset.done $0x0  }
0x78: {  	[sflag:s22] =	ssyncadd.s32 $0xFFFFFF80  }
0x79: {  	_ =	swait.ge [sflag:s23], $0x4000  }
0x7a: {  	[sflag:s23] =	ssyncset.done $0x0  }
0x7b: {  	[sflag:s23] =	ssyncadd.s32 $0xFFFFC000  }
0x7c: {  	[spmem:s28] =	stream.indirect.scatter.add.f32 [tilespmem:s12], [sflag:$0x7], $0x80, s11, s11, $0xb8;
	[tilespmem:$0x1B980] =	vst v63  }
0x7d: {  	_ =	swait.ge [sflag:s14], $0x4000  }
0x7e: {  	s31 =	sadd.s32 $0x0, s16;
	s1 =	sadd.s32 $0x10000, s9;
	[sflag:s14] =	ssyncset.done $0x0  }
0x7f: {  	s0 =	simm.s32 $0x200;
	s26 =	smov.u32 s9;
	[sflag:s14] =	ssyncadd.s32 $0xFFFFC000  }
0x80: {  	[tilespmem:s11], [sflag:$0x2] =	stream.linear.gather [hbm4b:s31+s24], $0x80, $0x38;
	[tilespmem:$0x1B980] =	vst v63  }
.LBB2_2:
0x81: {  	[tilespmem:s12], [sflag:$0x4] =	stream.linear.gather [hbm4b:s26+s24], $0x4000, $0x38;
	[tilespmem:$0x1B980] =	vst v63  }
0x82: {  	s3 =	smov.u32 s0;
	s26 =	smov.u32 s1  }
0x83: {  	p4 =	sne.s32 s0, $0x9800;
	s0 =	sadd.s32 $0x200, s0;
	_ =	swait.ge [sflag:s13], $0x80  }
0x84: {  	[sflag:s13] =	ssyncset.done $0x0  }
0x85: {  	[sflag:s13] =	ssyncadd.s32 $0xFFFFFF80  }
0x86: {  	_ =	swait.ge [sflag:s21], $0x4000  }
0x87: {  	[sflag:s21] =	ssyncset.done $0x0  }
0x88: {  	[sflag:s21] =	ssyncadd.s32 $0xFFFFC000  }
0x89: {  	[spmem:s28] =	stream.indirect.scatter.add.f32 [tilespmem:s10], [sflag:$0x7], $0x80, s24, s11, $0xb8;
	[tilespmem:$0x1B980] =	vst v63  }
0x8a: {  	_ =	swait.ge [sflag:s14], $0x4000  }
0x8b: {  	[sflag:s14] =	ssyncset.done $0x0  }
0x8c: {  	s4 =	sadd.s32 s3, s17;
	[sflag:s14] =	ssyncadd.s32 $0xFFFFC000  }
0x8d: {  	[tilespmem:s24], [sflag:$0x1] =	stream.linear.gather [hbm4b:s4+s24], $0x80, $0x38;
	[tilespmem:$0x1B980] =	vst v63  }
0x8e: {  	s4 =	sadd.s32 $0xFFFF8000, s1  }
0x8f: {  	[tilespmem:s10], [sflag:$0x3] =	stream.linear.gather [hbm4b:s4+s24], $0x4000, $0x38;
	[tilespmem:$0x1B980] =	vst v63  }
0x90: {  	_ =	swait.ge [sflag:s22], $0x80  }
0x91: {  	[sflag:s22] =	ssyncset.done $0x0  }
0x92: {  	[sflag:s22] =	ssyncadd.s32 $0xFFFFFF80  }
0x93: {  	_ =	swait.ge [sflag:s23], $0x4000  }
0x94: {  	[sflag:s23] =	ssyncset.done $0x0  }
0x95: {  	[sflag:s23] =	ssyncadd.s32 $0xFFFFC000  }
0x96: {  	[spmem:s28] =	stream.indirect.scatter.add.f32 [tilespmem:s12], [sflag:$0x7], $0x80, s11, s11, $0xb8;
	[tilespmem:$0x1B980] =	vst v63  }
.Ltmp0:
0x97: {  	_ =	swait.ge [sflag:s14], $0x4000;
	(pc) =	sbr.rel @p4 .LBB2_2-.Ltmp0, $4  }
0x98: {  	[sflag:s14] =	ssyncset.done $0x0  }
0x99: {  	s3 =	sadd.s32 s3, s16;
	[sflag:s14] =	ssyncadd.s32 $0xFFFFC000  }
0x9a: {  	[tilespmem:s11], [sflag:$0x2] =	stream.linear.gather [hbm4b:s3+s24], $0x80, $0x38;
	[tilespmem:$0x1B980] =	vst v63  }
0x9b: {  	s1 =	sadd.s32 $0x10000, s1  }
0x9c: {  	[tilespmem:s12], [sflag:$0x4] =	stream.linear.gather [hbm4b:s26+s24], $0x4000, $0x38;
	[tilespmem:$0x1B980] =	vst v63  }
0x9d: {  	_ =	swait.ge [sflag:s13], $0x80  }
0x9e: {  	[sflag:s13] =	ssyncset.done $0x0  }
0x9f: {  	[sflag:s13] =	ssyncadd.s32 $0xFFFFFF80  }
0xa0: {  	_ =	swait.ge [sflag:s21], $0x4000  }
0xa1: {  	[sflag:s21] =	ssyncset.done $0x0  }
0xa2: {  	[sflag:s21] =	ssyncadd.s32 $0xFFFFC000  }
0xa3: {  	[spmem:s28] =	stream.indirect.scatter.add.f32 [tilespmem:s10], [sflag:$0x7], $0x80, s24, s11, $0xb8;
	[tilespmem:$0x1B980] =	vst v63  }
0xa4: {  	_ =	swait.ge [sflag:s14], $0x4000  }
0xa5: {  	[sflag:s14] =	ssyncset.done $0x0  }
0xa6: {  	s0 =	simm.s32 @!p0 $0x0;
	s1 =	rddreg [dreg:$0xd];
	[sflag:s14] =	ssyncadd.s32 $0xFFFFC000  }
0xa7: {  	[tilespmem:s0], [sflag:$0x1] =	stream.linear.gather @!p0 [hbm4b:s1+s0], $0x80, $0x38;
	[tilespmem:$0x1B980] =	vst v63  }
0xa8: {  	s3 =	rddreg [dreg:$0x12];
	s1 =	simm.s32 @!p0 $0x100  }
0xa9: {  	[tilespmem:s1], [sflag:$0x3] =	stream.linear.gather @!p0 [hbm4b:s3+s0], $0x4000, $0x38;
	[tilespmem:$0x1B980] =	vst v63  }
0xaa: {  	_ =	swait.ge [sflag:s22], $0x80  }
0xab: {  	[sflag:s22] =	ssyncset.done $0x0  }
0xac: {  	[sflag:s22] =	ssyncadd.s32 $0xFFFFFF80  }
0xad: {  	_ =	swait.ge [sflag:s23], $0x4000  }
0xae: {  	[sflag:s23] =	ssyncset.done $0x0  }
0xaf: {  	[sflag:s23] =	ssyncadd.s32 $0xFFFFC000  }
0xb0: {  	[spmem:s28] =	stream.indirect.scatter.add.f32 [tilespmem:s12], [sflag:$0x7], $0x80, s11, s11, $0xb8;
	[tilespmem:$0x1B980] =	vst v63  }
0xb1: {  	_ =	swait.ge [sflag:s14], $0x4000  }
0xb2: {  	[sflag:s14] =	ssyncset.done $0x0  }
0xb3: {  	s0 =	simm.s32 @!p3 $0x1;
	[sflag:s14] =	ssyncadd.s32 $0xFFFFC000  }
0xb4: {  	_ =	swait.ge @!p3 [sflag:s0], $0x80  }
0xb5: {  	[sflag:s0] =	ssyncset.done @!p3 $0x0  }
0xb6: {  	[sflag:s0] =	ssyncadd.s32 @!p3 $0xFFFFFF80;
	s0 =	simm.s32 @!p3 $0x3  }
0xb7: {  	_ =	swait.ge @!p3 [sflag:s0], $0x4000  }
0xb8: {  	s1 =	simm.s32 @!p3 $0x0;
	[sflag:s0] =	ssyncset.done @!p3 $0x0  }
0xb9: {  	s3 =	simm.s32 @!p3 $0x100;
	[sflag:s0] =	ssyncadd.s32 @!p3 $0xFFFFC000;
	s0 =	simm.s32 @!p3 $0x80  }
0xba: {  	[spmem:s28] =	stream.indirect.scatter.add.f32 @!p3 [tilespmem:s3], [sflag:$0x7], $0x80, s1, s0, $0xb8;
	[tilespmem:$0x1B980] =	vst v63  }
0xbb: {  	s0 =	simm.s32 @!p3 $0x7  }
0xbc: {  	_ =	swait.ge @!p3 [sflag:s0], $0x4000  }
0xbd: {  	[sflag:s0] =	ssyncset.done @!p3 $0x0  }
0xbe: {  	[sflag:s0] =	ssyncadd.s32 @!p3 $0xFFFFC000  }
0xbf: {  	[bflag:$0x0] =	sbarrier.arrive $0xFFFF  }
0xc0: {  	s0 =	simm.s32 $0x0;
	s6 =	rddreg [dreg:$0x13]  }
0xc1: {  	[tilespmem:s0], [sflag:$0x1] =	stream.linear.gather [hbm4b:s6+s0], $0x80, $0x38;
	[tilespmem:$0x1B980] =	vst v63  }
0xc2: {  	s26 =	rddreg [dreg:$0x1d]  }
0xc3: {  	[tilespmem:s11], [sflag:$0x2] =	stream.linear.gather [hbm4b:s26+s0], $0x80, $0x38;
	[tilespmem:$0x1B980] =	vst v63  }
0xc4: {  	_ =	swait.ge [sflag:s13], $0x80  }
0xc5: {  	[sflag:s13] =	ssyncset.done $0x0  }
0xc6: {  	[sflag:s13] =	ssyncadd.s32 $0xFFFFFF80  }
0xc7: {  	[tilespmem:s10], [sflag:$0x7] =	stream.indirect.gather [spmem:s28], $0x80, s0, s11, $0xb8;
	[tilespmem:$0x1B980] =	vst v63  }
0xc8: {  	_ =	swait.ge [sflag:s14], $0x4000  }
0xc9: {  	[sflag:s14] =	ssyncset.done $0x0  }
0xca: {  	[sflag:s14] =	ssyncadd.s32 $0xFFFFC000  }
0xcb: {  	[hbm4b:s8+s0] =	stream.linear.scatter [tilespmem:s10], [sflag:$0x5], $0x4000, $0x38;
	[tilespmem:$0x1B980] =	vst v63  }
0xcc: {  	s3 =	rddreg [dreg:$0xb]  }
0xcd: {  	[tilespmem:s0], [sflag:$0x1] =	stream.linear.gather [hbm4b:s3+s0], $0x80, $0x38;
	[tilespmem:$0x1B980] =	vst v63  }
0xce: {  	_ =	swait.ge [sflag:s22], $0x80  }
0xcf: {  	[sflag:s22] =	ssyncset.done $0x0  }
0xd0: {  	[sflag:s22] =	ssyncadd.s32 $0xFFFFFF80  }
0xd1: {  	[tilespmem:s12], [sflag:$0x7] =	stream.indirect.gather [spmem:s28], $0x80, s11, s11, $0xb8;
	[tilespmem:$0x1B980] =	vst v63  }
0xd2: {  	_ =	swait.ge [sflag:s14], $0x4000  }
0xd3: {  	[sflag:s14] =	ssyncset.done $0x0  }
0xd4: {  	s4 =	rddreg [dreg:$0x1e];
	[sflag:s14] =	ssyncadd.s32 $0xFFFFC000  }
0xd5: {  	[hbm4b:s4+s0] =	stream.linear.scatter [tilespmem:s12], [sflag:$0x6], $0x4000, $0x38;
	[tilespmem:$0x1B980] =	vst v63  }
0xd6: {  	s5 =	rddreg [dreg:$0xc]  }
0xd7: {  	[tilespmem:s11], [sflag:$0x2] =	stream.linear.gather [hbm4b:s5+s0], $0x80, $0x38;
	[tilespmem:$0x1B980] =	vst v63  }
0xd8: {  	_ =	swait.ge [sflag:s20], $0x4000  }
0xd9: {  	[sflag:s20] =	ssyncset.done $0x0  }
0xda: {  	[sflag:s20] =	ssyncadd.s32 $0xFFFFC000  }
0xdb: {  	_ =	swait.ge [sflag:s13], $0x80  }
0xdc: {  	[sflag:s13] =	ssyncset.done $0x0  }
0xdd: {  	[sflag:s13] =	ssyncadd.s32 $0xFFFFFF80  }
0xde: {  	[tilespmem:s10], [sflag:$0x7] =	stream.indirect.gather [spmem:s28], $0x80, s24, s11, $0xb8;
	[tilespmem:$0x1B980] =	vst v63  }
0xdf: {  	_ =	swait.ge [sflag:s14], $0x4000  }
0xe0: {  	s6 =	sadd.s32 $0xFFFFFFE0, s15;
	[sflag:s14] =	ssyncset.done $0x0  }
0xe1: {  	p4 =	sgt.u32 s6, $0x9C3;
	s26 =	sadd.s32 $0xFFFF0000, s2;
	[sflag:s14] =	ssyncadd.s32 $0xFFFFC000  }
0xe2: {  	[hbm4b:s26+s24] =	stream.linear.scatter [tilespmem:s10], [sflag:$0x5], $0x4000, $0x38;
	[tilespmem:$0x1B980] =	vst v63  }
0xe3: {  	s1 =	simm.s32 @!p4 $0x0;
	s0 =	sadd.s32 @!p4 $0x0, s19  }
0xe4: {  	[tilespmem:s1], [sflag:$0x1] =	stream.linear.gather @!p4 [hbm4b:s0+s1], $0x80, $0x38;
	[tilespmem:$0x1B980] =	vst v63  }
0xe5: {  	_ =	swait.ge [sflag:s29], $0x4000  }
0xe6: {  	[sflag:s29] =	ssyncset.done $0x0  }
0xe7: {  	[sflag:s29] =	ssyncadd.s32 $0xFFFFC000  }
0xe8: {  	_ =	swait.ge [sflag:s22], $0x80  }
0xe9: {  	[sflag:s22] =	ssyncset.done $0x0  }
0xea: {  	p5 =	sgt.u32 s15, $0x9C3;
	s31 =	smov.u32 s2;
	[sflag:s22] =	ssyncadd.s32 $0xFFFFFF80  }
0xeb: {  	[tilespmem:s12], [sflag:$0x7] =	stream.indirect.gather [spmem:s28], $0x80, s11, s11, $0xb8;
	[tilespmem:$0x1B980] =	vst v63  }
0xec: {  	s3 =	sadd.s32 @!p5 $0x0, s18;
	s4 =	simm.s32 @!p5 $0x0;
	_ =	swait.ge [sflag:s14], $0x4000  }
0xed: {  	s5 =	simm.s32 @!p5 $0x80;
	s26 =	simm.s32 $0x400;
	[sflag:s14] =	ssyncset.done $0x0  }
0xee: {  	s0 =	sadd.s32 $0x20000, s2;
	s1 =	sadd.s32 $0x40, s15;
	[sflag:s14] =	ssyncadd.s32 $0xFFFFC000  }
.LBB2_4:
0xef: {  	[hbm4b:s31+s24] =	stream.linear.scatter [tilespmem:s12], [sflag:$0x6], $0x4000, $0x38;
	[tilespmem:$0x1B980] =	vst v63  }
0xf0: {  	s6 =	smov.u32 s26;
	s26 =	sadd.s32 $0x400, s26;
	s31 =	smov.u32 s0  }
0xf1: {  	[tilespmem:s5], [sflag:$0x2] =	stream.linear.gather @!p5 [hbm4b:s3+s4], $0x80, $0x38;
	[tilespmem:$0x1B980] =	vst v63  }
0xf2: {  	p4 =	sne.s32 s26, $0x9800;
	_ =	swait.ge [sflag:s20], $0x4000  }
0xf3: {  	[sflag:s20] =	ssyncset.done $0x0  }
0xf4: {  	[sflag:s20] =	ssyncadd.s32 $0xFFFFC000  }
0xf5: {  	_ =	swait.ge [sflag:s13], $0x80  }
0xf6: {  	[sflag:s13] =	ssyncset.done $0x0  }
0xf7: {  	[sflag:s13] =	ssyncadd.s32 $0xFFFFFF80  }
0xf8: {  	[tilespmem:s10], [sflag:$0x7] =	stream.indirect.gather [spmem:s28], $0x80, s24, s11, $0xb8;
	[tilespmem:$0x1B980] =	vst v63  }
0xf9: {  	_ =	swait.ge [sflag:s14], $0x4000  }
0xfa: {  	s3 =	sadd.s32 $0xFFFF0000, s0;
	s4 =	sadd.s32 $0xFFFFFFE0, s1;
	[sflag:s14] =	ssyncset.done $0x0  }
0xfb: {  	p5 =	sgt.u32 s4, $0x9C3;
	[sflag:s14] =	ssyncadd.s32 $0xFFFFC000  }
0xfc: {  	[hbm4b:s3+s24] =	stream.linear.scatter [tilespmem:s10], [sflag:$0x5], $0x4000, $0x38;
	[tilespmem:$0x1B980] =	vst v63  }
0xfd: {  	s4 =	simm.s32 @!p5 $0x0;
	s3 =	sadd.s32 @!p5 s6, s19  }
0xfe: {  	[tilespmem:s4], [sflag:$0x1] =	stream.linear.gather @!p5 [hbm4b:s3+s4], $0x80, $0x38;
	[tilespmem:$0x1B980] =	vst v63  }
0xff: {  	_ =	swait.ge [sflag:s29], $0x4000  }
0x100: {  	[sflag:s29] =	ssyncset.done $0x0  }
0x101: {  	[sflag:s29] =	ssyncadd.s32 $0xFFFFC000  }
0x102: {  	_ =	swait.ge [sflag:s22], $0x80  }
0x103: {  	[sflag:s22] =	ssyncset.done $0x0  }
0x104: {  	[sflag:s22] =	ssyncadd.s32 $0xFFFFFF80  }
0x105: {  	[tilespmem:s12], [sflag:$0x7] =	stream.indirect.gather [spmem:s28], $0x80, s11, s11, $0xb8;
	[tilespmem:$0x1B980] =	vst v63  }
.Ltmp1:
0x106: {  	_ = 	snop;
	(pc) =	sbr.rel @p4 .LBB2_4-.Ltmp1, $4  }
0x107: {  	_ =	swait.ge [sflag:s14], $0x4000  }
0x108: {  	s0 =	sadd.s32 $0x20000, s0;
	[sflag:s14] =	ssyncset.done $0x0  }
0x109: {  	p5 =	sgt.u32 s1, $0x9C3;
	s1 =	sadd.s32 $0x40, s1;
	[sflag:s14] =	ssyncadd.s32 $0xFFFFC000  }
0x10a: {  	s3 =	sadd.s32 @!p5 s6, s18;
	s4 =	simm.s32 @!p5 $0x0;
	s5 =	simm.s32 @!p5 $0x80  }
0x10b: {  	[hbm4b:s31+s24] =	stream.linear.scatter [tilespmem:s12], [sflag:$0x6], $0x4000, $0x38;
	[tilespmem:$0x1B980] =	vst v63  }
0x10c: {  	s0 =	simm.s32 @!p1 $0x5  }
0x10d: {  	[tilespmem:s5], [sflag:$0x2] =	stream.linear.gather @!p5 [hbm4b:s3+s4], $0x80, $0x38;
	[tilespmem:$0x1B980] =	vst v63  }
0x10e: {  	_ =	swait.ge @!p1 [sflag:s0], $0x4000  }
0x10f: {  	[sflag:s0] =	ssyncset.done @!p1 $0x0  }
0x110: {  	[sflag:s0] =	ssyncadd.s32 @!p1 $0xFFFFC000;
	s0 =	simm.s32 @!p1 $0x1  }
0x111: {  	_ =	swait.ge @!p1 [sflag:s0], $0x80  }
0x112: {  	s1 =	simm.s32 @!p1 $0x0;
	[sflag:s0] =	ssyncset.done @!p1 $0x0  }
0x113: {  	s3 =	simm.s32 @!p1 $0x100;
	[sflag:s0] =	ssyncadd.s32 @!p1 $0xFFFFFF80;
	s0 =	simm.s32 @!p1 $0x80  }
0x114: {  	[tilespmem:s3], [sflag:$0x7] =	stream.indirect.gather @!p1 [spmem:s28], $0x80, s1, s0, $0xb8;
	[tilespmem:$0x1B980] =	vst v63  }
0x115: {  	s0 =	simm.s32 @!p1 $0x7  }
0x116: {  	_ =	swait.ge @!p1 [sflag:s0], $0x4000  }
0x117: {  	[sflag:s0] =	ssyncset.done @!p1 $0x0  }
0x118: {  	[sflag:s0] =	ssyncadd.s32 @!p1 $0xFFFFC000;
	s0 =	rddreg [dreg:$0x10]  }
0x119: {  	[hbm4b:s0+s1] =	stream.linear.scatter @!p1 [tilespmem:s3], [sflag:$0x5], $0x4000, $0x38;
	[tilespmem:$0x1B980] =	vst v63  }
0x11a: {  	_ =	swait.ge [sflag:s20], $0x4000  }
0x11b: {  	[sflag:s20] =	ssyncset.done $0x0  }
0x11c: {  	[sflag:s20] =	ssyncadd.s32 $0xFFFFC000  }
0x11d: {  	_ =	swait.ge [sflag:s29], $0x4000  }
0x11e: {  	s25 =	sadd.s32 $0x1, s25;
	s31 =	rddreg [dreg:$0x14]  }
0x11f: {  	p4 =	sne.s32 s25, s31  }
.Ltmp2:
0x120: {  	_ = 	snop;
	(pc) =	sbr.rel @p4 .LBB2_1-.Ltmp2, $3  }
0x121: {  	_ =	sdelay $0x1  }
0x122: {  	[sflag:s29] =	ssyncset.done $0x0  }
0x123: {  	[sflag:s29] =	ssyncadd.s32 $0xFFFFC000  }
0x124: {  	_ =	sfence.sel $0x180000  }
0x125: {  	[bflag:$0x0] =	sbarrier.arrive $0xFFFF  }
0x126: {  	_ =	strace $0x90000050  }
0x127: {  	s0 =	stileid.u32;
	[bflag:$0x2] =	sbarrier.arrive $0xFFFF  }
0x128: {  	p0 =	sne.s32 s0, $0x0;
	s0 =	rddreg [dreg:$0x2]  }
0x129: {  	s0 =	sadd.s32 @!p0 $0x100000, s0  }
0x12a: {  	[sflag:s0] =	ssyncadd.tile.s32 @!p0 $0x1;
	_ =	shalt  }
.Lfunc_end2:
_tile_overlayer_lowered:
.L_overlay_start_2:
0x12b: {  	(tag) =	ssettag $0x2  }
0x12c: {  	s0 =	rddreg [dreg:$0x0];
	s2 =	stileid.u32  }
0x12d: {  	s1 =	rddreg [dreg:$0x1];
	p0 =	sne.s32 s2, $0x0  }
0x12e: {  	s3 =	rddreg [dreg:$0x2];
	[bflag:$0x3] =	sbarrier.arrive $0xFFFF;
	s2 =	simm.s32 @!p0 $0x1C07  }
0x12f: {  	[timem:s3], [sflag:s2] =	dma.local @!p0 [hbm:s0], s1  }
0x130: {  	s0 =	simm.s32 @!p0 $0x7  }
0x131: {  	_ =	swait.ge @!p0 [sflag:s0], s1  }
0x132: {  	s1 =	ssub.s32 @!p0 $0x0, s1;
	[sflag:s0] =	ssyncset.done @!p0 $0x0  }
0x133: {  	[sflag:s0] =	ssyncadd.s32 @!p0 s1  }
0x134: {  	[bflag:$0x3] =	sbarrier.arrive $0xFFFF  }
0x135: {  	_ =	shalt  }

// kernel: kernel.25.cloned.1.call-start
scs
__scs_entry_jumppad:
0x0: {  	(pc) =	sbr.rel $0x88, $3  }
0x1: {  	(tag) =	ssettag $0x0;
	lr =	simm.s32 $0x1  }
0x2: {  	[smem:$0x3F8A] =	sst lr;
	_ =	strace $0xD0000000  }
0x3: {  	_ = 	snop  }
0x4: {  	_ = 	snop  }
0x5: {  	_ = 	snop  }
0x6: {  	_ = 	snop  }
0x7: {  	_ = 	snop  }
__scs_overlays_trampoline_lowered:
0x8: {  	[smem:$0x3F99] =	sst s0  }
0x9: {  	[smem:$0x3F9A] =	sst s1  }
0xa: {  	[smem:$0x3F9B] =	sst s2  }
0xb: {  	[smem:$0x3F9C] =	sst s3  }
0xc: {  	[smem:$0x3F9D] =	sst s4  }
0xd: {  	[smem:$0x3F9E] =	sst s5  }
0xe: {  	[smem:$0x3F9F] =	sst s6  }
0xf: {  	[smem:$0x3FA0] =	sst s7  }
0x10: {  	[smem:$0x3FA1] =	sst s8  }
0x11: {  	[smem:$0x3FA2] =	sst s9;
	s0 =	simm.s32 @!p0 $0x0  }
0x12: {  	s1 =	sld [smem:$0x3F88];
	s0 =	simm.s32 @p0 $0x1  }
0x13: {  	[smem:$0x3FA3] =	sst s0;
	s0 =	simm.s32 @!p1 $0x0  }
0x14: {  	s2 =	sld [smem:$0x3F87];
	s0 =	simm.s32 @p1 $0x1  }
0x15: {  	[smem:$0x3FA4] =	sst s0;
	s0 =	simm.s32 @!p2 $0x0  }
0x16: {  	s3 =	sld [smem:$0x3FDB];
	s0 =	simm.s32 @p2 $0x1  }
0x17: {  	s4 =	simm.s32 $0x1BF5;
	[smem:$0x3FA6] =	sst s0  }
0x18: {  	s0 =	sld [smem:$0x3F89];
	_ =	swait.ge [sflag:s4], $0x0  }
0x19: {  	s7 =	sld [smem:$0x3F8A]  }
0x1a: {  	s8 =	sadd.s32 $0xFFFFE003, lr  }
0x1b: {  	s9 =	sadd.s32 $0xFFFFFEF7, lr;
	s5 =	simm.s32 $0xFFFFFFFF;
	p2 =	slt.u32 s8, $0xFFFFF086  }
0x1c: {  	p1 =	slt.u32 s9, $0xF7A;
	s5 =	simm.s32 @!p2 $0x0  }
0x1d: {  	s5 =	simm.s32 @p1 $0x1;
	p0 =	seq.s32 s7, s2  }
0x1e: {  	s7 =	smul.u32 @!p0 $0xF7A, s2;
	p2 =	seq.s32 @!p0 s5, $0x0  }
0x1f: {  	s9 =	smul.u32 $0xF7A, s1;
	s8 =	simm.s32 @!p0 $0x1BF5;
	p2 =	por !p2, p0  }
0x20: {  	[sflag:s8] =	ssyncset.s32 @!p0 $0xFFFFF086;
	s6 =	sadd.s32 @!p0 s3, s7;
	s7 =	simm.s32 @!p0 $0x108  }
0x21: {  	s3 =	sadd.s32 s3, s9;
	s6 =	sadd.s32 @!p0 $0x88, s6;
	s7 =	simm.s32 @p2 $0x1082  }
0x22: {  	[simem:s7], [sflag:s8] =	dma.local @!p0 [hbm:s6], $0xF7A  }
0x23: {  	s9 =	sor.u32 $0xD0000000, s2;
	s6 =	simm.s32 $0x108;
	_ =	swait.ge @!p0 [sflag:s8], $0x0  }
0x24: {  	s3 =	sadd.s32 $0x88, s3;
	s6 =	simm.s32 @!p1 $0x1082;
	[sflag:s4] =	ssyncset.s32 $0xFFFFF086  }
0x25: {  	[simem:s6], [sflag:s4] =	dma.local [hbm:s3], $0xF7A  }
0x26: {  	[smem:$0x3F8A] =	sst s1;
	(tag) =	ssettag s2;
	_ =	strace s9  }
0x27: {  	s1 =	sld [smem:$0x3F9A]  }
0x28: {  	s2 =	sld [smem:$0x3F9B]  }
0x29: {  	s4 =	sld [smem:$0x3F9D]  }
0x2a: {  	p0 =	seq.s32 s5, $0x0;
	s5 =	sld [smem:$0x3F9E]  }
0x2b: {  	s6 =	sld [smem:$0x3F9F]  }
0x2c: {  	s7 =	sld [smem:$0x3FA0]  }
0x2d: {  	s3 =	simm.s32 $0x108;
	s8 =	sld [smem:$0x3FA1]  }
0x2e: {  	s3 =	simm.s32 @!p0 $0x1082;
	s9 =	sld [smem:$0x3FA2]  }
0x2f: {  	lr =	sadd.s32 s0, s3;
	s0 =	sld [smem:$0x3F99]  }
0x30: {  	s3 =	sld [smem:$0x3F9C]  }
0x31: {  	[smem:$0x3FA5] =	sst s10  }
0x32: {  	s10 =	sld [smem:$0x3FA3];
	_ =	sdelay $0x3  }
0x33: {  	p0 =	seq.s32 s10, $0x1;
	s10 =	sld [smem:$0x3FA5];
	_ =	sdelay $0x3  }
0x34: {  	[smem:$0x3FA5] =	sst s10  }
0x35: {  	s10 =	sld [smem:$0x3FA4];
	_ =	sdelay $0x3  }
0x36: {  	p1 =	seq.s32 s10, $0x1;
	s10 =	sld [smem:$0x3FA5];
	_ =	sdelay $0x3  }
0x37: {  	[smem:$0x3FA5] =	sst s10  }
0x38: {  	s10 =	sld [smem:$0x3FA6]  }
0x39: {  	_ = 	snop;
	(pc) =	sbr.ind lr, $3  }
0x3a: {  	_ = 	snop  }
0x3b: {  	_ = 	snop  }
0x3c: {  	p2 =	seq.s32 s10, $0x1;
	s10 =	sld [smem:$0x3FA5]  }
0x3d: {  	_ =	shalt  }
0x3e: {  	_ =	shalt  }
0x3f: {  	_ =	shalt  }
0x40: {  	_ =	shalt  }
0x41: {  	_ =	shalt  }
0x42: {  	_ =	shalt  }
0x43: {  	_ =	shalt  }
0x44: {  	_ =	shalt  }
0x45: {  	_ =	shalt  }
0x46: {  	_ =	shalt  }
0x47: {  	_ =	shalt  }
0x48: {  	_ =	shalt  }
0x49: {  	_ =	shalt  }
0x4a: {  	_ =	shalt  }
0x4b: {  	_ =	shalt  }
0x4c: {  	_ =	shalt  }
0x4d: {  	_ =	shalt  }
0x4e: {  	_ =	shalt  }
0x4f: {  	_ =	shalt  }
0x50: {  	_ =	shalt  }
0x51: {  	_ =	shalt  }
0x52: {  	_ =	shalt  }
0x53: {  	_ =	shalt  }
0x54: {  	_ =	shalt  }
0x55: {  	_ =	shalt  }
0x56: {  	_ =	shalt  }
0x57: {  	_ =	shalt  }
0x58: {  	_ =	shalt  }
0x59: {  	_ =	shalt  }
0x5a: {  	_ =	shalt  }
0x5b: {  	_ =	shalt  }
0x5c: {  	_ =	shalt  }
0x5d: {  	_ =	shalt  }
0x5e: {  	_ =	shalt  }
0x5f: {  	_ =	shalt  }
0x60: {  	_ =	shalt  }
0x61: {  	_ =	shalt  }
0x62: {  	_ =	shalt  }
0x63: {  	_ =	shalt  }
0x64: {  	_ =	shalt  }
0x65: {  	_ =	shalt  }
0x66: {  	_ =	shalt  }
0x67: {  	_ =	shalt  }
0x68: {  	_ =	shalt  }
0x69: {  	_ =	shalt  }
0x6a: {  	_ =	shalt  }
0x6b: {  	_ =	shalt  }
0x6c: {  	_ =	shalt  }
0x6d: {  	_ =	shalt  }
0x6e: {  	_ =	shalt  }
0x6f: {  	_ =	shalt  }
0x70: {  	_ =	shalt  }
0x71: {  	_ =	shalt  }
0x72: {  	_ =	shalt  }
0x73: {  	_ =	shalt  }
0x74: {  	_ =	shalt  }
0x75: {  	_ =	shalt  }
0x76: {  	_ =	shalt  }
0x77: {  	_ =	shalt  }
0x78: {  	_ =	shalt  }
0x79: {  	_ =	shalt  }
0x7a: {  	_ =	shalt  }
0x7b: {  	_ =	shalt  }
0x7c: {  	_ =	shalt  }
0x7d: {  	_ =	shalt  }
0x7e: {  	_ =	shalt  }
0x7f: {  	_ =	shalt  }
0x80: {  	_ =	shalt  }
0x81: {  	_ =	shalt  }
0x82: {  	_ =	shalt  }
0x83: {  	_ =	shalt  }
0x84: {  	_ =	shalt  }
0x85: {  	_ =	shalt  }
0x86: {  	_ =	shalt  }
0x87: {  	_ =	shalt  }
.Lfunc_end0:
.L_simem_size_0:
called_computation.4_lowered:
.L_overlay_start_0:
0x88: {  	s2 =	sld [smem:$0x3FD9]  }
0x89: {  	s3 =	sld [smem:$0x3FFE];
	_ =	sdelay $0x1  }
0x8a: {  	s1 =	srdreg.scid  }
0x8b: {  	s0 =	sand.u32 $0x1, s1  }
0x8c: {  	s16 =	sshll.u32 s0, $0xA;
	s2 =	sadd.s32 s3, s2  }
0x8d: {  	s2 =	sadd.s32 s2, s16  }
0x8e: {  	[smem:$0x3FB1] =	sst s2  }
0x8f: {  	_ = 	snop  }
0x90: {  	(tm) =	ssettm $0x1  }
0x91: {  	s17 =	sld [smem:$0x3FFB];
	_ =	sdelay $0x3  }
0x92: {  	_ =	strace s17  }
0x93: {  	s2 =	sld [smem:$0x3FFC];
	_ =	sdelay $0x3  }
0x94: {  	_ =	strace s2  }
0x95: {  	s2 =	sld [smem:$0x3FFD];
	_ =	sdelay $0x3  }
0x96: {  	_ =	strace s2  }
0x97: {  	_ =	strace $0x8FFFFFFF  }
0x98: {  	s18 =	sld [smem:$0x3FDB];
	_ =	sdelay $0x1  }
0x99: {  	s19 =	simm.s32 $_scs_section_size  }
0x9a: {  	s4 =	simm.s32 $_size__tile_overlayer_lowered;
	s5 =	simm.s32 $_tile_overlayer_lowered  }
0x9b: {  	s22 =	simm.s32 $0x1BFF;
	s21 =	sshll.u32 s5, $0x1;
	s2 =	sadd.s32 s19, s18  }
0x9c: {  	s6 =	simm.s32 $0x0;
	s20 =	sshll.u32 s4, $0x1;
	s4 =	sadd.s32 s21, s2  }
0x9d: {  	[timem:s6], [sflag:s22] =	dma.local [hbm:s4], s20  }
0x9e: {  	_ =	swait.ge [sflag:s22], s20  }
0x9f: {  	s3 =	ssub.s32 $0x0, s20;
	[sflag:s22] =	ssyncset.done $0x0  }
0xa0: {  	[sflag:s22] =	ssyncadd.s32 s3;
	_ =	sdelay $0x1  }
0xa1: {  	s23 =	simm.s32 $0x1B8B  }
0xa2: {  	_ =	swait.ge [sflag:s23], $0x1  }
0xa3: {  	[sflag:s23] =	ssyncset.done $0x0  }
0xa4: {  	s25 =	simm.s32 $0x1B8E;
	s24 =	sld [smem:$0x3FFE];
	[sflag:s23] =	ssyncadd.s32 $0xFFFFFFFF  }
0xa5: {  	s26 =	simm.s32 $execute0_lowered;
	[smem:$0x3FD2] =	sst s25  }
0xa6: {  	s4 =	sshll.u32 s26, $0x1;
	_ =	strace $0x80000052;
	[dreg:$0x1] =	wrdreg $0xFFFFFFFF  }
0xa7: {  	s28 =	simm.s32 $_size_execute0_lowered;
	s2 =	sadd.s32 s2, s4;
	[dreg:$0x0] =	wrdreg $0x0  }
0xa8: {  	s4 =	sshll.u32 s28, $0x1;
	[dreg:$0x2] =	wrdreg s2  }
0xa9: {  	[dreg:$0x3] =	wrdreg s4  }
0xaa: {  	[dreg:$0x4] =	wrdreg $0xC0  }
0xab: {  	_ =	task [dreg:s6], $0x5FFFF  }
0xac: {  	[dreg:$0x1] =	wrdreg $0xFFFFFFFF  }
0xad: {  	[dreg:$0x0] =	wrdreg $0x60  }
0xae: {  	[dreg:$0x2] =	wrdreg s24  }
0xaf: {  	[dreg:$0x3] =	wrdreg $0x81000  }
0xb0: {  	[dreg:$0x4] =	wrdreg $0x9  }
0xb1: {  	_ =	task.clear_ibuf [dreg:s6], $0x5FFFF;
	_ =	strace $0x90000052  }
0xb2: {  	s29 =	simm.s32 $0x9;
	_ =	strace $0x80000054  }
0xb3: {  	_ =	swait.ge [sflag:s29], $0x1  }
0xb4: {  	[sflag:s29] =	ssyncadd.s32 $0xFFFFFFFF  }
0xb5: {  	_ =	strace $0x90000054  }
0xb6: {  	_ =	sfence  }
0xb7: {  	s30 =	sld [smem:$0x0];
	_ =	sdelay $0x2  }
0xb8: {  	s31 =	sshll.u32 s1, $0xD;
	s1 =	sshrl.u32 s1, $0x2  }
0xb9: {  	s3 =	sand.u32 $0x4000, s31;
	s1 =	sadd.s32 s1, s30  }
0xba: {  	s0 =	sor.u32 s3, s0;
	s1 =	sshll.u32 s1, $0x11  }
0xbb: {  	s0 =	sor.u32 s1, s0  }
0xbc: {  	s0 =	sadd.s32 $0x8F2B, s0  }
0xbd: {  	[sflag:s0] =	ssyncadd.remote.s32 $0x1  }
0xbe: {  	_ =	sfence.sel $0xFFFF  }
0xbf: {  	[dreg:$0x0] =	wrdreg $0xFFFFFFFF;
	(pc) =	sbr.abs _section_cstart, $3  }
0xc0: {  	[dreg:$0x1] =	wrdreg $0xFFFFFFFF  }
0xc1: {  	_ =	task.clear_ibuf [dreg:s6], $0x2FFFF;
	_ =	strace $0x9FFFFFFF  }
0xc2: {  	(tm) =	ssettm $0x7FFFFFFF  }
0xc3: {  	_ =	shalt  }
tec
execute0_lowered:
.L_overlay_start_1:
0x0: {  	(tag) =	ssettag $0x1  }
0x1: {  	s0 =	rddreg [dreg:$0x0]  }
0x2: {  	s2 =	srdreg.scid;
	s31 =	stileid.u32;
	s9 =	sadd.s32 $0xA29C00, s0  }
0x3: {  	s1 =	sadd.s32 $0xDA00, s0;
	s10 =	sand.u32 $0x1, s2;
	s11 =	sadd.s32 $0x17800, s0  }
0x4: {  	s2 =	sadd.s32 $0x65C00, s0;
	s12 =	sadd.s32 $0x8CE00, s0;
	s5 =	sshll.u32 s31, $0x7  }
0x5: {  	s15 =	ssub.s32 $0x9C4, s31;
	s25 =	sshll.u32 s31, $0x4;
	s16 =	smul.u32 $0x500, s31  }
0x6: {  	s3 =	ssub.s32 $0x2, s10;
	s7 =	sshll.u32 s10, $0x4;
	s5 =	sand.u32 $0x380, s5  }
0x7: {  	p1 =	seq.s32 s10, $0x1;
	s10 =	sshll.u32 s10, $0xF;
	s4 =	sshrl.u32 s3, $0x1  }
0x8: {  	s2 =	smov.u32 @p1 s12;
	s0 =	ssub.s32 s3, s4;
	s3 =	sor.u32 s31, s7  }
0x9: {  	s12 =	sor.u32 $0x50, s31;
	s7 =	sor.u32 $0x9C0, s7;
	s22 =	sshll.u32 s3, $0x7  }
0xa: {  	s6 =	sor.u32 $0x20, s3;
	s23 =	sshll.u32 s3, $0xB;
	p0 =	sge.u32 s7, s15  }
0xb: {  	s7 =	sor.u32 $0x40, s31;
	s29 =	smax.u32 s0, $0x1;
	s4 =	sand.u32 $0xC00, s22  }
0xc: {  	s8 =	sshll.u32 s6, $0x7;
	s24 =	sshll.u32 s6, $0xB;
	s6 =	sor.u32 $0x30, s31  }
0xd: {  	s22 =	sor.u32 s5, s4;
	s4 =	sadd.s32 s9, s23;
	s20 =	smul.u32 $0x500, s6  }
0xe: {  	s8 =	sand.u32 $0x1C00, s8;
	s6 =	smul.u32 $0xA000, s6;
	[dreg:$0x3] =	wrdreg s4  }
0xf: {  	s14 =	sor.u32 s5, s8;
	s4 =	sadd.s32 s9, s24;
	s8 =	sand.u32 $0x70, s25  }
0x10: {  	s5 =	sor.u32 $0x20, s31;
	s24 =	sor.u32 $0x9C0, s3;
	s3 =	sshll.u32 s3, $0x4  }
0x11: {  	[dreg:$0x4] =	wrdreg s4;
	s4 =	sor.u32 $0x10, s31;
	s17 =	sadd.s32 s1, s8  }
0x12: {  	s19 =	smul.u32 $0x500, s5;
	s21 =	sshll.u32 s24, $0x4;
	s25 =	sadd.s32 s11, s20  }
0x13: {  	p2 =	sgt.u32 s24, $0x9C3;
	s18 =	smul.u32 $0x500, s4;
	s26 =	sand.u32 $0x9D80, s21  }
0x14: {  	s21 =	smul.u32 $0x500, s7;
	[dreg:$0xa] =	wrdreg s25;
	s13 =	sadd.s32 s26, s17  }
0x15: {  	s17 =	sadd.s32 s11, s16;
	s16 =	sadd.s32 s2, s16;
	[dreg:$0x5] =	wrdreg s13  }
0x16: {  	s13 =	sshll.u32 s24, $0xB;
	[dreg:$0x7] =	wrdreg s17;
	s23 =	sadd.s32 s11, s18  }
0x17: {  	s25 =	sadd.s32 s11, s21;
	[dreg:$0xf] =	wrdreg s16;
	s18 =	sadd.s32 s2, s18  }
0x18: {  	s15 =	sadd.s32 s9, s13;
	s9 =	sadd.s32 s10, s9;
	[dreg:$0x8] =	wrdreg s23  }
0x19: {  	s10 =	smul.u32 $0x500, s12;
	s13 =	sor.u32 $0x70, s31;
	[dreg:$0xb] =	wrdreg s25  }
0x1a: {  	s23 =	sadd.s32 s11, s19;
	[dreg:$0x10] =	wrdreg s18;
	s19 =	sadd.s32 s2, s19  }
0x1b: {  	s25 =	sadd.s32 s2, s20;
	s18 =	sshrl.u32 s22, $0x3;
	[dreg:$0x6] =	wrdreg s15  }
0x1c: {  	s20 =	sor.u32 $0x600, s3;
	s3 =	sor.u32 $0x400, s3;
	[dreg:$0x9] =	wrdreg s23  }
0x1d: {  	s15 =	sor.u32 $0x60, s31;
	s23 =	smul.u32 $0x500, s13;
	[dreg:$0x11] =	wrdreg s19  }
0x1e: {  	[dreg:$0x12] =	wrdreg s25;
	s19 =	sshrl.u32 s14, $0x3;
	s3 =	sand.u32 $0x580, s3  }
0x1f: {  	s14 =	smul.u32 $0xA000, s12;
	p3 =	sgt.u32 s13, $0x7C;
	s26 =	sadd.s32 s11, s10  }
0x20: {  	s17 =	smul.u32 $0x500, s15;
	s10 =	sadd.s32 s2, s10;
	[dreg:$0xc] =	wrdreg s26  }
0x21: {  	s12 =	simm.s32 $0x3;
	s22 =	sadd.s32 s1, s19;
	[dreg:$0x14] =	wrdreg s10  }
0x22: {  	s10 =	smul.u32 $0xA000, s7;
	s19 =	sshrl.u32 s14, $0x2;
	s26 =	sadd.s32 s11, s17  }
0x23: {  	s7 =	simm.s32 $0x100;
	s11 =	sadd.s32 s11, s23;
	[dreg:$0xd] =	wrdreg s26  }
0x24: {  	s14 =	simm.s32 $0x4;
	s16 =	sadd.s32 s2, s17;
	[dreg:$0xe] =	wrdreg s11  }
0x25: {  	s17 =	sshll.u32 s31, $0xB;
	s26 =	sadd.s32 s2, s21;
	[dreg:$0x15] =	wrdreg s16  }
0x26: {  	s2 =	sadd.s32 s2, s23;
	s9 =	sadd.s32 s17, s9;
	s23 =	simm.s32 $0x0  }
0x27: {  	s21 =	smul.u32 $0xA000, s31;
	s11 =	sshrl.u32 s6, $0x2;
	[dreg:$0x13] =	wrdreg s26  }
0x28: {  	s16 =	smul.u32 $0xA000, s15;
	s17 =	sshrl.u32 s10, $0x2;
	[dreg:$0x16] =	wrdreg s2  }
0x29: {  	s10 =	simm.s32 $0x5;
	s15 =	simm.s32 $0x6;
	[smem:$0x7FF] =	sst s23  }
0x2a: {  	s2 =	sadd.s32 s1, s18;
	s26 =	rddreg [dreg:$0x1];
	s18 =	smul.u32 $0xA000, s13  }
0x2b: {  	s13 =	simm.s32 $0x2;
	[dreg:$0x17] =	wrdreg s2;
	s2 =	sand.u32 $0x780, s20  }
0x2c: {  	s20 =	sshrl.u32 s16, $0x2;
	s16 =	simm.s32 $0x0;
	s2 =	sadd.s32 s2, s1  }
0x2d: {  	s1 =	sadd.s32 s3, s1;
	_ =	strace $0x80000053;
	s3 =	smul.u32 $0xA000, s4  }
0x2e: {  	s4 =	smul.u32 $0xA000, s5;
	s25 =	sadd.s32 s8, s2;
	s28 =	sadd.s32 s8, s1  }
0x2f: {  	s2 =	sshrl.u32 s21, $0x2;
	s8 =	sshll.u32 s31, $0x6;
	s1 =	sadd.s32 s11, s26  }
0x30: {  	s21 =	sshrl.u32 s18, $0x2;
	s11 =	simm.s32 $0x1;
	s30 =	sadd.s32 s2, s26  }
0x31: {  	s5 =	sshrl.u32 s3, $0x2;
	s31 =	sor.u32 $0x1C05, s8;
	s0 =	sshrl.u32 s4, $0x2  }
0x32: {  	s2 =	sadd.s32 s17, s26;
	s3 =	sadd.s32 s19, s26;
	s4 =	sadd.s32 s20, s26  }
0x33: {  	s19 =	sadd.s32 $0x30000, s9;
	s8 =	simm.s32 $0x80;
	s9 =	simm.s32 $0x4100  }
0x34: {  	s24 =	sadd.s32 s5, s26;
	s0 =	sadd.s32 s0, s26;
	s5 =	sadd.s32 s21, s26  }
.LBB2_1:
0x35: {  	s6 =	rddreg [dreg:$0x17]  }
0x36: {  	[tilespmem:s23], [sflag:$0x1] =	stream.linear.gather [hbm4b:s6+s23], $0x80, $0x38;
	[tilespmem:$0x1B980] =	vst v63  }
0x37: {  	s18 =	rddreg [dreg:$0x3]  }
0x38: {  	[tilespmem:s7], [sflag:$0x3] =	stream.linear.gather [hbm4b:s18+s23], $0x4000, $0x38;
	[tilespmem:$0x1B980] =	vst v63  }
0x39: {  	s20 =	rddreg [dreg:$0x4]  }
0x3a: {  	[tilespmem:s8], [sflag:$0x2] =	stream.linear.gather [hbm4b:s22+s23], $0x80, $0x38;
	[tilespmem:$0x1B980] =	vst v63  }
0x3b: {  	s21 =	sshrl.u32 s30, $0x3;
	s17 =	rddreg [dreg:$0x7]  }
0x3c: {  	[tilespmem:s9], [sflag:$0x4] =	stream.linear.gather [hbm4b:s20+s23], $0x4000, $0x38;
	[tilespmem:$0x1B980] =	vst v63  }
0x3d: {  	[spmem:s21], [sflag:s31] =	dma.local [hbm:s17], $0x500  }
0x3e: {  	_ =	swait.ge [sflag:s10], $0x500  }
0x3f: {  	[sflag:s10] =	ssyncset.done $0x0  }
0x40: {  	s17 =	sshrl.u32 s24, $0x3;
	s18 =	rddreg [dreg:$0x8];
	[sflag:s10] =	ssyncadd.s32 $0xFFFFFB00  }
0x41: {  	[spmem:s17], [sflag:s31] =	dma.local [hbm:s18], $0x500  }
0x42: {  	_ =	swait.ge [sflag:s10], $0x500  }
0x43: {  	[sflag:s10] =	ssyncset.done $0x0  }
0x44: {  	s20 =	sshrl.u32 s0, $0x3;
	s21 =	rddreg [dreg:$0x9];
	[sflag:s10] =	ssyncadd.s32 $0xFFFFFB00  }
0x45: {  	[spmem:s20], [sflag:s31] =	dma.local [hbm:s21], $0x500  }
0x46: {  	_ =	swait.ge [sflag:s10], $0x500  }
0x47: {  	[sflag:s10] =	ssyncset.done $0x0  }
0x48: {  	s17 =	sshrl.u32 s1, $0x3;
	s18 =	rddreg [dreg:$0xa];
	[sflag:s10] =	ssyncadd.s32 $0xFFFFFB00  }
0x49: {  	[spmem:s17], [sflag:s31] =	dma.local [hbm:s18], $0x500  }
0x4a: {  	_ =	swait.ge [sflag:s10], $0x500  }
0x4b: {  	[sflag:s10] =	ssyncset.done $0x0  }
0x4c: {  	s20 =	sshrl.u32 s2, $0x3;
	s21 =	rddreg [dreg:$0xb];
	[sflag:s10] =	ssyncadd.s32 $0xFFFFFB00  }
0x4d: {  	[spmem:s20], [sflag:s31] =	dma.local [hbm:s21], $0x500  }
0x4e: {  	_ =	swait.ge [sflag:s10], $0x500  }
0x4f: {  	[sflag:s10] =	ssyncset.done $0x0  }
0x50: {  	s17 =	sshrl.u32 s3, $0x3;
	s18 =	rddreg [dreg:$0xc];
	[sflag:s10] =	ssyncadd.s32 $0xFFFFFB00  }
0x51: {  	[spmem:s17], [sflag:s31] =	dma.local [hbm:s18], $0x500  }
0x52: {  	_ =	swait.ge [sflag:s10], $0x500  }
0x53: {  	[sflag:s10] =	ssyncset.done $0x0  }
0x54: {  	s20 =	sshrl.u32 s4, $0x3;
	s21 =	rddreg [dreg:$0xd];
	[sflag:s10] =	ssyncadd.s32 $0xFFFFFB00  }
0x55: {  	[spmem:s20], [sflag:s31] =	dma.local [hbm:s21], $0x500  }
0x56: {  	_ =	swait.ge [sflag:s10], $0x500  }
0x57: {  	[sflag:s10] =	ssyncset.done $0x0  }
0x58: {  	s6 =	sshrl.u32 @!p3 s5, $0x3;
	s17 =	rddreg [dreg:$0xe];
	[sflag:s10] =	ssyncadd.s32 $0xFFFFFB00  }
0x59: {  	[spmem:s6], [sflag:s31] =	dma.local @!p3 [hbm:s17], $0x500  }
0x5a: {  	s6 =	simm.s32 @!p3 $0x5  }
0x5b: {  	_ =	swait.ge @!p3 [sflag:s6], $0x500  }
0x5c: {  	[sflag:s6] =	ssyncset.done @!p3 $0x0  }
0x5d: {  	[sflag:s6] =	ssyncadd.s32 @!p3 $0xFFFFFB00  }
0x5e: {  	[bflag:$0x0] =	sbarrier.arrive $0xFFFF  }
0x5f: {  	_ =	swait.ge [sflag:s11], $0x80  }
0x60: {  	[sflag:s11] =	ssyncset.done $0x0  }
0x61: {  	[sflag:s11] =	ssyncadd.s32 $0xFFFFFF80  }
0x62: {  	_ =	swait.ge [sflag:s12], $0x4000  }
0x63: {  	[sflag:s12] =	ssyncset.done $0x0  }
0x64: {  	[sflag:s12] =	ssyncadd.s32 $0xFFFFC000  }
0x65: {  	[spmem:s26] =	stream.indirect.scatter.add.f32 [tilespmem:s7], [sflag:$0x5], $0x80, s23, s8, $0xb8;
	[tilespmem:$0x1B980] =	vst v63  }
0x66: {  	_ =	swait.ge [sflag:s10], $0x4000  }
0x67: {  	[sflag:s10] =	ssyncset.done $0x0  }
0x68: {  	s18 =	sadd.s32 $0x0, s28;
	[sflag:s10] =	ssyncadd.s32 $0xFFFFC000  }
0x69: {  	[tilespmem:s23], [sflag:$0x1] =	stream.linear.gather [hbm4b:s18+s23], $0x80, $0x38;
	[tilespmem:$0x1B980] =	vst v63  }
0x6a: {  	s20 =	sadd.s32 $0xFFFF0000, s19  }
0x6b: {  	[tilespmem:s7], [sflag:$0x3] =	stream.linear.gather [hbm4b:s20+s23], $0x4000, $0x38;
	[tilespmem:$0x1B980] =	vst v63  }
0x6c: {  	_ =	swait.ge [sflag:s13], $0x80  }
0x6d: {  	[sflag:s13] =	ssyncset.done $0x0  }
0x6e: {  	[sflag:s13] =	ssyncadd.s32 $0xFFFFFF80  }
0x6f: {  	_ =	swait.ge [sflag:s14], $0x4000  }
0x70: {  	[sflag:s14] =	ssyncset.done $0x0  }
0x71: {  	[sflag:s14] =	ssyncadd.s32 $0xFFFFC000  }
0x72: {  	[spmem:s26] =	stream.indirect.scatter.add.f32 [tilespmem:s9], [sflag:$0x5], $0x80, s8, s8, $0xb8;
	[tilespmem:$0x1B980] =	vst v63  }
0x73: {  	_ =	swait.ge [sflag:s10], $0x4000  }
0x74: {  	s21 =	sadd.s32 $0x0, s25;
	s17 =	simm.s32 $0x400;
	[sflag:s10] =	ssyncset.done $0x0  }
0x75: {  	s6 =	smov.u32 s19;
	s18 =	sadd.s32 $0x20000, s19;
	[sflag:s10] =	ssyncadd.s32 $0xFFFFC000  }
0x76: {  	[tilespmem:s8], [sflag:$0x2] =	stream.linear.gather [hbm4b:s21+s23], $0x80, $0x38;
	[tilespmem:$0x1B980] =	vst v63  }
.LBB2_2:
0x77: {  	[tilespmem:s9], [sflag:$0x4] =	stream.linear.gather [hbm4b:s6+s23], $0x4000, $0x38;
	[tilespmem:$0x1B980] =	vst v63  }
0x78: {  	s20 =	smov.u32 s17;
	s6 =	smov.u32 s18  }
0x79: {  	p4 =	sne.s32 s17, $0x9400;
	s17 =	sadd.s32 $0x400, s17;
	_ =	swait.ge [sflag:s11], $0x80  }
0x7a: {  	[sflag:s11] =	ssyncset.done $0x0  }
0x7b: {  	[sflag:s11] =	ssyncadd.s32 $0xFFFFFF80  }
0x7c: {  	_ =	swait.ge [sflag:s12], $0x4000  }
0x7d: {  	[sflag:s12] =	ssyncset.done $0x0  }
0x7e: {  	[sflag:s12] =	ssyncadd.s32 $0xFFFFC000  }
0x7f: {  	[spmem:s26] =	stream.indirect.scatter.add.f32 [tilespmem:s7], [sflag:$0x5], $0x80, s23, s8, $0xb8;
	[tilespmem:$0x1B980] =	vst v63  }
0x80: {  	_ =	swait.ge [sflag:s10], $0x4000  }
0x81: {  	[sflag:s10] =	ssyncset.done $0x0  }
0x82: {  	s21 =	sadd.s32 s20, s28;
	[sflag:s10] =	ssyncadd.s32 $0xFFFFC000  }
0x83: {  	[tilespmem:s23], [sflag:$0x1] =	stream.linear.gather [hbm4b:s21+s23], $0x80, $0x38;
	[tilespmem:$0x1B980] =	vst v63  }
0x84: {  	s21 =	sadd.s32 $0xFFFF0000, s18  }
0x85: {  	[tilespmem:s7], [sflag:$0x3] =	stream.linear.gather [hbm4b:s21+s23], $0x4000, $0x38;
	[tilespmem:$0x1B980] =	vst v63  }
0x86: {  	_ =	swait.ge [sflag:s13], $0x80  }
0x87: {  	[sflag:s13] =	ssyncset.done $0x0  }
0x88: {  	[sflag:s13] =	ssyncadd.s32 $0xFFFFFF80  }
0x89: {  	_ =	swait.ge [sflag:s14], $0x4000  }
0x8a: {  	[sflag:s14] =	ssyncset.done $0x0  }
0x8b: {  	[sflag:s14] =	ssyncadd.s32 $0xFFFFC000  }
0x8c: {  	[spmem:s26] =	stream.indirect.scatter.add.f32 [tilespmem:s9], [sflag:$0x5], $0x80, s8, s8, $0xb8;
	[tilespmem:$0x1B980] =	vst v63  }
.Ltmp0:
0x8d: {  	_ =	swait.ge [sflag:s10], $0x4000;
	(pc) =	sbr.rel @p4 .LBB2_2-.Ltmp0, $4  }
0x8e: {  	[sflag:s10] =	ssyncset.done $0x0  }
0x8f: {  	s20 =	sadd.s32 s20, s25;
	[sflag:s10] =	ssyncadd.s32 $0xFFFFC000  }
0x90: {  	[tilespmem:s8], [sflag:$0x2] =	stream.linear.gather [hbm4b:s20+s23], $0x80, $0x38;
	[tilespmem:$0x1B980] =	vst v63  }
0x91: {  	s18 =	sadd.s32 $0x20000, s18  }
0x92: {  	[tilespmem:s9], [sflag:$0x4] =	stream.linear.gather [hbm4b:s6+s23], $0x4000, $0x38;
	[tilespmem:$0x1B980] =	vst v63  }
0x93: {  	_ =	swait.ge [sflag:s11], $0x80  }
0x94: {  	[sflag:s11] =	ssyncset.done $0x0  }
0x95: {  	[sflag:s11] =	ssyncadd.s32 $0xFFFFFF80  }
0x96: {  	_ =	swait.ge [sflag:s12], $0x4000  }
0x97: {  	[sflag:s12] =	ssyncset.done $0x0  }
0x98: {  	[sflag:s12] =	ssyncadd.s32 $0xFFFFC000  }
0x99: {  	[spmem:s26] =	stream.indirect.scatter.add.f32 [tilespmem:s7], [sflag:$0x5], $0x80, s23, s8, $0xb8;
	[tilespmem:$0x1B980] =	vst v63  }
0x9a: {  	_ =	swait.ge [sflag:s10], $0x4000  }
0x9b: {  	[sflag:s10] =	ssyncset.done $0x0  }
0x9c: {  	s6 =	simm.s32 @!p2 $0x0;
	s17 =	rddreg [dreg:$0x5];
	[sflag:s10] =	ssyncadd.s32 $0xFFFFC000  }
0x9d: {  	[tilespmem:s6], [sflag:$0x1] =	stream.linear.gather @!p2 [hbm4b:s17+s6], $0x80, $0x38;
	[tilespmem:$0x1B980] =	vst v63  }
0x9e: {  	s18 =	rddreg [dreg:$0x6];
	s17 =	simm.s32 @!p2 $0x100  }
0x9f: {  	[tilespmem:s17], [sflag:$0x3] =	stream.linear.gather @!p2 [hbm4b:s18+s6], $0x4000, $0x38;
	[tilespmem:$0x1B980] =	vst v63  }
0xa0: {  	_ =	swait.ge [sflag:s13], $0x80  }
0xa1: {  	[sflag:s13] =	ssyncset.done $0x0  }
0xa2: {  	[sflag:s13] =	ssyncadd.s32 $0xFFFFFF80  }
0xa3: {  	_ =	swait.ge [sflag:s14], $0x4000  }
0xa4: {  	[sflag:s14] =	ssyncset.done $0x0  }
0xa5: {  	[sflag:s14] =	ssyncadd.s32 $0xFFFFC000  }
0xa6: {  	[spmem:s26] =	stream.indirect.scatter.add.f32 [tilespmem:s9], [sflag:$0x5], $0x80, s8, s8, $0xb8;
	[tilespmem:$0x1B980] =	vst v63  }
0xa7: {  	_ =	swait.ge [sflag:s10], $0x4000  }
0xa8: {  	[sflag:s10] =	ssyncset.done $0x0  }
0xa9: {  	s6 =	simm.s32 @!p0 $0x1;
	[sflag:s10] =	ssyncadd.s32 $0xFFFFC000  }
0xaa: {  	_ =	swait.ge @!p0 [sflag:s6], $0x80  }
0xab: {  	[sflag:s6] =	ssyncset.done @!p0 $0x0  }
0xac: {  	[sflag:s6] =	ssyncadd.s32 @!p0 $0xFFFFFF80;
	s6 =	simm.s32 @!p0 $0x3  }
0xad: {  	_ =	swait.ge @!p0 [sflag:s6], $0x4000  }
0xae: {  	s17 =	simm.s32 @!p0 $0x0;
	[sflag:s6] =	ssyncset.done @!p0 $0x0  }
0xaf: {  	s18 =	simm.s32 @!p0 $0x100;
	[sflag:s6] =	ssyncadd.s32 @!p0 $0xFFFFC000;
	s6 =	simm.s32 @!p0 $0x80  }
0xb0: {  	[spmem:s26] =	stream.indirect.scatter.add.f32 @!p0 [tilespmem:s18], [sflag:$0x5], $0x80, s17, s6, $0xb8;
	[tilespmem:$0x1B980] =	vst v63  }
0xb1: {  	s6 =	simm.s32 @!p0 $0x5  }
0xb2: {  	_ =	swait.ge @!p0 [sflag:s6], $0x4000  }
0xb3: {  	[sflag:s6] =	ssyncset.done @!p0 $0x0  }
0xb4: {  	[sflag:s6] =	ssyncadd.s32 @!p0 $0xFFFFC000  }
0xb5: {  	[bflag:$0x0] =	sbarrier.arrive $0xFFFF  }
0xb6: {  	[tilespmem:s7], [sflag:$0x6] =	stream.linear.gather [spmem:s30], $0x2800, $0x38;
	[tilespmem:$0x1B980] =	vst v63  }
0xb7: {  	_ =	swait.ge [sflag:s15], $0x2800  }
0xb8: {  	s17 =	simm.s32 $0x5;
	[sflag:s15] =	ssyncset.done $0x0  }
0xb9: {  	s17 =	simm.s32 @!p1 $0x6;
	s21 =	rddreg [dreg:$0xf];
	[sflag:s15] =	ssyncadd.s32 $0xFFFFD800  }
0xba: {  	[hbm4b:s21+s23] =	stream.linear.scatter [tilespmem:s7], [sflag:s17], $0x2800, $0x38;
	[tilespmem:$0x1B980] =	vst v63  }
0xbb: {  	_ =	swait.ge [sflag:s17], $0x2800  }
0xbc: {  	[sflag:s17] =	ssyncset.done $0x0  }
0xbd: {  	[sflag:s17] =	ssyncadd.s32 $0xFFFFD800  }
0xbe: {  	[tilespmem:s7], [sflag:$0x6] =	stream.linear.gather [spmem:s24], $0x2800, $0x38;
	[tilespmem:$0x1B980] =	vst v63  }
0xbf: {  	_ =	swait.ge [sflag:s15], $0x2800  }
0xc0: {  	[sflag:s15] =	ssyncset.done $0x0  }
0xc1: {  	s18 =	rddreg [dreg:$0x10];
	[sflag:s15] =	ssyncadd.s32 $0xFFFFD800  }
0xc2: {  	[hbm4b:s18+s23] =	stream.linear.scatter [tilespmem:s7], [sflag:s17], $0x2800, $0x38;
	[tilespmem:$0x1B980] =	vst v63  }
0xc3: {  	_ =	swait.ge [sflag:s17], $0x2800  }
0xc4: {  	[sflag:s17] =	ssyncset.done $0x0  }
0xc5: {  	[sflag:s17] =	ssyncadd.s32 $0xFFFFD800  }
0xc6: {  	[tilespmem:s7], [sflag:$0x6] =	stream.linear.gather [spmem:s0], $0x2800, $0x38;
	[tilespmem:$0x1B980] =	vst v63  }
0xc7: {  	_ =	swait.ge [sflag:s15], $0x2800  }
0xc8: {  	[sflag:s15] =	ssyncset.done $0x0  }
0xc9: {  	s20 =	rddreg [dreg:$0x11];
	[sflag:s15] =	ssyncadd.s32 $0xFFFFD800  }
0xca: {  	[hbm4b:s20+s23] =	stream.linear.scatter [tilespmem:s7], [sflag:s17], $0x2800, $0x38;
	[tilespmem:$0x1B980] =	vst v63  }
0xcb: {  	_ =	swait.ge [sflag:s17], $0x2800  }
0xcc: {  	[sflag:s17] =	ssyncset.done $0x0  }
0xcd: {  	[sflag:s17] =	ssyncadd.s32 $0xFFFFD800  }
0xce: {  	[tilespmem:s7], [sflag:$0x6] =	stream.linear.gather [spmem:s1], $0x2800, $0x38;
	[tilespmem:$0x1B980] =	vst v63  }
0xcf: {  	_ =	swait.ge [sflag:s15], $0x2800  }
0xd0: {  	[sflag:s15] =	ssyncset.done $0x0  }
0xd1: {  	s21 =	rddreg [dreg:$0x12];
	[sflag:s15] =	ssyncadd.s32 $0xFFFFD800  }
0xd2: {  	[hbm4b:s21+s23] =	stream.linear.scatter [tilespmem:s7], [sflag:s17], $0x2800, $0x38;
	[tilespmem:$0x1B980] =	vst v63  }
0xd3: {  	_ =	swait.ge [sflag:s17], $0x2800  }
0xd4: {  	[sflag:s17] =	ssyncset.done $0x0  }
0xd5: {  	[sflag:s17] =	ssyncadd.s32 $0xFFFFD800  }
0xd6: {  	[tilespmem:s7], [sflag:$0x6] =	stream.linear.gather [spmem:s2], $0x2800, $0x38;
	[tilespmem:$0x1B980] =	vst v63  }
0xd7: {  	_ =	swait.ge [sflag:s15], $0x2800  }
0xd8: {  	[sflag:s15] =	ssyncset.done $0x0  }
0xd9: {  	s18 =	rddreg [dreg:$0x13];
	[sflag:s15] =	ssyncadd.s32 $0xFFFFD800  }
0xda: {  	[hbm4b:s18+s23] =	stream.linear.scatter [tilespmem:s7], [sflag:s17], $0x2800, $0x38;
	[tilespmem:$0x1B980] =	vst v63  }
0xdb: {  	_ =	swait.ge [sflag:s17], $0x2800  }
0xdc: {  	[sflag:s17] =	ssyncset.done $0x0  }
0xdd: {  	[sflag:s17] =	ssyncadd.s32 $0xFFFFD800  }
0xde: {  	[tilespmem:s7], [sflag:$0x6] =	stream.linear.gather [spmem:s3], $0x2800, $0x38;
	[tilespmem:$0x1B980] =	vst v63  }
0xdf: {  	_ =	swait.ge [sflag:s15], $0x2800  }
0xe0: {  	[sflag:s15] =	ssyncset.done $0x0  }
0xe1: {  	s20 =	rddreg [dreg:$0x14];
	[sflag:s15] =	ssyncadd.s32 $0xFFFFD800  }
0xe2: {  	[hbm4b:s20+s23] =	stream.linear.scatter [tilespmem:s7], [sflag:s17], $0x2800, $0x38;
	[tilespmem:$0x1B980] =	vst v63  }
0xe3: {  	_ =	swait.ge [sflag:s17], $0x2800  }
0xe4: {  	[sflag:s17] =	ssyncset.done $0x0  }
0xe5: {  	[sflag:s17] =	ssyncadd.s32 $0xFFFFD800  }
0xe6: {  	[tilespmem:s7], [sflag:$0x6] =	stream.linear.gather [spmem:s4], $0x2800, $0x38;
	[tilespmem:$0x1B980] =	vst v63  }
0xe7: {  	_ =	swait.ge [sflag:s15], $0x2800  }
0xe8: {  	[sflag:s15] =	ssyncset.done $0x0  }
0xe9: {  	s21 =	rddreg [dreg:$0x15];
	[sflag:s15] =	ssyncadd.s32 $0xFFFFD800  }
0xea: {  	[hbm4b:s21+s23] =	stream.linear.scatter [tilespmem:s7], [sflag:s17], $0x2800, $0x38;
	[tilespmem:$0x1B980] =	vst v63  }
0xeb: {  	_ =	swait.ge [sflag:s17], $0x2800  }
0xec: {  	[sflag:s17] =	ssyncset.done $0x0  }
0xed: {  	s6 =	simm.s32 @!p3 $0x100;
	s18 =	simm.s32 @!p3 $0x6;
	[sflag:s17] =	ssyncadd.s32 $0xFFFFD800  }
0xee: {  	[tilespmem:s6], [sflag:$0x6] =	stream.linear.gather @!p3 [spmem:s5], $0x2800, $0x38;
	[tilespmem:$0x1B980] =	vst v63  }
0xef: {  	s16 =	sadd.s32 $0x1, s16;
	_ =	swait.ge @!p3 [sflag:s18], $0x2800  }
0xf0: {  	p4 =	sne.s32 s16, s29;
	[sflag:s18] =	ssyncset.done @!p3 $0x0;
	s20 =	rddreg [dreg:$0x16]  }
.Ltmp1:
0xf1: {  	[sflag:s18] =	ssyncadd.s32 @!p3 $0xFFFFD800;
	s18 =	simm.s32 @!p3 $0x0;
	(pc) =	sbr.rel @p4 .LBB2_1-.Ltmp1, $4  }
0xf2: {  	[hbm4b:s20+s18] =	stream.linear.scatter @!p3 [tilespmem:s6], [sflag:s17], $0x2800, $0x38;
	[tilespmem:$0x1B980] =	vst v63  }
0xf3: {  	_ =	swait.ge @!p3 [sflag:s17], $0x2800  }
0xf4: {  	[sflag:s17] =	ssyncset.done @!p3 $0x0  }
0xf5: {  	[sflag:s17] =	ssyncadd.s32 @!p3 $0xFFFFD800  }
0xf6: {  	_ =	sfence.sel $0x180000  }
0xf7: {  	[bflag:$0x0] =	sbarrier.arrive $0xFFFF  }
0xf8: {  	_ =	strace $0x90000053  }
0xf9: {  	s0 =	stileid.u32;
	[bflag:$0x2] =	sbarrier.arrive $0xFFFF  }
0xfa: {  	p0 =	sne.s32 s0, $0x0;
	s0 =	rddreg [dreg:$0x2]  }
0xfb: {  	s0 =	sadd.s32 @!p0 $0x100000, s0  }
0xfc: {  	[sflag:s0] =	ssyncadd.tile.s32 @!p0 $0x1;
	_ =	shalt  }
.Lfunc_end2:
_tile_overlayer_lowered:
.L_overlay_start_2:
0xfd: {  	(tag) =	ssettag $0x2  }
0xfe: {  	s0 =	rddreg [dreg:$0x0];
	s2 =	stileid.u32  }
0xff: {  	s1 =	rddreg [dreg:$0x1];
	p0 =	sne.s32 s2, $0x0  }
0x100: {  	s3 =	rddreg [dreg:$0x2];
	[bflag:$0x3] =	sbarrier.arrive $0xFFFF;
	s2 =	simm.s32 @!p0 $0x1C05  }
0x101: {  	[timem:s3], [sflag:s2] =	dma.local @!p0 [hbm:s0], s1  }
0x102: {  	s0 =	simm.s32 @!p0 $0x5  }
0x103: {  	_ =	swait.ge @!p0 [sflag:s0], s1  }
0x104: {  	s1 =	ssub.s32 @!p0 $0x0, s1;
	[sflag:s0] =	ssyncset.done @!p0 $0x0  }
0x105: {  	[sflag:s0] =	ssyncadd.s32 @!p0 s1  }
0x106: {  	[bflag:$0x3] =	sbarrier.arrive $0xFFFF  }
0x107: {  	_ =	shalt  }

</sc_bundles>
